<compile_context>
chip_gen: v7x
topology: tpu7x:2x2x1
jax: 0.10.2.dev20260603
libtpu: 0.0.44.dev20260713+nightly
codegen_flags: <defaults>
</compile_context>

<pallas_src>
import functools

import jax
import jax.numpy as jnp
from jax import lax
from jax.experimental import pallas as pl
from jax.experimental.pallas import tpu as pltpu
from jax.experimental.pallas import tpu_sc as plsc

NC = 2
NS = 16
NW = NC * NS
EC = 128
EMB_D = 128
UNROLL = 6


def _make_sc_kernel(e_pad: int):
    per_w = e_pad // NW
    chunks = per_w // EC
    assert chunks % UNROLL == 0
    mesh = plsc.VectorSubcoreMesh(
        core_axis_name="c", subcore_axis_name="s", num_cores=NC, num_subcores=NS
    )

    @functools.partial(
        pl.kernel,
        out_type=jax.ShapeDtypeStruct((e_pad,), jnp.float32),
        mesh=mesh,
        compiler_params=pltpu.CompilerParams(needs_layout_passes=False),
        scratch_types=[
            pltpu.VMEM((per_w,), jnp.int32),
            pltpu.VMEM((per_w,), jnp.int32),
            pltpu.VMEM((3, EC), jnp.int32),
            pltpu.VMEM((3, EC), jnp.int32),
            pltpu.VMEM((2, EC, EMB_D), jnp.float32),
            pltpu.VMEM((2, EC, EMB_D), jnp.float32),
            pltpu.VMEM((2, EC), jnp.float32),
            pltpu.SemaphoreType.DMA((2,)),
            pltpu.SemaphoreType.DMA((2,)),
            pltpu.SemaphoreType.DMA((2,)),
        ],
    )
    def sc_kernel(src_h, dst_h, nid_h, emb_h, out_h,
                  sall, dall, aidx, bidx, arows, brows, outv,
                  sem_n, sem_r, sem_o):
        wid = lax.axis_index("s") * NC + lax.axis_index("c")
        wbase = wid * per_w
        lane = lax.iota(jnp.int32, 16)
        e_idx = [lane + 16 * g for g in range(EC // 16)]

        pltpu.sync_copy(src_h.at[pl.ds(wbase, per_w)], sall)
        pltpu.sync_copy(dst_h.at[pl.ds(wbase, per_w)], dall)

        def issue_nid(c, islot, sslot):
            pltpu.async_copy(nid_h.at[sall.at[pl.ds(c * EC, EC)]],
                             aidx.at[islot], sem_n.at[sslot])
            pltpu.async_copy(nid_h.at[dall.at[pl.ds(c * EC, EC)]],
                             bidx.at[islot], sem_n.at[sslot])

        def wait_nid(c, islot, sslot):
            pltpu.make_async_copy(nid_h.at[sall.at[pl.ds(c * EC, EC)]],
                                  aidx.at[islot], sem_n.at[sslot]).wait()
            pltpu.make_async_copy(nid_h.at[dall.at[pl.ds(c * EC, EC)]],
                                  bidx.at[islot], sem_n.at[sslot]).wait()

        def issue_rows(islot, rslot):
            pltpu.async_copy(emb_h.at[aidx.at[islot]], arows.at[rslot],
                             sem_r.at[rslot])
            pltpu.async_copy(emb_h.at[bidx.at[islot]], brows.at[rslot],
                             sem_r.at[rslot])

        def wait_rows(islot, rslot):
            pltpu.make_async_copy(emb_h.at[aidx.at[islot]], arows.at[rslot],
                                  sem_r.at[rslot]).wait()
            pltpu.make_async_copy(emb_h.at[bidx.at[islot]], brows.at[rslot],
                                  sem_r.at[rslot]).wait()

        def issue_out(c, oslot):
            pltpu.async_copy(outv.at[oslot], out_h.at[pl.ds(wbase + c * EC, EC)],
                             sem_o.at[oslot])

        def wait_out(c, oslot):
            pltpu.make_async_copy(outv.at[oslot],
                                  out_h.at[pl.ds(wbase + c * EC, EC)],
                                  sem_o.at[oslot]).wait()

        def compute(rslot, oslot):
            ar = arows.at[rslot]
            br = brows.at[rslot]

            @plsc.parallel_loop(
                0, EMB_D, unroll=4,
                carry=tuple(jnp.zeros((16,), jnp.float32)
                            for _ in range(EC // 16)),
            )
            def accs(d, carry):
                dsplat = jnp.full((16,), d, jnp.int32)
                out = []
                for g in range(EC // 16):
                    av = plsc.load_gather(ar, [e_idx[g], dsplat])
                    bv = plsc.load_gather(br, [e_idx[g], dsplat])
                    out.append(carry[g] + av * bv)
                return tuple(out)

            ov = outv.at[oslot]
            for g in range(EC // 16):
                ov[pl.ds(16 * g, 16)] = accs[g]

        issue_nid(0, 0, 0)
        issue_nid(1, 1, 1)
        wait_nid(0, 0, 0)
        issue_rows(0, 0)

        @pl.loop(0, chunks // UNROLL)
        def chunk_loop(jo):
            for b in range(UNROLL):
                j = jo * UNROLL + b
                @pl.when(j + 2 < chunks)
                def _():
                    issue_nid(j + 2, (b + 2) % 3, b % 2)

                @pl.when(j + 1 < chunks)
                def _():
                    wait_nid(j + 1, (b + 1) % 3, (b + 1) % 2)
                    issue_rows((b + 1) % 3, (b + 1) % 2)

                wait_rows(b % 3, b % 2)

                @pl.when(j >= 2)
                def _():
                    wait_out(j - 2, b % 2)

                compute(b % 2, b % 2)
                issue_out(j, b % 2)

        wait_out(chunks - 2, (chunks - 2) % 2)
        wait_out(chunks - 1, (chunks - 1) % 2)

    return sc_kernel


def kernel(n_id, edge_label_index, emb):
    num_edges = edge_label_index.shape[1]
    grain = NW * EC * UNROLL
    e_pad = ((num_edges + grain - 1) // grain) * grain
    src = jnp.pad(edge_label_index[0], (0, e_pad - num_edges))
    dst = jnp.pad(edge_label_index[1], (0, e_pad - num_edges))
    sc = _make_sc_kernel(e_pad)
    out = sc(src, dst, n_id, emb)
    return out[:num_edges]

# --- scband reference (transcript-rebuilt; emitter-appended) ---
"""Pipeline reference for scband-dot-product-lp-13443247637148 (READ-ONLY COPY).

The authoritative reference and input builder live on the scoring server;
editing this copy changes nothing except your own understanding.
"""

import jax, jax.numpy as jnp
import numpy as np

NUM_NODES = 100000
EMB_DIM = 128
N_ID = 100000
N_EDGES = 625000


def setup_inputs(seed: int = 0) -> dict:
    key = jax.random.key(seed)
    k1, k2, k3 = jax.random.split(key, 3)
    n_id = jax.random.randint(k1, (N_ID,), 0, NUM_NODES, dtype=jnp.int32)
    edge_label_index = jax.random.randint(k2, (2, N_EDGES), 0, N_ID, dtype=jnp.int32)
    # nn.Embedding default init: N(0, 1)
    emb = jax.random.normal(k3, (NUM_NODES, EMB_DIM), dtype=jnp.float32)
    return {"n_id": n_id, "edge_label_index": edge_label_index, "emb": emb}


def reference(n_id, edge_label_index, emb):
    # z = self.emb(n_id)
    z = jnp.take(emb, n_id, axis=0)
    src = edge_label_index[0]
    dst = edge_label_index[1]
    # (z[src] * z[dst]).sum(dim=-1)
    return (jnp.take(z, src, axis=0) * jnp.take(z, dst, axis=0)).sum(axis=-1)

if __name__ == "__main__":
    import jax
    _d = setup_inputs()
    print(jax.jit(kernel)(*tuple(_d.values())))

</pallas_src>

<mosaic_0001>
#map = affine_map<(d0, d1) -> (0)>
#map1 = affine_map<(d0, d1) -> (0, 0)>
module attributes {stable_mosaic.version = 14 : i64} {
  func.func @sc_kernel(%arg0: i32, %arg1: i32, %arg2: memref<638976xi32, #tpu.memory_space<hbm>>, %arg3: memref<638976xi32, #tpu.memory_space<hbm>>, %arg4: memref<100000xi32, #tpu.memory_space<hbm>>, %arg5: memref<100000x128xf32, #tpu.memory_space<hbm>>, %arg6: memref<638976xf32, #tpu.memory_space<hbm>>, %arg7: memref<19968xi32, #tpu.memory_space<vmem>>, %arg8: memref<19968xi32, #tpu.memory_space<vmem>>, %arg9: memref<3x128xi32, #tpu.memory_space<vmem>>, %arg10: memref<3x128xi32, #tpu.memory_space<vmem>>, %arg11: memref<2x128x128xf32, #tpu.memory_space<vmem>>, %arg12: memref<2x128x128xf32, #tpu.memory_space<vmem>>, %arg13: memref<2x128xf32, #tpu.memory_space<vmem>>, %arg14: memref<2x!tpu.dma_semaphore, #tpu.memory_space<semaphore_mem>>, %arg15: memref<2x!tpu.dma_semaphore, #tpu.memory_space<semaphore_mem>>, %arg16: memref<2x!tpu.dma_semaphore, #tpu.memory_space<semaphore_mem>>) attributes {dimension_semantics = [#tpu.dimension_semantics<core_parallel>, #tpu.dimension_semantics<subcore_parallel>], iteration_bounds = array<i64: 2, 16>, scalar_prefetch = 0 : i64, scratch_operands = 10 : i64, tpu.core_type = #tpu.core_type<sc_vector_subcore>, window_params = [{transform_indices = #map}, {transform_indices = #map}, {transform_indices = #map}, {transform_indices = #map1}, {transform_indices = #map}]} {
    %mul3A = arith.constant 2 : i32
    %mul3A_0 = arith.muli %arg1, %mul3A : i32
    %add3A = arith.addi %mul3A_0, %arg0 : i32
    %mul3A_1 = arith.constant 19968 : i32
    %mul3A_2 = arith.muli %add3A, %mul3A_1 : i32
    %iota3A = tpu.iota {dimensions = array<i32: 0>} : vector<16xi32>
    %add3A_3 = arith.constant 0 : i32
    %add3A_4 = vector.broadcast %add3A_3 : i32 to vector<16xi32>
    %add3A_5 = arith.addi %iota3A, %add3A_4 : vector<16xi32>
    %add3A_6 = arith.constant 16 : i32
    %add3A_7 = vector.broadcast %add3A_6 : i32 to vector<16xi32>
    %add3A_8 = arith.addi %iota3A, %add3A_7 : vector<16xi32>
    %add3A_9 = arith.constant 32 : i32
    %add3A_10 = vector.broadcast %add3A_9 : i32 to vector<16xi32>
    %add3A_11 = arith.addi %iota3A, %add3A_10 : vector<16xi32>
    %add3A_12 = arith.constant 48 : i32
    %add3A_13 = vector.broadcast %add3A_12 : i32 to vector<16xi32>
    %add3A_14 = arith.addi %iota3A, %add3A_13 : vector<16xi32>
    %add3A_15 = arith.constant 64 : i32
    %add3A_16 = vector.broadcast %add3A_15 : i32 to vector<16xi32>
    %add3A_17 = arith.addi %iota3A, %add3A_16 : vector<16xi32>
    %add3A_18 = arith.constant 80 : i32
    %add3A_19 = vector.broadcast %add3A_18 : i32 to vector<16xi32>
    %add3A_20 = arith.addi %iota3A, %add3A_19 : vector<16xi32>
    %add3A_21 = arith.constant 96 : i32
    %add3A_22 = vector.broadcast %add3A_21 : i32 to vector<16xi32>
    %add3A_23 = arith.addi %iota3A, %add3A_22 : vector<16xi32>
    %add3A_24 = arith.constant 112 : i32
    %add3A_25 = vector.broadcast %add3A_24 : i32 to vector<16xi32>
    %add3A_26 = arith.addi %iota3A, %add3A_25 : vector<16xi32>
    "tpu.region"() ({
      %run_scoped3A = tpu.sem_alloc : memref<!tpu.dma_semaphore, #tpu.memory_space<semaphore_mem>>
      %dma_start3A_153 = tpu.memref_slice %arg2[%mul3A_2] : memref<638976xi32, #tpu.memory_space<hbm>> -> memref<19968xi32, #tpu.memory_space<hbm>>
      %dma_start3A_154 = tpu.memref_slice %arg2[%mul3A_2] : memref<638976xi32, #tpu.memory_space<hbm>> -> memref<19968xi32, #tpu.memory_space<hbm>>
      tpu.enqueue_dma source(%dma_start3A_154 : memref<19968xi32, #tpu.memory_space<hbm>>) target(%arg7 : memref<19968xi32, #tpu.memory_space<vmem>>) target_semaphore(%run_scoped3A : memref<!tpu.dma_semaphore, #tpu.memory_space<semaphore_mem>>)
      %dma_wait3A_155 = tpu.memref_slice %arg2[%mul3A_2] : memref<638976xi32, #tpu.memory_space<hbm>> -> memref<19968xi32, #tpu.memory_space<hbm>>
      %dma_wait3A_156 = tpu.memref_slice %arg2[%mul3A_2] : memref<638976xi32, #tpu.memory_space<hbm>> -> memref<19968xi32, #tpu.memory_space<hbm>>
      tpu.wait_dma2 semaphore(%run_scoped3A : memref<!tpu.dma_semaphore, #tpu.memory_space<semaphore_mem>>) src(%dma_wait3A_156 : memref<19968xi32, #tpu.memory_space<hbm>>) dst(%arg7 : memref<19968xi32, #tpu.memory_space<vmem>>)
      tpu.yield
    }) : () -> ()
    "tpu.region"() ({
      %run_scoped3A = tpu.sem_alloc : memref<!tpu.dma_semaphore, #tpu.memory_space<semaphore_mem>>
      %dma_start3A_153 = tpu.memref_slice %arg3[%mul3A_2] : memref<638976xi32, #tpu.memory_space<hbm>> -> memref<19968xi32, #tpu.memory_space<hbm>>
      %dma_start3A_154 = tpu.memref_slice %arg3[%mul3A_2] : memref<638976xi32, #tpu.memory_space<hbm>> -> memref<19968xi32, #tpu.memory_space<hbm>>
      tpu.enqueue_dma source(%dma_start3A_154 : memref<19968xi32, #tpu.memory_space<hbm>>) target(%arg8 : memref<19968xi32, #tpu.memory_space<vmem>>) target_semaphore(%run_scoped3A : memref<!tpu.dma_semaphore, #tpu.memory_space<semaphore_mem>>)
      %dma_wait3A_155 = tpu.memref_slice %arg3[%mul3A_2] : memref<638976xi32, #tpu.memory_space<hbm>> -> memref<19968xi32, #tpu.memory_space<hbm>>
      %dma_wait3A_156 = tpu.memref_slice %arg3[%mul3A_2] : memref<638976xi32, #tpu.memory_space<hbm>> -> memref<19968xi32, #tpu.memory_space<hbm>>
      tpu.wait_dma2 semaphore(%run_scoped3A : memref<!tpu.dma_semaphore, #tpu.memory_space<semaphore_mem>>) src(%dma_wait3A_156 : memref<19968xi32, #tpu.memory_space<hbm>>) dst(%arg8 : memref<19968xi32, #tpu.memory_space<vmem>>)
      tpu.yield
    }) : () -> ()
    %dma_start3A = arith.constant 0 : i32
    %dma_start3A_27 = arith.constant 0 : i32
    %dma_start3A_28 = arith.constant 0 : i32
    %dma_start3A_29 = tpu.memref_slice %arg9[%dma_start3A, %dma_start3A_28] : memref<3x128xi32, #tpu.memory_space<vmem>> -> memref<1x128xi32, #tpu.memory_space<vmem>>
    %dma_start3A_30 = tpu.memref_squeeze %dma_start3A_29 : memref<1x128xi32, #tpu.memory_space<vmem>> -> memref<128xi32, #tpu.memory_space<vmem>>
    %dma_start3A_31 = arith.constant 0 : i32
    %dma_start3A_32 = tpu.memref_slice %arg7[%dma_start3A_31] : memref<19968xi32, #tpu.memory_space<vmem>> -> memref<128xi32, #tpu.memory_space<vmem>>
    %dma_start3A_33 = arith.constant 0 : i32
    %dma_start3A_34 = tpu.memref_slice %arg4[%dma_start3A_33] : memref<100000xi32, #tpu.memory_space<hbm>> -> memref<100000xi32, #tpu.memory_space<hbm>>
    %dma_start3A_35 = tpu.memref_slice %arg14[%dma_start3A_27] : memref<2x!tpu.dma_semaphore, #tpu.memory_space<semaphore_mem>> -> memref<1x!tpu.dma_semaphore, #tpu.memory_space<semaphore_mem>>
    %dma_start3A_36 = tpu.memref_squeeze %dma_start3A_35 : memref<1x!tpu.dma_semaphore, #tpu.memory_space<semaphore_mem>> -> memref<!tpu.dma_semaphore, #tpu.memory_space<semaphore_mem>>
    tpu.enqueue_indirect_dma source(%dma_start3A_34 : memref<100000xi32, #tpu.memory_space<hbm>>) target(%dma_start3A_30 : memref<128xi32, #tpu.memory_space<vmem>>) offsets(%dma_start3A_32 : memref<128xi32, #tpu.memory_space<vmem>>) semaphore(%dma_start3A_36 : memref<!tpu.dma_semaphore, #tpu.memory_space<semaphore_mem>>)
    %dma_start3A_37 = arith.constant 0 : i32
    %dma_start3A_38 = arith.constant 0 : i32
    %dma_start3A_39 = arith.constant 0 : i32
    %dma_start3A_40 = tpu.memref_slice %arg10[%dma_start3A_37, %dma_start3A_39] : memref<3x128xi32, #tpu.memory_space<vmem>> -> memref<1x128xi32, #tpu.memory_space<vmem>>
    %dma_start3A_41 = tpu.memref_squeeze %dma_start3A_40 : memref<1x128xi32, #tpu.memory_space<vmem>> -> memref<128xi32, #tpu.memory_space<vmem>>
    %dma_start3A_42 = arith.constant 0 : i32
    %dma_start3A_43 = tpu.memref_slice %arg8[%dma_start3A_42] : memref<19968xi32, #tpu.memory_space<vmem>> -> memref<128xi32, #tpu.memory_space<vmem>>
    %dma_start3A_44 = arith.constant 0 : i32
    %dma_start3A_45 = tpu.memref_slice %arg4[%dma_start3A_44] : memref<100000xi32, #tpu.memory_space<hbm>> -> memref<100000xi32, #tpu.memory_space<hbm>>
    %dma_start3A_46 = tpu.memref_slice %arg14[%dma_start3A_38] : memref<2x!tpu.dma_semaphore, #tpu.memory_space<semaphore_mem>> -> memref<1x!tpu.dma_semaphore, #tpu.memory_space<semaphore_mem>>
    %dma_start3A_47 = tpu.memref_squeeze %dma_start3A_46 : memref<1x!tpu.dma_semaphore, #tpu.memory_space<semaphore_mem>> -> memref<!tpu.dma_semaphore, #tpu.memory_space<semaphore_mem>>
    tpu.enqueue_indirect_dma source(%dma_start3A_45 : memref<100000xi32, #tpu.memory_space<hbm>>) target(%dma_start3A_41 : memref<128xi32, #tpu.memory_space<vmem>>) offsets(%dma_start3A_43 : memref<128xi32, #tpu.memory_space<vmem>>) semaphore(%dma_start3A_47 : memref<!tpu.dma_semaphore, #tpu.memory_space<semaphore_mem>>)
    %dma_start3A_48 = arith.constant 1 : i32
    %dma_start3A_49 = arith.constant 1 : i32
    %dma_start3A_50 = arith.constant 0 : i32
    %dma_start3A_51 = tpu.memref_slice %arg9[%dma_start3A_48, %dma_start3A_50] : memref<3x128xi32, #tpu.memory_space<vmem>> -> memref<1x128xi32, #tpu.memory_space<vmem>>
    %dma_start3A_52 = tpu.memref_squeeze %dma_start3A_51 : memref<1x128xi32, #tpu.memory_space<vmem>> -> memref<128xi32, #tpu.memory_space<vmem>>
    %dma_start3A_53 = arith.constant 128 : i32
    %dma_start3A_54 = tpu.memref_slice %arg7[%dma_start3A_53] : memref<19968xi32, #tpu.memory_space<vmem>> -> memref<128xi32, #tpu.memory_space<vmem>>
    %dma_start3A_55 = arith.constant 0 : i32
    %dma_start3A_56 = tpu.memref_slice %arg4[%dma_start3A_55] : memref<100000xi32, #tpu.memory_space<hbm>> -> memref<100000xi32, #tpu.memory_space<hbm>>
    %dma_start3A_57 = tpu.memref_slice %arg14[%dma_start3A_49] : memref<2x!tpu.dma_semaphore, #tpu.memory_space<semaphore_mem>> -> memref<1x!tpu.dma_semaphore, #tpu.memory_space<semaphore_mem>>
    %dma_start3A_58 = tpu.memref_squeeze %dma_start3A_57 : memref<1x!tpu.dma_semaphore, #tpu.memory_space<semaphore_mem>> -> memref<!tpu.dma_semaphore, #tpu.memory_space<semaphore_mem>>
    tpu.enqueue_indirect_dma source(%dma_start3A_56 : memref<100000xi32, #tpu.memory_space<hbm>>) target(%dma_start3A_52 : memref<128xi32, #tpu.memory_space<vmem>>) offsets(%dma_start3A_54 : memref<128xi32, #tpu.memory_space<vmem>>) semaphore(%dma_start3A_58 : memref<!tpu.dma_semaphore, #tpu.memory_space<semaphore_mem>>)
    %dma_start3A_59 = arith.constant 1 : i32
    %dma_start3A_60 = arith.constant 1 : i32
    %dma_start3A_61 = arith.constant 0 : i32
    %dma_start3A_62 = tpu.memref_slice %arg10[%dma_start3A_59, %dma_start3A_61] : memref<3x128xi32, #tpu.memory_space<vmem>> -> memref<1x128xi32, #tpu.memory_space<vmem>>
    %dma_start3A_63 = tpu.memref_squeeze %dma_start3A_62 : memref<1x128xi32, #tpu.memory_space<vmem>> -> memref<128xi32, #tpu.memory_space<vmem>>
    %dma_start3A_64 = arith.constant 128 : i32
    %dma_start3A_65 = tpu.memref_slice %arg8[%dma_start3A_64] : memref<19968xi32, #tpu.memory_space<vmem>> -> memref<128xi32, #tpu.memory_space<vmem>>
    %dma_start3A_66 = arith.constant 0 : i32
    %dma_start3A_67 = tpu.memref_slice %arg4[%dma_start3A_66] : memref<100000xi32, #tpu.memory_space<hbm>> -> memref<100000xi32, #tpu.memory_space<hbm>>
    %dma_start3A_68 = tpu.memref_slice %arg14[%dma_start3A_60] : memref<2x!tpu.dma_semaphore, #tpu.memory_space<semaphore_mem>> -> memref<1x!tpu.dma_semaphore, #tpu.memory_space<semaphore_mem>>
    %dma_start3A_69 = tpu.memref_squeeze %dma_start3A_68 : memref<1x!tpu.dma_semaphore, #tpu.memory_space<semaphore_mem>> -> memref<!tpu.dma_semaphore, #tpu.memory_space<semaphore_mem>>
    tpu.enqueue_indirect_dma source(%dma_start3A_67 : memref<100000xi32, #tpu.memory_space<hbm>>) target(%dma_start3A_63 : memref<128xi32, #tpu.memory_space<vmem>>) offsets(%dma_start3A_65 : memref<128xi32, #tpu.memory_space<vmem>>) semaphore(%dma_start3A_69 : memref<!tpu.dma_semaphore, #tpu.memory_space<semaphore_mem>>)
    %dma_wait3A = arith.constant 0 : i32
    %dma_wait3A_70 = arith.constant 0 : i32
    %dma_wait3A_71 = arith.constant 0 : i32
    %dma_wait3A_72 = tpu.memref_slice %arg9[%dma_wait3A, %dma_wait3A_71] : memref<3x128xi32, #tpu.memory_space<vmem>> -> memref<1x128xi32, #tpu.memory_space<vmem>>
    %dma_wait3A_73 = tpu.memref_squeeze %dma_wait3A_72 : memref<1x128xi32, #tpu.memory_space<vmem>> -> memref<128xi32, #tpu.memory_space<vmem>>
    %dma_wait3A_74 = arith.constant 0 : i32
    %dma_wait3A_75 = tpu.memref_slice %arg7[%dma_wait3A_74] : memref<19968xi32, #tpu.memory_space<vmem>> -> memref<128xi32, #tpu.memory_space<vmem>>
    %dma_wait3A_76 = arith.constant 0 : i32
    %dma_wait3A_77 = tpu.memref_slice %arg4[%dma_wait3A_76] : memref<100000xi32, #tpu.memory_space<hbm>> -> memref<100000xi32, #tpu.memory_space<hbm>>
    %dma_wait3A_78 = tpu.memref_slice %arg14[%dma_wait3A_70] : memref<2x!tpu.dma_semaphore, #tpu.memory_space<semaphore_mem>> -> memref<1x!tpu.dma_semaphore, #tpu.memory_space<semaphore_mem>>
    %dma_wait3A_79 = tpu.memref_squeeze %dma_wait3A_78 : memref<1x!tpu.dma_semaphore, #tpu.memory_space<semaphore_mem>> -> memref<!tpu.dma_semaphore, #tpu.memory_space<semaphore_mem>>
    tpu.wait_indirect_dma semaphore(%dma_wait3A_79 : memref<!tpu.dma_semaphore, #tpu.memory_space<semaphore_mem>>) src(%dma_wait3A_77 : memref<100000xi32, #tpu.memory_space<hbm>>) dst(%dma_wait3A_73 : memref<128xi32, #tpu.memory_space<vmem>>)
    %dma_wait3A_80 = arith.constant 0 : i32
    %dma_wait3A_81 = arith.constant 0 : i32
    %dma_wait3A_82 = arith.constant 0 : i32
    %dma_wait3A_83 = tpu.memref_slice %arg10[%dma_wait3A_80, %dma_wait3A_82] : memref<3x128xi32, #tpu.memory_space<vmem>> -> memref<1x128xi32, #tpu.memory_space<vmem>>
    %dma_wait3A_84 = tpu.memref_squeeze %dma_wait3A_83 : memref<1x128xi32, #tpu.memory_space<vmem>> -> memref<128xi32, #tpu.memory_space<vmem>>
    %dma_wait3A_85 = arith.constant 0 : i32
    %dma_wait3A_86 = tpu.memref_slice %arg8[%dma_wait3A_85] : memref<19968xi32, #tpu.memory_space<vmem>> -> memref<128xi32, #tpu.memory_space<vmem>>
    %dma_wait3A_87 = arith.constant 0 : i32
    %dma_wait3A_88 = tpu.memref_slice %arg4[%dma_wait3A_87] : memref<100000xi32, #tpu.memory_space<hbm>> -> memref<100000xi32, #tpu.memory_space<hbm>>
    %dma_wait3A_89 = tpu.memref_slice %arg14[%dma_wait3A_81] : memref<2x!tpu.dma_semaphore, #tpu.memory_space<semaphore_mem>> -> memref<1x!tpu.dma_semaphore, #tpu.memory_space<semaphore_mem>>
    %dma_wait3A_90 = tpu.memref_squeeze %dma_wait3A_89 : memref<1x!tpu.dma_semaphore, #tpu.memory_space<semaphore_mem>> -> memref<!tpu.dma_semaphore, #tpu.memory_space<semaphore_mem>>
    tpu.wait_indirect_dma semaphore(%dma_wait3A_90 : memref<!tpu.dma_semaphore, #tpu.memory_space<semaphore_mem>>) src(%dma_wait3A_88 : memref<100000xi32, #tpu.memory_space<hbm>>) dst(%dma_wait3A_84 : memref<128xi32, #tpu.memory_space<vmem>>)
    %dma_start3A_91 = arith.constant 0 : i32
    %dma_start3A_92 = arith.constant 0 : i32
    %dma_start3A_93 = arith.constant 0 : i32
    %dma_start3A_94 = arith.constant 0 : i32
    %dma_start3A_95 = arith.constant 0 : i32
    %dma_start3A_96 = tpu.memref_slice %arg11[%dma_start3A_92, %dma_start3A_94, %dma_start3A_95] : memref<2x128x128xf32, #tpu.memory_space<vmem>> -> memref<1x128x128xf32, #tpu.memory_space<vmem>>
    %dma_start3A_97 = tpu.memref_squeeze %dma_start3A_96 : memref<1x128x128xf32, #tpu.memory_space<vmem>> -> memref<128x128xf32, #tpu.memory_space<vmem>>
    %dma_start3A_98 = arith.constant 0 : i32
    %dma_start3A_99 = tpu.memref_slice %arg9[%dma_start3A_91, %dma_start3A_98] : memref<3x128xi32, #tpu.memory_space<vmem>> -> memref<1x128xi32, #tpu.memory_space<vmem>>
    %dma_start3A_100 = tpu.memref_squeeze %dma_start3A_99 : memref<1x128xi32, #tpu.memory_space<vmem>> -> memref<128xi32, #tpu.memory_space<vmem>>
    %dma_start3A_101 = arith.constant 0 : i32
    %dma_start3A_102 = arith.constant 0 : i32
    %dma_start3A_103 = tpu.memref_slice %arg5[%dma_start3A_101, %dma_start3A_102] : memref<100000x128xf32, #tpu.memory_space<hbm>> -> memref<100000x128xf32, #tpu.memory_space<hbm>>
    %dma_start3A_104 = tpu.memref_slice %arg15[%dma_start3A_93] : memref<2x!tpu.dma_semaphore, #tpu.memory_space<semaphore_mem>> -> memref<1x!tpu.dma_semaphore, #tpu.memory_space<semaphore_mem>>
    %dma_start3A_105 = tpu.memref_squeeze %dma_start3A_104 : memref<1x!tpu.dma_semaphore, #tpu.memory_space<semaphore_mem>> -> memref<!tpu.dma_semaphore, #tpu.memory_space<semaphore_mem>>
    tpu.enqueue_indirect_dma source(%dma_start3A_103 : memref<100000x128xf32, #tpu.memory_space<hbm>>) target(%dma_start3A_97 : memref<128x128xf32, #tpu.memory_space<vmem>>) offsets(%dma_start3A_100 : memref<128xi32, #tpu.memory_space<vmem>>) semaphore(%dma_start3A_105 : memref<!tpu.dma_semaphore, #tpu.memory_space<semaphore_mem>>)
    %dma_start3A_106 = arith.constant 0 : i32
    %dma_start3A_107 = arith.constant 0 : i32
    %dma_start3A_108 = arith.constant 0 : i32
    %dma_start3A_109 = arith.constant 0 : i32
    %dma_start3A_110 = arith.constant 0 : i32
    %dma_start3A_111 = tpu.memref_slice %arg12[%dma_start3A_107, %dma_start3A_109, %dma_start3A_110] : memref<2x128x128xf32, #tpu.memory_space<vmem>> -> memref<1x128x128xf32, #tpu.memory_space<vmem>>
    %dma_start3A_112 = tpu.memref_squeeze %dma_start3A_111 : memref<1x128x128xf32, #tpu.memory_space<vmem>> -> memref<128x128xf32, #tpu.memory_space<vmem>>
    %dma_start3A_113 = arith.constant 0 : i32
    %dma_start3A_114 = tpu.memref_slice %arg10[%dma_start3A_106, %dma_start3A_113] : memref<3x128xi32, #tpu.memory_space<vmem>> -> memref<1x128xi32, #tpu.memory_space<vmem>>
    %dma_start3A_115 = tpu.memref_squeeze %dma_start3A_114 : memref<1x128xi32, #tpu.memory_space<vmem>> -> memref<128xi32, #tpu.memory_space<vmem>>
    %dma_start3A_116 = arith.constant 0 : i32
    %dma_start3A_117 = arith.constant 0 : i32
    %dma_start3A_118 = tpu.memref_slice %arg5[%dma_start3A_116, %dma_start3A_117] : memref<100000x128xf32, #tpu.memory_space<hbm>> -> memref<100000x128xf32, #tpu.memory_space<hbm>>
    %dma_start3A_119 = tpu.memref_slice %arg15[%dma_start3A_108] : memref<2x!tpu.dma_semaphore, #tpu.memory_space<semaphore_mem>> -> memref<1x!tpu.dma_semaphore, #tpu.memory_space<semaphore_mem>>
    %dma_start3A_120 = tpu.memref_squeeze %dma_start3A_119 : memref<1x!tpu.dma_semaphore, #tpu.memory_space<semaphore_mem>> -> memref<!tpu.dma_semaphore, #tpu.memory_space<semaphore_mem>>
    tpu.enqueue_indirect_dma source(%dma_start3A_118 : memref<100000x128xf32, #tpu.memory_space<hbm>>) target(%dma_start3A_112 : memref<128x128xf32, #tpu.memory_space<vmem>>) offsets(%dma_start3A_115 : memref<128xi32, #tpu.memory_space<vmem>>) semaphore(%dma_start3A_120 : memref<!tpu.dma_semaphore, #tpu.memory_space<semaphore_mem>>)
    %scan3A = arith.constant 0 : i32
    %scan3A_121 = arith.constant 26 : i32
    %scan3A_122 = arith.addi %scan3A, %scan3A_121 : i32
    %scan3A_123 = arith.constant 1 : i32
    scf.for %scan3A_153 = %scan3A to %scan3A_122 step %scan3A_123  : i32 {
      %mul3A_154 = arith.constant 1 : i32
      %mul3A_155 = arith.muli %scan3A_153, %mul3A_154 : i32
      %add3A_156 = arith.constant 0 : i32
      %add3A_157 = arith.addi %add3A_156, %mul3A_155 : i32
      %mul3A_158 = arith.constant 6 : i32
      %mul3A_159 = arith.muli %add3A_157, %mul3A_158 : i32
      %add3A_160 = arith.constant 0 : i32
      %add3A_161 = arith.addi %mul3A_159, %add3A_160 : i32
      %add3A_162 = arith.constant 2 : i32
      %add3A_163 = arith.addi %add3A_161, %add3A_162 : i32
      %lt3A = arith.constant 156 : i32
      %lt3A_164 = arith.cmpi slt, %add3A_163, %lt3A : i32
      %convert_element_type3A = arith.extui %lt3A_164 : i1 to i32
      %cond3A = arith.constant 0 : i32
      %cond3A_165 = arith.cmpi ne, %convert_element_type3A, %cond3A : i32
      scf.if %cond3A_165 {
        %add3A_979 = arith.constant 2 : i32
        %add3A_980 = arith.addi %add3A_161, %add3A_979 : i32
        %mul3A_981 = arith.constant 128 : i32
        %mul3A_982 = arith.muli %add3A_980, %mul3A_981 : i32
        %dma_start3A_983 = arith.constant 2 : i32
        %dma_start3A_984 = arith.constant 0 : i32
        %dma_start3A_985 = arith.constant 0 : i32
        %dma_start3A_986 = tpu.memref_slice %arg9[%dma_start3A_983, %dma_start3A_985] : memref<3x128xi32, #tpu.memory_space<vmem>> -> memref<1x128xi32, #tpu.memory_space<vmem>>
        %dma_start3A_987 = tpu.memref_squeeze %dma_start3A_986 : memref<1x128xi32, #tpu.memory_space<vmem>> -> memref<128xi32, #tpu.memory_space<vmem>>
        %dma_start3A_988 = tpu.memref_slice %arg7[%mul3A_982] : memref<19968xi32, #tpu.memory_space<vmem>> -> memref<128xi32, #tpu.memory_space<vmem>>
        %dma_start3A_989 = arith.constant 0 : i32
        %dma_start3A_990 = tpu.memref_slice %arg4[%dma_start3A_989] : memref<100000xi32, #tpu.memory_space<hbm>> -> memref<100000xi32, #tpu.memory_space<hbm>>
        %dma_start3A_991 = tpu.memref_slice %arg14[%dma_start3A_984] : memref<2x!tpu.dma_semaphore, #tpu.memory_space<semaphore_mem>> -> memref<1x!tpu.dma_semaphore, #tpu.memory_space<semaphore_mem>>
        %dma_start3A_992 = tpu.memref_squeeze %dma_start3A_991 : memref<1x!tpu.dma_semaphore, #tpu.memory_space<semaphore_mem>> -> memref<!tpu.dma_semaphore, #tpu.memory_space<semaphore_mem>>
        tpu.enqueue_indirect_dma source(%dma_start3A_990 : memref<100000xi32, #tpu.memory_space<hbm>>) target(%dma_start3A_987 : memref<128xi32, #tpu.memory_space<vmem>>) offsets(%dma_start3A_988 : memref<128xi32, #tpu.memory_space<vmem>>) semaphore(%dma_start3A_992 : memref<!tpu.dma_semaphore, #tpu.memory_space<semaphore_mem>>)
        %mul3A_993 = arith.constant 128 : i32
        %mul3A_994 = arith.muli %add3A_980, %mul3A_993 : i32
        %dma_start3A_995 = arith.constant 2 : i32
        %dma_start3A_996 = arith.constant 0 : i32
        %dma_start3A_997 = arith.constant 0 : i32
        %dma_start3A_998 = tpu.memref_slice %arg10[%dma_start3A_995, %dma_start3A_997] : memref<3x128xi32, #tpu.memory_space<vmem>> -> memref<1x128xi32, #tpu.memory_space<vmem>>
        %dma_start3A_999 = tpu.memref_squeeze %dma_start3A_998 : memref<1x128xi32, #tpu.memory_space<vmem>> -> memref<128xi32, #tpu.memory_space<vmem>>
        %dma_start3A_1000 = tpu.memref_slice %arg8[%mul3A_994] : memref<19968xi32, #tpu.memory_space<vmem>> -> memref<128xi32, #tpu.memory_space<vmem>>
        %dma_start3A_1001 = arith.constant 0 : i32
        %dma_start3A_1002 = tpu.memref_slice %arg4[%dma_start3A_1001] : memref<100000xi32, #tpu.memory_space<hbm>> -> memref<100000xi32, #tpu.memory_space<hbm>>
        %dma_start3A_1003 = tpu.memref_slice %arg14[%dma_start3A_996] : memref<2x!tpu.dma_semaphore, #tpu.memory_space<semaphore_mem>> -> memref<1x!tpu.dma_semaphore, #tpu.memory_space<semaphore_mem>>
        %dma_start3A_1004 = tpu.memref_squeeze %dma_start3A_1003 : memref<1x!tpu.dma_semaphore, #tpu.memory_space<semaphore_mem>> -> memref<!tpu.dma_semaphore, #tpu.memory_space<semaphore_mem>>
        tpu.enqueue_indirect_dma source(%dma_start3A_1002 : memref<100000xi32, #tpu.memory_space<hbm>>) target(%dma_start3A_999 : memref<128xi32, #tpu.memory_space<vmem>>) offsets(%dma_start3A_1000 : memref<128xi32, #tpu.memory_space<vmem>>) semaphore(%dma_start3A_1004 : memref<!tpu.dma_semaphore, #tpu.memory_space<semaphore_mem>>)
      } else {
      }
      %add3A_166 = arith.constant 1 : i32
      %add3A_167 = arith.addi %add3A_161, %add3A_166 : i32
      %lt3A_168 = arith.constant 156 : i32
      %lt3A_169 = arith.cmpi slt, %add3A_167, %lt3A_168 : i32
      %convert_element_type3A_170 = arith.extui %lt3A_169 : i1 to i32
      %cond3A_171 = arith.constant 0 : i32
      %cond3A_172 = arith.cmpi ne, %convert_element_type3A_170, %cond3A_171 : i32
      scf.if %cond3A_172 {
        %add3A_979 = arith.constant 1 : i32
        %add3A_980 = arith.addi %add3A_161, %add3A_979 : i32
        %mul3A_981 = arith.constant 128 : i32
        %mul3A_982 = arith.muli %add3A_980, %mul3A_981 : i32
        %dma_wait3A_983 = arith.constant 1 : i32
        %dma_wait3A_984 = arith.constant 1 : i32
        %dma_wait3A_985 = arith.constant 0 : i32
        %dma_wait3A_986 = tpu.memref_slice %arg9[%dma_wait3A_983, %dma_wait3A_985] : memref<3x128xi32, #tpu.memory_space<vmem>> -> memref<1x128xi32, #tpu.memory_space<vmem>>
        %dma_wait3A_987 = tpu.memref_squeeze %dma_wait3A_986 : memref<1x128xi32, #tpu.memory_space<vmem>> -> memref<128xi32, #tpu.memory_space<vmem>>
        %dma_wait3A_988 = tpu.memref_slice %arg7[%mul3A_982] : memref<19968xi32, #tpu.memory_space<vmem>> -> memref<128xi32, #tpu.memory_space<vmem>>
        %dma_wait3A_989 = arith.constant 0 : i32
        %dma_wait3A_990 = tpu.memref_slice %arg4[%dma_wait3A_989] : memref<100000xi32, #tpu.memory_space<hbm>> -> memref<100000xi32, #tpu.memory_space<hbm>>
        %dma_wait3A_991 = tpu.memref_slice %arg14[%dma_wait3A_984] : memref<2x!tpu.dma_semaphore, #tpu.memory_space<semaphore_mem>> -> memref<1x!tpu.dma_semaphore, #tpu.memory_space<semaphore_mem>>
        %dma_wait3A_992 = tpu.memref_squeeze %dma_wait3A_991 : memref<1x!tpu.dma_semaphore, #tpu.memory_space<semaphore_mem>> -> memref<!tpu.dma_semaphore, #tpu.memory_space<semaphore_mem>>
        tpu.wait_indirect_dma semaphore(%dma_wait3A_992 : memref<!tpu.dma_semaphore, #tpu.memory_space<semaphore_mem>>) src(%dma_wait3A_990 : memref<100000xi32, #tpu.memory_space<hbm>>) dst(%dma_wait3A_987 : memref<128xi32, #tpu.memory_space<vmem>>)
        %mul3A_993 = arith.constant 128 : i32
        %mul3A_994 = arith.muli %add3A_980, %mul3A_993 : i32
        %dma_wait3A_995 = arith.constant 1 : i32
        %dma_wait3A_996 = arith.constant 1 : i32
        %dma_wait3A_997 = arith.constant 0 : i32
        %dma_wait3A_998 = tpu.memref_slice %arg10[%dma_wait3A_995, %dma_wait3A_997] : memref<3x128xi32, #tpu.memory_space<vmem>> -> memref<1x128xi32, #tpu.memory_space<vmem>>
        %dma_wait3A_999 = tpu.memref_squeeze %dma_wait3A_998 : memref<1x128xi32, #tpu.memory_space<vmem>> -> memref<128xi32, #tpu.memory_space<vmem>>
        %dma_wait3A_1000 = tpu.memref_slice %arg8[%mul3A_994] : memref<19968xi32, #tpu.memory_space<vmem>> -> memref<128xi32, #tpu.memory_space<vmem>>
        %dma_wait3A_1001 = arith.constant 0 : i32
        %dma_wait3A_1002 = tpu.memref_slice %arg4[%dma_wait3A_1001] : memref<100000xi32, #tpu.memory_space<hbm>> -> memref<100000xi32, #tpu.memory_space<hbm>>
        %dma_wait3A_1003 = tpu.memref_slice %arg14[%dma_wait3A_996] : memref<2x!tpu.dma_semaphore, #tpu.memory_space<semaphore_mem>> -> memref<1x!tpu.dma_semaphore, #tpu.memory_space<semaphore_mem>>
        %dma_wait3A_1004 = tpu.memref_squeeze %dma_wait3A_1003 : memref<1x!tpu.dma_semaphore, #tpu.memory_space<semaphore_mem>> -> memref<!tpu.dma_semaphore, #tpu.memory_space<semaphore_mem>>
        tpu.wait_indirect_dma semaphore(%dma_wait3A_1004 : memref<!tpu.dma_semaphore, #tpu.memory_space<semaphore_mem>>) src(%dma_wait3A_1002 : memref<100000xi32, #tpu.memory_space<hbm>>) dst(%dma_wait3A_999 : memref<128xi32, #tpu.memory_space<vmem>>)
        %dma_start3A_1005 = arith.constant 1 : i32
        %dma_start3A_1006 = arith.constant 1 : i32
        %dma_start3A_1007 = arith.constant 1 : i32
        %dma_start3A_1008 = arith.constant 0 : i32
        %dma_start3A_1009 = arith.constant 0 : i32
        %dma_start3A_1010 = tpu.memref_slice %arg11[%dma_start3A_1006, %dma_start3A_1008, %dma_start3A_1009] : memref<2x128x128xf32, #tpu.memory_space<vmem>> -> memref<1x128x128xf32, #tpu.memory_space<vmem>>
        %dma_start3A_1011 = tpu.memref_squeeze %dma_start3A_1010 : memref<1x128x128xf32, #tpu.memory_space<vmem>> -> memref<128x128xf32, #tpu.memory_space<vmem>>
        %dma_start3A_1012 = arith.constant 0 : i32
        %dma_start3A_1013 = tpu.memref_slice %arg9[%dma_start3A_1005, %dma_start3A_1012] : memref<3x128xi32, #tpu.memory_space<vmem>> -> memref<1x128xi32, #tpu.memory_space<vmem>>
        %dma_start3A_1014 = tpu.memref_squeeze %dma_start3A_1013 : memref<1x128xi32, #tpu.memory_space<vmem>> -> memref<128xi32, #tpu.memory_space<vmem>>
        %dma_start3A_1015 = arith.constant 0 : i32
        %dma_start3A_1016 = arith.constant 0 : i32
        %dma_start3A_1017 = tpu.memref_slice %arg5[%dma_start3A_1015, %dma_start3A_1016] : memref<100000x128xf32, #tpu.memory_space<hbm>> -> memref<100000x128xf32, #tpu.memory_space<hbm>>
        %dma_start3A_1018 = tpu.memref_slice %arg15[%dma_start3A_1007] : memref<2x!tpu.dma_semaphore, #tpu.memory_space<semaphore_mem>> -> memref<1x!tpu.dma_semaphore, #tpu.memory_space<semaphore_mem>>
        %dma_start3A_1019 = tpu.memref_squeeze %dma_start3A_1018 : memref<1x!tpu.dma_semaphore, #tpu.memory_space<semaphore_mem>> -> memref<!tpu.dma_semaphore, #tpu.memory_space<semaphore_mem>>
        tpu.enqueue_indirect_dma source(%dma_start3A_1017 : memref<100000x128xf32, #tpu.memory_space<hbm>>) target(%dma_start3A_1011 : memref<128x128xf32, #tpu.memory_space<vmem>>) offsets(%dma_start3A_1014 : memref<128xi32, #tpu.memory_space<vmem>>) semaphore(%dma_start3A_1019 : memref<!tpu.dma_semaphore, #tpu.memory_space<semaphore_mem>>)
        %dma_start3A_1020 = arith.constant 1 : i32
        %dma_start3A_1021 = arith.constant 1 : i32
        %dma_start3A_1022 = arith.constant 1 : i32
        %dma_start3A_1023 = arith.constant 0 : i32
        %dma_start3A_1024 = arith.constant 0 : i32
        %dma_start3A_1025 = tpu.memref_slice %arg12[%dma_start3A_1021, %dma_start3A_1023, %dma_start3A_1024] : memref<2x128x128xf32, #tpu.memory_space<vmem>> -> memref<1x128x128xf32, #tpu.memory_space<vmem>>
        %dma_start3A_1026 = tpu.memref_squeeze %dma_start3A_1025 : memref<1x128x128xf32, #tpu.memory_space<vmem>> -> memref<128x128xf32, #tpu.memory_space<vmem>>
        %dma_start3A_1027 = arith.constant 0 : i32
        %dma_start3A_1028 = tpu.memref_slice %arg10[%dma_start3A_1020, %dma_start3A_1027] : memref<3x128xi32, #tpu.memory_space<vmem>> -> memref<1x128xi32, #tpu.memory_space<vmem>>
        %dma_start3A_1029 = tpu.memref_squeeze %dma_start3A_1028 : memref<1x128xi32, #tpu.memory_space<vmem>> -> memref<128xi32, #tpu.memory_space<vmem>>
        %dma_start3A_1030 = arith.constant 0 : i32
        %dma_start3A_1031 = arith.constant 0 : i32
        %dma_start3A_1032 = tpu.memref_slice %arg5[%dma_start3A_1030, %dma_start3A_1031] : memref<100000x128xf32, #tpu.memory_space<hbm>> -> memref<100000x128xf32, #tpu.memory_space<hbm>>
        %dma_start3A_1033 = tpu.memref_slice %arg15[%dma_start3A_1022] : memref<2x!tpu.dma_semaphore, #tpu.memory_space<semaphore_mem>> -> memref<1x!tpu.dma_semaphore, #tpu.memory_space<semaphore_mem>>
        %dma_start3A_1034 = tpu.memref_squeeze %dma_start3A_1033 : memref<1x!tpu.dma_semaphore, #tpu.memory_space<semaphore_mem>> -> memref<!tpu.dma_semaphore, #tpu.memory_space<semaphore_mem>>
        tpu.enqueue_indirect_dma source(%dma_start3A_1032 : memref<100000x128xf32, #tpu.memory_space<hbm>>) target(%dma_start3A_1026 : memref<128x128xf32, #tpu.memory_space<vmem>>) offsets(%dma_start3A_1029 : memref<128xi32, #tpu.memory_space<vmem>>) semaphore(%dma_start3A_1034 : memref<!tpu.dma_semaphore, #tpu.memory_space<semaphore_mem>>)
      } else {
      }
      %dma_wait3A_173 = arith.constant 0 : i32
      %dma_wait3A_174 = arith.constant 0 : i32
      %dma_wait3A_175 = arith.constant 0 : i32
      %dma_wait3A_176 = arith.constant 0 : i32
      %dma_wait3A_177 = arith.constant 0 : i32
      %dma_wait3A_178 = tpu.memref_slice %arg11[%dma_wait3A_174, %dma_wait3A_176, %dma_wait3A_177] : memref<2x128x128xf32, #tpu.memory_space<vmem>> -> memref<1x128x128xf32, #tpu.memory_space<vmem>>
      %dma_wait3A_179 = tpu.memref_squeeze %dma_wait3A_178 : memref<1x128x128xf32, #tpu.memory_space<vmem>> -> memref<128x128xf32, #tpu.memory_space<vmem>>
      %dma_wait3A_180 = arith.constant 0 : i32
      %dma_wait3A_181 = tpu.memref_slice %arg9[%dma_wait3A_173, %dma_wait3A_180] : memref<3x128xi32, #tpu.memory_space<vmem>> -> memref<1x128xi32, #tpu.memory_space<vmem>>
      %dma_wait3A_182 = tpu.memref_squeeze %dma_wait3A_181 : memref<1x128xi32, #tpu.memory_space<vmem>> -> memref<128xi32, #tpu.memory_space<vmem>>
      %dma_wait3A_183 = arith.constant 0 : i32
      %dma_wait3A_184 = arith.constant 0 : i32
      %dma_wait3A_185 = tpu.memref_slice %arg5[%dma_wait3A_183, %dma_wait3A_184] : memref<100000x128xf32, #tpu.memory_space<hbm>> -> memref<100000x128xf32, #tpu.memory_space<hbm>>
      %dma_wait3A_186 = tpu.memref_slice %arg15[%dma_wait3A_175] : memref<2x!tpu.dma_semaphore, #tpu.memory_space<semaphore_mem>> -> memref<1x!tpu.dma_semaphore, #tpu.memory_space<semaphore_mem>>
      %dma_wait3A_187 = tpu.memref_squeeze %dma_wait3A_186 : memref<1x!tpu.dma_semaphore, #tpu.memory_space<semaphore_mem>> -> memref<!tpu.dma_semaphore, #tpu.memory_space<semaphore_mem>>
      tpu.wait_indirect_dma semaphore(%dma_wait3A_187 : memref<!tpu.dma_semaphore, #tpu.memory_space<semaphore_mem>>) src(%dma_wait3A_185 : memref<100000x128xf32, #tpu.memory_space<hbm>>) dst(%dma_wait3A_179 : memref<128x128xf32, #tpu.memory_space<vmem>>)
      %dma_wait3A_188 = arith.constant 0 : i32
      %dma_wait3A_189 = arith.constant 0 : i32
      %dma_wait3A_190 = arith.constant 0 : i32
      %dma_wait3A_191 = arith.constant 0 : i32
      %dma_wait3A_192 = arith.constant 0 : i32
      %dma_wait3A_193 = tpu.memref_slice %arg12[%dma_wait3A_189, %dma_wait3A_191, %dma_wait3A_192] : memref<2x128x128xf32, #tpu.memory_space<vmem>> -> memref<1x128x128xf32, #tpu.memory_space<vmem>>
      %dma_wait3A_194 = tpu.memref_squeeze %dma_wait3A_193 : memref<1x128x128xf32, #tpu.memory_space<vmem>> -> memref<128x128xf32, #tpu.memory_space<vmem>>
      %dma_wait3A_195 = arith.constant 0 : i32
      %dma_wait3A_196 = tpu.memref_slice %arg10[%dma_wait3A_188, %dma_wait3A_195] : memref<3x128xi32, #tpu.memory_space<vmem>> -> memref<1x128xi32, #tpu.memory_space<vmem>>
      %dma_wait3A_197 = tpu.memref_squeeze %dma_wait3A_196 : memref<1x128xi32, #tpu.memory_space<vmem>> -> memref<128xi32, #tpu.memory_space<vmem>>
      %dma_wait3A_198 = arith.constant 0 : i32
      %dma_wait3A_199 = arith.constant 0 : i32
      %dma_wait3A_200 = tpu.memref_slice %arg5[%dma_wait3A_198, %dma_wait3A_199] : memref<100000x128xf32, #tpu.memory_space<hbm>> -> memref<100000x128xf32, #tpu.memory_space<hbm>>
      %dma_wait3A_201 = tpu.memref_slice %arg15[%dma_wait3A_190] : memref<2x!tpu.dma_semaphore, #tpu.memory_space<semaphore_mem>> -> memref<1x!tpu.dma_semaphore, #tpu.memory_space<semaphore_mem>>
      %dma_wait3A_202 = tpu.memref_squeeze %dma_wait3A_201 : memref<1x!tpu.dma_semaphore, #tpu.memory_space<semaphore_mem>> -> memref<!tpu.dma_semaphore, #tpu.memory_space<semaphore_mem>>
      tpu.wait_indirect_dma semaphore(%dma_wait3A_202 : memref<!tpu.dma_semaphore, #tpu.memory_space<semaphore_mem>>) src(%dma_wait3A_200 : memref<100000x128xf32, #tpu.memory_space<hbm>>) dst(%dma_wait3A_194 : memref<128x128xf32, #tpu.memory_space<vmem>>)
      %ge3A = arith.constant 2 : i32
      %ge3A_203 = arith.cmpi sge, %add3A_161, %ge3A : i32
      %convert_element_type3A_204 = arith.extui %ge3A_203 : i1 to i32
      %cond3A_205 = arith.constant 0 : i32
      %cond3A_206 = arith.cmpi ne, %convert_element_type3A_204, %cond3A_205 : i32
      scf.if %cond3A_206 {
        %sub3A = arith.constant 2 : i32
        %sub3A_979 = arith.subi %add3A_161, %sub3A : i32
        %mul3A_980 = arith.constant 128 : i32
        %mul3A_981 = arith.muli %sub3A_979, %mul3A_980 : i32
        %add3A_982 = arith.addi %mul3A_2, %mul3A_981 : i32
        %dma_wait3A_983 = arith.constant 0 : i32
        %dma_wait3A_984 = arith.constant 0 : i32
        %dma_wait3A_985 = arith.constant 0 : i32
        %dma_wait3A_986 = tpu.memref_slice %arg13[%dma_wait3A_983, %dma_wait3A_985] : memref<2x128xf32, #tpu.memory_space<vmem>> -> memref<1x128xf32, #tpu.memory_space<vmem>>
        %dma_wait3A_987 = tpu.memref_squeeze %dma_wait3A_986 : memref<1x128xf32, #tpu.memory_space<vmem>> -> memref<128xf32, #tpu.memory_space<vmem>>
        %dma_wait3A_988 = tpu.memref_slice %arg6[%add3A_982] : memref<638976xf32, #tpu.memory_space<hbm>> -> memref<128xf32, #tpu.memory_space<hbm>>
        %dma_wait3A_989 = tpu.memref_slice %arg16[%dma_wait3A_984] : memref<2x!tpu.dma_semaphore, #tpu.memory_space<semaphore_mem>> -> memref<1x!tpu.dma_semaphore, #tpu.memory_space<semaphore_mem>>
        %dma_wait3A_990 = tpu.memref_squeeze %dma_wait3A_989 : memref<1x!tpu.dma_semaphore, #tpu.memory_space<semaphore_mem>> -> memref<!tpu.dma_semaphore, #tpu.memory_space<semaphore_mem>>
        %dma_wait3A_991 = tpu.memref_slice %arg6[%add3A_982] : memref<638976xf32, #tpu.memory_space<hbm>> -> memref<128xf32, #tpu.memory_space<hbm>>
        %dma_wait3A_992 = arith.constant 0 : i32
        %dma_wait3A_993 = tpu.memref_slice %arg13[%dma_wait3A_983, %dma_wait3A_992] : memref<2x128xf32, #tpu.memory_space<vmem>> -> memref<1x128xf32, #tpu.memory_space<vmem>>
        %dma_wait3A_994 = tpu.memref_squeeze %dma_wait3A_993 : memref<1x128xf32, #tpu.memory_space<vmem>> -> memref<128xf32, #tpu.memory_space<vmem>>
        tpu.wait_dma2 semaphore(%dma_wait3A_990 : memref<!tpu.dma_semaphore, #tpu.memory_space<semaphore_mem>>) src(%dma_wait3A_994 : memref<128xf32, #tpu.memory_space<vmem>>) dst(%dma_wait3A_991 : memref<128xf32, #tpu.memory_space<hbm>>)
      } else {
      }
      %broadcast_in_dim3A = arith.constant 0.000000e+00 : f32
      %broadcast_in_dim3A_207 = vector.broadcast %broadcast_in_dim3A : f32 to vector<16xf32>
      %broadcast_in_dim3A_208 = arith.constant 0.000000e+00 : f32
      %broadcast_in_dim3A_209 = vector.broadcast %broadcast_in_dim3A_208 : f32 to vector<16xf32>
      %broadcast_in_dim3A_210 = arith.constant 0.000000e+00 : f32
      %broadcast_in_dim3A_211 = vector.broadcast %broadcast_in_dim3A_210 : f32 to vector<16xf32>
      %broadcast_in_dim3A_212 = arith.constant 0.000000e+00 : f32
      %broadcast_in_dim3A_213 = vector.broadcast %broadcast_in_dim3A_212 : f32 to vector<16xf32>
      %broadcast_in_dim3A_214 = arith.constant 0.000000e+00 : f32
      %broadcast_in_dim3A_215 = vector.broadcast %broadcast_in_dim3A_214 : f32 to vector<16xf32>
      %broadcast_in_dim3A_216 = arith.constant 0.000000e+00 : f32
      %broadcast_in_dim3A_217 = vector.broadcast %broadcast_in_dim3A_216 : f32 to vector<16xf32>
      %broadcast_in_dim3A_218 = arith.constant 0.000000e+00 : f32
      %broadcast_in_dim3A_219 = vector.broadcast %broadcast_in_dim3A_218 : f32 to vector<16xf32>
      %broadcast_in_dim3A_220 = arith.constant 0.000000e+00 : f32
      %broadcast_in_dim3A_221 = vector.broadcast %broadcast_in_dim3A_220 : f32 to vector<16xf32>
      %parallel_loop3A = arith.constant 0 : i32
      %parallel_loop3A_222 = arith.constant 128 : i32
      %parallel_loop3A_223 = arith.constant 1 : i32
      %parallel_loop3A_224 = arith.constant 0 : i32
      %parallel_loop3A_225 = arith.constant 0 : i32
      %parallel_loop3A_226:8 = scf.for %parallel_loop3A_979 = %parallel_loop3A to %parallel_loop3A_222 step %parallel_loop3A_223 iter_args(%parallel_loop3A_980 = %broadcast_in_dim3A_207, %parallel_loop3A_981 = %broadcast_in_dim3A_209, %parallel_loop3A_982 = %broadcast_in_dim3A_211, %parallel_loop3A_983 = %broadcast_in_dim3A_213, %parallel_loop3A_984 = %broadcast_in_dim3A_215, %parallel_loop3A_985 = %broadcast_in_dim3A_217, %parallel_loop3A_986 = %broadcast_in_dim3A_219, %parallel_loop3A_987 = %broadcast_in_dim3A_221) -> (vector<16xf32>, vector<16xf32>, vector<16xf32>, vector<16xf32>, vector<16xf32>, vector<16xf32>, vector<16xf32>, vector<16xf32>)  : i32 {
        %parallel_loop3A_988 = vector.broadcast %parallel_loop3A_979 : i32 to vector<16xi32>
        %parallel_loop3A_989 = arith.constant 0 : i32
        %parallel_loop3A_990 = arith.constant 0 : i32
        %parallel_loop3A_991 = tpu.memref_slice %arg11[%parallel_loop3A_224, %parallel_loop3A_989, %parallel_loop3A_990] : memref<2x128x128xf32, #tpu.memory_space<vmem>> -> memref<1x128x128xf32, #tpu.memory_space<vmem>>
        %parallel_loop3A_992 = tpu.memref_squeeze %parallel_loop3A_991 : memref<1x128x128xf32, #tpu.memory_space<vmem>> -> memref<128x128xf32, #tpu.memory_space<vmem>>
        %parallel_loop3A_993 = tpu.vector_load_idx %parallel_loop3A_992[%add3A_5, %parallel_loop3A_988] : memref<128x128xf32, #tpu.memory_space<vmem>>[vector<16xi32>, vector<16xi32>], vector<16xf32>,
        %parallel_loop3A_994 = arith.constant 0 : i32
        %parallel_loop3A_995 = arith.constant 0 : i32
        %parallel_loop3A_996 = tpu.memref_slice %arg12[%parallel_loop3A_225, %parallel_loop3A_994, %parallel_loop3A_995] : memref<2x128x128xf32, #tpu.memory_space<vmem>> -> memref<1x128x128xf32, #tpu.memory_space<vmem>>
        %parallel_loop3A_997 = tpu.memref_squeeze %parallel_loop3A_996 : memref<1x128x128xf32, #tpu.memory_space<vmem>> -> memref<128x128xf32, #tpu.memory_space<vmem>>
        %parallel_loop3A_998 = tpu.vector_load_idx %parallel_loop3A_997[%add3A_5, %parallel_loop3A_988] : memref<128x128xf32, #tpu.memory_space<vmem>>[vector<16xi32>, vector<16xi32>], vector<16xf32>,
        %parallel_loop3A_999 = arith.mulf %parallel_loop3A_993, %parallel_loop3A_998 : vector<16xf32>
        %parallel_loop3A_1000 = arith.addf %parallel_loop3A_980, %parallel_loop3A_999 : vector<16xf32>
        %parallel_loop3A_1001 = arith.constant 0 : i32
        %parallel_loop3A_1002 = arith.constant 0 : i32
        %parallel_loop3A_1003 = tpu.memref_slice %arg11[%parallel_loop3A_224, %parallel_loop3A_1001, %parallel_loop3A_1002] : memref<2x128x128xf32, #tpu.memory_space<vmem>> -> memref<1x128x128xf32, #tpu.memory_space<vmem>>
        %parallel_loop3A_1004 = tpu.memref_squeeze %parallel_loop3A_1003 : memref<1x128x128xf32, #tpu.memory_space<vmem>> -> memref<128x128xf32, #tpu.memory_space<vmem>>
        %parallel_loop3A_1005 = tpu.vector_load_idx %parallel_loop3A_1004[%add3A_8, %parallel_loop3A_988] : memref<128x128xf32, #tpu.memory_space<vmem>>[vector<16xi32>, vector<16xi32>], vector<16xf32>,
        %parallel_loop3A_1006 = arith.constant 0 : i32
        %parallel_loop3A_1007 = arith.constant 0 : i32
        %parallel_loop3A_1008 = tpu.memref_slice %arg12[%parallel_loop3A_225, %parallel_loop3A_1006, %parallel_loop3A_1007] : memref<2x128x128xf32, #tpu.memory_space<vmem>> -> memref<1x128x128xf32, #tpu.memory_space<vmem>>
        %parallel_loop3A_1009 = tpu.memref_squeeze %parallel_loop3A_1008 : memref<1x128x128xf32, #tpu.memory_space<vmem>> -> memref<128x128xf32, #tpu.memory_space<vmem>>
        %parallel_loop3A_1010 = tpu.vector_load_idx %parallel_loop3A_1009[%add3A_8, %parallel_loop3A_988] : memref<128x128xf32, #tpu.memory_space<vmem>>[vector<16xi32>, vector<16xi32>], vector<16xf32>,
        %parallel_loop3A_1011 = arith.mulf %parallel_loop3A_1005, %parallel_loop3A_1010 : vector<16xf32>
        %parallel_loop3A_1012 = arith.addf %parallel_loop3A_981, %parallel_loop3A_1011 : vector<16xf32>
        %parallel_loop3A_1013 = arith.constant 0 : i32
        %parallel_loop3A_1014 = arith.constant 0 : i32
        %parallel_loop3A_1015 = tpu.memref_slice %arg11[%parallel_loop3A_224, %parallel_loop3A_1013, %parallel_loop3A_1014] : memref<2x128x128xf32, #tpu.memory_space<vmem>> -> memref<1x128x128xf32, #tpu.memory_space<vmem>>
        %parallel_loop3A_1016 = tpu.memref_squeeze %parallel_loop3A_1015 : memref<1x128x128xf32, #tpu.memory_space<vmem>> -> memref<128x128xf32, #tpu.memory_space<vmem>>
        %parallel_loop3A_1017 = tpu.vector_load_idx %parallel_loop3A_1016[%add3A_11, %parallel_loop3A_988] : memref<128x128xf32, #tpu.memory_space<vmem>>[vector<16xi32>, vector<16xi32>], vector<16xf32>,
        %parallel_loop3A_1018 = arith.constant 0 : i32
        %parallel_loop3A_1019 = arith.constant 0 : i32
        %parallel_loop3A_1020 = tpu.memref_slice %arg12[%parallel_loop3A_225, %parallel_loop3A_1018, %parallel_loop3A_1019] : memref<2x128x128xf32, #tpu.memory_space<vmem>> -> memref<1x128x128xf32, #tpu.memory_space<vmem>>
        %parallel_loop3A_1021 = tpu.memref_squeeze %parallel_loop3A_1020 : memref<1x128x128xf32, #tpu.memory_space<vmem>> -> memref<128x128xf32, #tpu.memory_space<vmem>>
        %parallel_loop3A_1022 = tpu.vector_load_idx %parallel_loop3A_1021[%add3A_11, %parallel_loop3A_988] : memref<128x128xf32, #tpu.memory_space<vmem>>[vector<16xi32>, vector<16xi32>], vector<16xf32>,
        %parallel_loop3A_1023 = arith.mulf %parallel_loop3A_1017, %parallel_loop3A_1022 : vector<16xf32>
        %parallel_loop3A_1024 = arith.addf %parallel_loop3A_982, %parallel_loop3A_1023 : vector<16xf32>
        %parallel_loop3A_1025 = arith.constant 0 : i32
        %parallel_loop3A_1026 = arith.constant 0 : i32
        %parallel_loop3A_1027 = tpu.memref_slice %arg11[%parallel_loop3A_224, %parallel_loop3A_1025, %parallel_loop3A_1026] : memref<2x128x128xf32, #tpu.memory_space<vmem>> -> memref<1x128x128xf32, #tpu.memory_space<vmem>>
        %parallel_loop3A_1028 = tpu.memref_squeeze %parallel_loop3A_1027 : memref<1x128x128xf32, #tpu.memory_space<vmem>> -> memref<128x128xf32, #tpu.memory_space<vmem>>
        %parallel_loop3A_1029 = tpu.vector_load_idx %parallel_loop3A_1028[%add3A_14, %parallel_loop3A_988] : memref<128x128xf32, #tpu.memory_space<vmem>>[vector<16xi32>, vector<16xi32>], vector<16xf32>,
        %parallel_loop3A_1030 = arith.constant 0 : i32
        %parallel_loop3A_1031 = arith.constant 0 : i32
        %parallel_loop3A_1032 = tpu.memref_slice %arg12[%parallel_loop3A_225, %parallel_loop3A_1030, %parallel_loop3A_1031] : memref<2x128x128xf32, #tpu.memory_space<vmem>> -> memref<1x128x128xf32, #tpu.memory_space<vmem>>
        %parallel_loop3A_1033 = tpu.memref_squeeze %parallel_loop3A_1032 : memref<1x128x128xf32, #tpu.memory_space<vmem>> -> memref<128x128xf32, #tpu.memory_space<vmem>>
        %parallel_loop3A_1034 = tpu.vector_load_idx %parallel_loop3A_1033[%add3A_14, %parallel_loop3A_988] : memref<128x128xf32, #tpu.memory_space<vmem>>[vector<16xi32>, vector<16xi32>], vector<16xf32>,
        %parallel_loop3A_1035 = arith.mulf %parallel_loop3A_1029, %parallel_loop3A_1034 : vector<16xf32>
        %parallel_loop3A_1036 = arith.addf %parallel_loop3A_983, %parallel_loop3A_1035 : vector<16xf32>
        %parallel_loop3A_1037 = arith.constant 0 : i32
        %parallel_loop3A_1038 = arith.constant 0 : i32
        %parallel_loop3A_1039 = tpu.memref_slice %arg11[%parallel_loop3A_224, %parallel_loop3A_1037, %parallel_loop3A_1038] : memref<2x128x128xf32, #tpu.memory_space<vmem>> -> memref<1x128x128xf32, #tpu.memory_space<vmem>>
        %parallel_loop3A_1040 = tpu.memref_squeeze %parallel_loop3A_1039 : memref<1x128x128xf32, #tpu.memory_space<vmem>> -> memref<128x128xf32, #tpu.memory_space<vmem>>
        %parallel_loop3A_1041 = tpu.vector_load_idx %parallel_loop3A_1040[%add3A_17, %parallel_loop3A_988] : memref<128x128xf32, #tpu.memory_space<vmem>>[vector<16xi32>, vector<16xi32>], vector<16xf32>,
        %parallel_loop3A_1042 = arith.constant 0 : i32
        %parallel_loop3A_1043 = arith.constant 0 : i32
        %parallel_loop3A_1044 = tpu.memref_slice %arg12[%parallel_loop3A_225, %parallel_loop3A_1042, %parallel_loop3A_1043] : memref<2x128x128xf32, #tpu.memory_space<vmem>> -> memref<1x128x128xf32, #tpu.memory_space<vmem>>
        %parallel_loop3A_1045 = tpu.memref_squeeze %parallel_loop3A_1044 : memref<1x128x128xf32, #tpu.memory_space<vmem>> -> memref<128x128xf32, #tpu.memory_space<vmem>>
        %parallel_loop3A_1046 = tpu.vector_load_idx %parallel_loop3A_1045[%add3A_17, %parallel_loop3A_988] : memref<128x128xf32, #tpu.memory_space<vmem>>[vector<16xi32>, vector<16xi32>], vector<16xf32>,
        %parallel_loop3A_1047 = arith.mulf %parallel_loop3A_1041, %parallel_loop3A_1046 : vector<16xf32>
        %parallel_loop3A_1048 = arith.addf %parallel_loop3A_984, %parallel_loop3A_1047 : vector<16xf32>
        %parallel_loop3A_1049 = arith.constant 0 : i32
        %parallel_loop3A_1050 = arith.constant 0 : i32
        %parallel_loop3A_1051 = tpu.memref_slice %arg11[%parallel_loop3A_224, %parallel_loop3A_1049, %parallel_loop3A_1050] : memref<2x128x128xf32, #tpu.memory_space<vmem>> -> memref<1x128x128xf32, #tpu.memory_space<vmem>>
        %parallel_loop3A_1052 = tpu.memref_squeeze %parallel_loop3A_1051 : memref<1x128x128xf32, #tpu.memory_space<vmem>> -> memref<128x128xf32, #tpu.memory_space<vmem>>
        %parallel_loop3A_1053 = tpu.vector_load_idx %parallel_loop3A_1052[%add3A_20, %parallel_loop3A_988] : memref<128x128xf32, #tpu.memory_space<vmem>>[vector<16xi32>, vector<16xi32>], vector<16xf32>,
        %parallel_loop3A_1054 = arith.constant 0 : i32
        %parallel_loop3A_1055 = arith.constant 0 : i32
        %parallel_loop3A_1056 = tpu.memref_slice %arg12[%parallel_loop3A_225, %parallel_loop3A_1054, %parallel_loop3A_1055] : memref<2x128x128xf32, #tpu.memory_space<vmem>> -> memref<1x128x128xf32, #tpu.memory_space<vmem>>
        %parallel_loop3A_1057 = tpu.memref_squeeze %parallel_loop3A_1056 : memref<1x128x128xf32, #tpu.memory_space<vmem>> -> memref<128x128xf32, #tpu.memory_space<vmem>>
        %parallel_loop3A_1058 = tpu.vector_load_idx %parallel_loop3A_1057[%add3A_20, %parallel_loop3A_988] : memref<128x128xf32, #tpu.memory_space<vmem>>[vector<16xi32>, vector<16xi32>], vector<16xf32>,
        %parallel_loop3A_1059 = arith.mulf %parallel_loop3A_1053, %parallel_loop3A_1058 : vector<16xf32>
        %parallel_loop3A_1060 = arith.addf %parallel_loop3A_985, %parallel_loop3A_1059 : vector<16xf32>
        %parallel_loop3A_1061 = arith.constant 0 : i32
        %parallel_loop3A_1062 = arith.constant 0 : i32
        %parallel_loop3A_1063 = tpu.memref_slice %arg11[%parallel_loop3A_224, %parallel_loop3A_1061, %parallel_loop3A_1062] : memref<2x128x128xf32, #tpu.memory_space<vmem>> -> memref<1x128x128xf32, #tpu.memory_space<vmem>>
        %parallel_loop3A_1064 = tpu.memref_squeeze %parallel_loop3A_1063 : memref<1x128x128xf32, #tpu.memory_space<vmem>> -> memref<128x128xf32, #tpu.memory_space<vmem>>
        %parallel_loop3A_1065 = tpu.vector_load_idx %parallel_loop3A_1064[%add3A_23, %parallel_loop3A_988] : memref<128x128xf32, #tpu.memory_space<vmem>>[vector<16xi32>, vector<16xi32>], vector<16xf32>,
        %parallel_loop3A_1066 = arith.constant 0 : i32
        %parallel_loop3A_1067 = arith.constant 0 : i32
        %parallel_loop3A_1068 = tpu.memref_slice %arg12[%parallel_loop3A_225, %parallel_loop3A_1066, %parallel_loop3A_1067] : memref<2x128x128xf32, #tpu.memory_space<vmem>> -> memref<1x128x128xf32, #tpu.memory_space<vmem>>
        %parallel_loop3A_1069 = tpu.memref_squeeze %parallel_loop3A_1068 : memref<1x128x128xf32, #tpu.memory_space<vmem>> -> memref<128x128xf32, #tpu.memory_space<vmem>>
        %parallel_loop3A_1070 = tpu.vector_load_idx %parallel_loop3A_1069[%add3A_23, %parallel_loop3A_988] : memref<128x128xf32, #tpu.memory_space<vmem>>[vector<16xi32>, vector<16xi32>], vector<16xf32>,
        %parallel_loop3A_1071 = arith.mulf %parallel_loop3A_1065, %parallel_loop3A_1070 : vector<16xf32>
        %parallel_loop3A_1072 = arith.addf %parallel_loop3A_986, %parallel_loop3A_1071 : vector<16xf32>
        %parallel_loop3A_1073 = arith.constant 0 : i32
        %parallel_loop3A_1074 = arith.constant 0 : i32
        %parallel_loop3A_1075 = tpu.memref_slice %arg11[%parallel_loop3A_224, %parallel_loop3A_1073, %parallel_loop3A_1074] : memref<2x128x128xf32, #tpu.memory_space<vmem>> -> memref<1x128x128xf32, #tpu.memory_space<vmem>>
        %parallel_loop3A_1076 = tpu.memref_squeeze %parallel_loop3A_1075 : memref<1x128x128xf32, #tpu.memory_space<vmem>> -> memref<128x128xf32, #tpu.memory_space<vmem>>
        %parallel_loop3A_1077 = tpu.vector_load_idx %parallel_loop3A_1076[%add3A_26, %parallel_loop3A_988] : memref<128x128xf32, #tpu.memory_space<vmem>>[vector<16xi32>, vector<16xi32>], vector<16xf32>,
        %parallel_loop3A_1078 = arith.constant 0 : i32
        %parallel_loop3A_1079 = arith.constant 0 : i32
        %parallel_loop3A_1080 = tpu.memref_slice %arg12[%parallel_loop3A_225, %parallel_loop3A_1078, %parallel_loop3A_1079] : memref<2x128x128xf32, #tpu.memory_space<vmem>> -> memref<1x128x128xf32, #tpu.memory_space<vmem>>
        %parallel_loop3A_1081 = tpu.memref_squeeze %parallel_loop3A_1080 : memref<1x128x128xf32, #tpu.memory_space<vmem>> -> memref<128x128xf32, #tpu.memory_space<vmem>>
        %parallel_loop3A_1082 = tpu.vector_load_idx %parallel_loop3A_1081[%add3A_26, %parallel_loop3A_988] : memref<128x128xf32, #tpu.memory_space<vmem>>[vector<16xi32>, vector<16xi32>], vector<16xf32>,
        %parallel_loop3A_1083 = arith.mulf %parallel_loop3A_1077, %parallel_loop3A_1082 : vector<16xf32>
        %parallel_loop3A_1084 = arith.addf %parallel_loop3A_987, %parallel_loop3A_1083 : vector<16xf32>
        scf.yield %parallel_loop3A_1000, %parallel_loop3A_1012, %parallel_loop3A_1024, %parallel_loop3A_1036, %parallel_loop3A_1048, %parallel_loop3A_1060, %parallel_loop3A_1072, %parallel_loop3A_1084 : vector<16xf32>, vector<16xf32>, vector<16xf32>, vector<16xf32>, vector<16xf32>, vector<16xf32>, vector<16xf32>, vector<16xf32>
      } {sc.loop_unroll_factor = 4 : i64, sc.parallel_access}
      %swap3A = arith.constant 0 : i32
      %swap3A_227 = arith.constant 0 : i32
      %swap3A_228 = tpu.memref_slice %arg13[%swap3A, %swap3A_227] : memref<2x128xf32, #tpu.memory_space<vmem>> -> memref<1x128xf32, #tpu.memory_space<vmem>>
      %swap3A_229 = tpu.memref_squeeze %swap3A_228 : memref<1x128xf32, #tpu.memory_space<vmem>> -> memref<128xf32, #tpu.memory_space<vmem>>
      %swap3A_230 = arith.constant 0 : index
      %swap3A_231 = tpu.vector_load %swap3A_229[%swap3A_230] {strides = array<i32>} : memref<128xf32, #tpu.memory_space<vmem>>, vector<16xf32>,
      tpu.vector_store %swap3A_229[%swap3A_230], %parallel_loop3A_226#0 {strides = array<i32>} : memref<128xf32, #tpu.memory_space<vmem>>, vector<16xf32>,
      %swap3A_232 = arith.constant 0 : i32
      %swap3A_233 = arith.constant 0 : i32
      %swap3A_234 = tpu.memref_slice %arg13[%swap3A_232, %swap3A_233] : memref<2x128xf32, #tpu.memory_space<vmem>> -> memref<1x128xf32, #tpu.memory_space<vmem>>
      %swap3A_235 = tpu.memref_squeeze %swap3A_234 : memref<1x128xf32, #tpu.memory_space<vmem>> -> memref<128xf32, #tpu.memory_space<vmem>>
      %swap3A_236 = arith.constant 16 : index
      %swap3A_237 = tpu.vector_load %swap3A_235[%swap3A_236] {strides = array<i32>} : memref<128xf32, #tpu.memory_space<vmem>>, vector<16xf32>,
      tpu.vector_store %swap3A_235[%swap3A_236], %parallel_loop3A_226#1 {strides = array<i32>} : memref<128xf32, #tpu.memory_space<vmem>>, vector<16xf32>,
      %swap3A_238 = arith.constant 0 : i32
      %swap3A_239 = arith.constant 0 : i32
      %swap3A_240 = tpu.memref_slice %arg13[%swap3A_238, %swap3A_239] : memref<2x128xf32, #tpu.memory_space<vmem>> -> memref<1x128xf32, #tpu.memory_space<vmem>>
      %swap3A_241 = tpu.memref_squeeze %swap3A_240 : memref<1x128xf32, #tpu.memory_space<vmem>> -> memref<128xf32, #tpu.memory_space<vmem>>
      %swap3A_242 = arith.constant 32 : index
      %swap3A_243 = tpu.vector_load %swap3A_241[%swap3A_242] {strides = array<i32>} : memref<128xf32, #tpu.memory_space<vmem>>, vector<16xf32>,
      tpu.vector_store %swap3A_241[%swap3A_242], %parallel_loop3A_226#2 {strides = array<i32>} : memref<128xf32, #tpu.memory_space<vmem>>, vector<16xf32>,
      %swap3A_244 = arith.constant 0 : i32
      %swap3A_245 = arith.constant 0 : i32
      %swap3A_246 = tpu.memref_slice %arg13[%swap3A_244, %swap3A_245] : memref<2x128xf32, #tpu.memory_space<vmem>> -> memref<1x128xf32, #tpu.memory_space<vmem>>
      %swap3A_247 = tpu.memref_squeeze %swap3A_246 : memref<1x128xf32, #tpu.memory_space<vmem>> -> memref<128xf32, #tpu.memory_space<vmem>>
      %swap3A_248 = arith.constant 48 : index
      %swap3A_249 = tpu.vector_load %swap3A_247[%swap3A_248] {strides = array<i32>} : memref<128xf32, #tpu.memory_space<vmem>>, vector<16xf32>,
      tpu.vector_store %swap3A_247[%swap3A_248], %parallel_loop3A_226#3 {strides = array<i32>} : memref<128xf32, #tpu.memory_space<vmem>>, vector<16xf32>,
      %swap3A_250 = arith.constant 0 : i32
      %swap3A_251 = arith.constant 0 : i32
      %swap3A_252 = tpu.memref_slice %arg13[%swap3A_250, %swap3A_251] : memref<2x128xf32, #tpu.memory_space<vmem>> -> memref<1x128xf32, #tpu.memory_space<vmem>>
      %swap3A_253 = tpu.memref_squeeze %swap3A_252 : memref<1x128xf32, #tpu.memory_space<vmem>> -> memref<128xf32, #tpu.memory_space<vmem>>
      %swap3A_254 = arith.constant 64 : index
      %swap3A_255 = tpu.vector_load %swap3A_253[%swap3A_254] {strides = array<i32>} : memref<128xf32, #tpu.memory_space<vmem>>, vector<16xf32>,
      tpu.vector_store %swap3A_253[%swap3A_254], %parallel_loop3A_226#4 {strides = array<i32>} : memref<128xf32, #tpu.memory_space<vmem>>, vector<16xf32>,
      %swap3A_256 = arith.constant 0 : i32
      %swap3A_257 = arith.constant 0 : i32
      %swap3A_258 = tpu.memref_slice %arg13[%swap3A_256, %swap3A_257] : memref<2x128xf32, #tpu.memory_space<vmem>> -> memref<1x128xf32, #tpu.memory_space<vmem>>
      %swap3A_259 = tpu.memref_squeeze %swap3A_258 : memref<1x128xf32, #tpu.memory_space<vmem>> -> memref<128xf32, #tpu.memory_space<vmem>>
      %swap3A_260 = arith.constant 80 : index
      %swap3A_261 = tpu.vector_load %swap3A_259[%swap3A_260] {strides = array<i32>} : memref<128xf32, #tpu.memory_space<vmem>>, vector<16xf32>,
      tpu.vector_store %swap3A_259[%swap3A_260], %parallel_loop3A_226#5 {strides = array<i32>} : memref<128xf32, #tpu.memory_space<vmem>>, vector<16xf32>,
      %swap3A_262 = arith.constant 0 : i32
      %swap3A_263 = arith.constant 0 : i32
      %swap3A_264 = tpu.memref_slice %arg13[%swap3A_262, %swap3A_263] : memref<2x128xf32, #tpu.memory_space<vmem>> -> memref<1x128xf32, #tpu.memory_space<vmem>>
      %swap3A_265 = tpu.memref_squeeze %swap3A_264 : memref<1x128xf32, #tpu.memory_space<vmem>> -> memref<128xf32, #tpu.memory_space<vmem>>
      %swap3A_266 = arith.constant 96 : index
      %swap3A_267 = tpu.vector_load %swap3A_265[%swap3A_266] {strides = array<i32>} : memref<128xf32, #tpu.memory_space<vmem>>, vector<16xf32>,
      tpu.vector_store %swap3A_265[%swap3A_266], %parallel_loop3A_226#6 {strides = array<i32>} : memref<128xf32, #tpu.memory_space<vmem>>, vector<16xf32>,
      %swap3A_268 = arith.constant 0 : i32
      %swap3A_269 = arith.constant 0 : i32
      %swap3A_270 = tpu.memref_slice %arg13[%swap3A_268, %swap3A_269] : memref<2x128xf32, #tpu.memory_space<vmem>> -> memref<1x128xf32, #tpu.memory_space<vmem>>
      %swap3A_271 = tpu.memref_squeeze %swap3A_270 : memref<1x128xf32, #tpu.memory_space<vmem>> -> memref<128xf32, #tpu.memory_space<vmem>>
      %swap3A_272 = arith.constant 112 : index
      %swap3A_273 = tpu.vector_load %swap3A_271[%swap3A_272] {strides = array<i32>} : memref<128xf32, #tpu.memory_space<vmem>>, vector<16xf32>,
      tpu.vector_store %swap3A_271[%swap3A_272], %parallel_loop3A_226#7 {strides = array<i32>} : memref<128xf32, #tpu.memory_space<vmem>>, vector<16xf32>,
      %mul3A_274 = arith.constant 128 : i32
      %mul3A_275 = arith.muli %add3A_161, %mul3A_274 : i32
      %add3A_276 = arith.addi %mul3A_2, %mul3A_275 : i32
      %dma_start3A_277 = arith.constant 0 : i32
      %dma_start3A_278 = arith.constant 0 : i32
      %dma_start3A_279 = arith.constant 0 : i32
      %dma_start3A_280 = tpu.memref_slice %arg13[%dma_start3A_277, %dma_start3A_279] : memref<2x128xf32, #tpu.memory_space<vmem>> -> memref<1x128xf32, #tpu.memory_space<vmem>>
      %dma_start3A_281 = tpu.memref_squeeze %dma_start3A_280 : memref<1x128xf32, #tpu.memory_space<vmem>> -> memref<128xf32, #tpu.memory_space<vmem>>
      %dma_start3A_282 = tpu.memref_slice %arg6[%add3A_276] : memref<638976xf32, #tpu.memory_space<hbm>> -> memref<128xf32, #tpu.memory_space<hbm>>
      %dma_start3A_283 = tpu.memref_slice %arg16[%dma_start3A_278] : memref<2x!tpu.dma_semaphore, #tpu.memory_space<semaphore_mem>> -> memref<1x!tpu.dma_semaphore, #tpu.memory_space<semaphore_mem>>
      %dma_start3A_284 = tpu.memref_squeeze %dma_start3A_283 : memref<1x!tpu.dma_semaphore, #tpu.memory_space<semaphore_mem>> -> memref<!tpu.dma_semaphore, #tpu.memory_space<semaphore_mem>>
      %dma_start3A_285 = tpu.memref_slice %arg6[%add3A_276] : memref<638976xf32, #tpu.memory_space<hbm>> -> memref<128xf32, #tpu.memory_space<hbm>>
      %dma_start3A_286 = arith.constant 0 : i32
      %dma_start3A_287 = tpu.memref_slice %arg13[%dma_start3A_277, %dma_start3A_286] : memref<2x128xf32, #tpu.memory_space<vmem>> -> memref<1x128xf32, #tpu.memory_space<vmem>>
      %dma_start3A_288 = tpu.memref_squeeze %dma_start3A_287 : memref<1x128xf32, #tpu.memory_space<vmem>> -> memref<128xf32, #tpu.memory_space<vmem>>
      tpu.enqueue_dma source(%dma_start3A_288 : memref<128xf32, #tpu.memory_space<vmem>>) target(%dma_start3A_285 : memref<128xf32, #tpu.memory_space<hbm>>) target_semaphore(%dma_start3A_284 : memref<!tpu.dma_semaphore, #tpu.memory_space<semaphore_mem>>)
      %mul3A_289 = arith.constant 6 : i32
      %mul3A_290 = arith.muli %add3A_157, %mul3A_289 : i32
      %add3A_291 = arith.constant 1 : i32
      %add3A_292 = arith.addi %mul3A_290, %add3A_291 : i32
      %add3A_293 = arith.constant 2 : i32
      %add3A_294 = arith.addi %add3A_292, %add3A_293 : i32
      %lt3A_295 = arith.constant 156 : i32
      %lt3A_296 = arith.cmpi slt, %add3A_294, %lt3A_295 : i32
      %convert_element_type3A_297 = arith.extui %lt3A_296 : i1 to i32
      %cond3A_298 = arith.constant 0 : i32
      %cond3A_299 = arith.cmpi ne, %convert_element_type3A_297, %cond3A_298 : i32
      scf.if %cond3A_299 {
        %add3A_979 = arith.constant 2 : i32
        %add3A_980 = arith.addi %add3A_292, %add3A_979 : i32
        %mul3A_981 = arith.constant 128 : i32
        %mul3A_982 = arith.muli %add3A_980, %mul3A_981 : i32
        %dma_start3A_983 = arith.constant 0 : i32
        %dma_start3A_984 = arith.constant 1 : i32
        %dma_start3A_985 = arith.constant 0 : i32
        %dma_start3A_986 = tpu.memref_slice %arg9[%dma_start3A_983, %dma_start3A_985] : memref<3x128xi32, #tpu.memory_space<vmem>> -> memref<1x128xi32, #tpu.memory_space<vmem>>
        %dma_start3A_987 = tpu.memref_squeeze %dma_start3A_986 : memref<1x128xi32, #tpu.memory_space<vmem>> -> memref<128xi32, #tpu.memory_space<vmem>>
        %dma_start3A_988 = tpu.memref_slice %arg7[%mul3A_982] : memref<19968xi32, #tpu.memory_space<vmem>> -> memref<128xi32, #tpu.memory_space<vmem>>
        %dma_start3A_989 = arith.constant 0 : i32
        %dma_start3A_990 = tpu.memref_slice %arg4[%dma_start3A_989] : memref<100000xi32, #tpu.memory_space<hbm>> -> memref<100000xi32, #tpu.memory_space<hbm>>
        %dma_start3A_991 = tpu.memref_slice %arg14[%dma_start3A_984] : memref<2x!tpu.dma_semaphore, #tpu.memory_space<semaphore_mem>> -> memref<1x!tpu.dma_semaphore, #tpu.memory_space<semaphore_mem>>
        %dma_start3A_992 = tpu.memref_squeeze %dma_start3A_991 : memref<1x!tpu.dma_semaphore, #tpu.memory_space<semaphore_mem>> -> memref<!tpu.dma_semaphore, #tpu.memory_space<semaphore_mem>>
        tpu.enqueue_indirect_dma source(%dma_start3A_990 : memref<100000xi32, #tpu.memory_space<hbm>>) target(%dma_start3A_987 : memref<128xi32, #tpu.memory_space<vmem>>) offsets(%dma_start3A_988 : memref<128xi32, #tpu.memory_space<vmem>>) semaphore(%dma_start3A_992 : memref<!tpu.dma_semaphore, #tpu.memory_space<semaphore_mem>>)
        %mul3A_993 = arith.constant 128 : i32
        %mul3A_994 = arith.muli %add3A_980, %mul3A_993 : i32
        %dma_start3A_995 = arith.constant 0 : i32
        %dma_start3A_996 = arith.constant 1 : i32
        %dma_start3A_997 = arith.constant 0 : i32
        %dma_start3A_998 = tpu.memref_slice %arg10[%dma_start3A_995, %dma_start3A_997] : memref<3x128xi32, #tpu.memory_space<vmem>> -> memref<1x128xi32, #tpu.memory_space<vmem>>
        %dma_start3A_999 = tpu.memref_squeeze %dma_start3A_998 : memref<1x128xi32, #tpu.memory_space<vmem>> -> memref<128xi32, #tpu.memory_space<vmem>>
        %dma_start3A_1000 = tpu.memref_slice %arg8[%mul3A_994] : memref<19968xi32, #tpu.memory_space<vmem>> -> memref<128xi32, #tpu.memory_space<vmem>>
        %dma_start3A_1001 = arith.constant 0 : i32
        %dma_start3A_1002 = tpu.memref_slice %arg4[%dma_start3A_1001] : memref<100000xi32, #tpu.memory_space<hbm>> -> memref<100000xi32, #tpu.memory_space<hbm>>
        %dma_start3A_1003 = tpu.memref_slice %arg14[%dma_start3A_996] : memref<2x!tpu.dma_semaphore, #tpu.memory_space<semaphore_mem>> -> memref<1x!tpu.dma_semaphore, #tpu.memory_space<semaphore_mem>>
        %dma_start3A_1004 = tpu.memref_squeeze %dma_start3A_1003 : memref<1x!tpu.dma_semaphore, #tpu.memory_space<semaphore_mem>> -> memref<!tpu.dma_semaphore, #tpu.memory_space<semaphore_mem>>
        tpu.enqueue_indirect_dma source(%dma_start3A_1002 : memref<100000xi32, #tpu.memory_space<hbm>>) target(%dma_start3A_999 : memref<128xi32, #tpu.memory_space<vmem>>) offsets(%dma_start3A_1000 : memref<128xi32, #tpu.memory_space<vmem>>) semaphore(%dma_start3A_1004 : memref<!tpu.dma_semaphore, #tpu.memory_space<semaphore_mem>>)
      } else {
      }
      %add3A_300 = arith.constant 1 : i32
      %add3A_301 = arith.addi %add3A_292, %add3A_300 : i32
      %lt3A_302 = arith.constant 156 : i32
      %lt3A_303 = arith.cmpi slt, %add3A_301, %lt3A_302 : i32
      %convert_element_type3A_304 = arith.extui %lt3A_303 : i1 to i32
      %cond3A_305 = arith.constant 0 : i32
      %cond3A_306 = arith.cmpi ne, %convert_element_type3A_304, %cond3A_305 : i32
      scf.if %cond3A_306 {
        %add3A_979 = arith.constant 1 : i32
        %add3A_980 = arith.addi %add3A_292, %add3A_979 : i32
        %mul3A_981 = arith.constant 128 : i32
        %mul3A_982 = arith.muli %add3A_980, %mul3A_981 : i32
        %dma_wait3A_983 = arith.constant 2 : i32
        %dma_wait3A_984 = arith.constant 0 : i32
        %dma_wait3A_985 = arith.constant 0 : i32
        %dma_wait3A_986 = tpu.memref_slice %arg9[%dma_wait3A_983, %dma_wait3A_985] : memref<3x128xi32, #tpu.memory_space<vmem>> -> memref<1x128xi32, #tpu.memory_space<vmem>>
        %dma_wait3A_987 = tpu.memref_squeeze %dma_wait3A_986 : memref<1x128xi32, #tpu.memory_space<vmem>> -> memref<128xi32, #tpu.memory_space<vmem>>
        %dma_wait3A_988 = tpu.memref_slice %arg7[%mul3A_982] : memref<19968xi32, #tpu.memory_space<vmem>> -> memref<128xi32, #tpu.memory_space<vmem>>
        %dma_wait3A_989 = arith.constant 0 : i32
        %dma_wait3A_990 = tpu.memref_slice %arg4[%dma_wait3A_989] : memref<100000xi32, #tpu.memory_space<hbm>> -> memref<100000xi32, #tpu.memory_space<hbm>>
        %dma_wait3A_991 = tpu.memref_slice %arg14[%dma_wait3A_984] : memref<2x!tpu.dma_semaphore, #tpu.memory_space<semaphore_mem>> -> memref<1x!tpu.dma_semaphore, #tpu.memory_space<semaphore_mem>>
        %dma_wait3A_992 = tpu.memref_squeeze %dma_wait3A_991 : memref<1x!tpu.dma_semaphore, #tpu.memory_space<semaphore_mem>> -> memref<!tpu.dma_semaphore, #tpu.memory_space<semaphore_mem>>
        tpu.wait_indirect_dma semaphore(%dma_wait3A_992 : memref<!tpu.dma_semaphore, #tpu.memory_space<semaphore_mem>>) src(%dma_wait3A_990 : memref<100000xi32, #tpu.memory_space<hbm>>) dst(%dma_wait3A_987 : memref<128xi32, #tpu.memory_space<vmem>>)
        %mul3A_993 = arith.constant 128 : i32
        %mul3A_994 = arith.muli %add3A_980, %mul3A_993 : i32
        %dma_wait3A_995 = arith.constant 2 : i32
        %dma_wait3A_996 = arith.constant 0 : i32
        %dma_wait3A_997 = arith.constant 0 : i32
        %dma_wait3A_998 = tpu.memref_slice %arg10[%dma_wait3A_995, %dma_wait3A_997] : memref<3x128xi32, #tpu.memory_space<vmem>> -> memref<1x128xi32, #tpu.memory_space<vmem>>
        %dma_wait3A_999 = tpu.memref_squeeze %dma_wait3A_998 : memref<1x128xi32, #tpu.memory_space<vmem>> -> memref<128xi32, #tpu.memory_space<vmem>>
        %dma_wait3A_1000 = tpu.memref_slice %arg8[%mul3A_994] : memref<19968xi32, #tpu.memory_space<vmem>> -> memref<128xi32, #tpu.memory_space<vmem>>
        %dma_wait3A_1001 = arith.constant 0 : i32
        %dma_wait3A_1002 = tpu.memref_slice %arg4[%dma_wait3A_1001] : memref<100000xi32, #tpu.memory_space<hbm>> -> memref<100000xi32, #tpu.memory_space<hbm>>
        %dma_wait3A_1003 = tpu.memref_slice %arg14[%dma_wait3A_996] : memref<2x!tpu.dma_semaphore, #tpu.memory_space<semaphore_mem>> -> memref<1x!tpu.dma_semaphore, #tpu.memory_space<semaphore_mem>>
        %dma_wait3A_1004 = tpu.memref_squeeze %dma_wait3A_1003 : memref<1x!tpu.dma_semaphore, #tpu.memory_space<semaphore_mem>> -> memref<!tpu.dma_semaphore, #tpu.memory_space<semaphore_mem>>
        tpu.wait_indirect_dma semaphore(%dma_wait3A_1004 : memref<!tpu.dma_semaphore, #tpu.memory_space<semaphore_mem>>) src(%dma_wait3A_1002 : memref<100000xi32, #tpu.memory_space<hbm>>) dst(%dma_wait3A_999 : memref<128xi32, #tpu.memory_space<vmem>>)
        %dma_start3A_1005 = arith.constant 2 : i32
        %dma_start3A_1006 = arith.constant 0 : i32
        %dma_start3A_1007 = arith.constant 0 : i32
        %dma_start3A_1008 = arith.constant 0 : i32
        %dma_start3A_1009 = arith.constant 0 : i32
        %dma_start3A_1010 = tpu.memref_slice %arg11[%dma_start3A_1006, %dma_start3A_1008, %dma_start3A_1009] : memref<2x128x128xf32, #tpu.memory_space<vmem>> -> memref<1x128x128xf32, #tpu.memory_space<vmem>>
        %dma_start3A_1011 = tpu.memref_squeeze %dma_start3A_1010 : memref<1x128x128xf32, #tpu.memory_space<vmem>> -> memref<128x128xf32, #tpu.memory_space<vmem>>
        %dma_start3A_1012 = arith.constant 0 : i32
        %dma_start3A_1013 = tpu.memref_slice %arg9[%dma_start3A_1005, %dma_start3A_1012] : memref<3x128xi32, #tpu.memory_space<vmem>> -> memref<1x128xi32, #tpu.memory_space<vmem>>
        %dma_start3A_1014 = tpu.memref_squeeze %dma_start3A_1013 : memref<1x128xi32, #tpu.memory_space<vmem>> -> memref<128xi32, #tpu.memory_space<vmem>>
        %dma_start3A_1015 = arith.constant 0 : i32
        %dma_start3A_1016 = arith.constant 0 : i32
        %dma_start3A_1017 = tpu.memref_slice %arg5[%dma_start3A_1015, %dma_start3A_1016] : memref<100000x128xf32, #tpu.memory_space<hbm>> -> memref<100000x128xf32, #tpu.memory_space<hbm>>
        %dma_start3A_1018 = tpu.memref_slice %arg15[%dma_start3A_1007] : memref<2x!tpu.dma_semaphore, #tpu.memory_space<semaphore_mem>> -> memref<1x!tpu.dma_semaphore, #tpu.memory_space<semaphore_mem>>
        %dma_start3A_1019 = tpu.memref_squeeze %dma_start3A_1018 : memref<1x!tpu.dma_semaphore, #tpu.memory_space<semaphore_mem>> -> memref<!tpu.dma_semaphore, #tpu.memory_space<semaphore_mem>>
        tpu.enqueue_indirect_dma source(%dma_start3A_1017 : memref<100000x128xf32, #tpu.memory_space<hbm>>) target(%dma_start3A_1011 : memref<128x128xf32, #tpu.memory_space<vmem>>) offsets(%dma_start3A_1014 : memref<128xi32, #tpu.memory_space<vmem>>) semaphore(%dma_start3A_1019 : memref<!tpu.dma_semaphore, #tpu.memory_space<semaphore_mem>>)
        %dma_start3A_1020 = arith.constant 2 : i32
        %dma_start3A_1021 = arith.constant 0 : i32
        %dma_start3A_1022 = arith.constant 0 : i32
        %dma_start3A_1023 = arith.constant 0 : i32
        %dma_start3A_1024 = arith.constant 0 : i32
        %dma_start3A_1025 = tpu.memref_slice %arg12[%dma_start3A_1021, %dma_start3A_1023, %dma_start3A_1024] : memref<2x128x128xf32, #tpu.memory_space<vmem>> -> memref<1x128x128xf32, #tpu.memory_space<vmem>>
        %dma_start3A_1026 = tpu.memref_squeeze %dma_start3A_1025 : memref<1x128x128xf32, #tpu.memory_space<vmem>> -> memref<128x128xf32, #tpu.memory_space<vmem>>
        %dma_start3A_1027 = arith.constant 0 : i32
        %dma_start3A_1028 = tpu.memref_slice %arg10[%dma_start3A_1020, %dma_start3A_1027] : memref<3x128xi32, #tpu.memory_space<vmem>> -> memref<1x128xi32, #tpu.memory_space<vmem>>
        %dma_start3A_1029 = tpu.memref_squeeze %dma_start3A_1028 : memref<1x128xi32, #tpu.memory_space<vmem>> -> memref<128xi32, #tpu.memory_space<vmem>>
        %dma_start3A_1030 = arith.constant 0 : i32
        %dma_start3A_1031 = arith.constant 0 : i32
        %dma_start3A_1032 = tpu.memref_slice %arg5[%dma_start3A_1030, %dma_start3A_1031] : memref<100000x128xf32, #tpu.memory_space<hbm>> -> memref<100000x128xf32, #tpu.memory_space<hbm>>
        %dma_start3A_1033 = tpu.memref_slice %arg15[%dma_start3A_1022] : memref<2x!tpu.dma_semaphore, #tpu.memory_space<semaphore_mem>> -> memref<1x!tpu.dma_semaphore, #tpu.memory_space<semaphore_mem>>
        %dma_start3A_1034 = tpu.memref_squeeze %dma_start3A_1033 : memref<1x!tpu.dma_semaphore, #tpu.memory_space<semaphore_mem>> -> memref<!tpu.dma_semaphore, #tpu.memory_space<semaphore_mem>>
        tpu.enqueue_indirect_dma source(%dma_start3A_1032 : memref<100000x128xf32, #tpu.memory_space<hbm>>) target(%dma_start3A_1026 : memref<128x128xf32, #tpu.memory_space<vmem>>) offsets(%dma_start3A_1029 : memref<128xi32, #tpu.memory_space<vmem>>) semaphore(%dma_start3A_1034 : memref<!tpu.dma_semaphore, #tpu.memory_space<semaphore_mem>>)
      } else {
      }
      %dma_wait3A_307 = arith.constant 1 : i32
      %dma_wait3A_308 = arith.constant 1 : i32
      %dma_wait3A_309 = arith.constant 1 : i32
      %dma_wait3A_310 = arith.constant 0 : i32
      %dma_wait3A_311 = arith.constant 0 : i32
      %dma_wait3A_312 = tpu.memref_slice %arg11[%dma_wait3A_308, %dma_wait3A_310, %dma_wait3A_311] : memref<2x128x128xf32, #tpu.memory_space<vmem>> -> memref<1x128x128xf32, #tpu.memory_space<vmem>>
      %dma_wait3A_313 = tpu.memref_squeeze %dma_wait3A_312 : memref<1x128x128xf32, #tpu.memory_space<vmem>> -> memref<128x128xf32, #tpu.memory_space<vmem>>
      %dma_wait3A_314 = arith.constant 0 : i32
      %dma_wait3A_315 = tpu.memref_slice %arg9[%dma_wait3A_307, %dma_wait3A_314] : memref<3x128xi32, #tpu.memory_space<vmem>> -> memref<1x128xi32, #tpu.memory_space<vmem>>
      %dma_wait3A_316 = tpu.memref_squeeze %dma_wait3A_315 : memref<1x128xi32, #tpu.memory_space<vmem>> -> memref<128xi32, #tpu.memory_space<vmem>>
      %dma_wait3A_317 = arith.constant 0 : i32
      %dma_wait3A_318 = arith.constant 0 : i32
      %dma_wait3A_319 = tpu.memref_slice %arg5[%dma_wait3A_317, %dma_wait3A_318] : memref<100000x128xf32, #tpu.memory_space<hbm>> -> memref<100000x128xf32, #tpu.memory_space<hbm>>
      %dma_wait3A_320 = tpu.memref_slice %arg15[%dma_wait3A_309] : memref<2x!tpu.dma_semaphore, #tpu.memory_space<semaphore_mem>> -> memref<1x!tpu.dma_semaphore, #tpu.memory_space<semaphore_mem>>
      %dma_wait3A_321 = tpu.memref_squeeze %dma_wait3A_320 : memref<1x!tpu.dma_semaphore, #tpu.memory_space<semaphore_mem>> -> memref<!tpu.dma_semaphore, #tpu.memory_space<semaphore_mem>>
      tpu.wait_indirect_dma semaphore(%dma_wait3A_321 : memref<!tpu.dma_semaphore, #tpu.memory_space<semaphore_mem>>) src(%dma_wait3A_319 : memref<100000x128xf32, #tpu.memory_space<hbm>>) dst(%dma_wait3A_313 : memref<128x128xf32, #tpu.memory_space<vmem>>)
      %dma_wait3A_322 = arith.constant 1 : i32
      %dma_wait3A_323 = arith.constant 1 : i32
      %dma_wait3A_324 = arith.constant 1 : i32
      %dma_wait3A_325 = arith.constant 0 : i32
      %dma_wait3A_326 = arith.constant 0 : i32
      %dma_wait3A_327 = tpu.memref_slice %arg12[%dma_wait3A_323, %dma_wait3A_325, %dma_wait3A_326] : memref<2x128x128xf32, #tpu.memory_space<vmem>> -> memref<1x128x128xf32, #tpu.memory_space<vmem>>
      %dma_wait3A_328 = tpu.memref_squeeze %dma_wait3A_327 : memref<1x128x128xf32, #tpu.memory_space<vmem>> -> memref<128x128xf32, #tpu.memory_space<vmem>>
      %dma_wait3A_329 = arith.constant 0 : i32
      %dma_wait3A_330 = tpu.memref_slice %arg10[%dma_wait3A_322, %dma_wait3A_329] : memref<3x128xi32, #tpu.memory_space<vmem>> -> memref<1x128xi32, #tpu.memory_space<vmem>>
      %dma_wait3A_331 = tpu.memref_squeeze %dma_wait3A_330 : memref<1x128xi32, #tpu.memory_space<vmem>> -> memref<128xi32, #tpu.memory_space<vmem>>
      %dma_wait3A_332 = arith.constant 0 : i32
      %dma_wait3A_333 = arith.constant 0 : i32
      %dma_wait3A_334 = tpu.memref_slice %arg5[%dma_wait3A_332, %dma_wait3A_333] : memref<100000x128xf32, #tpu.memory_space<hbm>> -> memref<100000x128xf32, #tpu.memory_space<hbm>>
      %dma_wait3A_335 = tpu.memref_slice %arg15[%dma_wait3A_324] : memref<2x!tpu.dma_semaphore, #tpu.memory_space<semaphore_mem>> -> memref<1x!tpu.dma_semaphore, #tpu.memory_space<semaphore_mem>>
      %dma_wait3A_336 = tpu.memref_squeeze %dma_wait3A_335 : memref<1x!tpu.dma_semaphore, #tpu.memory_space<semaphore_mem>> -> memref<!tpu.dma_semaphore, #tpu.memory_space<semaphore_mem>>
      tpu.wait_indirect_dma semaphore(%dma_wait3A_336 : memref<!tpu.dma_semaphore, #tpu.memory_space<semaphore_mem>>) src(%dma_wait3A_334 : memref<100000x128xf32, #tpu.memory_space<hbm>>) dst(%dma_wait3A_328 : memref<128x128xf32, #tpu.memory_space<vmem>>)
      %ge3A_337 = arith.constant 2 : i32
      %ge3A_338 = arith.cmpi sge, %add3A_292, %ge3A_337 : i32
      %convert_element_type3A_339 = arith.extui %ge3A_338 : i1 to i32
      %cond3A_340 = arith.constant 0 : i32
      %cond3A_341 = arith.cmpi ne, %convert_element_type3A_339, %cond3A_340 : i32
      scf.if %cond3A_341 {
        %sub3A = arith.constant 2 : i32
        %sub3A_979 = arith.subi %add3A_292, %sub3A : i32
        %mul3A_980 = arith.constant 128 : i32
        %mul3A_981 = arith.muli %sub3A_979, %mul3A_980 : i32
        %add3A_982 = arith.addi %mul3A_2, %mul3A_981 : i32
        %dma_wait3A_983 = arith.constant 1 : i32
        %dma_wait3A_984 = arith.constant 1 : i32
        %dma_wait3A_985 = arith.constant 0 : i32
        %dma_wait3A_986 = tpu.memref_slice %arg13[%dma_wait3A_983, %dma_wait3A_985] : memref<2x128xf32, #tpu.memory_space<vmem>> -> memref<1x128xf32, #tpu.memory_space<vmem>>
        %dma_wait3A_987 = tpu.memref_squeeze %dma_wait3A_986 : memref<1x128xf32, #tpu.memory_space<vmem>> -> memref<128xf32, #tpu.memory_space<vmem>>
        %dma_wait3A_988 = tpu.memref_slice %arg6[%add3A_982] : memref<638976xf32, #tpu.memory_space<hbm>> -> memref<128xf32, #tpu.memory_space<hbm>>
        %dma_wait3A_989 = tpu.memref_slice %arg16[%dma_wait3A_984] : memref<2x!tpu.dma_semaphore, #tpu.memory_space<semaphore_mem>> -> memref<1x!tpu.dma_semaphore, #tpu.memory_space<semaphore_mem>>
        %dma_wait3A_990 = tpu.memref_squeeze %dma_wait3A_989 : memref<1x!tpu.dma_semaphore, #tpu.memory_space<semaphore_mem>> -> memref<!tpu.dma_semaphore, #tpu.memory_space<semaphore_mem>>
        %dma_wait3A_991 = tpu.memref_slice %arg6[%add3A_982] : memref<638976xf32, #tpu.memory_space<hbm>> -> memref<128xf32, #tpu.memory_space<hbm>>
        %dma_wait3A_992 = arith.constant 0 : i32
        %dma_wait3A_993 = tpu.memref_slice %arg13[%dma_wait3A_983, %dma_wait3A_992] : memref<2x128xf32, #tpu.memory_space<vmem>> -> memref<1x128xf32, #tpu.memory_space<vmem>>
        %dma_wait3A_994 = tpu.memref_squeeze %dma_wait3A_993 : memref<1x128xf32, #tpu.memory_space<vmem>> -> memref<128xf32, #tpu.memory_space<vmem>>
        tpu.wait_dma2 semaphore(%dma_wait3A_990 : memref<!tpu.dma_semaphore, #tpu.memory_space<semaphore_mem>>) src(%dma_wait3A_994 : memref<128xf32, #tpu.memory_space<vmem>>) dst(%dma_wait3A_991 : memref<128xf32, #tpu.memory_space<hbm>>)
      } else {
      }
      %broadcast_in_dim3A_342 = arith.constant 0.000000e+00 : f32
      %broadcast_in_dim3A_343 = vector.broadcast %broadcast_in_dim3A_342 : f32 to vector<16xf32>
      %broadcast_in_dim3A_344 = arith.constant 0.000000e+00 : f32
      %broadcast_in_dim3A_345 = vector.broadcast %broadcast_in_dim3A_344 : f32 to vector<16xf32>
      %broadcast_in_dim3A_346 = arith.constant 0.000000e+00 : f32
      %broadcast_in_dim3A_347 = vector.broadcast %broadcast_in_dim3A_346 : f32 to vector<16xf32>
      %broadcast_in_dim3A_348 = arith.constant 0.000000e+00 : f32
      %broadcast_in_dim3A_349 = vector.broadcast %broadcast_in_dim3A_348 : f32 to vector<16xf32>
      %broadcast_in_dim3A_350 = arith.constant 0.000000e+00 : f32
      %broadcast_in_dim3A_351 = vector.broadcast %broadcast_in_dim3A_350 : f32 to vector<16xf32>
      %broadcast_in_dim3A_352 = arith.constant 0.000000e+00 : f32
      %broadcast_in_dim3A_353 = vector.broadcast %broadcast_in_dim3A_352 : f32 to vector<16xf32>
      %broadcast_in_dim3A_354 = arith.constant 0.000000e+00 : f32
      %broadcast_in_dim3A_355 = vector.broadcast %broadcast_in_dim3A_354 : f32 to vector<16xf32>
      %broadcast_in_dim3A_356 = arith.constant 0.000000e+00 : f32
      %broadcast_in_dim3A_357 = vector.broadcast %broadcast_in_dim3A_356 : f32 to vector<16xf32>
      %parallel_loop3A_358 = arith.constant 0 : i32
      %parallel_loop3A_359 = arith.constant 128 : i32
      %parallel_loop3A_360 = arith.constant 1 : i32
      %parallel_loop3A_361 = arith.constant 1 : i32
      %parallel_loop3A_362 = arith.constant 1 : i32
      %parallel_loop3A_363:8 = scf.for %parallel_loop3A_979 = %parallel_loop3A_358 to %parallel_loop3A_359 step %parallel_loop3A_360 iter_args(%parallel_loop3A_980 = %broadcast_in_dim3A_343, %parallel_loop3A_981 = %broadcast_in_dim3A_345, %parallel_loop3A_982 = %broadcast_in_dim3A_347, %parallel_loop3A_983 = %broadcast_in_dim3A_349, %parallel_loop3A_984 = %broadcast_in_dim3A_351, %parallel_loop3A_985 = %broadcast_in_dim3A_353, %parallel_loop3A_986 = %broadcast_in_dim3A_355, %parallel_loop3A_987 = %broadcast_in_dim3A_357) -> (vector<16xf32>, vector<16xf32>, vector<16xf32>, vector<16xf32>, vector<16xf32>, vector<16xf32>, vector<16xf32>, vector<16xf32>)  : i32 {
        %parallel_loop3A_988 = vector.broadcast %parallel_loop3A_979 : i32 to vector<16xi32>
        %parallel_loop3A_989 = arith.constant 0 : i32
        %parallel_loop3A_990 = arith.constant 0 : i32
        %parallel_loop3A_991 = tpu.memref_slice %arg11[%parallel_loop3A_361, %parallel_loop3A_989, %parallel_loop3A_990] : memref<2x128x128xf32, #tpu.memory_space<vmem>> -> memref<1x128x128xf32, #tpu.memory_space<vmem>>
        %parallel_loop3A_992 = tpu.memref_squeeze %parallel_loop3A_991 : memref<1x128x128xf32, #tpu.memory_space<vmem>> -> memref<128x128xf32, #tpu.memory_space<vmem>>
        %parallel_loop3A_993 = tpu.vector_load_idx %parallel_loop3A_992[%add3A_5, %parallel_loop3A_988] : memref<128x128xf32, #tpu.memory_space<vmem>>[vector<16xi32>, vector<16xi32>], vector<16xf32>,
        %parallel_loop3A_994 = arith.constant 0 : i32
        %parallel_loop3A_995 = arith.constant 0 : i32
        %parallel_loop3A_996 = tpu.memref_slice %arg12[%parallel_loop3A_362, %parallel_loop3A_994, %parallel_loop3A_995] : memref<2x128x128xf32, #tpu.memory_space<vmem>> -> memref<1x128x128xf32, #tpu.memory_space<vmem>>
        %parallel_loop3A_997 = tpu.memref_squeeze %parallel_loop3A_996 : memref<1x128x128xf32, #tpu.memory_space<vmem>> -> memref<128x128xf32, #tpu.memory_space<vmem>>
        %parallel_loop3A_998 = tpu.vector_load_idx %parallel_loop3A_997[%add3A_5, %parallel_loop3A_988] : memref<128x128xf32, #tpu.memory_space<vmem>>[vector<16xi32>, vector<16xi32>], vector<16xf32>,
        %parallel_loop3A_999 = arith.mulf %parallel_loop3A_993, %parallel_loop3A_998 : vector<16xf32>
        %parallel_loop3A_1000 = arith.addf %parallel_loop3A_980, %parallel_loop3A_999 : vector<16xf32>
        %parallel_loop3A_1001 = arith.constant 0 : i32
        %parallel_loop3A_1002 = arith.constant 0 : i32
        %parallel_loop3A_1003 = tpu.memref_slice %arg11[%parallel_loop3A_361, %parallel_loop3A_1001, %parallel_loop3A_1002] : memref<2x128x128xf32, #tpu.memory_space<vmem>> -> memref<1x128x128xf32, #tpu.memory_space<vmem>>
        %parallel_loop3A_1004 = tpu.memref_squeeze %parallel_loop3A_1003 : memref<1x128x128xf32, #tpu.memory_space<vmem>> -> memref<128x128xf32, #tpu.memory_space<vmem>>
        %parallel_loop3A_1005 = tpu.vector_load_idx %parallel_loop3A_1004[%add3A_8, %parallel_loop3A_988] : memref<128x128xf32, #tpu.memory_space<vmem>>[vector<16xi32>, vector<16xi32>], vector<16xf32>,
        %parallel_loop3A_1006 = arith.constant 0 : i32
        %parallel_loop3A_1007 = arith.constant 0 : i32
        %parallel_loop3A_1008 = tpu.memref_slice %arg12[%parallel_loop3A_362, %parallel_loop3A_1006, %parallel_loop3A_1007] : memref<2x128x128xf32, #tpu.memory_space<vmem>> -> memref<1x128x128xf32, #tpu.memory_space<vmem>>
        %parallel_loop3A_1009 = tpu.memref_squeeze %parallel_loop3A_1008 : memref<1x128x128xf32, #tpu.memory_space<vmem>> -> memref<128x128xf32, #tpu.memory_space<vmem>>
        %parallel_loop3A_1010 = tpu.vector_load_idx %parallel_loop3A_1009[%add3A_8, %parallel_loop3A_988] : memref<128x128xf32, #tpu.memory_space<vmem>>[vector<16xi32>, vector<16xi32>], vector<16xf32>,
        %parallel_loop3A_1011 = arith.mulf %parallel_loop3A_1005, %parallel_loop3A_1010 : vector<16xf32>
        %parallel_loop3A_1012 = arith.addf %parallel_loop3A_981, %parallel_loop3A_1011 : vector<16xf32>
        %parallel_loop3A_1013 = arith.constant 0 : i32
        %parallel_loop3A_1014 = arith.constant 0 : i32
        %parallel_loop3A_1015 = tpu.memref_slice %arg11[%parallel_loop3A_361, %parallel_loop3A_1013, %parallel_loop3A_1014] : memref<2x128x128xf32, #tpu.memory_space<vmem>> -> memref<1x128x128xf32, #tpu.memory_space<vmem>>
        %parallel_loop3A_1016 = tpu.memref_squeeze %parallel_loop3A_1015 : memref<1x128x128xf32, #tpu.memory_space<vmem>> -> memref<128x128xf32, #tpu.memory_space<vmem>>
        %parallel_loop3A_1017 = tpu.vector_load_idx %parallel_loop3A_1016[%add3A_11, %parallel_loop3A_988] : memref<128x128xf32, #tpu.memory_space<vmem>>[vector<16xi32>, vector<16xi32>], vector<16xf32>,
        %parallel_loop3A_1018 = arith.constant 0 : i32
        %parallel_loop3A_1019 = arith.constant 0 : i32
        %parallel_loop3A_1020 = tpu.memref_slice %arg12[%parallel_loop3A_362, %parallel_loop3A_1018, %parallel_loop3A_1019] : memref<2x128x128xf32, #tpu.memory_space<vmem>> -> memref<1x128x128xf32, #tpu.memory_space<vmem>>
        %parallel_loop3A_1021 = tpu.memref_squeeze %parallel_loop3A_1020 : memref<1x128x128xf32, #tpu.memory_space<vmem>> -> memref<128x128xf32, #tpu.memory_space<vmem>>
        %parallel_loop3A_1022 = tpu.vector_load_idx %parallel_loop3A_1021[%add3A_11, %parallel_loop3A_988] : memref<128x128xf32, #tpu.memory_space<vmem>>[vector<16xi32>, vector<16xi32>], vector<16xf32>,
        %parallel_loop3A_1023 = arith.mulf %parallel_loop3A_1017, %parallel_loop3A_1022 : vector<16xf32>
        %parallel_loop3A_1024 = arith.addf %parallel_loop3A_982, %parallel_loop3A_1023 : vector<16xf32>
        %parallel_loop3A_1025 = arith.constant 0 : i32
        %parallel_loop3A_1026 = arith.constant 0 : i32
        %parallel_loop3A_1027 = tpu.memref_slice %arg11[%parallel_loop3A_361, %parallel_loop3A_1025, %parallel_loop3A_1026] : memref<2x128x128xf32, #tpu.memory_space<vmem>> -> memref<1x128x128xf32, #tpu.memory_space<vmem>>
        %parallel_loop3A_1028 = tpu.memref_squeeze %parallel_loop3A_1027 : memref<1x128x128xf32, #tpu.memory_space<vmem>> -> memref<128x128xf32, #tpu.memory_space<vmem>>
        %parallel_loop3A_1029 = tpu.vector_load_idx %parallel_loop3A_1028[%add3A_14, %parallel_loop3A_988] : memref<128x128xf32, #tpu.memory_space<vmem>>[vector<16xi32>, vector<16xi32>], vector<16xf32>,
        %parallel_loop3A_1030 = arith.constant 0 : i32
        %parallel_loop3A_1031 = arith.constant 0 : i32
        %parallel_loop3A_1032 = tpu.memref_slice %arg12[%parallel_loop3A_362, %parallel_loop3A_1030, %parallel_loop3A_1031] : memref<2x128x128xf32, #tpu.memory_space<vmem>> -> memref<1x128x128xf32, #tpu.memory_space<vmem>>
        %parallel_loop3A_1033 = tpu.memref_squeeze %parallel_loop3A_1032 : memref<1x128x128xf32, #tpu.memory_space<vmem>> -> memref<128x128xf32, #tpu.memory_space<vmem>>
        %parallel_loop3A_1034 = tpu.vector_load_idx %parallel_loop3A_1033[%add3A_14, %parallel_loop3A_988] : memref<128x128xf32, #tpu.memory_space<vmem>>[vector<16xi32>, vector<16xi32>], vector<16xf32>,
        %parallel_loop3A_1035 = arith.mulf %parallel_loop3A_1029, %parallel_loop3A_1034 : vector<16xf32>
        %parallel_loop3A_1036 = arith.addf %parallel_loop3A_983, %parallel_loop3A_1035 : vector<16xf32>
        %parallel_loop3A_1037 = arith.constant 0 : i32
        %parallel_loop3A_1038 = arith.constant 0 : i32
        %parallel_loop3A_1039 = tpu.memref_slice %arg11[%parallel_loop3A_361, %parallel_loop3A_1037, %parallel_loop3A_1038] : memref<2x128x128xf32, #tpu.memory_space<vmem>> -> memref<1x128x128xf32, #tpu.memory_space<vmem>>
        %parallel_loop3A_1040 = tpu.memref_squeeze %parallel_loop3A_1039 : memref<1x128x128xf32, #tpu.memory_space<vmem>> -> memref<128x128xf32, #tpu.memory_space<vmem>>
        %parallel_loop3A_1041 = tpu.vector_load_idx %parallel_loop3A_1040[%add3A_17, %parallel_loop3A_988] : memref<128x128xf32, #tpu.memory_space<vmem>>[vector<16xi32>, vector<16xi32>], vector<16xf32>,
        %parallel_loop3A_1042 = arith.constant 0 : i32
        %parallel_loop3A_1043 = arith.constant 0 : i32
        %parallel_loop3A_1044 = tpu.memref_slice %arg12[%parallel_loop3A_362, %parallel_loop3A_1042, %parallel_loop3A_1043] : memref<2x128x128xf32, #tpu.memory_space<vmem>> -> memref<1x128x128xf32, #tpu.memory_space<vmem>>
        %parallel_loop3A_1045 = tpu.memref_squeeze %parallel_loop3A_1044 : memref<1x128x128xf32, #tpu.memory_space<vmem>> -> memref<128x128xf32, #tpu.memory_space<vmem>>
        %parallel_loop3A_1046 = tpu.vector_load_idx %parallel_loop3A_1045[%add3A_17, %parallel_loop3A_988] : memref<128x128xf32, #tpu.memory_space<vmem>>[vector<16xi32>, vector<16xi32>], vector<16xf32>,
        %parallel_loop3A_1047 = arith.mulf %parallel_loop3A_1041, %parallel_loop3A_1046 : vector<16xf32>
        %parallel_loop3A_1048 = arith.addf %parallel_loop3A_984, %parallel_loop3A_1047 : vector<16xf32>
        %parallel_loop3A_1049 = arith.constant 0 : i32
        %parallel_loop3A_1050 = arith.constant 0 : i32
        %parallel_loop3A_1051 = tpu.memref_slice %arg11[%parallel_loop3A_361, %parallel_loop3A_1049, %parallel_loop3A_1050] : memref<2x128x128xf32, #tpu.memory_space<vmem>> -> memref<1x128x128xf32, #tpu.memory_space<vmem>>
        %parallel_loop3A_1052 = tpu.memref_squeeze %parallel_loop3A_1051 : memref<1x128x128xf32, #tpu.memory_space<vmem>> -> memref<128x128xf32, #tpu.memory_space<vmem>>
        %parallel_loop3A_1053 = tpu.vector_load_idx %parallel_loop3A_1052[%add3A_20, %parallel_loop3A_988] : memref<128x128xf32, #tpu.memory_space<vmem>>[vector<16xi32>, vector<16xi32>], vector<16xf32>,
        %parallel_loop3A_1054 = arith.constant 0 : i32
        %parallel_loop3A_1055 = arith.constant 0 : i32
        %parallel_loop3A_1056 = tpu.memref_slice %arg12[%parallel_loop3A_362, %parallel_loop3A_1054, %parallel_loop3A_1055] : memref<2x128x128xf32, #tpu.memory_space<vmem>> -> memref<1x128x128xf32, #tpu.memory_space<vmem>>
        %parallel_loop3A_1057 = tpu.memref_squeeze %parallel_loop3A_1056 : memref<1x128x128xf32, #tpu.memory_space<vmem>> -> memref<128x128xf32, #tpu.memory_space<vmem>>
        %parallel_loop3A_1058 = tpu.vector_load_idx %parallel_loop3A_1057[%add3A_20, %parallel_loop3A_988] : memref<128x128xf32, #tpu.memory_space<vmem>>[vector<16xi32>, vector<16xi32>], vector<16xf32>,
        %parallel_loop3A_1059 = arith.mulf %parallel_loop3A_1053, %parallel_loop3A_1058 : vector<16xf32>
        %parallel_loop3A_1060 = arith.addf %parallel_loop3A_985, %parallel_loop3A_1059 : vector<16xf32>
        %parallel_loop3A_1061 = arith.constant 0 : i32
        %parallel_loop3A_1062 = arith.constant 0 : i32
        %parallel_loop3A_1063 = tpu.memref_slice %arg11[%parallel_loop3A_361, %parallel_loop3A_1061, %parallel_loop3A_1062] : memref<2x128x128xf32, #tpu.memory_space<vmem>> -> memref<1x128x128xf32, #tpu.memory_space<vmem>>
        %parallel_loop3A_1064 = tpu.memref_squeeze %parallel_loop3A_1063 : memref<1x128x128xf32, #tpu.memory_space<vmem>> -> memref<128x128xf32, #tpu.memory_space<vmem>>
        %parallel_loop3A_1065 = tpu.vector_load_idx %parallel_loop3A_1064[%add3A_23, %parallel_loop3A_988] : memref<128x128xf32, #tpu.memory_space<vmem>>[vector<16xi32>, vector<16xi32>], vector<16xf32>,
        %parallel_loop3A_1066 = arith.constant 0 : i32
        %parallel_loop3A_1067 = arith.constant 0 : i32
        %parallel_loop3A_1068 = tpu.memref_slice %arg12[%parallel_loop3A_362, %parallel_loop3A_1066, %parallel_loop3A_1067] : memref<2x128x128xf32, #tpu.memory_space<vmem>> -> memref<1x128x128xf32, #tpu.memory_space<vmem>>
        %parallel_loop3A_1069 = tpu.memref_squeeze %parallel_loop3A_1068 : memref<1x128x128xf32, #tpu.memory_space<vmem>> -> memref<128x128xf32, #tpu.memory_space<vmem>>
        %parallel_loop3A_1070 = tpu.vector_load_idx %parallel_loop3A_1069[%add3A_23, %parallel_loop3A_988] : memref<128x128xf32, #tpu.memory_space<vmem>>[vector<16xi32>, vector<16xi32>], vector<16xf32>,
        %parallel_loop3A_1071 = arith.mulf %parallel_loop3A_1065, %parallel_loop3A_1070 : vector<16xf32>
        %parallel_loop3A_1072 = arith.addf %parallel_loop3A_986, %parallel_loop3A_1071 : vector<16xf32>
        %parallel_loop3A_1073 = arith.constant 0 : i32
        %parallel_loop3A_1074 = arith.constant 0 : i32
        %parallel_loop3A_1075 = tpu.memref_slice %arg11[%parallel_loop3A_361, %parallel_loop3A_1073, %parallel_loop3A_1074] : memref<2x128x128xf32, #tpu.memory_space<vmem>> -> memref<1x128x128xf32, #tpu.memory_space<vmem>>
        %parallel_loop3A_1076 = tpu.memref_squeeze %parallel_loop3A_1075 : memref<1x128x128xf32, #tpu.memory_space<vmem>> -> memref<128x128xf32, #tpu.memory_space<vmem>>
        %parallel_loop3A_1077 = tpu.vector_load_idx %parallel_loop3A_1076[%add3A_26, %parallel_loop3A_988] : memref<128x128xf32, #tpu.memory_space<vmem>>[vector<16xi32>, vector<16xi32>], vector<16xf32>,
        %parallel_loop3A_1078 = arith.constant 0 : i32
        %parallel_loop3A_1079 = arith.constant 0 : i32
        %parallel_loop3A_1080 = tpu.memref_slice %arg12[%parallel_loop3A_362, %parallel_loop3A_1078, %parallel_loop3A_1079] : memref<2x128x128xf32, #tpu.memory_space<vmem>> -> memref<1x128x128xf32, #tpu.memory_space<vmem>>
        %parallel_loop3A_1081 = tpu.memref_squeeze %parallel_loop3A_1080 : memref<1x128x128xf32, #tpu.memory_space<vmem>> -> memref<128x128xf32, #tpu.memory_space<vmem>>
        %parallel_loop3A_1082 = tpu.vector_load_idx %parallel_loop3A_1081[%add3A_26, %parallel_loop3A_988] : memref<128x128xf32, #tpu.memory_space<vmem>>[vector<16xi32>, vector<16xi32>], vector<16xf32>,
        %parallel_loop3A_1083 = arith.mulf %parallel_loop3A_1077, %parallel_loop3A_1082 : vector<16xf32>
        %parallel_loop3A_1084 = arith.addf %parallel_loop3A_987, %parallel_loop3A_1083 : vector<16xf32>
        scf.yield %parallel_loop3A_1000, %parallel_loop3A_1012, %parallel_loop3A_1024, %parallel_loop3A_1036, %parallel_loop3A_1048, %parallel_loop3A_1060, %parallel_loop3A_1072, %parallel_loop3A_1084 : vector<16xf32>, vector<16xf32>, vector<16xf32>, vector<16xf32>, vector<16xf32>, vector<16xf32>, vector<16xf32>, vector<16xf32>
      } {sc.loop_unroll_factor = 4 : i64, sc.parallel_access}
      %swap3A_364 = arith.constant 1 : i32
      %swap3A_365 = arith.constant 0 : i32
      %swap3A_366 = tpu.memref_slice %arg13[%swap3A_364, %swap3A_365] : memref<2x128xf32, #tpu.memory_space<vmem>> -> memref<1x128xf32, #tpu.memory_space<vmem>>
      %swap3A_367 = tpu.memref_squeeze %swap3A_366 : memref<1x128xf32, #tpu.memory_space<vmem>> -> memref<128xf32, #tpu.memory_space<vmem>>
      %swap3A_368 = arith.constant 0 : index
      %swap3A_369 = tpu.vector_load %swap3A_367[%swap3A_368] {strides = array<i32>} : memref<128xf32, #tpu.memory_space<vmem>>, vector<16xf32>,
      tpu.vector_store %swap3A_367[%swap3A_368], %parallel_loop3A_363#0 {strides = array<i32>} : memref<128xf32, #tpu.memory_space<vmem>>, vector<16xf32>,
      %swap3A_370 = arith.constant 1 : i32
      %swap3A_371 = arith.constant 0 : i32
      %swap3A_372 = tpu.memref_slice %arg13[%swap3A_370, %swap3A_371] : memref<2x128xf32, #tpu.memory_space<vmem>> -> memref<1x128xf32, #tpu.memory_space<vmem>>
      %swap3A_373 = tpu.memref_squeeze %swap3A_372 : memref<1x128xf32, #tpu.memory_space<vmem>> -> memref<128xf32, #tpu.memory_space<vmem>>
      %swap3A_374 = arith.constant 16 : index
      %swap3A_375 = tpu.vector_load %swap3A_373[%swap3A_374] {strides = array<i32>} : memref<128xf32, #tpu.memory_space<vmem>>, vector<16xf32>,
      tpu.vector_store %swap3A_373[%swap3A_374], %parallel_loop3A_363#1 {strides = array<i32>} : memref<128xf32, #tpu.memory_space<vmem>>, vector<16xf32>,
      %swap3A_376 = arith.constant 1 : i32
      %swap3A_377 = arith.constant 0 : i32
      %swap3A_378 = tpu.memref_slice %arg13[%swap3A_376, %swap3A_377] : memref<2x128xf32, #tpu.memory_space<vmem>> -> memref<1x128xf32, #tpu.memory_space<vmem>>
      %swap3A_379 = tpu.memref_squeeze %swap3A_378 : memref<1x128xf32, #tpu.memory_space<vmem>> -> memref<128xf32, #tpu.memory_space<vmem>>
      %swap3A_380 = arith.constant 32 : index
      %swap3A_381 = tpu.vector_load %swap3A_379[%swap3A_380] {strides = array<i32>} : memref<128xf32, #tpu.memory_space<vmem>>, vector<16xf32>,
      tpu.vector_store %swap3A_379[%swap3A_380], %parallel_loop3A_363#2 {strides = array<i32>} : memref<128xf32, #tpu.memory_space<vmem>>, vector<16xf32>,
      %swap3A_382 = arith.constant 1 : i32
      %swap3A_383 = arith.constant 0 : i32
      %swap3A_384 = tpu.memref_slice %arg13[%swap3A_382, %swap3A_383] : memref<2x128xf32, #tpu.memory_space<vmem>> -> memref<1x128xf32, #tpu.memory_space<vmem>>
      %swap3A_385 = tpu.memref_squeeze %swap3A_384 : memref<1x128xf32, #tpu.memory_space<vmem>> -> memref<128xf32, #tpu.memory_space<vmem>>
      %swap3A_386 = arith.constant 48 : index
      %swap3A_387 = tpu.vector_load %swap3A_385[%swap3A_386] {strides = array<i32>} : memref<128xf32, #tpu.memory_space<vmem>>, vector<16xf32>,
      tpu.vector_store %swap3A_385[%swap3A_386], %parallel_loop3A_363#3 {strides = array<i32>} : memref<128xf32, #tpu.memory_space<vmem>>, vector<16xf32>,
      %swap3A_388 = arith.constant 1 : i32
      %swap3A_389 = arith.constant 0 : i32
      %swap3A_390 = tpu.memref_slice %arg13[%swap3A_388, %swap3A_389] : memref<2x128xf32, #tpu.memory_space<vmem>> -> memref<1x128xf32, #tpu.memory_space<vmem>>
      %swap3A_391 = tpu.memref_squeeze %swap3A_390 : memref<1x128xf32, #tpu.memory_space<vmem>> -> memref<128xf32, #tpu.memory_space<vmem>>
      %swap3A_392 = arith.constant 64 : index
      %swap3A_393 = tpu.vector_load %swap3A_391[%swap3A_392] {strides = array<i32>} : memref<128xf32, #tpu.memory_space<vmem>>, vector<16xf32>,
      tpu.vector_store %swap3A_391[%swap3A_392], %parallel_loop3A_363#4 {strides = array<i32>} : memref<128xf32, #tpu.memory_space<vmem>>, vector<16xf32>,
      %swap3A_394 = arith.constant 1 : i32
      %swap3A_395 = arith.constant 0 : i32
      %swap3A_396 = tpu.memref_slice %arg13[%swap3A_394, %swap3A_395] : memref<2x128xf32, #tpu.memory_space<vmem>> -> memref<1x128xf32, #tpu.memory_space<vmem>>
      %swap3A_397 = tpu.memref_squeeze %swap3A_396 : memref<1x128xf32, #tpu.memory_space<vmem>> -> memref<128xf32, #tpu.memory_space<vmem>>
      %swap3A_398 = arith.constant 80 : index
      %swap3A_399 = tpu.vector_load %swap3A_397[%swap3A_398] {strides = array<i32>} : memref<128xf32, #tpu.memory_space<vmem>>, vector<16xf32>,
      tpu.vector_store %swap3A_397[%swap3A_398], %parallel_loop3A_363#5 {strides = array<i32>} : memref<128xf32, #tpu.memory_space<vmem>>, vector<16xf32>,
      %swap3A_400 = arith.constant 1 : i32
      %swap3A_401 = arith.constant 0 : i32
      %swap3A_402 = tpu.memref_slice %arg13[%swap3A_400, %swap3A_401] : memref<2x128xf32, #tpu.memory_space<vmem>> -> memref<1x128xf32, #tpu.memory_space<vmem>>
      %swap3A_403 = tpu.memref_squeeze %swap3A_402 : memref<1x128xf32, #tpu.memory_space<vmem>> -> memref<128xf32, #tpu.memory_space<vmem>>
      %swap3A_404 = arith.constant 96 : index
      %swap3A_405 = tpu.vector_load %swap3A_403[%swap3A_404] {strides = array<i32>} : memref<128xf32, #tpu.memory_space<vmem>>, vector<16xf32>,
      tpu.vector_store %swap3A_403[%swap3A_404], %parallel_loop3A_363#6 {strides = array<i32>} : memref<128xf32, #tpu.memory_space<vmem>>, vector<16xf32>,
      %swap3A_406 = arith.constant 1 : i32
      %swap3A_407 = arith.constant 0 : i32
      %swap3A_408 = tpu.memref_slice %arg13[%swap3A_406, %swap3A_407] : memref<2x128xf32, #tpu.memory_space<vmem>> -> memref<1x128xf32, #tpu.memory_space<vmem>>
      %swap3A_409 = tpu.memref_squeeze %swap3A_408 : memref<1x128xf32, #tpu.memory_space<vmem>> -> memref<128xf32, #tpu.memory_space<vmem>>
      %swap3A_410 = arith.constant 112 : index
      %swap3A_411 = tpu.vector_load %swap3A_409[%swap3A_410] {strides = array<i32>} : memref<128xf32, #tpu.memory_space<vmem>>, vector<16xf32>,
      tpu.vector_store %swap3A_409[%swap3A_410], %parallel_loop3A_363#7 {strides = array<i32>} : memref<128xf32, #tpu.memory_space<vmem>>, vector<16xf32>,
      %mul3A_412 = arith.constant 128 : i32
      %mul3A_413 = arith.muli %add3A_292, %mul3A_412 : i32
      %add3A_414 = arith.addi %mul3A_2, %mul3A_413 : i32
      %dma_start3A_415 = arith.constant 1 : i32
      %dma_start3A_416 = arith.constant 1 : i32
      %dma_start3A_417 = arith.constant 0 : i32
      %dma_start3A_418 = tpu.memref_slice %arg13[%dma_start3A_415, %dma_start3A_417] : memref<2x128xf32, #tpu.memory_space<vmem>> -> memref<1x128xf32, #tpu.memory_space<vmem>>
      %dma_start3A_419 = tpu.memref_squeeze %dma_start3A_418 : memref<1x128xf32, #tpu.memory_space<vmem>> -> memref<128xf32, #tpu.memory_space<vmem>>
      %dma_start3A_420 = tpu.memref_slice %arg6[%add3A_414] : memref<638976xf32, #tpu.memory_space<hbm>> -> memref<128xf32, #tpu.memory_space<hbm>>
      %dma_start3A_421 = tpu.memref_slice %arg16[%dma_start3A_416] : memref<2x!tpu.dma_semaphore, #tpu.memory_space<semaphore_mem>> -> memref<1x!tpu.dma_semaphore, #tpu.memory_space<semaphore_mem>>
      %dma_start3A_422 = tpu.memref_squeeze %dma_start3A_421 : memref<1x!tpu.dma_semaphore, #tpu.memory_space<semaphore_mem>> -> memref<!tpu.dma_semaphore, #tpu.memory_space<semaphore_mem>>
      %dma_start3A_423 = tpu.memref_slice %arg6[%add3A_414] : memref<638976xf32, #tpu.memory_space<hbm>> -> memref<128xf32, #tpu.memory_space<hbm>>
      %dma_start3A_424 = arith.constant 0 : i32
      %dma_start3A_425 = tpu.memref_slice %arg13[%dma_start3A_415, %dma_start3A_424] : memref<2x128xf32, #tpu.memory_space<vmem>> -> memref<1x128xf32, #tpu.memory_space<vmem>>
      %dma_start3A_426 = tpu.memref_squeeze %dma_start3A_425 : memref<1x128xf32, #tpu.memory_space<vmem>> -> memref<128xf32, #tpu.memory_space<vmem>>
      tpu.enqueue_dma source(%dma_start3A_426 : memref<128xf32, #tpu.memory_space<vmem>>) target(%dma_start3A_423 : memref<128xf32, #tpu.memory_space<hbm>>) target_semaphore(%dma_start3A_422 : memref<!tpu.dma_semaphore, #tpu.memory_space<semaphore_mem>>)
      %mul3A_427 = arith.constant 6 : i32
      %mul3A_428 = arith.muli %add3A_157, %mul3A_427 : i32
      %add3A_429 = arith.constant 2 : i32
      %add3A_430 = arith.addi %mul3A_428, %add3A_429 : i32
      %add3A_431 = arith.constant 2 : i32
      %add3A_432 = arith.addi %add3A_430, %add3A_431 : i32
      %lt3A_433 = arith.constant 156 : i32
      %lt3A_434 = arith.cmpi slt, %add3A_432, %lt3A_433 : i32
      %convert_element_type3A_435 = arith.extui %lt3A_434 : i1 to i32
      %cond3A_436 = arith.constant 0 : i32
      %cond3A_437 = arith.cmpi ne, %convert_element_type3A_435, %cond3A_436 : i32
      scf.if %cond3A_437 {
        %add3A_979 = arith.constant 2 : i32
        %add3A_980 = arith.addi %add3A_430, %add3A_979 : i32
        %mul3A_981 = arith.constant 128 : i32
        %mul3A_982 = arith.muli %add3A_980, %mul3A_981 : i32
        %dma_start3A_983 = arith.constant 1 : i32
        %dma_start3A_984 = arith.constant 0 : i32
        %dma_start3A_985 = arith.constant 0 : i32
        %dma_start3A_986 = tpu.memref_slice %arg9[%dma_start3A_983, %dma_start3A_985] : memref<3x128xi32, #tpu.memory_space<vmem>> -> memref<1x128xi32, #tpu.memory_space<vmem>>
        %dma_start3A_987 = tpu.memref_squeeze %dma_start3A_986 : memref<1x128xi32, #tpu.memory_space<vmem>> -> memref<128xi32, #tpu.memory_space<vmem>>
        %dma_start3A_988 = tpu.memref_slice %arg7[%mul3A_982] : memref<19968xi32, #tpu.memory_space<vmem>> -> memref<128xi32, #tpu.memory_space<vmem>>
        %dma_start3A_989 = arith.constant 0 : i32
        %dma_start3A_990 = tpu.memref_slice %arg4[%dma_start3A_989] : memref<100000xi32, #tpu.memory_space<hbm>> -> memref<100000xi32, #tpu.memory_space<hbm>>
        %dma_start3A_991 = tpu.memref_slice %arg14[%dma_start3A_984] : memref<2x!tpu.dma_semaphore, #tpu.memory_space<semaphore_mem>> -> memref<1x!tpu.dma_semaphore, #tpu.memory_space<semaphore_mem>>
        %dma_start3A_992 = tpu.memref_squeeze %dma_start3A_991 : memref<1x!tpu.dma_semaphore, #tpu.memory_space<semaphore_mem>> -> memref<!tpu.dma_semaphore, #tpu.memory_space<semaphore_mem>>
        tpu.enqueue_indirect_dma source(%dma_start3A_990 : memref<100000xi32, #tpu.memory_space<hbm>>) target(%dma_start3A_987 : memref<128xi32, #tpu.memory_space<vmem>>) offsets(%dma_start3A_988 : memref<128xi32, #tpu.memory_space<vmem>>) semaphore(%dma_start3A_992 : memref<!tpu.dma_semaphore, #tpu.memory_space<semaphore_mem>>)
        %mul3A_993 = arith.constant 128 : i32
        %mul3A_994 = arith.muli %add3A_980, %mul3A_993 : i32
        %dma_start3A_995 = arith.constant 1 : i32
        %dma_start3A_996 = arith.constant 0 : i32
        %dma_start3A_997 = arith.constant 0 : i32
        %dma_start3A_998 = tpu.memref_slice %arg10[%dma_start3A_995, %dma_start3A_997] : memref<3x128xi32, #tpu.memory_space<vmem>> -> memref<1x128xi32, #tpu.memory_space<vmem>>
        %dma_start3A_999 = tpu.memref_squeeze %dma_start3A_998 : memref<1x128xi32, #tpu.memory_space<vmem>> -> memref<128xi32, #tpu.memory_space<vmem>>
        %dma_start3A_1000 = tpu.memref_slice %arg8[%mul3A_994] : memref<19968xi32, #tpu.memory_space<vmem>> -> memref<128xi32, #tpu.memory_space<vmem>>
        %dma_start3A_1001 = arith.constant 0 : i32
        %dma_start3A_1002 = tpu.memref_slice %arg4[%dma_start3A_1001] : memref<100000xi32, #tpu.memory_space<hbm>> -> memref<100000xi32, #tpu.memory_space<hbm>>
        %dma_start3A_1003 = tpu.memref_slice %arg14[%dma_start3A_996] : memref<2x!tpu.dma_semaphore, #tpu.memory_space<semaphore_mem>> -> memref<1x!tpu.dma_semaphore, #tpu.memory_space<semaphore_mem>>
        %dma_start3A_1004 = tpu.memref_squeeze %dma_start3A_1003 : memref<1x!tpu.dma_semaphore, #tpu.memory_space<semaphore_mem>> -> memref<!tpu.dma_semaphore, #tpu.memory_space<semaphore_mem>>
        tpu.enqueue_indirect_dma source(%dma_start3A_1002 : memref<100000xi32, #tpu.memory_space<hbm>>) target(%dma_start3A_999 : memref<128xi32, #tpu.memory_space<vmem>>) offsets(%dma_start3A_1000 : memref<128xi32, #tpu.memory_space<vmem>>) semaphore(%dma_start3A_1004 : memref<!tpu.dma_semaphore, #tpu.memory_space<semaphore_mem>>)
      } else {
      }
      %add3A_438 = arith.constant 1 : i32
      %add3A_439 = arith.addi %add3A_430, %add3A_438 : i32
      %lt3A_440 = arith.constant 156 : i32
      %lt3A_441 = arith.cmpi slt, %add3A_439, %lt3A_440 : i32
      %convert_element_type3A_442 = arith.extui %lt3A_441 : i1 to i32
      %cond3A_443 = arith.constant 0 : i32
      %cond3A_444 = arith.cmpi ne, %convert_element_type3A_442, %cond3A_443 : i32
      scf.if %cond3A_444 {
        %add3A_979 = arith.constant 1 : i32
        %add3A_980 = arith.addi %add3A_430, %add3A_979 : i32
        %mul3A_981 = arith.constant 128 : i32
        %mul3A_982 = arith.muli %add3A_980, %mul3A_981 : i32
        %dma_wait3A_983 = arith.constant 0 : i32
        %dma_wait3A_984 = arith.constant 1 : i32
        %dma_wait3A_985 = arith.constant 0 : i32
        %dma_wait3A_986 = tpu.memref_slice %arg9[%dma_wait3A_983, %dma_wait3A_985] : memref<3x128xi32, #tpu.memory_space<vmem>> -> memref<1x128xi32, #tpu.memory_space<vmem>>
        %dma_wait3A_987 = tpu.memref_squeeze %dma_wait3A_986 : memref<1x128xi32, #tpu.memory_space<vmem>> -> memref<128xi32, #tpu.memory_space<vmem>>
        %dma_wait3A_988 = tpu.memref_slice %arg7[%mul3A_982] : memref<19968xi32, #tpu.memory_space<vmem>> -> memref<128xi32, #tpu.memory_space<vmem>>
        %dma_wait3A_989 = arith.constant 0 : i32
        %dma_wait3A_990 = tpu.memref_slice %arg4[%dma_wait3A_989] : memref<100000xi32, #tpu.memory_space<hbm>> -> memref<100000xi32, #tpu.memory_space<hbm>>
        %dma_wait3A_991 = tpu.memref_slice %arg14[%dma_wait3A_984] : memref<2x!tpu.dma_semaphore, #tpu.memory_space<semaphore_mem>> -> memref<1x!tpu.dma_semaphore, #tpu.memory_space<semaphore_mem>>
        %dma_wait3A_992 = tpu.memref_squeeze %dma_wait3A_991 : memref<1x!tpu.dma_semaphore, #tpu.memory_space<semaphore_mem>> -> memref<!tpu.dma_semaphore, #tpu.memory_space<semaphore_mem>>
        tpu.wait_indirect_dma semaphore(%dma_wait3A_992 : memref<!tpu.dma_semaphore, #tpu.memory_space<semaphore_mem>>) src(%dma_wait3A_990 : memref<100000xi32, #tpu.memory_space<hbm>>) dst(%dma_wait3A_987 : memref<128xi32, #tpu.memory_space<vmem>>)
        %mul3A_993 = arith.constant 128 : i32
        %mul3A_994 = arith.muli %add3A_980, %mul3A_993 : i32
        %dma_wait3A_995 = arith.constant 0 : i32
        %dma_wait3A_996 = arith.constant 1 : i32
        %dma_wait3A_997 = arith.constant 0 : i32
        %dma_wait3A_998 = tpu.memref_slice %arg10[%dma_wait3A_995, %dma_wait3A_997] : memref<3x128xi32, #tpu.memory_space<vmem>> -> memref<1x128xi32, #tpu.memory_space<vmem>>
        %dma_wait3A_999 = tpu.memref_squeeze %dma_wait3A_998 : memref<1x128xi32, #tpu.memory_space<vmem>> -> memref<128xi32, #tpu.memory_space<vmem>>
        %dma_wait3A_1000 = tpu.memref_slice %arg8[%mul3A_994] : memref<19968xi32, #tpu.memory_space<vmem>> -> memref<128xi32, #tpu.memory_space<vmem>>
        %dma_wait3A_1001 = arith.constant 0 : i32
        %dma_wait3A_1002 = tpu.memref_slice %arg4[%dma_wait3A_1001] : memref<100000xi32, #tpu.memory_space<hbm>> -> memref<100000xi32, #tpu.memory_space<hbm>>
        %dma_wait3A_1003 = tpu.memref_slice %arg14[%dma_wait3A_996] : memref<2x!tpu.dma_semaphore, #tpu.memory_space<semaphore_mem>> -> memref<1x!tpu.dma_semaphore, #tpu.memory_space<semaphore_mem>>
        %dma_wait3A_1004 = tpu.memref_squeeze %dma_wait3A_1003 : memref<1x!tpu.dma_semaphore, #tpu.memory_space<semaphore_mem>> -> memref<!tpu.dma_semaphore, #tpu.memory_space<semaphore_mem>>
        tpu.wait_indirect_dma semaphore(%dma_wait3A_1004 : memref<!tpu.dma_semaphore, #tpu.memory_space<semaphore_mem>>) src(%dma_wait3A_1002 : memref<100000xi32, #tpu.memory_space<hbm>>) dst(%dma_wait3A_999 : memref<128xi32, #tpu.memory_space<vmem>>)
        %dma_start3A_1005 = arith.constant 0 : i32
        %dma_start3A_1006 = arith.constant 1 : i32
        %dma_start3A_1007 = arith.constant 1 : i32
        %dma_start3A_1008 = arith.constant 0 : i32
        %dma_start3A_1009 = arith.constant 0 : i32
        %dma_start3A_1010 = tpu.memref_slice %arg11[%dma_start3A_1006, %dma_start3A_1008, %dma_start3A_1009] : memref<2x128x128xf32, #tpu.memory_space<vmem>> -> memref<1x128x128xf32, #tpu.memory_space<vmem>>
        %dma_start3A_1011 = tpu.memref_squeeze %dma_start3A_1010 : memref<1x128x128xf32, #tpu.memory_space<vmem>> -> memref<128x128xf32, #tpu.memory_space<vmem>>
        %dma_start3A_1012 = arith.constant 0 : i32
        %dma_start3A_1013 = tpu.memref_slice %arg9[%dma_start3A_1005, %dma_start3A_1012] : memref<3x128xi32, #tpu.memory_space<vmem>> -> memref<1x128xi32, #tpu.memory_space<vmem>>
        %dma_start3A_1014 = tpu.memref_squeeze %dma_start3A_1013 : memref<1x128xi32, #tpu.memory_space<vmem>> -> memref<128xi32, #tpu.memory_space<vmem>>
        %dma_start3A_1015 = arith.constant 0 : i32
        %dma_start3A_1016 = arith.constant 0 : i32
        %dma_start3A_1017 = tpu.memref_slice %arg5[%dma_start3A_1015, %dma_start3A_1016] : memref<100000x128xf32, #tpu.memory_space<hbm>> -> memref<100000x128xf32, #tpu.memory_space<hbm>>
        %dma_start3A_1018 = tpu.memref_slice %arg15[%dma_start3A_1007] : memref<2x!tpu.dma_semaphore, #tpu.memory_space<semaphore_mem>> -> memref<1x!tpu.dma_semaphore, #tpu.memory_space<semaphore_mem>>
        %dma_start3A_1019 = tpu.memref_squeeze %dma_start3A_1018 : memref<1x!tpu.dma_semaphore, #tpu.memory_space<semaphore_mem>> -> memref<!tpu.dma_semaphore, #tpu.memory_space<semaphore_mem>>
        tpu.enqueue_indirect_dma source(%dma_start3A_1017 : memref<100000x128xf32, #tpu.memory_space<hbm>>) target(%dma_start3A_1011 : memref<128x128xf32, #tpu.memory_space<vmem>>) offsets(%dma_start3A_1014 : memref<128xi32, #tpu.memory_space<vmem>>) semaphore(%dma_start3A_1019 : memref<!tpu.dma_semaphore, #tpu.memory_space<semaphore_mem>>)
        %dma_start3A_1020 = arith.constant 0 : i32
        %dma_start3A_1021 = arith.constant 1 : i32
        %dma_start3A_1022 = arith.constant 1 : i32
        %dma_start3A_1023 = arith.constant 0 : i32
        %dma_start3A_1024 = arith.constant 0 : i32
        %dma_start3A_1025 = tpu.memref_slice %arg12[%dma_start3A_1021, %dma_start3A_1023, %dma_start3A_1024] : memref<2x128x128xf32, #tpu.memory_space<vmem>> -> memref<1x128x128xf32, #tpu.memory_space<vmem>>
        %dma_start3A_1026 = tpu.memref_squeeze %dma_start3A_1025 : memref<1x128x128xf32, #tpu.memory_space<vmem>> -> memref<128x128xf32, #tpu.memory_space<vmem>>
        %dma_start3A_1027 = arith.constant 0 : i32
        %dma_start3A_1028 = tpu.memref_slice %arg10[%dma_start3A_1020, %dma_start3A_1027] : memref<3x128xi32, #tpu.memory_space<vmem>> -> memref<1x128xi32, #tpu.memory_space<vmem>>
        %dma_start3A_1029 = tpu.memref_squeeze %dma_start3A_1028 : memref<1x128xi32, #tpu.memory_space<vmem>> -> memref<128xi32, #tpu.memory_space<vmem>>
        %dma_start3A_1030 = arith.constant 0 : i32
        %dma_start3A_1031 = arith.constant 0 : i32
        %dma_start3A_1032 = tpu.memref_slice %arg5[%dma_start3A_1030, %dma_start3A_1031] : memref<100000x128xf32, #tpu.memory_space<hbm>> -> memref<100000x128xf32, #tpu.memory_space<hbm>>
        %dma_start3A_1033 = tpu.memref_slice %arg15[%dma_start3A_1022] : memref<2x!tpu.dma_semaphore, #tpu.memory_space<semaphore_mem>> -> memref<1x!tpu.dma_semaphore, #tpu.memory_space<semaphore_mem>>
        %dma_start3A_1034 = tpu.memref_squeeze %dma_start3A_1033 : memref<1x!tpu.dma_semaphore, #tpu.memory_space<semaphore_mem>> -> memref<!tpu.dma_semaphore, #tpu.memory_space<semaphore_mem>>
        tpu.enqueue_indirect_dma source(%dma_start3A_1032 : memref<100000x128xf32, #tpu.memory_space<hbm>>) target(%dma_start3A_1026 : memref<128x128xf32, #tpu.memory_space<vmem>>) offsets(%dma_start3A_1029 : memref<128xi32, #tpu.memory_space<vmem>>) semaphore(%dma_start3A_1034 : memref<!tpu.dma_semaphore, #tpu.memory_space<semaphore_mem>>)
      } else {
      }
      %dma_wait3A_445 = arith.constant 2 : i32
      %dma_wait3A_446 = arith.constant 0 : i32
      %dma_wait3A_447 = arith.constant 0 : i32
      %dma_wait3A_448 = arith.constant 0 : i32
      %dma_wait3A_449 = arith.constant 0 : i32
      %dma_wait3A_450 = tpu.memref_slice %arg11[%dma_wait3A_446, %dma_wait3A_448, %dma_wait3A_449] : memref<2x128x128xf32, #tpu.memory_space<vmem>> -> memref<1x128x128xf32, #tpu.memory_space<vmem>>
      %dma_wait3A_451 = tpu.memref_squeeze %dma_wait3A_450 : memref<1x128x128xf32, #tpu.memory_space<vmem>> -> memref<128x128xf32, #tpu.memory_space<vmem>>
      %dma_wait3A_452 = arith.constant 0 : i32
      %dma_wait3A_453 = tpu.memref_slice %arg9[%dma_wait3A_445, %dma_wait3A_452] : memref<3x128xi32, #tpu.memory_space<vmem>> -> memref<1x128xi32, #tpu.memory_space<vmem>>
      %dma_wait3A_454 = tpu.memref_squeeze %dma_wait3A_453 : memref<1x128xi32, #tpu.memory_space<vmem>> -> memref<128xi32, #tpu.memory_space<vmem>>
      %dma_wait3A_455 = arith.constant 0 : i32
      %dma_wait3A_456 = arith.constant 0 : i32
      %dma_wait3A_457 = tpu.memref_slice %arg5[%dma_wait3A_455, %dma_wait3A_456] : memref<100000x128xf32, #tpu.memory_space<hbm>> -> memref<100000x128xf32, #tpu.memory_space<hbm>>
      %dma_wait3A_458 = tpu.memref_slice %arg15[%dma_wait3A_447] : memref<2x!tpu.dma_semaphore, #tpu.memory_space<semaphore_mem>> -> memref<1x!tpu.dma_semaphore, #tpu.memory_space<semaphore_mem>>
      %dma_wait3A_459 = tpu.memref_squeeze %dma_wait3A_458 : memref<1x!tpu.dma_semaphore, #tpu.memory_space<semaphore_mem>> -> memref<!tpu.dma_semaphore, #tpu.memory_space<semaphore_mem>>
      tpu.wait_indirect_dma semaphore(%dma_wait3A_459 : memref<!tpu.dma_semaphore, #tpu.memory_space<semaphore_mem>>) src(%dma_wait3A_457 : memref<100000x128xf32, #tpu.memory_space<hbm>>) dst(%dma_wait3A_451 : memref<128x128xf32, #tpu.memory_space<vmem>>)
      %dma_wait3A_460 = arith.constant 2 : i32
      %dma_wait3A_461 = arith.constant 0 : i32
      %dma_wait3A_462 = arith.constant 0 : i32
      %dma_wait3A_463 = arith.constant 0 : i32
      %dma_wait3A_464 = arith.constant 0 : i32
      %dma_wait3A_465 = tpu.memref_slice %arg12[%dma_wait3A_461, %dma_wait3A_463, %dma_wait3A_464] : memref<2x128x128xf32, #tpu.memory_space<vmem>> -> memref<1x128x128xf32, #tpu.memory_space<vmem>>
      %dma_wait3A_466 = tpu.memref_squeeze %dma_wait3A_465 : memref<1x128x128xf32, #tpu.memory_space<vmem>> -> memref<128x128xf32, #tpu.memory_space<vmem>>
      %dma_wait3A_467 = arith.constant 0 : i32
      %dma_wait3A_468 = tpu.memref_slice %arg10[%dma_wait3A_460, %dma_wait3A_467] : memref<3x128xi32, #tpu.memory_space<vmem>> -> memref<1x128xi32, #tpu.memory_space<vmem>>
      %dma_wait3A_469 = tpu.memref_squeeze %dma_wait3A_468 : memref<1x128xi32, #tpu.memory_space<vmem>> -> memref<128xi32, #tpu.memory_space<vmem>>
      %dma_wait3A_470 = arith.constant 0 : i32
      %dma_wait3A_471 = arith.constant 0 : i32
      %dma_wait3A_472 = tpu.memref_slice %arg5[%dma_wait3A_470, %dma_wait3A_471] : memref<100000x128xf32, #tpu.memory_space<hbm>> -> memref<100000x128xf32, #tpu.memory_space<hbm>>
      %dma_wait3A_473 = tpu.memref_slice %arg15[%dma_wait3A_462] : memref<2x!tpu.dma_semaphore, #tpu.memory_space<semaphore_mem>> -> memref<1x!tpu.dma_semaphore, #tpu.memory_space<semaphore_mem>>
      %dma_wait3A_474 = tpu.memref_squeeze %dma_wait3A_473 : memref<1x!tpu.dma_semaphore, #tpu.memory_space<semaphore_mem>> -> memref<!tpu.dma_semaphore, #tpu.memory_space<semaphore_mem>>
      tpu.wait_indirect_dma semaphore(%dma_wait3A_474 : memref<!tpu.dma_semaphore, #tpu.memory_space<semaphore_mem>>) src(%dma_wait3A_472 : memref<100000x128xf32, #tpu.memory_space<hbm>>) dst(%dma_wait3A_466 : memref<128x128xf32, #tpu.memory_space<vmem>>)
      %ge3A_475 = arith.constant 2 : i32
      %ge3A_476 = arith.cmpi sge, %add3A_430, %ge3A_475 : i32
      %convert_element_type3A_477 = arith.extui %ge3A_476 : i1 to i32
      %cond3A_478 = arith.constant 0 : i32
      %cond3A_479 = arith.cmpi ne, %convert_element_type3A_477, %cond3A_478 : i32
      scf.if %cond3A_479 {
        %sub3A = arith.constant 2 : i32
        %sub3A_979 = arith.subi %add3A_430, %sub3A : i32
        %mul3A_980 = arith.constant 128 : i32
        %mul3A_981 = arith.muli %sub3A_979, %mul3A_980 : i32
        %add3A_982 = arith.addi %mul3A_2, %mul3A_981 : i32
        %dma_wait3A_983 = arith.constant 0 : i32
        %dma_wait3A_984 = arith.constant 0 : i32
        %dma_wait3A_985 = arith.constant 0 : i32
        %dma_wait3A_986 = tpu.memref_slice %arg13[%dma_wait3A_983, %dma_wait3A_985] : memref<2x128xf32, #tpu.memory_space<vmem>> -> memref<1x128xf32, #tpu.memory_space<vmem>>
        %dma_wait3A_987 = tpu.memref_squeeze %dma_wait3A_986 : memref<1x128xf32, #tpu.memory_space<vmem>> -> memref<128xf32, #tpu.memory_space<vmem>>
        %dma_wait3A_988 = tpu.memref_slice %arg6[%add3A_982] : memref<638976xf32, #tpu.memory_space<hbm>> -> memref<128xf32, #tpu.memory_space<hbm>>
        %dma_wait3A_989 = tpu.memref_slice %arg16[%dma_wait3A_984] : memref<2x!tpu.dma_semaphore, #tpu.memory_space<semaphore_mem>> -> memref<1x!tpu.dma_semaphore, #tpu.memory_space<semaphore_mem>>
        %dma_wait3A_990 = tpu.memref_squeeze %dma_wait3A_989 : memref<1x!tpu.dma_semaphore, #tpu.memory_space<semaphore_mem>> -> memref<!tpu.dma_semaphore, #tpu.memory_space<semaphore_mem>>
        %dma_wait3A_991 = tpu.memref_slice %arg6[%add3A_982] : memref<638976xf32, #tpu.memory_space<hbm>> -> memref<128xf32, #tpu.memory_space<hbm>>
        %dma_wait3A_992 = arith.constant 0 : i32
        %dma_wait3A_993 = tpu.memref_slice %arg13[%dma_wait3A_983, %dma_wait3A_992] : memref<2x128xf32, #tpu.memory_space<vmem>> -> memref<1x128xf32, #tpu.memory_space<vmem>>
        %dma_wait3A_994 = tpu.memref_squeeze %dma_wait3A_993 : memref<1x128xf32, #tpu.memory_space<vmem>> -> memref<128xf32, #tpu.memory_space<vmem>>
        tpu.wait_dma2 semaphore(%dma_wait3A_990 : memref<!tpu.dma_semaphore, #tpu.memory_space<semaphore_mem>>) src(%dma_wait3A_994 : memref<128xf32, #tpu.memory_space<vmem>>) dst(%dma_wait3A_991 : memref<128xf32, #tpu.memory_space<hbm>>)
      } else {
      }
      %broadcast_in_dim3A_480 = arith.constant 0.000000e+00 : f32
      %broadcast_in_dim3A_481 = vector.broadcast %broadcast_in_dim3A_480 : f32 to vector<16xf32>
      %broadcast_in_dim3A_482 = arith.constant 0.000000e+00 : f32
      %broadcast_in_dim3A_483 = vector.broadcast %broadcast_in_dim3A_482 : f32 to vector<16xf32>
      %broadcast_in_dim3A_484 = arith.constant 0.000000e+00 : f32
      %broadcast_in_dim3A_485 = vector.broadcast %broadcast_in_dim3A_484 : f32 to vector<16xf32>
      %broadcast_in_dim3A_486 = arith.constant 0.000000e+00 : f32
      %broadcast_in_dim3A_487 = vector.broadcast %broadcast_in_dim3A_486 : f32 to vector<16xf32>
      %broadcast_in_dim3A_488 = arith.constant 0.000000e+00 : f32
      %broadcast_in_dim3A_489 = vector.broadcast %broadcast_in_dim3A_488 : f32 to vector<16xf32>
      %broadcast_in_dim3A_490 = arith.constant 0.000000e+00 : f32
      %broadcast_in_dim3A_491 = vector.broadcast %broadcast_in_dim3A_490 : f32 to vector<16xf32>
      %broadcast_in_dim3A_492 = arith.constant 0.000000e+00 : f32
      %broadcast_in_dim3A_493 = vector.broadcast %broadcast_in_dim3A_492 : f32 to vector<16xf32>
      %broadcast_in_dim3A_494 = arith.constant 0.000000e+00 : f32
      %broadcast_in_dim3A_495 = vector.broadcast %broadcast_in_dim3A_494 : f32 to vector<16xf32>
      %parallel_loop3A_496 = arith.constant 0 : i32
      %parallel_loop3A_497 = arith.constant 128 : i32
      %parallel_loop3A_498 = arith.constant 1 : i32
      %parallel_loop3A_499 = arith.constant 0 : i32
      %parallel_loop3A_500 = arith.constant 0 : i32
      %parallel_loop3A_501:8 = scf.for %parallel_loop3A_979 = %parallel_loop3A_496 to %parallel_loop3A_497 step %parallel_loop3A_498 iter_args(%parallel_loop3A_980 = %broadcast_in_dim3A_481, %parallel_loop3A_981 = %broadcast_in_dim3A_483, %parallel_loop3A_982 = %broadcast_in_dim3A_485, %parallel_loop3A_983 = %broadcast_in_dim3A_487, %parallel_loop3A_984 = %broadcast_in_dim3A_489, %parallel_loop3A_985 = %broadcast_in_dim3A_491, %parallel_loop3A_986 = %broadcast_in_dim3A_493, %parallel_loop3A_987 = %broadcast_in_dim3A_495) -> (vector<16xf32>, vector<16xf32>, vector<16xf32>, vector<16xf32>, vector<16xf32>, vector<16xf32>, vector<16xf32>, vector<16xf32>)  : i32 {
        %parallel_loop3A_988 = vector.broadcast %parallel_loop3A_979 : i32 to vector<16xi32>
        %parallel_loop3A_989 = arith.constant 0 : i32
        %parallel_loop3A_990 = arith.constant 0 : i32
        %parallel_loop3A_991 = tpu.memref_slice %arg11[%parallel_loop3A_499, %parallel_loop3A_989, %parallel_loop3A_990] : memref<2x128x128xf32, #tpu.memory_space<vmem>> -> memref<1x128x128xf32, #tpu.memory_space<vmem>>
        %parallel_loop3A_992 = tpu.memref_squeeze %parallel_loop3A_991 : memref<1x128x128xf32, #tpu.memory_space<vmem>> -> memref<128x128xf32, #tpu.memory_space<vmem>>
        %parallel_loop3A_993 = tpu.vector_load_idx %parallel_loop3A_992[%add3A_5, %parallel_loop3A_988] : memref<128x128xf32, #tpu.memory_space<vmem>>[vector<16xi32>, vector<16xi32>], vector<16xf32>,
        %parallel_loop3A_994 = arith.constant 0 : i32
        %parallel_loop3A_995 = arith.constant 0 : i32
        %parallel_loop3A_996 = tpu.memref_slice %arg12[%parallel_loop3A_500, %parallel_loop3A_994, %parallel_loop3A_995] : memref<2x128x128xf32, #tpu.memory_space<vmem>> -> memref<1x128x128xf32, #tpu.memory_space<vmem>>
        %parallel_loop3A_997 = tpu.memref_squeeze %parallel_loop3A_996 : memref<1x128x128xf32, #tpu.memory_space<vmem>> -> memref<128x128xf32, #tpu.memory_space<vmem>>
        %parallel_loop3A_998 = tpu.vector_load_idx %parallel_loop3A_997[%add3A_5, %parallel_loop3A_988] : memref<128x128xf32, #tpu.memory_space<vmem>>[vector<16xi32>, vector<16xi32>], vector<16xf32>,
        %parallel_loop3A_999 = arith.mulf %parallel_loop3A_993, %parallel_loop3A_998 : vector<16xf32>
        %parallel_loop3A_1000 = arith.addf %parallel_loop3A_980, %parallel_loop3A_999 : vector<16xf32>
        %parallel_loop3A_1001 = arith.constant 0 : i32
        %parallel_loop3A_1002 = arith.constant 0 : i32
        %parallel_loop3A_1003 = tpu.memref_slice %arg11[%parallel_loop3A_499, %parallel_loop3A_1001, %parallel_loop3A_1002] : memref<2x128x128xf32, #tpu.memory_space<vmem>> -> memref<1x128x128xf32, #tpu.memory_space<vmem>>
        %parallel_loop3A_1004 = tpu.memref_squeeze %parallel_loop3A_1003 : memref<1x128x128xf32, #tpu.memory_space<vmem>> -> memref<128x128xf32, #tpu.memory_space<vmem>>
        %parallel_loop3A_1005 = tpu.vector_load_idx %parallel_loop3A_1004[%add3A_8, %parallel_loop3A_988] : memref<128x128xf32, #tpu.memory_space<vmem>>[vector<16xi32>, vector<16xi32>], vector<16xf32>,
        %parallel_loop3A_1006 = arith.constant 0 : i32
        %parallel_loop3A_1007 = arith.constant 0 : i32
        %parallel_loop3A_1008 = tpu.memref_slice %arg12[%parallel_loop3A_500, %parallel_loop3A_1006, %parallel_loop3A_1007] : memref<2x128x128xf32, #tpu.memory_space<vmem>> -> memref<1x128x128xf32, #tpu.memory_space<vmem>>
        %parallel_loop3A_1009 = tpu.memref_squeeze %parallel_loop3A_1008 : memref<1x128x128xf32, #tpu.memory_space<vmem>> -> memref<128x128xf32, #tpu.memory_space<vmem>>
        %parallel_loop3A_1010 = tpu.vector_load_idx %parallel_loop3A_1009[%add3A_8, %parallel_loop3A_988] : memref<128x128xf32, #tpu.memory_space<vmem>>[vector<16xi32>, vector<16xi32>], vector<16xf32>,
        %parallel_loop3A_1011 = arith.mulf %parallel_loop3A_1005, %parallel_loop3A_1010 : vector<16xf32>
        %parallel_loop3A_1012 = arith.addf %parallel_loop3A_981, %parallel_loop3A_1011 : vector<16xf32>
        %parallel_loop3A_1013 = arith.constant 0 : i32
        %parallel_loop3A_1014 = arith.constant 0 : i32
        %parallel_loop3A_1015 = tpu.memref_slice %arg11[%parallel_loop3A_499, %parallel_loop3A_1013, %parallel_loop3A_1014] : memref<2x128x128xf32, #tpu.memory_space<vmem>> -> memref<1x128x128xf32, #tpu.memory_space<vmem>>
        %parallel_loop3A_1016 = tpu.memref_squeeze %parallel_loop3A_1015 : memref<1x128x128xf32, #tpu.memory_space<vmem>> -> memref<128x128xf32, #tpu.memory_space<vmem>>
        %parallel_loop3A_1017 = tpu.vector_load_idx %parallel_loop3A_1016[%add3A_11, %parallel_loop3A_988] : memref<128x128xf32, #tpu.memory_space<vmem>>[vector<16xi32>, vector<16xi32>], vector<16xf32>,
        %parallel_loop3A_1018 = arith.constant 0 : i32
        %parallel_loop3A_1019 = arith.constant 0 : i32
        %parallel_loop3A_1020 = tpu.memref_slice %arg12[%parallel_loop3A_500, %parallel_loop3A_1018, %parallel_loop3A_1019] : memref<2x128x128xf32, #tpu.memory_space<vmem>> -> memref<1x128x128xf32, #tpu.memory_space<vmem>>
        %parallel_loop3A_1021 = tpu.memref_squeeze %parallel_loop3A_1020 : memref<1x128x128xf32, #tpu.memory_space<vmem>> -> memref<128x128xf32, #tpu.memory_space<vmem>>
        %parallel_loop3A_1022 = tpu.vector_load_idx %parallel_loop3A_1021[%add3A_11, %parallel_loop3A_988] : memref<128x128xf32, #tpu.memory_space<vmem>>[vector<16xi32>, vector<16xi32>], vector<16xf32>,
        %parallel_loop3A_1023 = arith.mulf %parallel_loop3A_1017, %parallel_loop3A_1022 : vector<16xf32>
        %parallel_loop3A_1024 = arith.addf %parallel_loop3A_982, %parallel_loop3A_1023 : vector<16xf32>
        %parallel_loop3A_1025 = arith.constant 0 : i32
        %parallel_loop3A_1026 = arith.constant 0 : i32
        %parallel_loop3A_1027 = tpu.memref_slice %arg11[%parallel_loop3A_499, %parallel_loop3A_1025, %parallel_loop3A_1026] : memref<2x128x128xf32, #tpu.memory_space<vmem>> -> memref<1x128x128xf32, #tpu.memory_space<vmem>>
        %parallel_loop3A_1028 = tpu.memref_squeeze %parallel_loop3A_1027 : memref<1x128x128xf32, #tpu.memory_space<vmem>> -> memref<128x128xf32, #tpu.memory_space<vmem>>
        %parallel_loop3A_1029 = tpu.vector_load_idx %parallel_loop3A_1028[%add3A_14, %parallel_loop3A_988] : memref<128x128xf32, #tpu.memory_space<vmem>>[vector<16xi32>, vector<16xi32>], vector<16xf32>,
        %parallel_loop3A_1030 = arith.constant 0 : i32
        %parallel_loop3A_1031 = arith.constant 0 : i32
        %parallel_loop3A_1032 = tpu.memref_slice %arg12[%parallel_loop3A_500, %parallel_loop3A_1030, %parallel_loop3A_1031] : memref<2x128x128xf32, #tpu.memory_space<vmem>> -> memref<1x128x128xf32, #tpu.memory_space<vmem>>
        %parallel_loop3A_1033 = tpu.memref_squeeze %parallel_loop3A_1032 : memref<1x128x128xf32, #tpu.memory_space<vmem>> -> memref<128x128xf32, #tpu.memory_space<vmem>>
        %parallel_loop3A_1034 = tpu.vector_load_idx %parallel_loop3A_1033[%add3A_14, %parallel_loop3A_988] : memref<128x128xf32, #tpu.memory_space<vmem>>[vector<16xi32>, vector<16xi32>], vector<16xf32>,
        %parallel_loop3A_1035 = arith.mulf %parallel_loop3A_1029, %parallel_loop3A_1034 : vector<16xf32>
        %parallel_loop3A_1036 = arith.addf %parallel_loop3A_983, %parallel_loop3A_1035 : vector<16xf32>
        %parallel_loop3A_1037 = arith.constant 0 : i32
        %parallel_loop3A_1038 = arith.constant 0 : i32
        %parallel_loop3A_1039 = tpu.memref_slice %arg11[%parallel_loop3A_499, %parallel_loop3A_1037, %parallel_loop3A_1038] : memref<2x128x128xf32, #tpu.memory_space<vmem>> -> memref<1x128x128xf32, #tpu.memory_space<vmem>>
        %parallel_loop3A_1040 = tpu.memref_squeeze %parallel_loop3A_1039 : memref<1x128x128xf32, #tpu.memory_space<vmem>> -> memref<128x128xf32, #tpu.memory_space<vmem>>
        %parallel_loop3A_1041 = tpu.vector_load_idx %parallel_loop3A_1040[%add3A_17, %parallel_loop3A_988] : memref<128x128xf32, #tpu.memory_space<vmem>>[vector<16xi32>, vector<16xi32>], vector<16xf32>,
        %parallel_loop3A_1042 = arith.constant 0 : i32
        %parallel_loop3A_1043 = arith.constant 0 : i32
        %parallel_loop3A_1044 = tpu.memref_slice %arg12[%parallel_loop3A_500, %parallel_loop3A_1042, %parallel_loop3A_1043] : memref<2x128x128xf32, #tpu.memory_space<vmem>> -> memref<1x128x128xf32, #tpu.memory_space<vmem>>
        %parallel_loop3A_1045 = tpu.memref_squeeze %parallel_loop3A_1044 : memref<1x128x128xf32, #tpu.memory_space<vmem>> -> memref<128x128xf32, #tpu.memory_space<vmem>>
        %parallel_loop3A_1046 = tpu.vector_load_idx %parallel_loop3A_1045[%add3A_17, %parallel_loop3A_988] : memref<128x128xf32, #tpu.memory_space<vmem>>[vector<16xi32>, vector<16xi32>], vector<16xf32>,
        %parallel_loop3A_1047 = arith.mulf %parallel_loop3A_1041, %parallel_loop3A_1046 : vector<16xf32>
        %parallel_loop3A_1048 = arith.addf %parallel_loop3A_984, %parallel_loop3A_1047 : vector<16xf32>
        %parallel_loop3A_1049 = arith.constant 0 : i32
        %parallel_loop3A_1050 = arith.constant 0 : i32
        %parallel_loop3A_1051 = tpu.memref_slice %arg11[%parallel_loop3A_499, %parallel_loop3A_1049, %parallel_loop3A_1050] : memref<2x128x128xf32, #tpu.memory_space<vmem>> -> memref<1x128x128xf32, #tpu.memory_space<vmem>>
        %parallel_loop3A_1052 = tpu.memref_squeeze %parallel_loop3A_1051 : memref<1x128x128xf32, #tpu.memory_space<vmem>> -> memref<128x128xf32, #tpu.memory_space<vmem>>
        %parallel_loop3A_1053 = tpu.vector_load_idx %parallel_loop3A_1052[%add3A_20, %parallel_loop3A_988] : memref<128x128xf32, #tpu.memory_space<vmem>>[vector<16xi32>, vector<16xi32>], vector<16xf32>,
        %parallel_loop3A_1054 = arith.constant 0 : i32
        %parallel_loop3A_1055 = arith.constant 0 : i32
        %parallel_loop3A_1056 = tpu.memref_slice %arg12[%parallel_loop3A_500, %parallel_loop3A_1054, %parallel_loop3A_1055] : memref<2x128x128xf32, #tpu.memory_space<vmem>> -> memref<1x128x128xf32, #tpu.memory_space<vmem>>
        %parallel_loop3A_1057 = tpu.memref_squeeze %parallel_loop3A_1056 : memref<1x128x128xf32, #tpu.memory_space<vmem>> -> memref<128x128xf32, #tpu.memory_space<vmem>>
        %parallel_loop3A_1058 = tpu.vector_load_idx %parallel_loop3A_1057[%add3A_20, %parallel_loop3A_988] : memref<128x128xf32, #tpu.memory_space<vmem>>[vector<16xi32>, vector<16xi32>], vector<16xf32>,
        %parallel_loop3A_1059 = arith.mulf %parallel_loop3A_1053, %parallel_loop3A_1058 : vector<16xf32>
        %parallel_loop3A_1060 = arith.addf %parallel_loop3A_985, %parallel_loop3A_1059 : vector<16xf32>
        %parallel_loop3A_1061 = arith.constant 0 : i32
        %parallel_loop3A_1062 = arith.constant 0 : i32
        %parallel_loop3A_1063 = tpu.memref_slice %arg11[%parallel_loop3A_499, %parallel_loop3A_1061, %parallel_loop3A_1062] : memref<2x128x128xf32, #tpu.memory_space<vmem>> -> memref<1x128x128xf32, #tpu.memory_space<vmem>>
        %parallel_loop3A_1064 = tpu.memref_squeeze %parallel_loop3A_1063 : memref<1x128x128xf32, #tpu.memory_space<vmem>> -> memref<128x128xf32, #tpu.memory_space<vmem>>
        %parallel_loop3A_1065 = tpu.vector_load_idx %parallel_loop3A_1064[%add3A_23, %parallel_loop3A_988] : memref<128x128xf32, #tpu.memory_space<vmem>>[vector<16xi32>, vector<16xi32>], vector<16xf32>,
        %parallel_loop3A_1066 = arith.constant 0 : i32
        %parallel_loop3A_1067 = arith.constant 0 : i32
        %parallel_loop3A_1068 = tpu.memref_slice %arg12[%parallel_loop3A_500, %parallel_loop3A_1066, %parallel_loop3A_1067] : memref<2x128x128xf32, #tpu.memory_space<vmem>> -> memref<1x128x128xf32, #tpu.memory_space<vmem>>
        %parallel_loop3A_1069 = tpu.memref_squeeze %parallel_loop3A_1068 : memref<1x128x128xf32, #tpu.memory_space<vmem>> -> memref<128x128xf32, #tpu.memory_space<vmem>>
        %parallel_loop3A_1070 = tpu.vector_load_idx %parallel_loop3A_1069[%add3A_23, %parallel_loop3A_988] : memref<128x128xf32, #tpu.memory_space<vmem>>[vector<16xi32>, vector<16xi32>], vector<16xf32>,
        %parallel_loop3A_1071 = arith.mulf %parallel_loop3A_1065, %parallel_loop3A_1070 : vector<16xf32>
        %parallel_loop3A_1072 = arith.addf %parallel_loop3A_986, %parallel_loop3A_1071 : vector<16xf32>
        %parallel_loop3A_1073 = arith.constant 0 : i32
        %parallel_loop3A_1074 = arith.constant 0 : i32
        %parallel_loop3A_1075 = tpu.memref_slice %arg11[%parallel_loop3A_499, %parallel_loop3A_1073, %parallel_loop3A_1074] : memref<2x128x128xf32, #tpu.memory_space<vmem>> -> memref<1x128x128xf32, #tpu.memory_space<vmem>>
        %parallel_loop3A_1076 = tpu.memref_squeeze %parallel_loop3A_1075 : memref<1x128x128xf32, #tpu.memory_space<vmem>> -> memref<128x128xf32, #tpu.memory_space<vmem>>
        %parallel_loop3A_1077 = tpu.vector_load_idx %parallel_loop3A_1076[%add3A_26, %parallel_loop3A_988] : memref<128x128xf32, #tpu.memory_space<vmem>>[vector<16xi32>, vector<16xi32>], vector<16xf32>,
        %parallel_loop3A_1078 = arith.constant 0 : i32
        %parallel_loop3A_1079 = arith.constant 0 : i32
        %parallel_loop3A_1080 = tpu.memref_slice %arg12[%parallel_loop3A_500, %parallel_loop3A_1078, %parallel_loop3A_1079] : memref<2x128x128xf32, #tpu.memory_space<vmem>> -> memref<1x128x128xf32, #tpu.memory_space<vmem>>
        %parallel_loop3A_1081 = tpu.memref_squeeze %parallel_loop3A_1080 : memref<1x128x128xf32, #tpu.memory_space<vmem>> -> memref<128x128xf32, #tpu.memory_space<vmem>>
        %parallel_loop3A_1082 = tpu.vector_load_idx %parallel_loop3A_1081[%add3A_26, %parallel_loop3A_988] : memref<128x128xf32, #tpu.memory_space<vmem>>[vector<16xi32>, vector<16xi32>], vector<16xf32>,
        %parallel_loop3A_1083 = arith.mulf %parallel_loop3A_1077, %parallel_loop3A_1082 : vector<16xf32>
        %parallel_loop3A_1084 = arith.addf %parallel_loop3A_987, %parallel_loop3A_1083 : vector<16xf32>
        scf.yield %parallel_loop3A_1000, %parallel_loop3A_1012, %parallel_loop3A_1024, %parallel_loop3A_1036, %parallel_loop3A_1048, %parallel_loop3A_1060, %parallel_loop3A_1072, %parallel_loop3A_1084 : vector<16xf32>, vector<16xf32>, vector<16xf32>, vector<16xf32>, vector<16xf32>, vector<16xf32>, vector<16xf32>, vector<16xf32>
      } {sc.loop_unroll_factor = 4 : i64, sc.parallel_access}
      %swap3A_502 = arith.constant 0 : i32
      %swap3A_503 = arith.constant 0 : i32
      %swap3A_504 = tpu.memref_slice %arg13[%swap3A_502, %swap3A_503] : memref<2x128xf32, #tpu.memory_space<vmem>> -> memref<1x128xf32, #tpu.memory_space<vmem>>
      %swap3A_505 = tpu.memref_squeeze %swap3A_504 : memref<1x128xf32, #tpu.memory_space<vmem>> -> memref<128xf32, #tpu.memory_space<vmem>>
      %swap3A_506 = arith.constant 0 : index
      %swap3A_507 = tpu.vector_load %swap3A_505[%swap3A_506] {strides = array<i32>} : memref<128xf32, #tpu.memory_space<vmem>>, vector<16xf32>,
      tpu.vector_store %swap3A_505[%swap3A_506], %parallel_loop3A_501#0 {strides = array<i32>} : memref<128xf32, #tpu.memory_space<vmem>>, vector<16xf32>,
      %swap3A_508 = arith.constant 0 : i32
      %swap3A_509 = arith.constant 0 : i32
      %swap3A_510 = tpu.memref_slice %arg13[%swap3A_508, %swap3A_509] : memref<2x128xf32, #tpu.memory_space<vmem>> -> memref<1x128xf32, #tpu.memory_space<vmem>>
      %swap3A_511 = tpu.memref_squeeze %swap3A_510 : memref<1x128xf32, #tpu.memory_space<vmem>> -> memref<128xf32, #tpu.memory_space<vmem>>
      %swap3A_512 = arith.constant 16 : index
      %swap3A_513 = tpu.vector_load %swap3A_511[%swap3A_512] {strides = array<i32>} : memref<128xf32, #tpu.memory_space<vmem>>, vector<16xf32>,
      tpu.vector_store %swap3A_511[%swap3A_512], %parallel_loop3A_501#1 {strides = array<i32>} : memref<128xf32, #tpu.memory_space<vmem>>, vector<16xf32>,
      %swap3A_514 = arith.constant 0 : i32
      %swap3A_515 = arith.constant 0 : i32
      %swap3A_516 = tpu.memref_slice %arg13[%swap3A_514, %swap3A_515] : memref<2x128xf32, #tpu.memory_space<vmem>> -> memref<1x128xf32, #tpu.memory_space<vmem>>
      %swap3A_517 = tpu.memref_squeeze %swap3A_516 : memref<1x128xf32, #tpu.memory_space<vmem>> -> memref<128xf32, #tpu.memory_space<vmem>>
      %swap3A_518 = arith.constant 32 : index
      %swap3A_519 = tpu.vector_load %swap3A_517[%swap3A_518] {strides = array<i32>} : memref<128xf32, #tpu.memory_space<vmem>>, vector<16xf32>,
      tpu.vector_store %swap3A_517[%swap3A_518], %parallel_loop3A_501#2 {strides = array<i32>} : memref<128xf32, #tpu.memory_space<vmem>>, vector<16xf32>,
      %swap3A_520 = arith.constant 0 : i32
      %swap3A_521 = arith.constant 0 : i32
      %swap3A_522 = tpu.memref_slice %arg13[%swap3A_520, %swap3A_521] : memref<2x128xf32, #tpu.memory_space<vmem>> -> memref<1x128xf32, #tpu.memory_space<vmem>>
      %swap3A_523 = tpu.memref_squeeze %swap3A_522 : memref<1x128xf32, #tpu.memory_space<vmem>> -> memref<128xf32, #tpu.memory_space<vmem>>
      %swap3A_524 = arith.constant 48 : index
      %swap3A_525 = tpu.vector_load %swap3A_523[%swap3A_524] {strides = array<i32>} : memref<128xf32, #tpu.memory_space<vmem>>, vector<16xf32>,
      tpu.vector_store %swap3A_523[%swap3A_524], %parallel_loop3A_501#3 {strides = array<i32>} : memref<128xf32, #tpu.memory_space<vmem>>, vector<16xf32>,
      %swap3A_526 = arith.constant 0 : i32
      %swap3A_527 = arith.constant 0 : i32
      %swap3A_528 = tpu.memref_slice %arg13[%swap3A_526, %swap3A_527] : memref<2x128xf32, #tpu.memory_space<vmem>> -> memref<1x128xf32, #tpu.memory_space<vmem>>
      %swap3A_529 = tpu.memref_squeeze %swap3A_528 : memref<1x128xf32, #tpu.memory_space<vmem>> -> memref<128xf32, #tpu.memory_space<vmem>>
      %swap3A_530 = arith.constant 64 : index
      %swap3A_531 = tpu.vector_load %swap3A_529[%swap3A_530] {strides = array<i32>} : memref<128xf32, #tpu.memory_space<vmem>>, vector<16xf32>,
      tpu.vector_store %swap3A_529[%swap3A_530], %parallel_loop3A_501#4 {strides = array<i32>} : memref<128xf32, #tpu.memory_space<vmem>>, vector<16xf32>,
      %swap3A_532 = arith.constant 0 : i32
      %swap3A_533 = arith.constant 0 : i32
      %swap3A_534 = tpu.memref_slice %arg13[%swap3A_532, %swap3A_533] : memref<2x128xf32, #tpu.memory_space<vmem>> -> memref<1x128xf32, #tpu.memory_space<vmem>>
      %swap3A_535 = tpu.memref_squeeze %swap3A_534 : memref<1x128xf32, #tpu.memory_space<vmem>> -> memref<128xf32, #tpu.memory_space<vmem>>
      %swap3A_536 = arith.constant 80 : index
      %swap3A_537 = tpu.vector_load %swap3A_535[%swap3A_536] {strides = array<i32>} : memref<128xf32, #tpu.memory_space<vmem>>, vector<16xf32>,
      tpu.vector_store %swap3A_535[%swap3A_536], %parallel_loop3A_501#5 {strides = array<i32>} : memref<128xf32, #tpu.memory_space<vmem>>, vector<16xf32>,
      %swap3A_538 = arith.constant 0 : i32
      %swap3A_539 = arith.constant 0 : i32
      %swap3A_540 = tpu.memref_slice %arg13[%swap3A_538, %swap3A_539] : memref<2x128xf32, #tpu.memory_space<vmem>> -> memref<1x128xf32, #tpu.memory_space<vmem>>
      %swap3A_541 = tpu.memref_squeeze %swap3A_540 : memref<1x128xf32, #tpu.memory_space<vmem>> -> memref<128xf32, #tpu.memory_space<vmem>>
      %swap3A_542 = arith.constant 96 : index
      %swap3A_543 = tpu.vector_load %swap3A_541[%swap3A_542] {strides = array<i32>} : memref<128xf32, #tpu.memory_space<vmem>>, vector<16xf32>,
      tpu.vector_store %swap3A_541[%swap3A_542], %parallel_loop3A_501#6 {strides = array<i32>} : memref<128xf32, #tpu.memory_space<vmem>>, vector<16xf32>,
      %swap3A_544 = arith.constant 0 : i32
      %swap3A_545 = arith.constant 0 : i32
      %swap3A_546 = tpu.memref_slice %arg13[%swap3A_544, %swap3A_545] : memref<2x128xf32, #tpu.memory_space<vmem>> -> memref<1x128xf32, #tpu.memory_space<vmem>>
      %swap3A_547 = tpu.memref_squeeze %swap3A_546 : memref<1x128xf32, #tpu.memory_space<vmem>> -> memref<128xf32, #tpu.memory_space<vmem>>
      %swap3A_548 = arith.constant 112 : index
      %swap3A_549 = tpu.vector_load %swap3A_547[%swap3A_548] {strides = array<i32>} : memref<128xf32, #tpu.memory_space<vmem>>, vector<16xf32>,
      tpu.vector_store %swap3A_547[%swap3A_548], %parallel_loop3A_501#7 {strides = array<i32>} : memref<128xf32, #tpu.memory_space<vmem>>, vector<16xf32>,
      %mul3A_550 = arith.constant 128 : i32
      %mul3A_551 = arith.muli %add3A_430, %mul3A_550 : i32
      %add3A_552 = arith.addi %mul3A_2, %mul3A_551 : i32
      %dma_start3A_553 = arith.constant 0 : i32
      %dma_start3A_554 = arith.constant 0 : i32
      %dma_start3A_555 = arith.constant 0 : i32
      %dma_start3A_556 = tpu.memref_slice %arg13[%dma_start3A_553, %dma_start3A_555] : memref<2x128xf32, #tpu.memory_space<vmem>> -> memref<1x128xf32, #tpu.memory_space<vmem>>
      %dma_start3A_557 = tpu.memref_squeeze %dma_start3A_556 : memref<1x128xf32, #tpu.memory_space<vmem>> -> memref<128xf32, #tpu.memory_space<vmem>>
      %dma_start3A_558 = tpu.memref_slice %arg6[%add3A_552] : memref<638976xf32, #tpu.memory_space<hbm>> -> memref<128xf32, #tpu.memory_space<hbm>>
      %dma_start3A_559 = tpu.memref_slice %arg16[%dma_start3A_554] : memref<2x!tpu.dma_semaphore, #tpu.memory_space<semaphore_mem>> -> memref<1x!tpu.dma_semaphore, #tpu.memory_space<semaphore_mem>>
      %dma_start3A_560 = tpu.memref_squeeze %dma_start3A_559 : memref<1x!tpu.dma_semaphore, #tpu.memory_space<semaphore_mem>> -> memref<!tpu.dma_semaphore, #tpu.memory_space<semaphore_mem>>
      %dma_start3A_561 = tpu.memref_slice %arg6[%add3A_552] : memref<638976xf32, #tpu.memory_space<hbm>> -> memref<128xf32, #tpu.memory_space<hbm>>
      %dma_start3A_562 = arith.constant 0 : i32
      %dma_start3A_563 = tpu.memref_slice %arg13[%dma_start3A_553, %dma_start3A_562] : memref<2x128xf32, #tpu.memory_space<vmem>> -> memref<1x128xf32, #tpu.memory_space<vmem>>
      %dma_start3A_564 = tpu.memref_squeeze %dma_start3A_563 : memref<1x128xf32, #tpu.memory_space<vmem>> -> memref<128xf32, #tpu.memory_space<vmem>>
      tpu.enqueue_dma source(%dma_start3A_564 : memref<128xf32, #tpu.memory_space<vmem>>) target(%dma_start3A_561 : memref<128xf32, #tpu.memory_space<hbm>>) target_semaphore(%dma_start3A_560 : memref<!tpu.dma_semaphore, #tpu.memory_space<semaphore_mem>>)
      %mul3A_565 = arith.constant 6 : i32
      %mul3A_566 = arith.muli %add3A_157, %mul3A_565 : i32
      %add3A_567 = arith.constant 3 : i32
      %add3A_568 = arith.addi %mul3A_566, %add3A_567 : i32
      %add3A_569 = arith.constant 2 : i32
      %add3A_570 = arith.addi %add3A_568, %add3A_569 : i32
      %lt3A_571 = arith.constant 156 : i32
      %lt3A_572 = arith.cmpi slt, %add3A_570, %lt3A_571 : i32
      %convert_element_type3A_573 = arith.extui %lt3A_572 : i1 to i32
      %cond3A_574 = arith.constant 0 : i32
      %cond3A_575 = arith.cmpi ne, %convert_element_type3A_573, %cond3A_574 : i32
      scf.if %cond3A_575 {
        %add3A_979 = arith.constant 2 : i32
        %add3A_980 = arith.addi %add3A_568, %add3A_979 : i32
        %mul3A_981 = arith.constant 128 : i32
        %mul3A_982 = arith.muli %add3A_980, %mul3A_981 : i32
        %dma_start3A_983 = arith.constant 2 : i32
        %dma_start3A_984 = arith.constant 1 : i32
        %dma_start3A_985 = arith.constant 0 : i32
        %dma_start3A_986 = tpu.memref_slice %arg9[%dma_start3A_983, %dma_start3A_985] : memref<3x128xi32, #tpu.memory_space<vmem>> -> memref<1x128xi32, #tpu.memory_space<vmem>>
        %dma_start3A_987 = tpu.memref_squeeze %dma_start3A_986 : memref<1x128xi32, #tpu.memory_space<vmem>> -> memref<128xi32, #tpu.memory_space<vmem>>
        %dma_start3A_988 = tpu.memref_slice %arg7[%mul3A_982] : memref<19968xi32, #tpu.memory_space<vmem>> -> memref<128xi32, #tpu.memory_space<vmem>>
        %dma_start3A_989 = arith.constant 0 : i32
        %dma_start3A_990 = tpu.memref_slice %arg4[%dma_start3A_989] : memref<100000xi32, #tpu.memory_space<hbm>> -> memref<100000xi32, #tpu.memory_space<hbm>>
        %dma_start3A_991 = tpu.memref_slice %arg14[%dma_start3A_984] : memref<2x!tpu.dma_semaphore, #tpu.memory_space<semaphore_mem>> -> memref<1x!tpu.dma_semaphore, #tpu.memory_space<semaphore_mem>>
        %dma_start3A_992 = tpu.memref_squeeze %dma_start3A_991 : memref<1x!tpu.dma_semaphore, #tpu.memory_space<semaphore_mem>> -> memref<!tpu.dma_semaphore, #tpu.memory_space<semaphore_mem>>
        tpu.enqueue_indirect_dma source(%dma_start3A_990 : memref<100000xi32, #tpu.memory_space<hbm>>) target(%dma_start3A_987 : memref<128xi32, #tpu.memory_space<vmem>>) offsets(%dma_start3A_988 : memref<128xi32, #tpu.memory_space<vmem>>) semaphore(%dma_start3A_992 : memref<!tpu.dma_semaphore, #tpu.memory_space<semaphore_mem>>)
        %mul3A_993 = arith.constant 128 : i32
        %mul3A_994 = arith.muli %add3A_980, %mul3A_993 : i32
        %dma_start3A_995 = arith.constant 2 : i32
        %dma_start3A_996 = arith.constant 1 : i32
        %dma_start3A_997 = arith.constant 0 : i32
        %dma_start3A_998 = tpu.memref_slice %arg10[%dma_start3A_995, %dma_start3A_997] : memref<3x128xi32, #tpu.memory_space<vmem>> -> memref<1x128xi32, #tpu.memory_space<vmem>>
        %dma_start3A_999 = tpu.memref_squeeze %dma_start3A_998 : memref<1x128xi32, #tpu.memory_space<vmem>> -> memref<128xi32, #tpu.memory_space<vmem>>
        %dma_start3A_1000 = tpu.memref_slice %arg8[%mul3A_994] : memref<19968xi32, #tpu.memory_space<vmem>> -> memref<128xi32, #tpu.memory_space<vmem>>
        %dma_start3A_1001 = arith.constant 0 : i32
        %dma_start3A_1002 = tpu.memref_slice %arg4[%dma_start3A_1001] : memref<100000xi32, #tpu.memory_space<hbm>> -> memref<100000xi32, #tpu.memory_space<hbm>>
        %dma_start3A_1003 = tpu.memref_slice %arg14[%dma_start3A_996] : memref<2x!tpu.dma_semaphore, #tpu.memory_space<semaphore_mem>> -> memref<1x!tpu.dma_semaphore, #tpu.memory_space<semaphore_mem>>
        %dma_start3A_1004 = tpu.memref_squeeze %dma_start3A_1003 : memref<1x!tpu.dma_semaphore, #tpu.memory_space<semaphore_mem>> -> memref<!tpu.dma_semaphore, #tpu.memory_space<semaphore_mem>>
        tpu.enqueue_indirect_dma source(%dma_start3A_1002 : memref<100000xi32, #tpu.memory_space<hbm>>) target(%dma_start3A_999 : memref<128xi32, #tpu.memory_space<vmem>>) offsets(%dma_start3A_1000 : memref<128xi32, #tpu.memory_space<vmem>>) semaphore(%dma_start3A_1004 : memref<!tpu.dma_semaphore, #tpu.memory_space<semaphore_mem>>)
      } else {
      }
      %add3A_576 = arith.constant 1 : i32
      %add3A_577 = arith.addi %add3A_568, %add3A_576 : i32
      %lt3A_578 = arith.constant 156 : i32
      %lt3A_579 = arith.cmpi slt, %add3A_577, %lt3A_578 : i32
      %convert_element_type3A_580 = arith.extui %lt3A_579 : i1 to i32
      %cond3A_581 = arith.constant 0 : i32
      %cond3A_582 = arith.cmpi ne, %convert_element_type3A_580, %cond3A_581 : i32
      scf.if %cond3A_582 {
        %add3A_979 = arith.constant 1 : i32
        %add3A_980 = arith.addi %add3A_568, %add3A_979 : i32
        %mul3A_981 = arith.constant 128 : i32
        %mul3A_982 = arith.muli %add3A_980, %mul3A_981 : i32
        %dma_wait3A_983 = arith.constant 1 : i32
        %dma_wait3A_984 = arith.constant 0 : i32
        %dma_wait3A_985 = arith.constant 0 : i32
        %dma_wait3A_986 = tpu.memref_slice %arg9[%dma_wait3A_983, %dma_wait3A_985] : memref<3x128xi32, #tpu.memory_space<vmem>> -> memref<1x128xi32, #tpu.memory_space<vmem>>
        %dma_wait3A_987 = tpu.memref_squeeze %dma_wait3A_986 : memref<1x128xi32, #tpu.memory_space<vmem>> -> memref<128xi32, #tpu.memory_space<vmem>>
        %dma_wait3A_988 = tpu.memref_slice %arg7[%mul3A_982] : memref<19968xi32, #tpu.memory_space<vmem>> -> memref<128xi32, #tpu.memory_space<vmem>>
        %dma_wait3A_989 = arith.constant 0 : i32
        %dma_wait3A_990 = tpu.memref_slice %arg4[%dma_wait3A_989] : memref<100000xi32, #tpu.memory_space<hbm>> -> memref<100000xi32, #tpu.memory_space<hbm>>
        %dma_wait3A_991 = tpu.memref_slice %arg14[%dma_wait3A_984] : memref<2x!tpu.dma_semaphore, #tpu.memory_space<semaphore_mem>> -> memref<1x!tpu.dma_semaphore, #tpu.memory_space<semaphore_mem>>
        %dma_wait3A_992 = tpu.memref_squeeze %dma_wait3A_991 : memref<1x!tpu.dma_semaphore, #tpu.memory_space<semaphore_mem>> -> memref<!tpu.dma_semaphore, #tpu.memory_space<semaphore_mem>>
        tpu.wait_indirect_dma semaphore(%dma_wait3A_992 : memref<!tpu.dma_semaphore, #tpu.memory_space<semaphore_mem>>) src(%dma_wait3A_990 : memref<100000xi32, #tpu.memory_space<hbm>>) dst(%dma_wait3A_987 : memref<128xi32, #tpu.memory_space<vmem>>)
        %mul3A_993 = arith.constant 128 : i32
        %mul3A_994 = arith.muli %add3A_980, %mul3A_993 : i32
        %dma_wait3A_995 = arith.constant 1 : i32
        %dma_wait3A_996 = arith.constant 0 : i32
        %dma_wait3A_997 = arith.constant 0 : i32
        %dma_wait3A_998 = tpu.memref_slice %arg10[%dma_wait3A_995, %dma_wait3A_997] : memref<3x128xi32, #tpu.memory_space<vmem>> -> memref<1x128xi32, #tpu.memory_space<vmem>>
        %dma_wait3A_999 = tpu.memref_squeeze %dma_wait3A_998 : memref<1x128xi32, #tpu.memory_space<vmem>> -> memref<128xi32, #tpu.memory_space<vmem>>
        %dma_wait3A_1000 = tpu.memref_slice %arg8[%mul3A_994] : memref<19968xi32, #tpu.memory_space<vmem>> -> memref<128xi32, #tpu.memory_space<vmem>>
        %dma_wait3A_1001 = arith.constant 0 : i32
        %dma_wait3A_1002 = tpu.memref_slice %arg4[%dma_wait3A_1001] : memref<100000xi32, #tpu.memory_space<hbm>> -> memref<100000xi32, #tpu.memory_space<hbm>>
        %dma_wait3A_1003 = tpu.memref_slice %arg14[%dma_wait3A_996] : memref<2x!tpu.dma_semaphore, #tpu.memory_space<semaphore_mem>> -> memref<1x!tpu.dma_semaphore, #tpu.memory_space<semaphore_mem>>
        %dma_wait3A_1004 = tpu.memref_squeeze %dma_wait3A_1003 : memref<1x!tpu.dma_semaphore, #tpu.memory_space<semaphore_mem>> -> memref<!tpu.dma_semaphore, #tpu.memory_space<semaphore_mem>>
        tpu.wait_indirect_dma semaphore(%dma_wait3A_1004 : memref<!tpu.dma_semaphore, #tpu.memory_space<semaphore_mem>>) src(%dma_wait3A_1002 : memref<100000xi32, #tpu.memory_space<hbm>>) dst(%dma_wait3A_999 : memref<128xi32, #tpu.memory_space<vmem>>)
        %dma_start3A_1005 = arith.constant 1 : i32
        %dma_start3A_1006 = arith.constant 0 : i32
        %dma_start3A_1007 = arith.constant 0 : i32
        %dma_start3A_1008 = arith.constant 0 : i32
        %dma_start3A_1009 = arith.constant 0 : i32
        %dma_start3A_1010 = tpu.memref_slice %arg11[%dma_start3A_1006, %dma_start3A_1008, %dma_start3A_1009] : memref<2x128x128xf32, #tpu.memory_space<vmem>> -> memref<1x128x128xf32, #tpu.memory_space<vmem>>
        %dma_start3A_1011 = tpu.memref_squeeze %dma_start3A_1010 : memref<1x128x128xf32, #tpu.memory_space<vmem>> -> memref<128x128xf32, #tpu.memory_space<vmem>>
        %dma_start3A_1012 = arith.constant 0 : i32
        %dma_start3A_1013 = tpu.memref_slice %arg9[%dma_start3A_1005, %dma_start3A_1012] : memref<3x128xi32, #tpu.memory_space<vmem>> -> memref<1x128xi32, #tpu.memory_space<vmem>>
        %dma_start3A_1014 = tpu.memref_squeeze %dma_start3A_1013 : memref<1x128xi32, #tpu.memory_space<vmem>> -> memref<128xi32, #tpu.memory_space<vmem>>
        %dma_start3A_1015 = arith.constant 0 : i32
        %dma_start3A_1016 = arith.constant 0 : i32
        %dma_start3A_1017 = tpu.memref_slice %arg5[%dma_start3A_1015, %dma_start3A_1016] : memref<100000x128xf32, #tpu.memory_space<hbm>> -> memref<100000x128xf32, #tpu.memory_space<hbm>>
        %dma_start3A_1018 = tpu.memref_slice %arg15[%dma_start3A_1007] : memref<2x!tpu.dma_semaphore, #tpu.memory_space<semaphore_mem>> -> memref<1x!tpu.dma_semaphore, #tpu.memory_space<semaphore_mem>>
        %dma_start3A_1019 = tpu.memref_squeeze %dma_start3A_1018 : memref<1x!tpu.dma_semaphore, #tpu.memory_space<semaphore_mem>> -> memref<!tpu.dma_semaphore, #tpu.memory_space<semaphore_mem>>
        tpu.enqueue_indirect_dma source(%dma_start3A_1017 : memref<100000x128xf32, #tpu.memory_space<hbm>>) target(%dma_start3A_1011 : memref<128x128xf32, #tpu.memory_space<vmem>>) offsets(%dma_start3A_1014 : memref<128xi32, #tpu.memory_space<vmem>>) semaphore(%dma_start3A_1019 : memref<!tpu.dma_semaphore, #tpu.memory_space<semaphore_mem>>)
        %dma_start3A_1020 = arith.constant 1 : i32
        %dma_start3A_1021 = arith.constant 0 : i32
        %dma_start3A_1022 = arith.constant 0 : i32
        %dma_start3A_1023 = arith.constant 0 : i32
        %dma_start3A_1024 = arith.constant 0 : i32
        %dma_start3A_1025 = tpu.memref_slice %arg12[%dma_start3A_1021, %dma_start3A_1023, %dma_start3A_1024] : memref<2x128x128xf32, #tpu.memory_space<vmem>> -> memref<1x128x128xf32, #tpu.memory_space<vmem>>
        %dma_start3A_1026 = tpu.memref_squeeze %dma_start3A_1025 : memref<1x128x128xf32, #tpu.memory_space<vmem>> -> memref<128x128xf32, #tpu.memory_space<vmem>>
        %dma_start3A_1027 = arith.constant 0 : i32
        %dma_start3A_1028 = tpu.memref_slice %arg10[%dma_start3A_1020, %dma_start3A_1027] : memref<3x128xi32, #tpu.memory_space<vmem>> -> memref<1x128xi32, #tpu.memory_space<vmem>>
        %dma_start3A_1029 = tpu.memref_squeeze %dma_start3A_1028 : memref<1x128xi32, #tpu.memory_space<vmem>> -> memref<128xi32, #tpu.memory_space<vmem>>
        %dma_start3A_1030 = arith.constant 0 : i32
        %dma_start3A_1031 = arith.constant 0 : i32
        %dma_start3A_1032 = tpu.memref_slice %arg5[%dma_start3A_1030, %dma_start3A_1031] : memref<100000x128xf32, #tpu.memory_space<hbm>> -> memref<100000x128xf32, #tpu.memory_space<hbm>>
        %dma_start3A_1033 = tpu.memref_slice %arg15[%dma_start3A_1022] : memref<2x!tpu.dma_semaphore, #tpu.memory_space<semaphore_mem>> -> memref<1x!tpu.dma_semaphore, #tpu.memory_space<semaphore_mem>>
        %dma_start3A_1034 = tpu.memref_squeeze %dma_start3A_1033 : memref<1x!tpu.dma_semaphore, #tpu.memory_space<semaphore_mem>> -> memref<!tpu.dma_semaphore, #tpu.memory_space<semaphore_mem>>
        tpu.enqueue_indirect_dma source(%dma_start3A_1032 : memref<100000x128xf32, #tpu.memory_space<hbm>>) target(%dma_start3A_1026 : memref<128x128xf32, #tpu.memory_space<vmem>>) offsets(%dma_start3A_1029 : memref<128xi32, #tpu.memory_space<vmem>>) semaphore(%dma_start3A_1034 : memref<!tpu.dma_semaphore, #tpu.memory_space<semaphore_mem>>)
      } else {
      }
      %dma_wait3A_583 = arith.constant 0 : i32
      %dma_wait3A_584 = arith.constant 1 : i32
      %dma_wait3A_585 = arith.constant 1 : i32
      %dma_wait3A_586 = arith.constant 0 : i32
      %dma_wait3A_587 = arith.constant 0 : i32
      %dma_wait3A_588 = tpu.memref_slice %arg11[%dma_wait3A_584, %dma_wait3A_586, %dma_wait3A_587] : memref<2x128x128xf32, #tpu.memory_space<vmem>> -> memref<1x128x128xf32, #tpu.memory_space<vmem>>
      %dma_wait3A_589 = tpu.memref_squeeze %dma_wait3A_588 : memref<1x128x128xf32, #tpu.memory_space<vmem>> -> memref<128x128xf32, #tpu.memory_space<vmem>>
      %dma_wait3A_590 = arith.constant 0 : i32
      %dma_wait3A_591 = tpu.memref_slice %arg9[%dma_wait3A_583, %dma_wait3A_590] : memref<3x128xi32, #tpu.memory_space<vmem>> -> memref<1x128xi32, #tpu.memory_space<vmem>>
      %dma_wait3A_592 = tpu.memref_squeeze %dma_wait3A_591 : memref<1x128xi32, #tpu.memory_space<vmem>> -> memref<128xi32, #tpu.memory_space<vmem>>
      %dma_wait3A_593 = arith.constant 0 : i32
      %dma_wait3A_594 = arith.constant 0 : i32
      %dma_wait3A_595 = tpu.memref_slice %arg5[%dma_wait3A_593, %dma_wait3A_594] : memref<100000x128xf32, #tpu.memory_space<hbm>> -> memref<100000x128xf32, #tpu.memory_space<hbm>>
      %dma_wait3A_596 = tpu.memref_slice %arg15[%dma_wait3A_585] : memref<2x!tpu.dma_semaphore, #tpu.memory_space<semaphore_mem>> -> memref<1x!tpu.dma_semaphore, #tpu.memory_space<semaphore_mem>>
      %dma_wait3A_597 = tpu.memref_squeeze %dma_wait3A_596 : memref<1x!tpu.dma_semaphore, #tpu.memory_space<semaphore_mem>> -> memref<!tpu.dma_semaphore, #tpu.memory_space<semaphore_mem>>
      tpu.wait_indirect_dma semaphore(%dma_wait3A_597 : memref<!tpu.dma_semaphore, #tpu.memory_space<semaphore_mem>>) src(%dma_wait3A_595 : memref<100000x128xf32, #tpu.memory_space<hbm>>) dst(%dma_wait3A_589 : memref<128x128xf32, #tpu.memory_space<vmem>>)
      %dma_wait3A_598 = arith.constant 0 : i32
      %dma_wait3A_599 = arith.constant 1 : i32
      %dma_wait3A_600 = arith.constant 1 : i32
      %dma_wait3A_601 = arith.constant 0 : i32
      %dma_wait3A_602 = arith.constant 0 : i32
      %dma_wait3A_603 = tpu.memref_slice %arg12[%dma_wait3A_599, %dma_wait3A_601, %dma_wait3A_602] : memref<2x128x128xf32, #tpu.memory_space<vmem>> -> memref<1x128x128xf32, #tpu.memory_space<vmem>>
      %dma_wait3A_604 = tpu.memref_squeeze %dma_wait3A_603 : memref<1x128x128xf32, #tpu.memory_space<vmem>> -> memref<128x128xf32, #tpu.memory_space<vmem>>
      %dma_wait3A_605 = arith.constant 0 : i32
      %dma_wait3A_606 = tpu.memref_slice %arg10[%dma_wait3A_598, %dma_wait3A_605] : memref<3x128xi32, #tpu.memory_space<vmem>> -> memref<1x128xi32, #tpu.memory_space<vmem>>
      %dma_wait3A_607 = tpu.memref_squeeze %dma_wait3A_606 : memref<1x128xi32, #tpu.memory_space<vmem>> -> memref<128xi32, #tpu.memory_space<vmem>>
      %dma_wait3A_608 = arith.constant 0 : i32
      %dma_wait3A_609 = arith.constant 0 : i32
      %dma_wait3A_610 = tpu.memref_slice %arg5[%dma_wait3A_608, %dma_wait3A_609] : memref<100000x128xf32, #tpu.memory_space<hbm>> -> memref<100000x128xf32, #tpu.memory_space<hbm>>
      %dma_wait3A_611 = tpu.memref_slice %arg15[%dma_wait3A_600] : memref<2x!tpu.dma_semaphore, #tpu.memory_space<semaphore_mem>> -> memref<1x!tpu.dma_semaphore, #tpu.memory_space<semaphore_mem>>
      %dma_wait3A_612 = tpu.memref_squeeze %dma_wait3A_611 : memref<1x!tpu.dma_semaphore, #tpu.memory_space<semaphore_mem>> -> memref<!tpu.dma_semaphore, #tpu.memory_space<semaphore_mem>>
      tpu.wait_indirect_dma semaphore(%dma_wait3A_612 : memref<!tpu.dma_semaphore, #tpu.memory_space<semaphore_mem>>) src(%dma_wait3A_610 : memref<100000x128xf32, #tpu.memory_space<hbm>>) dst(%dma_wait3A_604 : memref<128x128xf32, #tpu.memory_space<vmem>>)
      %ge3A_613 = arith.constant 2 : i32
      %ge3A_614 = arith.cmpi sge, %add3A_568, %ge3A_613 : i32
      %convert_element_type3A_615 = arith.extui %ge3A_614 : i1 to i32
      %cond3A_616 = arith.constant 0 : i32
      %cond3A_617 = arith.cmpi ne, %convert_element_type3A_615, %cond3A_616 : i32
      scf.if %cond3A_617 {
        %sub3A = arith.constant 2 : i32
        %sub3A_979 = arith.subi %add3A_568, %sub3A : i32
        %mul3A_980 = arith.constant 128 : i32
        %mul3A_981 = arith.muli %sub3A_979, %mul3A_980 : i32
        %add3A_982 = arith.addi %mul3A_2, %mul3A_981 : i32
        %dma_wait3A_983 = arith.constant 1 : i32
        %dma_wait3A_984 = arith.constant 1 : i32
        %dma_wait3A_985 = arith.constant 0 : i32
        %dma_wait3A_986 = tpu.memref_slice %arg13[%dma_wait3A_983, %dma_wait3A_985] : memref<2x128xf32, #tpu.memory_space<vmem>> -> memref<1x128xf32, #tpu.memory_space<vmem>>
        %dma_wait3A_987 = tpu.memref_squeeze %dma_wait3A_986 : memref<1x128xf32, #tpu.memory_space<vmem>> -> memref<128xf32, #tpu.memory_space<vmem>>
        %dma_wait3A_988 = tpu.memref_slice %arg6[%add3A_982] : memref<638976xf32, #tpu.memory_space<hbm>> -> memref<128xf32, #tpu.memory_space<hbm>>
        %dma_wait3A_989 = tpu.memref_slice %arg16[%dma_wait3A_984] : memref<2x!tpu.dma_semaphore, #tpu.memory_space<semaphore_mem>> -> memref<1x!tpu.dma_semaphore, #tpu.memory_space<semaphore_mem>>
        %dma_wait3A_990 = tpu.memref_squeeze %dma_wait3A_989 : memref<1x!tpu.dma_semaphore, #tpu.memory_space<semaphore_mem>> -> memref<!tpu.dma_semaphore, #tpu.memory_space<semaphore_mem>>
        %dma_wait3A_991 = tpu.memref_slice %arg6[%add3A_982] : memref<638976xf32, #tpu.memory_space<hbm>> -> memref<128xf32, #tpu.memory_space<hbm>>
        %dma_wait3A_992 = arith.constant 0 : i32
        %dma_wait3A_993 = tpu.memref_slice %arg13[%dma_wait3A_983, %dma_wait3A_992] : memref<2x128xf32, #tpu.memory_space<vmem>> -> memref<1x128xf32, #tpu.memory_space<vmem>>
        %dma_wait3A_994 = tpu.memref_squeeze %dma_wait3A_993 : memref<1x128xf32, #tpu.memory_space<vmem>> -> memref<128xf32, #tpu.memory_space<vmem>>
        tpu.wait_dma2 semaphore(%dma_wait3A_990 : memref<!tpu.dma_semaphore, #tpu.memory_space<semaphore_mem>>) src(%dma_wait3A_994 : memref<128xf32, #tpu.memory_space<vmem>>) dst(%dma_wait3A_991 : memref<128xf32, #tpu.memory_space<hbm>>)
      } else {
      }
      %broadcast_in_dim3A_618 = arith.constant 0.000000e+00 : f32
      %broadcast_in_dim3A_619 = vector.broadcast %broadcast_in_dim3A_618 : f32 to vector<16xf32>
      %broadcast_in_dim3A_620 = arith.constant 0.000000e+00 : f32
      %broadcast_in_dim3A_621 = vector.broadcast %broadcast_in_dim3A_620 : f32 to vector<16xf32>
      %broadcast_in_dim3A_622 = arith.constant 0.000000e+00 : f32
      %broadcast_in_dim3A_623 = vector.broadcast %broadcast_in_dim3A_622 : f32 to vector<16xf32>
      %broadcast_in_dim3A_624 = arith.constant 0.000000e+00 : f32
      %broadcast_in_dim3A_625 = vector.broadcast %broadcast_in_dim3A_624 : f32 to vector<16xf32>
      %broadcast_in_dim3A_626 = arith.constant 0.000000e+00 : f32
      %broadcast_in_dim3A_627 = vector.broadcast %broadcast_in_dim3A_626 : f32 to vector<16xf32>
      %broadcast_in_dim3A_628 = arith.constant 0.000000e+00 : f32
      %broadcast_in_dim3A_629 = vector.broadcast %broadcast_in_dim3A_628 : f32 to vector<16xf32>
      %broadcast_in_dim3A_630 = arith.constant 0.000000e+00 : f32
      %broadcast_in_dim3A_631 = vector.broadcast %broadcast_in_dim3A_630 : f32 to vector<16xf32>
      %broadcast_in_dim3A_632 = arith.constant 0.000000e+00 : f32
      %broadcast_in_dim3A_633 = vector.broadcast %broadcast_in_dim3A_632 : f32 to vector<16xf32>
      %parallel_loop3A_634 = arith.constant 0 : i32
      %parallel_loop3A_635 = arith.constant 128 : i32
      %parallel_loop3A_636 = arith.constant 1 : i32
      %parallel_loop3A_637 = arith.constant 1 : i32
      %parallel_loop3A_638 = arith.constant 1 : i32
      %parallel_loop3A_639:8 = scf.for %parallel_loop3A_979 = %parallel_loop3A_634 to %parallel_loop3A_635 step %parallel_loop3A_636 iter_args(%parallel_loop3A_980 = %broadcast_in_dim3A_619, %parallel_loop3A_981 = %broadcast_in_dim3A_621, %parallel_loop3A_982 = %broadcast_in_dim3A_623, %parallel_loop3A_983 = %broadcast_in_dim3A_625, %parallel_loop3A_984 = %broadcast_in_dim3A_627, %parallel_loop3A_985 = %broadcast_in_dim3A_629, %parallel_loop3A_986 = %broadcast_in_dim3A_631, %parallel_loop3A_987 = %broadcast_in_dim3A_633) -> (vector<16xf32>, vector<16xf32>, vector<16xf32>, vector<16xf32>, vector<16xf32>, vector<16xf32>, vector<16xf32>, vector<16xf32>)  : i32 {
        %parallel_loop3A_988 = vector.broadcast %parallel_loop3A_979 : i32 to vector<16xi32>
        %parallel_loop3A_989 = arith.constant 0 : i32
        %parallel_loop3A_990 = arith.constant 0 : i32
        %parallel_loop3A_991 = tpu.memref_slice %arg11[%parallel_loop3A_637, %parallel_loop3A_989, %parallel_loop3A_990] : memref<2x128x128xf32, #tpu.memory_space<vmem>> -> memref<1x128x128xf32, #tpu.memory_space<vmem>>
        %parallel_loop3A_992 = tpu.memref_squeeze %parallel_loop3A_991 : memref<1x128x128xf32, #tpu.memory_space<vmem>> -> memref<128x128xf32, #tpu.memory_space<vmem>>
        %parallel_loop3A_993 = tpu.vector_load_idx %parallel_loop3A_992[%add3A_5, %parallel_loop3A_988] : memref<128x128xf32, #tpu.memory_space<vmem>>[vector<16xi32>, vector<16xi32>], vector<16xf32>,
        %parallel_loop3A_994 = arith.constant 0 : i32
        %parallel_loop3A_995 = arith.constant 0 : i32
        %parallel_loop3A_996 = tpu.memref_slice %arg12[%parallel_loop3A_638, %parallel_loop3A_994, %parallel_loop3A_995] : memref<2x128x128xf32, #tpu.memory_space<vmem>> -> memref<1x128x128xf32, #tpu.memory_space<vmem>>
        %parallel_loop3A_997 = tpu.memref_squeeze %parallel_loop3A_996 : memref<1x128x128xf32, #tpu.memory_space<vmem>> -> memref<128x128xf32, #tpu.memory_space<vmem>>
        %parallel_loop3A_998 = tpu.vector_load_idx %parallel_loop3A_997[%add3A_5, %parallel_loop3A_988] : memref<128x128xf32, #tpu.memory_space<vmem>>[vector<16xi32>, vector<16xi32>], vector<16xf32>,
        %parallel_loop3A_999 = arith.mulf %parallel_loop3A_993, %parallel_loop3A_998 : vector<16xf32>
        %parallel_loop3A_1000 = arith.addf %parallel_loop3A_980, %parallel_loop3A_999 : vector<16xf32>
        %parallel_loop3A_1001 = arith.constant 0 : i32
        %parallel_loop3A_1002 = arith.constant 0 : i32
        %parallel_loop3A_1003 = tpu.memref_slice %arg11[%parallel_loop3A_637, %parallel_loop3A_1001, %parallel_loop3A_1002] : memref<2x128x128xf32, #tpu.memory_space<vmem>> -> memref<1x128x128xf32, #tpu.memory_space<vmem>>
        %parallel_loop3A_1004 = tpu.memref_squeeze %parallel_loop3A_1003 : memref<1x128x128xf32, #tpu.memory_space<vmem>> -> memref<128x128xf32, #tpu.memory_space<vmem>>
        %parallel_loop3A_1005 = tpu.vector_load_idx %parallel_loop3A_1004[%add3A_8, %parallel_loop3A_988] : memref<128x128xf32, #tpu.memory_space<vmem>>[vector<16xi32>, vector<16xi32>], vector<16xf32>,
        %parallel_loop3A_1006 = arith.constant 0 : i32
        %parallel_loop3A_1007 = arith.constant 0 : i32
        %parallel_loop3A_1008 = tpu.memref_slice %arg12[%parallel_loop3A_638, %parallel_loop3A_1006, %parallel_loop3A_1007] : memref<2x128x128xf32, #tpu.memory_space<vmem>> -> memref<1x128x128xf32, #tpu.memory_space<vmem>>
        %parallel_loop3A_1009 = tpu.memref_squeeze %parallel_loop3A_1008 : memref<1x128x128xf32, #tpu.memory_space<vmem>> -> memref<128x128xf32, #tpu.memory_space<vmem>>
        %parallel_loop3A_1010 = tpu.vector_load_idx %parallel_loop3A_1009[%add3A_8, %parallel_loop3A_988] : memref<128x128xf32, #tpu.memory_space<vmem>>[vector<16xi32>, vector<16xi32>], vector<16xf32>,
        %parallel_loop3A_1011 = arith.mulf %parallel_loop3A_1005, %parallel_loop3A_1010 : vector<16xf32>
        %parallel_loop3A_1012 = arith.addf %parallel_loop3A_981, %parallel_loop3A_1011 : vector<16xf32>
        %parallel_loop3A_1013 = arith.constant 0 : i32
        %parallel_loop3A_1014 = arith.constant 0 : i32
        %parallel_loop3A_1015 = tpu.memref_slice %arg11[%parallel_loop3A_637, %parallel_loop3A_1013, %parallel_loop3A_1014] : memref<2x128x128xf32, #tpu.memory_space<vmem>> -> memref<1x128x128xf32, #tpu.memory_space<vmem>>
        %parallel_loop3A_1016 = tpu.memref_squeeze %parallel_loop3A_1015 : memref<1x128x128xf32, #tpu.memory_space<vmem>> -> memref<128x128xf32, #tpu.memory_space<vmem>>
        %parallel_loop3A_1017 = tpu.vector_load_idx %parallel_loop3A_1016[%add3A_11, %parallel_loop3A_988] : memref<128x128xf32, #tpu.memory_space<vmem>>[vector<16xi32>, vector<16xi32>], vector<16xf32>,
        %parallel_loop3A_1018 = arith.constant 0 : i32
        %parallel_loop3A_1019 = arith.constant 0 : i32
        %parallel_loop3A_1020 = tpu.memref_slice %arg12[%parallel_loop3A_638, %parallel_loop3A_1018, %parallel_loop3A_1019] : memref<2x128x128xf32, #tpu.memory_space<vmem>> -> memref<1x128x128xf32, #tpu.memory_space<vmem>>
        %parallel_loop3A_1021 = tpu.memref_squeeze %parallel_loop3A_1020 : memref<1x128x128xf32, #tpu.memory_space<vmem>> -> memref<128x128xf32, #tpu.memory_space<vmem>>
        %parallel_loop3A_1022 = tpu.vector_load_idx %parallel_loop3A_1021[%add3A_11, %parallel_loop3A_988] : memref<128x128xf32, #tpu.memory_space<vmem>>[vector<16xi32>, vector<16xi32>], vector<16xf32>,
        %parallel_loop3A_1023 = arith.mulf %parallel_loop3A_1017, %parallel_loop3A_1022 : vector<16xf32>
        %parallel_loop3A_1024 = arith.addf %parallel_loop3A_982, %parallel_loop3A_1023 : vector<16xf32>
        %parallel_loop3A_1025 = arith.constant 0 : i32
        %parallel_loop3A_1026 = arith.constant 0 : i32
        %parallel_loop3A_1027 = tpu.memref_slice %arg11[%parallel_loop3A_637, %parallel_loop3A_1025, %parallel_loop3A_1026] : memref<2x128x128xf32, #tpu.memory_space<vmem>> -> memref<1x128x128xf32, #tpu.memory_space<vmem>>
        %parallel_loop3A_1028 = tpu.memref_squeeze %parallel_loop3A_1027 : memref<1x128x128xf32, #tpu.memory_space<vmem>> -> memref<128x128xf32, #tpu.memory_space<vmem>>
        %parallel_loop3A_1029 = tpu.vector_load_idx %parallel_loop3A_1028[%add3A_14, %parallel_loop3A_988] : memref<128x128xf32, #tpu.memory_space<vmem>>[vector<16xi32>, vector<16xi32>], vector<16xf32>,
        %parallel_loop3A_1030 = arith.constant 0 : i32
        %parallel_loop3A_1031 = arith.constant 0 : i32
        %parallel_loop3A_1032 = tpu.memref_slice %arg12[%parallel_loop3A_638, %parallel_loop3A_1030, %parallel_loop3A_1031] : memref<2x128x128xf32, #tpu.memory_space<vmem>> -> memref<1x128x128xf32, #tpu.memory_space<vmem>>
        %parallel_loop3A_1033 = tpu.memref_squeeze %parallel_loop3A_1032 : memref<1x128x128xf32, #tpu.memory_space<vmem>> -> memref<128x128xf32, #tpu.memory_space<vmem>>
        %parallel_loop3A_1034 = tpu.vector_load_idx %parallel_loop3A_1033[%add3A_14, %parallel_loop3A_988] : memref<128x128xf32, #tpu.memory_space<vmem>>[vector<16xi32>, vector<16xi32>], vector<16xf32>,
        %parallel_loop3A_1035 = arith.mulf %parallel_loop3A_1029, %parallel_loop3A_1034 : vector<16xf32>
        %parallel_loop3A_1036 = arith.addf %parallel_loop3A_983, %parallel_loop3A_1035 : vector<16xf32>
        %parallel_loop3A_1037 = arith.constant 0 : i32
        %parallel_loop3A_1038 = arith.constant 0 : i32
        %parallel_loop3A_1039 = tpu.memref_slice %arg11[%parallel_loop3A_637, %parallel_loop3A_1037, %parallel_loop3A_1038] : memref<2x128x128xf32, #tpu.memory_space<vmem>> -> memref<1x128x128xf32, #tpu.memory_space<vmem>>
        %parallel_loop3A_1040 = tpu.memref_squeeze %parallel_loop3A_1039 : memref<1x128x128xf32, #tpu.memory_space<vmem>> -> memref<128x128xf32, #tpu.memory_space<vmem>>
        %parallel_loop3A_1041 = tpu.vector_load_idx %parallel_loop3A_1040[%add3A_17, %parallel_loop3A_988] : memref<128x128xf32, #tpu.memory_space<vmem>>[vector<16xi32>, vector<16xi32>], vector<16xf32>,
        %parallel_loop3A_1042 = arith.constant 0 : i32
        %parallel_loop3A_1043 = arith.constant 0 : i32
        %parallel_loop3A_1044 = tpu.memref_slice %arg12[%parallel_loop3A_638, %parallel_loop3A_1042, %parallel_loop3A_1043] : memref<2x128x128xf32, #tpu.memory_space<vmem>> -> memref<1x128x128xf32, #tpu.memory_space<vmem>>
        %parallel_loop3A_1045 = tpu.memref_squeeze %parallel_loop3A_1044 : memref<1x128x128xf32, #tpu.memory_space<vmem>> -> memref<128x128xf32, #tpu.memory_space<vmem>>
        %parallel_loop3A_1046 = tpu.vector_load_idx %parallel_loop3A_1045[%add3A_17, %parallel_loop3A_988] : memref<128x128xf32, #tpu.memory_space<vmem>>[vector<16xi32>, vector<16xi32>], vector<16xf32>,
        %parallel_loop3A_1047 = arith.mulf %parallel_loop3A_1041, %parallel_loop3A_1046 : vector<16xf32>
        %parallel_loop3A_1048 = arith.addf %parallel_loop3A_984, %parallel_loop3A_1047 : vector<16xf32>
        %parallel_loop3A_1049 = arith.constant 0 : i32
        %parallel_loop3A_1050 = arith.constant 0 : i32
        %parallel_loop3A_1051 = tpu.memref_slice %arg11[%parallel_loop3A_637, %parallel_loop3A_1049, %parallel_loop3A_1050] : memref<2x128x128xf32, #tpu.memory_space<vmem>> -> memref<1x128x128xf32, #tpu.memory_space<vmem>>
        %parallel_loop3A_1052 = tpu.memref_squeeze %parallel_loop3A_1051 : memref<1x128x128xf32, #tpu.memory_space<vmem>> -> memref<128x128xf32, #tpu.memory_space<vmem>>
        %parallel_loop3A_1053 = tpu.vector_load_idx %parallel_loop3A_1052[%add3A_20, %parallel_loop3A_988] : memref<128x128xf32, #tpu.memory_space<vmem>>[vector<16xi32>, vector<16xi32>], vector<16xf32>,
        %parallel_loop3A_1054 = arith.constant 0 : i32
        %parallel_loop3A_1055 = arith.constant 0 : i32
        %parallel_loop3A_1056 = tpu.memref_slice %arg12[%parallel_loop3A_638, %parallel_loop3A_1054, %parallel_loop3A_1055] : memref<2x128x128xf32, #tpu.memory_space<vmem>> -> memref<1x128x128xf32, #tpu.memory_space<vmem>>
        %parallel_loop3A_1057 = tpu.memref_squeeze %parallel_loop3A_1056 : memref<1x128x128xf32, #tpu.memory_space<vmem>> -> memref<128x128xf32, #tpu.memory_space<vmem>>
        %parallel_loop3A_1058 = tpu.vector_load_idx %parallel_loop3A_1057[%add3A_20, %parallel_loop3A_988] : memref<128x128xf32, #tpu.memory_space<vmem>>[vector<16xi32>, vector<16xi32>], vector<16xf32>,
        %parallel_loop3A_1059 = arith.mulf %parallel_loop3A_1053, %parallel_loop3A_1058 : vector<16xf32>
        %parallel_loop3A_1060 = arith.addf %parallel_loop3A_985, %parallel_loop3A_1059 : vector<16xf32>
        %parallel_loop3A_1061 = arith.constant 0 : i32
        %parallel_loop3A_1062 = arith.constant 0 : i32
        %parallel_loop3A_1063 = tpu.memref_slice %arg11[%parallel_loop3A_637, %parallel_loop3A_1061, %parallel_loop3A_1062] : memref<2x128x128xf32, #tpu.memory_space<vmem>> -> memref<1x128x128xf32, #tpu.memory_space<vmem>>
        %parallel_loop3A_1064 = tpu.memref_squeeze %parallel_loop3A_1063 : memref<1x128x128xf32, #tpu.memory_space<vmem>> -> memref<128x128xf32, #tpu.memory_space<vmem>>
        %parallel_loop3A_1065 = tpu.vector_load_idx %parallel_loop3A_1064[%add3A_23, %parallel_loop3A_988] : memref<128x128xf32, #tpu.memory_space<vmem>>[vector<16xi32>, vector<16xi32>], vector<16xf32>,
        %parallel_loop3A_1066 = arith.constant 0 : i32
        %parallel_loop3A_1067 = arith.constant 0 : i32
        %parallel_loop3A_1068 = tpu.memref_slice %arg12[%parallel_loop3A_638, %parallel_loop3A_1066, %parallel_loop3A_1067] : memref<2x128x128xf32, #tpu.memory_space<vmem>> -> memref<1x128x128xf32, #tpu.memory_space<vmem>>
        %parallel_loop3A_1069 = tpu.memref_squeeze %parallel_loop3A_1068 : memref<1x128x128xf32, #tpu.memory_space<vmem>> -> memref<128x128xf32, #tpu.memory_space<vmem>>
        %parallel_loop3A_1070 = tpu.vector_load_idx %parallel_loop3A_1069[%add3A_23, %parallel_loop3A_988] : memref<128x128xf32, #tpu.memory_space<vmem>>[vector<16xi32>, vector<16xi32>], vector<16xf32>,
        %parallel_loop3A_1071 = arith.mulf %parallel_loop3A_1065, %parallel_loop3A_1070 : vector<16xf32>
        %parallel_loop3A_1072 = arith.addf %parallel_loop3A_986, %parallel_loop3A_1071 : vector<16xf32>
        %parallel_loop3A_1073 = arith.constant 0 : i32
        %parallel_loop3A_1074 = arith.constant 0 : i32
        %parallel_loop3A_1075 = tpu.memref_slice %arg11[%parallel_loop3A_637, %parallel_loop3A_1073, %parallel_loop3A_1074] : memref<2x128x128xf32, #tpu.memory_space<vmem>> -> memref<1x128x128xf32, #tpu.memory_space<vmem>>
        %parallel_loop3A_1076 = tpu.memref_squeeze %parallel_loop3A_1075 : memref<1x128x128xf32, #tpu.memory_space<vmem>> -> memref<128x128xf32, #tpu.memory_space<vmem>>
        %parallel_loop3A_1077 = tpu.vector_load_idx %parallel_loop3A_1076[%add3A_26, %parallel_loop3A_988] : memref<128x128xf32, #tpu.memory_space<vmem>>[vector<16xi32>, vector<16xi32>], vector<16xf32>,
        %parallel_loop3A_1078 = arith.constant 0 : i32
        %parallel_loop3A_1079 = arith.constant 0 : i32
        %parallel_loop3A_1080 = tpu.memref_slice %arg12[%parallel_loop3A_638, %parallel_loop3A_1078, %parallel_loop3A_1079] : memref<2x128x128xf32, #tpu.memory_space<vmem>> -> memref<1x128x128xf32, #tpu.memory_space<vmem>>
        %parallel_loop3A_1081 = tpu.memref_squeeze %parallel_loop3A_1080 : memref<1x128x128xf32, #tpu.memory_space<vmem>> -> memref<128x128xf32, #tpu.memory_space<vmem>>
        %parallel_loop3A_1082 = tpu.vector_load_idx %parallel_loop3A_1081[%add3A_26, %parallel_loop3A_988] : memref<128x128xf32, #tpu.memory_space<vmem>>[vector<16xi32>, vector<16xi32>], vector<16xf32>,
        %parallel_loop3A_1083 = arith.mulf %parallel_loop3A_1077, %parallel_loop3A_1082 : vector<16xf32>
        %parallel_loop3A_1084 = arith.addf %parallel_loop3A_987, %parallel_loop3A_1083 : vector<16xf32>
        scf.yield %parallel_loop3A_1000, %parallel_loop3A_1012, %parallel_loop3A_1024, %parallel_loop3A_1036, %parallel_loop3A_1048, %parallel_loop3A_1060, %parallel_loop3A_1072, %parallel_loop3A_1084 : vector<16xf32>, vector<16xf32>, vector<16xf32>, vector<16xf32>, vector<16xf32>, vector<16xf32>, vector<16xf32>, vector<16xf32>
      } {sc.loop_unroll_factor = 4 : i64, sc.parallel_access}
      %swap3A_640 = arith.constant 1 : i32
      %swap3A_641 = arith.constant 0 : i32
      %swap3A_642 = tpu.memref_slice %arg13[%swap3A_640, %swap3A_641] : memref<2x128xf32, #tpu.memory_space<vmem>> -> memref<1x128xf32, #tpu.memory_space<vmem>>
      %swap3A_643 = tpu.memref_squeeze %swap3A_642 : memref<1x128xf32, #tpu.memory_space<vmem>> -> memref<128xf32, #tpu.memory_space<vmem>>
      %swap3A_644 = arith.constant 0 : index
      %swap3A_645 = tpu.vector_load %swap3A_643[%swap3A_644] {strides = array<i32>} : memref<128xf32, #tpu.memory_space<vmem>>, vector<16xf32>,
      tpu.vector_store %swap3A_643[%swap3A_644], %parallel_loop3A_639#0 {strides = array<i32>} : memref<128xf32, #tpu.memory_space<vmem>>, vector<16xf32>,
      %swap3A_646 = arith.constant 1 : i32
      %swap3A_647 = arith.constant 0 : i32
      %swap3A_648 = tpu.memref_slice %arg13[%swap3A_646, %swap3A_647] : memref<2x128xf32, #tpu.memory_space<vmem>> -> memref<1x128xf32, #tpu.memory_space<vmem>>
      %swap3A_649 = tpu.memref_squeeze %swap3A_648 : memref<1x128xf32, #tpu.memory_space<vmem>> -> memref<128xf32, #tpu.memory_space<vmem>>
      %swap3A_650 = arith.constant 16 : index
      %swap3A_651 = tpu.vector_load %swap3A_649[%swap3A_650] {strides = array<i32>} : memref<128xf32, #tpu.memory_space<vmem>>, vector<16xf32>,
      tpu.vector_store %swap3A_649[%swap3A_650], %parallel_loop3A_639#1 {strides = array<i32>} : memref<128xf32, #tpu.memory_space<vmem>>, vector<16xf32>,
      %swap3A_652 = arith.constant 1 : i32
      %swap3A_653 = arith.constant 0 : i32
      %swap3A_654 = tpu.memref_slice %arg13[%swap3A_652, %swap3A_653] : memref<2x128xf32, #tpu.memory_space<vmem>> -> memref<1x128xf32, #tpu.memory_space<vmem>>
      %swap3A_655 = tpu.memref_squeeze %swap3A_654 : memref<1x128xf32, #tpu.memory_space<vmem>> -> memref<128xf32, #tpu.memory_space<vmem>>
      %swap3A_656 = arith.constant 32 : index
      %swap3A_657 = tpu.vector_load %swap3A_655[%swap3A_656] {strides = array<i32>} : memref<128xf32, #tpu.memory_space<vmem>>, vector<16xf32>,
      tpu.vector_store %swap3A_655[%swap3A_656], %parallel_loop3A_639#2 {strides = array<i32>} : memref<128xf32, #tpu.memory_space<vmem>>, vector<16xf32>,
      %swap3A_658 = arith.constant 1 : i32
      %swap3A_659 = arith.constant 0 : i32
      %swap3A_660 = tpu.memref_slice %arg13[%swap3A_658, %swap3A_659] : memref<2x128xf32, #tpu.memory_space<vmem>> -> memref<1x128xf32, #tpu.memory_space<vmem>>
      %swap3A_661 = tpu.memref_squeeze %swap3A_660 : memref<1x128xf32, #tpu.memory_space<vmem>> -> memref<128xf32, #tpu.memory_space<vmem>>
      %swap3A_662 = arith.constant 48 : index
      %swap3A_663 = tpu.vector_load %swap3A_661[%swap3A_662] {strides = array<i32>} : memref<128xf32, #tpu.memory_space<vmem>>, vector<16xf32>,
      tpu.vector_store %swap3A_661[%swap3A_662], %parallel_loop3A_639#3 {strides = array<i32>} : memref<128xf32, #tpu.memory_space<vmem>>, vector<16xf32>,
      %swap3A_664 = arith.constant 1 : i32
      %swap3A_665 = arith.constant 0 : i32
      %swap3A_666 = tpu.memref_slice %arg13[%swap3A_664, %swap3A_665] : memref<2x128xf32, #tpu.memory_space<vmem>> -> memref<1x128xf32, #tpu.memory_space<vmem>>
      %swap3A_667 = tpu.memref_squeeze %swap3A_666 : memref<1x128xf32, #tpu.memory_space<vmem>> -> memref<128xf32, #tpu.memory_space<vmem>>
      %swap3A_668 = arith.constant 64 : index
      %swap3A_669 = tpu.vector_load %swap3A_667[%swap3A_668] {strides = array<i32>} : memref<128xf32, #tpu.memory_space<vmem>>, vector<16xf32>,
      tpu.vector_store %swap3A_667[%swap3A_668], %parallel_loop3A_639#4 {strides = array<i32>} : memref<128xf32, #tpu.memory_space<vmem>>, vector<16xf32>,
      %swap3A_670 = arith.constant 1 : i32
      %swap3A_671 = arith.constant 0 : i32
      %swap3A_672 = tpu.memref_slice %arg13[%swap3A_670, %swap3A_671] : memref<2x128xf32, #tpu.memory_space<vmem>> -> memref<1x128xf32, #tpu.memory_space<vmem>>
      %swap3A_673 = tpu.memref_squeeze %swap3A_672 : memref<1x128xf32, #tpu.memory_space<vmem>> -> memref<128xf32, #tpu.memory_space<vmem>>
      %swap3A_674 = arith.constant 80 : index
      %swap3A_675 = tpu.vector_load %swap3A_673[%swap3A_674] {strides = array<i32>} : memref<128xf32, #tpu.memory_space<vmem>>, vector<16xf32>,
      tpu.vector_store %swap3A_673[%swap3A_674], %parallel_loop3A_639#5 {strides = array<i32>} : memref<128xf32, #tpu.memory_space<vmem>>, vector<16xf32>,
      %swap3A_676 = arith.constant 1 : i32
      %swap3A_677 = arith.constant 0 : i32
      %swap3A_678 = tpu.memref_slice %arg13[%swap3A_676, %swap3A_677] : memref<2x128xf32, #tpu.memory_space<vmem>> -> memref<1x128xf32, #tpu.memory_space<vmem>>
      %swap3A_679 = tpu.memref_squeeze %swap3A_678 : memref<1x128xf32, #tpu.memory_space<vmem>> -> memref<128xf32, #tpu.memory_space<vmem>>
      %swap3A_680 = arith.constant 96 : index
      %swap3A_681 = tpu.vector_load %swap3A_679[%swap3A_680] {strides = array<i32>} : memref<128xf32, #tpu.memory_space<vmem>>, vector<16xf32>,
      tpu.vector_store %swap3A_679[%swap3A_680], %parallel_loop3A_639#6 {strides = array<i32>} : memref<128xf32, #tpu.memory_space<vmem>>, vector<16xf32>,
      %swap3A_682 = arith.constant 1 : i32
      %swap3A_683 = arith.constant 0 : i32
      %swap3A_684 = tpu.memref_slice %arg13[%swap3A_682, %swap3A_683] : memref<2x128xf32, #tpu.memory_space<vmem>> -> memref<1x128xf32, #tpu.memory_space<vmem>>
      %swap3A_685 = tpu.memref_squeeze %swap3A_684 : memref<1x128xf32, #tpu.memory_space<vmem>> -> memref<128xf32, #tpu.memory_space<vmem>>
      %swap3A_686 = arith.constant 112 : index
      %swap3A_687 = tpu.vector_load %swap3A_685[%swap3A_686] {strides = array<i32>} : memref<128xf32, #tpu.memory_space<vmem>>, vector<16xf32>,
      tpu.vector_store %swap3A_685[%swap3A_686], %parallel_loop3A_639#7 {strides = array<i32>} : memref<128xf32, #tpu.memory_space<vmem>>, vector<16xf32>,
      %mul3A_688 = arith.constant 128 : i32
      %mul3A_689 = arith.muli %add3A_568, %mul3A_688 : i32
      %add3A_690 = arith.addi %mul3A_2, %mul3A_689 : i32
      %dma_start3A_691 = arith.constant 1 : i32
      %dma_start3A_692 = arith.constant 1 : i32
      %dma_start3A_693 = arith.constant 0 : i32
      %dma_start3A_694 = tpu.memref_slice %arg13[%dma_start3A_691, %dma_start3A_693] : memref<2x128xf32, #tpu.memory_space<vmem>> -> memref<1x128xf32, #tpu.memory_space<vmem>>
      %dma_start3A_695 = tpu.memref_squeeze %dma_start3A_694 : memref<1x128xf32, #tpu.memory_space<vmem>> -> memref<128xf32, #tpu.memory_space<vmem>>
      %dma_start3A_696 = tpu.memref_slice %arg6[%add3A_690] : memref<638976xf32, #tpu.memory_space<hbm>> -> memref<128xf32, #tpu.memory_space<hbm>>
      %dma_start3A_697 = tpu.memref_slice %arg16[%dma_start3A_692] : memref<2x!tpu.dma_semaphore, #tpu.memory_space<semaphore_mem>> -> memref<1x!tpu.dma_semaphore, #tpu.memory_space<semaphore_mem>>
      %dma_start3A_698 = tpu.memref_squeeze %dma_start3A_697 : memref<1x!tpu.dma_semaphore, #tpu.memory_space<semaphore_mem>> -> memref<!tpu.dma_semaphore, #tpu.memory_space<semaphore_mem>>
      %dma_start3A_699 = tpu.memref_slice %arg6[%add3A_690] : memref<638976xf32, #tpu.memory_space<hbm>> -> memref<128xf32, #tpu.memory_space<hbm>>
      %dma_start3A_700 = arith.constant 0 : i32
      %dma_start3A_701 = tpu.memref_slice %arg13[%dma_start3A_691, %dma_start3A_700] : memref<2x128xf32, #tpu.memory_space<vmem>> -> memref<1x128xf32, #tpu.memory_space<vmem>>
      %dma_start3A_702 = tpu.memref_squeeze %dma_start3A_701 : memref<1x128xf32, #tpu.memory_space<vmem>> -> memref<128xf32, #tpu.memory_space<vmem>>
      tpu.enqueue_dma source(%dma_start3A_702 : memref<128xf32, #tpu.memory_space<vmem>>) target(%dma_start3A_699 : memref<128xf32, #tpu.memory_space<hbm>>) target_semaphore(%dma_start3A_698 : memref<!tpu.dma_semaphore, #tpu.memory_space<semaphore_mem>>)
      %mul3A_703 = arith.constant 6 : i32
      %mul3A_704 = arith.muli %add3A_157, %mul3A_703 : i32
      %add3A_705 = arith.constant 4 : i32
      %add3A_706 = arith.addi %mul3A_704, %add3A_705 : i32
      %add3A_707 = arith.constant 2 : i32
      %add3A_708 = arith.addi %add3A_706, %add3A_707 : i32
      %lt3A_709 = arith.constant 156 : i32
      %lt3A_710 = arith.cmpi slt, %add3A_708, %lt3A_709 : i32
      %convert_element_type3A_711 = arith.extui %lt3A_710 : i1 to i32
      %cond3A_712 = arith.constant 0 : i32
      %cond3A_713 = arith.cmpi ne, %convert_element_type3A_711, %cond3A_712 : i32
      scf.if %cond3A_713 {
        %add3A_979 = arith.constant 2 : i32
        %add3A_980 = arith.addi %add3A_706, %add3A_979 : i32
        %mul3A_981 = arith.constant 128 : i32
        %mul3A_982 = arith.muli %add3A_980, %mul3A_981 : i32
        %dma_start3A_983 = arith.constant 0 : i32
        %dma_start3A_984 = arith.constant 0 : i32
        %dma_start3A_985 = arith.constant 0 : i32
        %dma_start3A_986 = tpu.memref_slice %arg9[%dma_start3A_983, %dma_start3A_985] : memref<3x128xi32, #tpu.memory_space<vmem>> -> memref<1x128xi32, #tpu.memory_space<vmem>>
        %dma_start3A_987 = tpu.memref_squeeze %dma_start3A_986 : memref<1x128xi32, #tpu.memory_space<vmem>> -> memref<128xi32, #tpu.memory_space<vmem>>
        %dma_start3A_988 = tpu.memref_slice %arg7[%mul3A_982] : memref<19968xi32, #tpu.memory_space<vmem>> -> memref<128xi32, #tpu.memory_space<vmem>>
        %dma_start3A_989 = arith.constant 0 : i32
        %dma_start3A_990 = tpu.memref_slice %arg4[%dma_start3A_989] : memref<100000xi32, #tpu.memory_space<hbm>> -> memref<100000xi32, #tpu.memory_space<hbm>>
        %dma_start3A_991 = tpu.memref_slice %arg14[%dma_start3A_984] : memref<2x!tpu.dma_semaphore, #tpu.memory_space<semaphore_mem>> -> memref<1x!tpu.dma_semaphore, #tpu.memory_space<semaphore_mem>>
        %dma_start3A_992 = tpu.memref_squeeze %dma_start3A_991 : memref<1x!tpu.dma_semaphore, #tpu.memory_space<semaphore_mem>> -> memref<!tpu.dma_semaphore, #tpu.memory_space<semaphore_mem>>
        tpu.enqueue_indirect_dma source(%dma_start3A_990 : memref<100000xi32, #tpu.memory_space<hbm>>) target(%dma_start3A_987 : memref<128xi32, #tpu.memory_space<vmem>>) offsets(%dma_start3A_988 : memref<128xi32, #tpu.memory_space<vmem>>) semaphore(%dma_start3A_992 : memref<!tpu.dma_semaphore, #tpu.memory_space<semaphore_mem>>)
        %mul3A_993 = arith.constant 128 : i32
        %mul3A_994 = arith.muli %add3A_980, %mul3A_993 : i32
        %dma_start3A_995 = arith.constant 0 : i32
        %dma_start3A_996 = arith.constant 0 : i32
        %dma_start3A_997 = arith.constant 0 : i32
        %dma_start3A_998 = tpu.memref_slice %arg10[%dma_start3A_995, %dma_start3A_997] : memref<3x128xi32, #tpu.memory_space<vmem>> -> memref<1x128xi32, #tpu.memory_space<vmem>>
        %dma_start3A_999 = tpu.memref_squeeze %dma_start3A_998 : memref<1x128xi32, #tpu.memory_space<vmem>> -> memref<128xi32, #tpu.memory_space<vmem>>
        %dma_start3A_1000 = tpu.memref_slice %arg8[%mul3A_994] : memref<19968xi32, #tpu.memory_space<vmem>> -> memref<128xi32, #tpu.memory_space<vmem>>
        %dma_start3A_1001 = arith.constant 0 : i32
        %dma_start3A_1002 = tpu.memref_slice %arg4[%dma_start3A_1001] : memref<100000xi32, #tpu.memory_space<hbm>> -> memref<100000xi32, #tpu.memory_space<hbm>>
        %dma_start3A_1003 = tpu.memref_slice %arg14[%dma_start3A_996] : memref<2x!tpu.dma_semaphore, #tpu.memory_space<semaphore_mem>> -> memref<1x!tpu.dma_semaphore, #tpu.memory_space<semaphore_mem>>
        %dma_start3A_1004 = tpu.memref_squeeze %dma_start3A_1003 : memref<1x!tpu.dma_semaphore, #tpu.memory_space<semaphore_mem>> -> memref<!tpu.dma_semaphore, #tpu.memory_space<semaphore_mem>>
        tpu.enqueue_indirect_dma source(%dma_start3A_1002 : memref<100000xi32, #tpu.memory_space<hbm>>) target(%dma_start3A_999 : memref<128xi32, #tpu.memory_space<vmem>>) offsets(%dma_start3A_1000 : memref<128xi32, #tpu.memory_space<vmem>>) semaphore(%dma_start3A_1004 : memref<!tpu.dma_semaphore, #tpu.memory_space<semaphore_mem>>)
      } else {
      }
      %add3A_714 = arith.constant 1 : i32
      %add3A_715 = arith.addi %add3A_706, %add3A_714 : i32
      %lt3A_716 = arith.constant 156 : i32
      %lt3A_717 = arith.cmpi slt, %add3A_715, %lt3A_716 : i32
      %convert_element_type3A_718 = arith.extui %lt3A_717 : i1 to i32
      %cond3A_719 = arith.constant 0 : i32
      %cond3A_720 = arith.cmpi ne, %convert_element_type3A_718, %cond3A_719 : i32
      scf.if %cond3A_720 {
        %add3A_979 = arith.constant 1 : i32
        %add3A_980 = arith.addi %add3A_706, %add3A_979 : i32
        %mul3A_981 = arith.constant 128 : i32
        %mul3A_982 = arith.muli %add3A_980, %mul3A_981 : i32
        %dma_wait3A_983 = arith.constant 2 : i32
        %dma_wait3A_984 = arith.constant 1 : i32
        %dma_wait3A_985 = arith.constant 0 : i32
        %dma_wait3A_986 = tpu.memref_slice %arg9[%dma_wait3A_983, %dma_wait3A_985] : memref<3x128xi32, #tpu.memory_space<vmem>> -> memref<1x128xi32, #tpu.memory_space<vmem>>
        %dma_wait3A_987 = tpu.memref_squeeze %dma_wait3A_986 : memref<1x128xi32, #tpu.memory_space<vmem>> -> memref<128xi32, #tpu.memory_space<vmem>>
        %dma_wait3A_988 = tpu.memref_slice %arg7[%mul3A_982] : memref<19968xi32, #tpu.memory_space<vmem>> -> memref<128xi32, #tpu.memory_space<vmem>>
        %dma_wait3A_989 = arith.constant 0 : i32
        %dma_wait3A_990 = tpu.memref_slice %arg4[%dma_wait3A_989] : memref<100000xi32, #tpu.memory_space<hbm>> -> memref<100000xi32, #tpu.memory_space<hbm>>
        %dma_wait3A_991 = tpu.memref_slice %arg14[%dma_wait3A_984] : memref<2x!tpu.dma_semaphore, #tpu.memory_space<semaphore_mem>> -> memref<1x!tpu.dma_semaphore, #tpu.memory_space<semaphore_mem>>
        %dma_wait3A_992 = tpu.memref_squeeze %dma_wait3A_991 : memref<1x!tpu.dma_semaphore, #tpu.memory_space<semaphore_mem>> -> memref<!tpu.dma_semaphore, #tpu.memory_space<semaphore_mem>>
        tpu.wait_indirect_dma semaphore(%dma_wait3A_992 : memref<!tpu.dma_semaphore, #tpu.memory_space<semaphore_mem>>) src(%dma_wait3A_990 : memref<100000xi32, #tpu.memory_space<hbm>>) dst(%dma_wait3A_987 : memref<128xi32, #tpu.memory_space<vmem>>)
        %mul3A_993 = arith.constant 128 : i32
        %mul3A_994 = arith.muli %add3A_980, %mul3A_993 : i32
        %dma_wait3A_995 = arith.constant 2 : i32
        %dma_wait3A_996 = arith.constant 1 : i32
        %dma_wait3A_997 = arith.constant 0 : i32
        %dma_wait3A_998 = tpu.memref_slice %arg10[%dma_wait3A_995, %dma_wait3A_997] : memref<3x128xi32, #tpu.memory_space<vmem>> -> memref<1x128xi32, #tpu.memory_space<vmem>>
        %dma_wait3A_999 = tpu.memref_squeeze %dma_wait3A_998 : memref<1x128xi32, #tpu.memory_space<vmem>> -> memref<128xi32, #tpu.memory_space<vmem>>
        %dma_wait3A_1000 = tpu.memref_slice %arg8[%mul3A_994] : memref<19968xi32, #tpu.memory_space<vmem>> -> memref<128xi32, #tpu.memory_space<vmem>>
        %dma_wait3A_1001 = arith.constant 0 : i32
        %dma_wait3A_1002 = tpu.memref_slice %arg4[%dma_wait3A_1001] : memref<100000xi32, #tpu.memory_space<hbm>> -> memref<100000xi32, #tpu.memory_space<hbm>>
        %dma_wait3A_1003 = tpu.memref_slice %arg14[%dma_wait3A_996] : memref<2x!tpu.dma_semaphore, #tpu.memory_space<semaphore_mem>> -> memref<1x!tpu.dma_semaphore, #tpu.memory_space<semaphore_mem>>
        %dma_wait3A_1004 = tpu.memref_squeeze %dma_wait3A_1003 : memref<1x!tpu.dma_semaphore, #tpu.memory_space<semaphore_mem>> -> memref<!tpu.dma_semaphore, #tpu.memory_space<semaphore_mem>>
        tpu.wait_indirect_dma semaphore(%dma_wait3A_1004 : memref<!tpu.dma_semaphore, #tpu.memory_space<semaphore_mem>>) src(%dma_wait3A_1002 : memref<100000xi32, #tpu.memory_space<hbm>>) dst(%dma_wait3A_999 : memref<128xi32, #tpu.memory_space<vmem>>)
        %dma_start3A_1005 = arith.constant 2 : i32
        %dma_start3A_1006 = arith.constant 1 : i32
        %dma_start3A_1007 = arith.constant 1 : i32
        %dma_start3A_1008 = arith.constant 0 : i32
        %dma_start3A_1009 = arith.constant 0 : i32
        %dma_start3A_1010 = tpu.memref_slice %arg11[%dma_start3A_1006, %dma_start3A_1008, %dma_start3A_1009] : memref<2x128x128xf32, #tpu.memory_space<vmem>> -> memref<1x128x128xf32, #tpu.memory_space<vmem>>
        %dma_start3A_1011 = tpu.memref_squeeze %dma_start3A_1010 : memref<1x128x128xf32, #tpu.memory_space<vmem>> -> memref<128x128xf32, #tpu.memory_space<vmem>>
        %dma_start3A_1012 = arith.constant 0 : i32
        %dma_start3A_1013 = tpu.memref_slice %arg9[%dma_start3A_1005, %dma_start3A_1012] : memref<3x128xi32, #tpu.memory_space<vmem>> -> memref<1x128xi32, #tpu.memory_space<vmem>>
        %dma_start3A_1014 = tpu.memref_squeeze %dma_start3A_1013 : memref<1x128xi32, #tpu.memory_space<vmem>> -> memref<128xi32, #tpu.memory_space<vmem>>
        %dma_start3A_1015 = arith.constant 0 : i32
        %dma_start3A_1016 = arith.constant 0 : i32
        %dma_start3A_1017 = tpu.memref_slice %arg5[%dma_start3A_1015, %dma_start3A_1016] : memref<100000x128xf32, #tpu.memory_space<hbm>> -> memref<100000x128xf32, #tpu.memory_space<hbm>>
        %dma_start3A_1018 = tpu.memref_slice %arg15[%dma_start3A_1007] : memref<2x!tpu.dma_semaphore, #tpu.memory_space<semaphore_mem>> -> memref<1x!tpu.dma_semaphore, #tpu.memory_space<semaphore_mem>>
        %dma_start3A_1019 = tpu.memref_squeeze %dma_start3A_1018 : memref<1x!tpu.dma_semaphore, #tpu.memory_space<semaphore_mem>> -> memref<!tpu.dma_semaphore, #tpu.memory_space<semaphore_mem>>
        tpu.enqueue_indirect_dma source(%dma_start3A_1017 : memref<100000x128xf32, #tpu.memory_space<hbm>>) target(%dma_start3A_1011 : memref<128x128xf32, #tpu.memory_space<vmem>>) offsets(%dma_start3A_1014 : memref<128xi32, #tpu.memory_space<vmem>>) semaphore(%dma_start3A_1019 : memref<!tpu.dma_semaphore, #tpu.memory_space<semaphore_mem>>)
        %dma_start3A_1020 = arith.constant 2 : i32
        %dma_start3A_1021 = arith.constant 1 : i32
        %dma_start3A_1022 = arith.constant 1 : i32
        %dma_start3A_1023 = arith.constant 0 : i32
        %dma_start3A_1024 = arith.constant 0 : i32
        %dma_start3A_1025 = tpu.memref_slice %arg12[%dma_start3A_1021, %dma_start3A_1023, %dma_start3A_1024] : memref<2x128x128xf32, #tpu.memory_space<vmem>> -> memref<1x128x128xf32, #tpu.memory_space<vmem>>
        %dma_start3A_1026 = tpu.memref_squeeze %dma_start3A_1025 : memref<1x128x128xf32, #tpu.memory_space<vmem>> -> memref<128x128xf32, #tpu.memory_space<vmem>>
        %dma_start3A_1027 = arith.constant 0 : i32
        %dma_start3A_1028 = tpu.memref_slice %arg10[%dma_start3A_1020, %dma_start3A_1027] : memref<3x128xi32, #tpu.memory_space<vmem>> -> memref<1x128xi32, #tpu.memory_space<vmem>>
        %dma_start3A_1029 = tpu.memref_squeeze %dma_start3A_1028 : memref<1x128xi32, #tpu.memory_space<vmem>> -> memref<128xi32, #tpu.memory_space<vmem>>
        %dma_start3A_1030 = arith.constant 0 : i32
        %dma_start3A_1031 = arith.constant 0 : i32
        %dma_start3A_1032 = tpu.memref_slice %arg5[%dma_start3A_1030, %dma_start3A_1031] : memref<100000x128xf32, #tpu.memory_space<hbm>> -> memref<100000x128xf32, #tpu.memory_space<hbm>>
        %dma_start3A_1033 = tpu.memref_slice %arg15[%dma_start3A_1022] : memref<2x!tpu.dma_semaphore, #tpu.memory_space<semaphore_mem>> -> memref<1x!tpu.dma_semaphore, #tpu.memory_space<semaphore_mem>>
        %dma_start3A_1034 = tpu.memref_squeeze %dma_start3A_1033 : memref<1x!tpu.dma_semaphore, #tpu.memory_space<semaphore_mem>> -> memref<!tpu.dma_semaphore, #tpu.memory_space<semaphore_mem>>
        tpu.enqueue_indirect_dma source(%dma_start3A_1032 : memref<100000x128xf32, #tpu.memory_space<hbm>>) target(%dma_start3A_1026 : memref<128x128xf32, #tpu.memory_space<vmem>>) offsets(%dma_start3A_1029 : memref<128xi32, #tpu.memory_space<vmem>>) semaphore(%dma_start3A_1034 : memref<!tpu.dma_semaphore, #tpu.memory_space<semaphore_mem>>)
      } else {
      }
      %dma_wait3A_721 = arith.constant 1 : i32
      %dma_wait3A_722 = arith.constant 0 : i32
      %dma_wait3A_723 = arith.constant 0 : i32
      %dma_wait3A_724 = arith.constant 0 : i32
      %dma_wait3A_725 = arith.constant 0 : i32
      %dma_wait3A_726 = tpu.memref_slice %arg11[%dma_wait3A_722, %dma_wait3A_724, %dma_wait3A_725] : memref<2x128x128xf32, #tpu.memory_space<vmem>> -> memref<1x128x128xf32, #tpu.memory_space<vmem>>
      %dma_wait3A_727 = tpu.memref_squeeze %dma_wait3A_726 : memref<1x128x128xf32, #tpu.memory_space<vmem>> -> memref<128x128xf32, #tpu.memory_space<vmem>>
      %dma_wait3A_728 = arith.constant 0 : i32
      %dma_wait3A_729 = tpu.memref_slice %arg9[%dma_wait3A_721, %dma_wait3A_728] : memref<3x128xi32, #tpu.memory_space<vmem>> -> memref<1x128xi32, #tpu.memory_space<vmem>>
      %dma_wait3A_730 = tpu.memref_squeeze %dma_wait3A_729 : memref<1x128xi32, #tpu.memory_space<vmem>> -> memref<128xi32, #tpu.memory_space<vmem>>
      %dma_wait3A_731 = arith.constant 0 : i32
      %dma_wait3A_732 = arith.constant 0 : i32
      %dma_wait3A_733 = tpu.memref_slice %arg5[%dma_wait3A_731, %dma_wait3A_732] : memref<100000x128xf32, #tpu.memory_space<hbm>> -> memref<100000x128xf32, #tpu.memory_space<hbm>>
      %dma_wait3A_734 = tpu.memref_slice %arg15[%dma_wait3A_723] : memref<2x!tpu.dma_semaphore, #tpu.memory_space<semaphore_mem>> -> memref<1x!tpu.dma_semaphore, #tpu.memory_space<semaphore_mem>>
      %dma_wait3A_735 = tpu.memref_squeeze %dma_wait3A_734 : memref<1x!tpu.dma_semaphore, #tpu.memory_space<semaphore_mem>> -> memref<!tpu.dma_semaphore, #tpu.memory_space<semaphore_mem>>
      tpu.wait_indirect_dma semaphore(%dma_wait3A_735 : memref<!tpu.dma_semaphore, #tpu.memory_space<semaphore_mem>>) src(%dma_wait3A_733 : memref<100000x128xf32, #tpu.memory_space<hbm>>) dst(%dma_wait3A_727 : memref<128x128xf32, #tpu.memory_space<vmem>>)
      %dma_wait3A_736 = arith.constant 1 : i32
      %dma_wait3A_737 = arith.constant 0 : i32
      %dma_wait3A_738 = arith.constant 0 : i32
      %dma_wait3A_739 = arith.constant 0 : i32
      %dma_wait3A_740 = arith.constant 0 : i32
      %dma_wait3A_741 = tpu.memref_slice %arg12[%dma_wait3A_737, %dma_wait3A_739, %dma_wait3A_740] : memref<2x128x128xf32, #tpu.memory_space<vmem>> -> memref<1x128x128xf32, #tpu.memory_space<vmem>>
      %dma_wait3A_742 = tpu.memref_squeeze %dma_wait3A_741 : memref<1x128x128xf32, #tpu.memory_space<vmem>> -> memref<128x128xf32, #tpu.memory_space<vmem>>
      %dma_wait3A_743 = arith.constant 0 : i32
      %dma_wait3A_744 = tpu.memref_slice %arg10[%dma_wait3A_736, %dma_wait3A_743] : memref<3x128xi32, #tpu.memory_space<vmem>> -> memref<1x128xi32, #tpu.memory_space<vmem>>
      %dma_wait3A_745 = tpu.memref_squeeze %dma_wait3A_744 : memref<1x128xi32, #tpu.memory_space<vmem>> -> memref<128xi32, #tpu.memory_space<vmem>>
      %dma_wait3A_746 = arith.constant 0 : i32
      %dma_wait3A_747 = arith.constant 0 : i32
      %dma_wait3A_748 = tpu.memref_slice %arg5[%dma_wait3A_746, %dma_wait3A_747] : memref<100000x128xf32, #tpu.memory_space<hbm>> -> memref<100000x128xf32, #tpu.memory_space<hbm>>
      %dma_wait3A_749 = tpu.memref_slice %arg15[%dma_wait3A_738] : memref<2x!tpu.dma_semaphore, #tpu.memory_space<semaphore_mem>> -> memref<1x!tpu.dma_semaphore, #tpu.memory_space<semaphore_mem>>
      %dma_wait3A_750 = tpu.memref_squeeze %dma_wait3A_749 : memref<1x!tpu.dma_semaphore, #tpu.memory_space<semaphore_mem>> -> memref<!tpu.dma_semaphore, #tpu.memory_space<semaphore_mem>>
      tpu.wait_indirect_dma semaphore(%dma_wait3A_750 : memref<!tpu.dma_semaphore, #tpu.memory_space<semaphore_mem>>) src(%dma_wait3A_748 : memref<100000x128xf32, #tpu.memory_space<hbm>>) dst(%dma_wait3A_742 : memref<128x128xf32, #tpu.memory_space<vmem>>)
      %ge3A_751 = arith.constant 2 : i32
      %ge3A_752 = arith.cmpi sge, %add3A_706, %ge3A_751 : i32
      %convert_element_type3A_753 = arith.extui %ge3A_752 : i1 to i32
      %cond3A_754 = arith.constant 0 : i32
      %cond3A_755 = arith.cmpi ne, %convert_element_type3A_753, %cond3A_754 : i32
      scf.if %cond3A_755 {
        %sub3A = arith.constant 2 : i32
        %sub3A_979 = arith.subi %add3A_706, %sub3A : i32
        %mul3A_980 = arith.constant 128 : i32
        %mul3A_981 = arith.muli %sub3A_979, %mul3A_980 : i32
        %add3A_982 = arith.addi %mul3A_2, %mul3A_981 : i32
        %dma_wait3A_983 = arith.constant 0 : i32
        %dma_wait3A_984 = arith.constant 0 : i32
        %dma_wait3A_985 = arith.constant 0 : i32
        %dma_wait3A_986 = tpu.memref_slice %arg13[%dma_wait3A_983, %dma_wait3A_985] : memref<2x128xf32, #tpu.memory_space<vmem>> -> memref<1x128xf32, #tpu.memory_space<vmem>>
        %dma_wait3A_987 = tpu.memref_squeeze %dma_wait3A_986 : memref<1x128xf32, #tpu.memory_space<vmem>> -> memref<128xf32, #tpu.memory_space<vmem>>
        %dma_wait3A_988 = tpu.memref_slice %arg6[%add3A_982] : memref<638976xf32, #tpu.memory_space<hbm>> -> memref<128xf32, #tpu.memory_space<hbm>>
        %dma_wait3A_989 = tpu.memref_slice %arg16[%dma_wait3A_984] : memref<2x!tpu.dma_semaphore, #tpu.memory_space<semaphore_mem>> -> memref<1x!tpu.dma_semaphore, #tpu.memory_space<semaphore_mem>>
        %dma_wait3A_990 = tpu.memref_squeeze %dma_wait3A_989 : memref<1x!tpu.dma_semaphore, #tpu.memory_space<semaphore_mem>> -> memref<!tpu.dma_semaphore, #tpu.memory_space<semaphore_mem>>
        %dma_wait3A_991 = tpu.memref_slice %arg6[%add3A_982] : memref<638976xf32, #tpu.memory_space<hbm>> -> memref<128xf32, #tpu.memory_space<hbm>>
        %dma_wait3A_992 = arith.constant 0 : i32
        %dma_wait3A_993 = tpu.memref_slice %arg13[%dma_wait3A_983, %dma_wait3A_992] : memref<2x128xf32, #tpu.memory_space<vmem>> -> memref<1x128xf32, #tpu.memory_space<vmem>>
        %dma_wait3A_994 = tpu.memref_squeeze %dma_wait3A_993 : memref<1x128xf32, #tpu.memory_space<vmem>> -> memref<128xf32, #tpu.memory_space<vmem>>
        tpu.wait_dma2 semaphore(%dma_wait3A_990 : memref<!tpu.dma_semaphore, #tpu.memory_space<semaphore_mem>>) src(%dma_wait3A_994 : memref<128xf32, #tpu.memory_space<vmem>>) dst(%dma_wait3A_991 : memref<128xf32, #tpu.memory_space<hbm>>)
      } else {
      }
      %broadcast_in_dim3A_756 = arith.constant 0.000000e+00 : f32
      %broadcast_in_dim3A_757 = vector.broadcast %broadcast_in_dim3A_756 : f32 to vector<16xf32>
      %broadcast_in_dim3A_758 = arith.constant 0.000000e+00 : f32
      %broadcast_in_dim3A_759 = vector.broadcast %broadcast_in_dim3A_758 : f32 to vector<16xf32>
      %broadcast_in_dim3A_760 = arith.constant 0.000000e+00 : f32
      %broadcast_in_dim3A_761 = vector.broadcast %broadcast_in_dim3A_760 : f32 to vector<16xf32>
      %broadcast_in_dim3A_762 = arith.constant 0.000000e+00 : f32
      %broadcast_in_dim3A_763 = vector.broadcast %broadcast_in_dim3A_762 : f32 to vector<16xf32>
      %broadcast_in_dim3A_764 = arith.constant 0.000000e+00 : f32
      %broadcast_in_dim3A_765 = vector.broadcast %broadcast_in_dim3A_764 : f32 to vector<16xf32>
      %broadcast_in_dim3A_766 = arith.constant 0.000000e+00 : f32
      %broadcast_in_dim3A_767 = vector.broadcast %broadcast_in_dim3A_766 : f32 to vector<16xf32>
      %broadcast_in_dim3A_768 = arith.constant 0.000000e+00 : f32
      %broadcast_in_dim3A_769 = vector.broadcast %broadcast_in_dim3A_768 : f32 to vector<16xf32>
      %broadcast_in_dim3A_770 = arith.constant 0.000000e+00 : f32
      %broadcast_in_dim3A_771 = vector.broadcast %broadcast_in_dim3A_770 : f32 to vector<16xf32>
      %parallel_loop3A_772 = arith.constant 0 : i32
      %parallel_loop3A_773 = arith.constant 128 : i32
      %parallel_loop3A_774 = arith.constant 1 : i32
      %parallel_loop3A_775 = arith.constant 0 : i32
      %parallel_loop3A_776 = arith.constant 0 : i32
      %parallel_loop3A_777:8 = scf.for %parallel_loop3A_979 = %parallel_loop3A_772 to %parallel_loop3A_773 step %parallel_loop3A_774 iter_args(%parallel_loop3A_980 = %broadcast_in_dim3A_757, %parallel_loop3A_981 = %broadcast_in_dim3A_759, %parallel_loop3A_982 = %broadcast_in_dim3A_761, %parallel_loop3A_983 = %broadcast_in_dim3A_763, %parallel_loop3A_984 = %broadcast_in_dim3A_765, %parallel_loop3A_985 = %broadcast_in_dim3A_767, %parallel_loop3A_986 = %broadcast_in_dim3A_769, %parallel_loop3A_987 = %broadcast_in_dim3A_771) -> (vector<16xf32>, vector<16xf32>, vector<16xf32>, vector<16xf32>, vector<16xf32>, vector<16xf32>, vector<16xf32>, vector<16xf32>)  : i32 {
        %parallel_loop3A_988 = vector.broadcast %parallel_loop3A_979 : i32 to vector<16xi32>
        %parallel_loop3A_989 = arith.constant 0 : i32
        %parallel_loop3A_990 = arith.constant 0 : i32
        %parallel_loop3A_991 = tpu.memref_slice %arg11[%parallel_loop3A_775, %parallel_loop3A_989, %parallel_loop3A_990] : memref<2x128x128xf32, #tpu.memory_space<vmem>> -> memref<1x128x128xf32, #tpu.memory_space<vmem>>
        %parallel_loop3A_992 = tpu.memref_squeeze %parallel_loop3A_991 : memref<1x128x128xf32, #tpu.memory_space<vmem>> -> memref<128x128xf32, #tpu.memory_space<vmem>>
        %parallel_loop3A_993 = tpu.vector_load_idx %parallel_loop3A_992[%add3A_5, %parallel_loop3A_988] : memref<128x128xf32, #tpu.memory_space<vmem>>[vector<16xi32>, vector<16xi32>], vector<16xf32>,
        %parallel_loop3A_994 = arith.constant 0 : i32
        %parallel_loop3A_995 = arith.constant 0 : i32
        %parallel_loop3A_996 = tpu.memref_slice %arg12[%parallel_loop3A_776, %parallel_loop3A_994, %parallel_loop3A_995] : memref<2x128x128xf32, #tpu.memory_space<vmem>> -> memref<1x128x128xf32, #tpu.memory_space<vmem>>
        %parallel_loop3A_997 = tpu.memref_squeeze %parallel_loop3A_996 : memref<1x128x128xf32, #tpu.memory_space<vmem>> -> memref<128x128xf32, #tpu.memory_space<vmem>>
        %parallel_loop3A_998 = tpu.vector_load_idx %parallel_loop3A_997[%add3A_5, %parallel_loop3A_988] : memref<128x128xf32, #tpu.memory_space<vmem>>[vector<16xi32>, vector<16xi32>], vector<16xf32>,
        %parallel_loop3A_999 = arith.mulf %parallel_loop3A_993, %parallel_loop3A_998 : vector<16xf32>
        %parallel_loop3A_1000 = arith.addf %parallel_loop3A_980, %parallel_loop3A_999 : vector<16xf32>
        %parallel_loop3A_1001 = arith.constant 0 : i32
        %parallel_loop3A_1002 = arith.constant 0 : i32
        %parallel_loop3A_1003 = tpu.memref_slice %arg11[%parallel_loop3A_775, %parallel_loop3A_1001, %parallel_loop3A_1002] : memref<2x128x128xf32, #tpu.memory_space<vmem>> -> memref<1x128x128xf32, #tpu.memory_space<vmem>>
        %parallel_loop3A_1004 = tpu.memref_squeeze %parallel_loop3A_1003 : memref<1x128x128xf32, #tpu.memory_space<vmem>> -> memref<128x128xf32, #tpu.memory_space<vmem>>
        %parallel_loop3A_1005 = tpu.vector_load_idx %parallel_loop3A_1004[%add3A_8, %parallel_loop3A_988] : memref<128x128xf32, #tpu.memory_space<vmem>>[vector<16xi32>, vector<16xi32>], vector<16xf32>,
        %parallel_loop3A_1006 = arith.constant 0 : i32
        %parallel_loop3A_1007 = arith.constant 0 : i32
        %parallel_loop3A_1008 = tpu.memref_slice %arg12[%parallel_loop3A_776, %parallel_loop3A_1006, %parallel_loop3A_1007] : memref<2x128x128xf32, #tpu.memory_space<vmem>> -> memref<1x128x128xf32, #tpu.memory_space<vmem>>
        %parallel_loop3A_1009 = tpu.memref_squeeze %parallel_loop3A_1008 : memref<1x128x128xf32, #tpu.memory_space<vmem>> -> memref<128x128xf32, #tpu.memory_space<vmem>>
        %parallel_loop3A_1010 = tpu.vector_load_idx %parallel_loop3A_1009[%add3A_8, %parallel_loop3A_988] : memref<128x128xf32, #tpu.memory_space<vmem>>[vector<16xi32>, vector<16xi32>], vector<16xf32>,
        %parallel_loop3A_1011 = arith.mulf %parallel_loop3A_1005, %parallel_loop3A_1010 : vector<16xf32>
        %parallel_loop3A_1012 = arith.addf %parallel_loop3A_981, %parallel_loop3A_1011 : vector<16xf32>
        %parallel_loop3A_1013 = arith.constant 0 : i32
        %parallel_loop3A_1014 = arith.constant 0 : i32
        %parallel_loop3A_1015 = tpu.memref_slice %arg11[%parallel_loop3A_775, %parallel_loop3A_1013, %parallel_loop3A_1014] : memref<2x128x128xf32, #tpu.memory_space<vmem>> -> memref<1x128x128xf32, #tpu.memory_space<vmem>>
        %parallel_loop3A_1016 = tpu.memref_squeeze %parallel_loop3A_1015 : memref<1x128x128xf32, #tpu.memory_space<vmem>> -> memref<128x128xf32, #tpu.memory_space<vmem>>
        %parallel_loop3A_1017 = tpu.vector_load_idx %parallel_loop3A_1016[%add3A_11, %parallel_loop3A_988] : memref<128x128xf32, #tpu.memory_space<vmem>>[vector<16xi32>, vector<16xi32>], vector<16xf32>,
        %parallel_loop3A_1018 = arith.constant 0 : i32
        %parallel_loop3A_1019 = arith.constant 0 : i32
        %parallel_loop3A_1020 = tpu.memref_slice %arg12[%parallel_loop3A_776, %parallel_loop3A_1018, %parallel_loop3A_1019] : memref<2x128x128xf32, #tpu.memory_space<vmem>> -> memref<1x128x128xf32, #tpu.memory_space<vmem>>
        %parallel_loop3A_1021 = tpu.memref_squeeze %parallel_loop3A_1020 : memref<1x128x128xf32, #tpu.memory_space<vmem>> -> memref<128x128xf32, #tpu.memory_space<vmem>>
        %parallel_loop3A_1022 = tpu.vector_load_idx %parallel_loop3A_1021[%add3A_11, %parallel_loop3A_988] : memref<128x128xf32, #tpu.memory_space<vmem>>[vector<16xi32>, vector<16xi32>], vector<16xf32>,
        %parallel_loop3A_1023 = arith.mulf %parallel_loop3A_1017, %parallel_loop3A_1022 : vector<16xf32>
        %parallel_loop3A_1024 = arith.addf %parallel_loop3A_982, %parallel_loop3A_1023 : vector<16xf32>
        %parallel_loop3A_1025 = arith.constant 0 : i32
        %parallel_loop3A_1026 = arith.constant 0 : i32
        %parallel_loop3A_1027 = tpu.memref_slice %arg11[%parallel_loop3A_775, %parallel_loop3A_1025, %parallel_loop3A_1026] : memref<2x128x128xf32, #tpu.memory_space<vmem>> -> memref<1x128x128xf32, #tpu.memory_space<vmem>>
        %parallel_loop3A_1028 = tpu.memref_squeeze %parallel_loop3A_1027 : memref<1x128x128xf32, #tpu.memory_space<vmem>> -> memref<128x128xf32, #tpu.memory_space<vmem>>
        %parallel_loop3A_1029 = tpu.vector_load_idx %parallel_loop3A_1028[%add3A_14, %parallel_loop3A_988] : memref<128x128xf32, #tpu.memory_space<vmem>>[vector<16xi32>, vector<16xi32>], vector<16xf32>,
        %parallel_loop3A_1030 = arith.constant 0 : i32
        %parallel_loop3A_1031 = arith.constant 0 : i32
        %parallel_loop3A_1032 = tpu.memref_slice %arg12[%parallel_loop3A_776, %parallel_loop3A_1030, %parallel_loop3A_1031] : memref<2x128x128xf32, #tpu.memory_space<vmem>> -> memref<1x128x128xf32, #tpu.memory_space<vmem>>
        %parallel_loop3A_1033 = tpu.memref_squeeze %parallel_loop3A_1032 : memref<1x128x128xf32, #tpu.memory_space<vmem>> -> memref<128x128xf32, #tpu.memory_space<vmem>>
        %parallel_loop3A_1034 = tpu.vector_load_idx %parallel_loop3A_1033[%add3A_14, %parallel_loop3A_988] : memref<128x128xf32, #tpu.memory_space<vmem>>[vector<16xi32>, vector<16xi32>], vector<16xf32>,
        %parallel_loop3A_1035 = arith.mulf %parallel_loop3A_1029, %parallel_loop3A_1034 : vector<16xf32>
        %parallel_loop3A_1036 = arith.addf %parallel_loop3A_983, %parallel_loop3A_1035 : vector<16xf32>
        %parallel_loop3A_1037 = arith.constant 0 : i32
        %parallel_loop3A_1038 = arith.constant 0 : i32
        %parallel_loop3A_1039 = tpu.memref_slice %arg11[%parallel_loop3A_775, %parallel_loop3A_1037, %parallel_loop3A_1038] : memref<2x128x128xf32, #tpu.memory_space<vmem>> -> memref<1x128x128xf32, #tpu.memory_space<vmem>>
        %parallel_loop3A_1040 = tpu.memref_squeeze %parallel_loop3A_1039 : memref<1x128x128xf32, #tpu.memory_space<vmem>> -> memref<128x128xf32, #tpu.memory_space<vmem>>
        %parallel_loop3A_1041 = tpu.vector_load_idx %parallel_loop3A_1040[%add3A_17, %parallel_loop3A_988] : memref<128x128xf32, #tpu.memory_space<vmem>>[vector<16xi32>, vector<16xi32>], vector<16xf32>,
        %parallel_loop3A_1042 = arith.constant 0 : i32
        %parallel_loop3A_1043 = arith.constant 0 : i32
        %parallel_loop3A_1044 = tpu.memref_slice %arg12[%parallel_loop3A_776, %parallel_loop3A_1042, %parallel_loop3A_1043] : memref<2x128x128xf32, #tpu.memory_space<vmem>> -> memref<1x128x128xf32, #tpu.memory_space<vmem>>
        %parallel_loop3A_1045 = tpu.memref_squeeze %parallel_loop3A_1044 : memref<1x128x128xf32, #tpu.memory_space<vmem>> -> memref<128x128xf32, #tpu.memory_space<vmem>>
        %parallel_loop3A_1046 = tpu.vector_load_idx %parallel_loop3A_1045[%add3A_17, %parallel_loop3A_988] : memref<128x128xf32, #tpu.memory_space<vmem>>[vector<16xi32>, vector<16xi32>], vector<16xf32>,
        %parallel_loop3A_1047 = arith.mulf %parallel_loop3A_1041, %parallel_loop3A_1046 : vector<16xf32>
        %parallel_loop3A_1048 = arith.addf %parallel_loop3A_984, %parallel_loop3A_1047 : vector<16xf32>
        %parallel_loop3A_1049 = arith.constant 0 : i32
        %parallel_loop3A_1050 = arith.constant 0 : i32
        %parallel_loop3A_1051 = tpu.memref_slice %arg11[%parallel_loop3A_775, %parallel_loop3A_1049, %parallel_loop3A_1050] : memref<2x128x128xf32, #tpu.memory_space<vmem>> -> memref<1x128x128xf32, #tpu.memory_space<vmem>>
        %parallel_loop3A_1052 = tpu.memref_squeeze %parallel_loop3A_1051 : memref<1x128x128xf32, #tpu.memory_space<vmem>> -> memref<128x128xf32, #tpu.memory_space<vmem>>
        %parallel_loop3A_1053 = tpu.vector_load_idx %parallel_loop3A_1052[%add3A_20, %parallel_loop3A_988] : memref<128x128xf32, #tpu.memory_space<vmem>>[vector<16xi32>, vector<16xi32>], vector<16xf32>,
        %parallel_loop3A_1054 = arith.constant 0 : i32
        %parallel_loop3A_1055 = arith.constant 0 : i32
        %parallel_loop3A_1056 = tpu.memref_slice %arg12[%parallel_loop3A_776, %parallel_loop3A_1054, %parallel_loop3A_1055] : memref<2x128x128xf32, #tpu.memory_space<vmem>> -> memref<1x128x128xf32, #tpu.memory_space<vmem>>
        %parallel_loop3A_1057 = tpu.memref_squeeze %parallel_loop3A_1056 : memref<1x128x128xf32, #tpu.memory_space<vmem>> -> memref<128x128xf32, #tpu.memory_space<vmem>>
        %parallel_loop3A_1058 = tpu.vector_load_idx %parallel_loop3A_1057[%add3A_20, %parallel_loop3A_988] : memref<128x128xf32, #tpu.memory_space<vmem>>[vector<16xi32>, vector<16xi32>], vector<16xf32>,
        %parallel_loop3A_1059 = arith.mulf %parallel_loop3A_1053, %parallel_loop3A_1058 : vector<16xf32>
        %parallel_loop3A_1060 = arith.addf %parallel_loop3A_985, %parallel_loop3A_1059 : vector<16xf32>
        %parallel_loop3A_1061 = arith.constant 0 : i32
        %parallel_loop3A_1062 = arith.constant 0 : i32
        %parallel_loop3A_1063 = tpu.memref_slice %arg11[%parallel_loop3A_775, %parallel_loop3A_1061, %parallel_loop3A_1062] : memref<2x128x128xf32, #tpu.memory_space<vmem>> -> memref<1x128x128xf32, #tpu.memory_space<vmem>>
        %parallel_loop3A_1064 = tpu.memref_squeeze %parallel_loop3A_1063 : memref<1x128x128xf32, #tpu.memory_space<vmem>> -> memref<128x128xf32, #tpu.memory_space<vmem>>
        %parallel_loop3A_1065 = tpu.vector_load_idx %parallel_loop3A_1064[%add3A_23, %parallel_loop3A_988] : memref<128x128xf32, #tpu.memory_space<vmem>>[vector<16xi32>, vector<16xi32>], vector<16xf32>,
        %parallel_loop3A_1066 = arith.constant 0 : i32
        %parallel_loop3A_1067 = arith.constant 0 : i32
        %parallel_loop3A_1068 = tpu.memref_slice %arg12[%parallel_loop3A_776, %parallel_loop3A_1066, %parallel_loop3A_1067] : memref<2x128x128xf32, #tpu.memory_space<vmem>> -> memref<1x128x128xf32, #tpu.memory_space<vmem>>
        %parallel_loop3A_1069 = tpu.memref_squeeze %parallel_loop3A_1068 : memref<1x128x128xf32, #tpu.memory_space<vmem>> -> memref<128x128xf32, #tpu.memory_space<vmem>>
        %parallel_loop3A_1070 = tpu.vector_load_idx %parallel_loop3A_1069[%add3A_23, %parallel_loop3A_988] : memref<128x128xf32, #tpu.memory_space<vmem>>[vector<16xi32>, vector<16xi32>], vector<16xf32>,
        %parallel_loop3A_1071 = arith.mulf %parallel_loop3A_1065, %parallel_loop3A_1070 : vector<16xf32>
        %parallel_loop3A_1072 = arith.addf %parallel_loop3A_986, %parallel_loop3A_1071 : vector<16xf32>
        %parallel_loop3A_1073 = arith.constant 0 : i32
        %parallel_loop3A_1074 = arith.constant 0 : i32
        %parallel_loop3A_1075 = tpu.memref_slice %arg11[%parallel_loop3A_775, %parallel_loop3A_1073, %parallel_loop3A_1074] : memref<2x128x128xf32, #tpu.memory_space<vmem>> -> memref<1x128x128xf32, #tpu.memory_space<vmem>>
        %parallel_loop3A_1076 = tpu.memref_squeeze %parallel_loop3A_1075 : memref<1x128x128xf32, #tpu.memory_space<vmem>> -> memref<128x128xf32, #tpu.memory_space<vmem>>
        %parallel_loop3A_1077 = tpu.vector_load_idx %parallel_loop3A_1076[%add3A_26, %parallel_loop3A_988] : memref<128x128xf32, #tpu.memory_space<vmem>>[vector<16xi32>, vector<16xi32>], vector<16xf32>,
        %parallel_loop3A_1078 = arith.constant 0 : i32
        %parallel_loop3A_1079 = arith.constant 0 : i32
        %parallel_loop3A_1080 = tpu.memref_slice %arg12[%parallel_loop3A_776, %parallel_loop3A_1078, %parallel_loop3A_1079] : memref<2x128x128xf32, #tpu.memory_space<vmem>> -> memref<1x128x128xf32, #tpu.memory_space<vmem>>
        %parallel_loop3A_1081 = tpu.memref_squeeze %parallel_loop3A_1080 : memref<1x128x128xf32, #tpu.memory_space<vmem>> -> memref<128x128xf32, #tpu.memory_space<vmem>>
        %parallel_loop3A_1082 = tpu.vector_load_idx %parallel_loop3A_1081[%add3A_26, %parallel_loop3A_988] : memref<128x128xf32, #tpu.memory_space<vmem>>[vector<16xi32>, vector<16xi32>], vector<16xf32>,
        %parallel_loop3A_1083 = arith.mulf %parallel_loop3A_1077, %parallel_loop3A_1082 : vector<16xf32>
        %parallel_loop3A_1084 = arith.addf %parallel_loop3A_987, %parallel_loop3A_1083 : vector<16xf32>
        scf.yield %parallel_loop3A_1000, %parallel_loop3A_1012, %parallel_loop3A_1024, %parallel_loop3A_1036, %parallel_loop3A_1048, %parallel_loop3A_1060, %parallel_loop3A_1072, %parallel_loop3A_1084 : vector<16xf32>, vector<16xf32>, vector<16xf32>, vector<16xf32>, vector<16xf32>, vector<16xf32>, vector<16xf32>, vector<16xf32>
      } {sc.loop_unroll_factor = 4 : i64, sc.parallel_access}
      %swap3A_778 = arith.constant 0 : i32
      %swap3A_779 = arith.constant 0 : i32
      %swap3A_780 = tpu.memref_slice %arg13[%swap3A_778, %swap3A_779] : memref<2x128xf32, #tpu.memory_space<vmem>> -> memref<1x128xf32, #tpu.memory_space<vmem>>
      %swap3A_781 = tpu.memref_squeeze %swap3A_780 : memref<1x128xf32, #tpu.memory_space<vmem>> -> memref<128xf32, #tpu.memory_space<vmem>>
      %swap3A_782 = arith.constant 0 : index
      %swap3A_783 = tpu.vector_load %swap3A_781[%swap3A_782] {strides = array<i32>} : memref<128xf32, #tpu.memory_space<vmem>>, vector<16xf32>,
      tpu.vector_store %swap3A_781[%swap3A_782], %parallel_loop3A_777#0 {strides = array<i32>} : memref<128xf32, #tpu.memory_space<vmem>>, vector<16xf32>,
      %swap3A_784 = arith.constant 0 : i32
      %swap3A_785 = arith.constant 0 : i32
      %swap3A_786 = tpu.memref_slice %arg13[%swap3A_784, %swap3A_785] : memref<2x128xf32, #tpu.memory_space<vmem>> -> memref<1x128xf32, #tpu.memory_space<vmem>>
      %swap3A_787 = tpu.memref_squeeze %swap3A_786 : memref<1x128xf32, #tpu.memory_space<vmem>> -> memref<128xf32, #tpu.memory_space<vmem>>
      %swap3A_788 = arith.constant 16 : index
      %swap3A_789 = tpu.vector_load %swap3A_787[%swap3A_788] {strides = array<i32>} : memref<128xf32, #tpu.memory_space<vmem>>, vector<16xf32>,
      tpu.vector_store %swap3A_787[%swap3A_788], %parallel_loop3A_777#1 {strides = array<i32>} : memref<128xf32, #tpu.memory_space<vmem>>, vector<16xf32>,
      %swap3A_790 = arith.constant 0 : i32
      %swap3A_791 = arith.constant 0 : i32
      %swap3A_792 = tpu.memref_slice %arg13[%swap3A_790, %swap3A_791] : memref<2x128xf32, #tpu.memory_space<vmem>> -> memref<1x128xf32, #tpu.memory_space<vmem>>
      %swap3A_793 = tpu.memref_squeeze %swap3A_792 : memref<1x128xf32, #tpu.memory_space<vmem>> -> memref<128xf32, #tpu.memory_space<vmem>>
      %swap3A_794 = arith.constant 32 : index
      %swap3A_795 = tpu.vector_load %swap3A_793[%swap3A_794] {strides = array<i32>} : memref<128xf32, #tpu.memory_space<vmem>>, vector<16xf32>,
      tpu.vector_store %swap3A_793[%swap3A_794], %parallel_loop3A_777#2 {strides = array<i32>} : memref<128xf32, #tpu.memory_space<vmem>>, vector<16xf32>,
      %swap3A_796 = arith.constant 0 : i32
      %swap3A_797 = arith.constant 0 : i32
      %swap3A_798 = tpu.memref_slice %arg13[%swap3A_796, %swap3A_797] : memref<2x128xf32, #tpu.memory_space<vmem>> -> memref<1x128xf32, #tpu.memory_space<vmem>>
      %swap3A_799 = tpu.memref_squeeze %swap3A_798 : memref<1x128xf32, #tpu.memory_space<vmem>> -> memref<128xf32, #tpu.memory_space<vmem>>
      %swap3A_800 = arith.constant 48 : index
      %swap3A_801 = tpu.vector_load %swap3A_799[%swap3A_800] {strides = array<i32>} : memref<128xf32, #tpu.memory_space<vmem>>, vector<16xf32>,
      tpu.vector_store %swap3A_799[%swap3A_800], %parallel_loop3A_777#3 {strides = array<i32>} : memref<128xf32, #tpu.memory_space<vmem>>, vector<16xf32>,
      %swap3A_802 = arith.constant 0 : i32
      %swap3A_803 = arith.constant 0 : i32
      %swap3A_804 = tpu.memref_slice %arg13[%swap3A_802, %swap3A_803] : memref<2x128xf32, #tpu.memory_space<vmem>> -> memref<1x128xf32, #tpu.memory_space<vmem>>
      %swap3A_805 = tpu.memref_squeeze %swap3A_804 : memref<1x128xf32, #tpu.memory_space<vmem>> -> memref<128xf32, #tpu.memory_space<vmem>>
      %swap3A_806 = arith.constant 64 : index
      %swap3A_807 = tpu.vector_load %swap3A_805[%swap3A_806] {strides = array<i32>} : memref<128xf32, #tpu.memory_space<vmem>>, vector<16xf32>,
      tpu.vector_store %swap3A_805[%swap3A_806], %parallel_loop3A_777#4 {strides = array<i32>} : memref<128xf32, #tpu.memory_space<vmem>>, vector<16xf32>,
      %swap3A_808 = arith.constant 0 : i32
      %swap3A_809 = arith.constant 0 : i32
      %swap3A_810 = tpu.memref_slice %arg13[%swap3A_808, %swap3A_809] : memref<2x128xf32, #tpu.memory_space<vmem>> -> memref<1x128xf32, #tpu.memory_space<vmem>>
      %swap3A_811 = tpu.memref_squeeze %swap3A_810 : memref<1x128xf32, #tpu.memory_space<vmem>> -> memref<128xf32, #tpu.memory_space<vmem>>
      %swap3A_812 = arith.constant 80 : index
      %swap3A_813 = tpu.vector_load %swap3A_811[%swap3A_812] {strides = array<i32>} : memref<128xf32, #tpu.memory_space<vmem>>, vector<16xf32>,
      tpu.vector_store %swap3A_811[%swap3A_812], %parallel_loop3A_777#5 {strides = array<i32>} : memref<128xf32, #tpu.memory_space<vmem>>, vector<16xf32>,
      %swap3A_814 = arith.constant 0 : i32
      %swap3A_815 = arith.constant 0 : i32
      %swap3A_816 = tpu.memref_slice %arg13[%swap3A_814, %swap3A_815] : memref<2x128xf32, #tpu.memory_space<vmem>> -> memref<1x128xf32, #tpu.memory_space<vmem>>
      %swap3A_817 = tpu.memref_squeeze %swap3A_816 : memref<1x128xf32, #tpu.memory_space<vmem>> -> memref<128xf32, #tpu.memory_space<vmem>>
      %swap3A_818 = arith.constant 96 : index
      %swap3A_819 = tpu.vector_load %swap3A_817[%swap3A_818] {strides = array<i32>} : memref<128xf32, #tpu.memory_space<vmem>>, vector<16xf32>,
      tpu.vector_store %swap3A_817[%swap3A_818], %parallel_loop3A_777#6 {strides = array<i32>} : memref<128xf32, #tpu.memory_space<vmem>>, vector<16xf32>,
      %swap3A_820 = arith.constant 0 : i32
      %swap3A_821 = arith.constant 0 : i32
      %swap3A_822 = tpu.memref_slice %arg13[%swap3A_820, %swap3A_821] : memref<2x128xf32, #tpu.memory_space<vmem>> -> memref<1x128xf32, #tpu.memory_space<vmem>>
      %swap3A_823 = tpu.memref_squeeze %swap3A_822 : memref<1x128xf32, #tpu.memory_space<vmem>> -> memref<128xf32, #tpu.memory_space<vmem>>
      %swap3A_824 = arith.constant 112 : index
      %swap3A_825 = tpu.vector_load %swap3A_823[%swap3A_824] {strides = array<i32>} : memref<128xf32, #tpu.memory_space<vmem>>, vector<16xf32>,
      tpu.vector_store %swap3A_823[%swap3A_824], %parallel_loop3A_777#7 {strides = array<i32>} : memref<128xf32, #tpu.memory_space<vmem>>, vector<16xf32>,
      %mul3A_826 = arith.constant 128 : i32
      %mul3A_827 = arith.muli %add3A_706, %mul3A_826 : i32
      %add3A_828 = arith.addi %mul3A_2, %mul3A_827 : i32
      %dma_start3A_829 = arith.constant 0 : i32
      %dma_start3A_830 = arith.constant 0 : i32
      %dma_start3A_831 = arith.constant 0 : i32
      %dma_start3A_832 = tpu.memref_slice %arg13[%dma_start3A_829, %dma_start3A_831] : memref<2x128xf32, #tpu.memory_space<vmem>> -> memref<1x128xf32, #tpu.memory_space<vmem>>
      %dma_start3A_833 = tpu.memref_squeeze %dma_start3A_832 : memref<1x128xf32, #tpu.memory_space<vmem>> -> memref<128xf32, #tpu.memory_space<vmem>>
      %dma_start3A_834 = tpu.memref_slice %arg6[%add3A_828] : memref<638976xf32, #tpu.memory_space<hbm>> -> memref<128xf32, #tpu.memory_space<hbm>>
      %dma_start3A_835 = tpu.memref_slice %arg16[%dma_start3A_830] : memref<2x!tpu.dma_semaphore, #tpu.memory_space<semaphore_mem>> -> memref<1x!tpu.dma_semaphore, #tpu.memory_space<semaphore_mem>>
      %dma_start3A_836 = tpu.memref_squeeze %dma_start3A_835 : memref<1x!tpu.dma_semaphore, #tpu.memory_space<semaphore_mem>> -> memref<!tpu.dma_semaphore, #tpu.memory_space<semaphore_mem>>
      %dma_start3A_837 = tpu.memref_slice %arg6[%add3A_828] : memref<638976xf32, #tpu.memory_space<hbm>> -> memref<128xf32, #tpu.memory_space<hbm>>
      %dma_start3A_838 = arith.constant 0 : i32
      %dma_start3A_839 = tpu.memref_slice %arg13[%dma_start3A_829, %dma_start3A_838] : memref<2x128xf32, #tpu.memory_space<vmem>> -> memref<1x128xf32, #tpu.memory_space<vmem>>
      %dma_start3A_840 = tpu.memref_squeeze %dma_start3A_839 : memref<1x128xf32, #tpu.memory_space<vmem>> -> memref<128xf32, #tpu.memory_space<vmem>>
      tpu.enqueue_dma source(%dma_start3A_840 : memref<128xf32, #tpu.memory_space<vmem>>) target(%dma_start3A_837 : memref<128xf32, #tpu.memory_space<hbm>>) target_semaphore(%dma_start3A_836 : memref<!tpu.dma_semaphore, #tpu.memory_space<semaphore_mem>>)
      %mul3A_841 = arith.constant 6 : i32
      %mul3A_842 = arith.muli %add3A_157, %mul3A_841 : i32
      %add3A_843 = arith.constant 5 : i32
      %add3A_844 = arith.addi %mul3A_842, %add3A_843 : i32
      %add3A_845 = arith.constant 2 : i32
      %add3A_846 = arith.addi %add3A_844, %add3A_845 : i32
      %lt3A_847 = arith.constant 156 : i32
      %lt3A_848 = arith.cmpi slt, %add3A_846, %lt3A_847 : i32
      %convert_element_type3A_849 = arith.extui %lt3A_848 : i1 to i32
      %cond3A_850 = arith.constant 0 : i32
      %cond3A_851 = arith.cmpi ne, %convert_element_type3A_849, %cond3A_850 : i32
      scf.if %cond3A_851 {
        %add3A_979 = arith.constant 2 : i32
        %add3A_980 = arith.addi %add3A_844, %add3A_979 : i32
        %mul3A_981 = arith.constant 128 : i32
        %mul3A_982 = arith.muli %add3A_980, %mul3A_981 : i32
        %dma_start3A_983 = arith.constant 1 : i32
        %dma_start3A_984 = arith.constant 1 : i32
        %dma_start3A_985 = arith.constant 0 : i32
        %dma_start3A_986 = tpu.memref_slice %arg9[%dma_start3A_983, %dma_start3A_985] : memref<3x128xi32, #tpu.memory_space<vmem>> -> memref<1x128xi32, #tpu.memory_space<vmem>>
        %dma_start3A_987 = tpu.memref_squeeze %dma_start3A_986 : memref<1x128xi32, #tpu.memory_space<vmem>> -> memref<128xi32, #tpu.memory_space<vmem>>
        %dma_start3A_988 = tpu.memref_slice %arg7[%mul3A_982] : memref<19968xi32, #tpu.memory_space<vmem>> -> memref<128xi32, #tpu.memory_space<vmem>>
        %dma_start3A_989 = arith.constant 0 : i32
        %dma_start3A_990 = tpu.memref_slice %arg4[%dma_start3A_989] : memref<100000xi32, #tpu.memory_space<hbm>> -> memref<100000xi32, #tpu.memory_space<hbm>>
        %dma_start3A_991 = tpu.memref_slice %arg14[%dma_start3A_984] : memref<2x!tpu.dma_semaphore, #tpu.memory_space<semaphore_mem>> -> memref<1x!tpu.dma_semaphore, #tpu.memory_space<semaphore_mem>>
        %dma_start3A_992 = tpu.memref_squeeze %dma_start3A_991 : memref<1x!tpu.dma_semaphore, #tpu.memory_space<semaphore_mem>> -> memref<!tpu.dma_semaphore, #tpu.memory_space<semaphore_mem>>
        tpu.enqueue_indirect_dma source(%dma_start3A_990 : memref<100000xi32, #tpu.memory_space<hbm>>) target(%dma_start3A_987 : memref<128xi32, #tpu.memory_space<vmem>>) offsets(%dma_start3A_988 : memref<128xi32, #tpu.memory_space<vmem>>) semaphore(%dma_start3A_992 : memref<!tpu.dma_semaphore, #tpu.memory_space<semaphore_mem>>)
        %mul3A_993 = arith.constant 128 : i32
        %mul3A_994 = arith.muli %add3A_980, %mul3A_993 : i32
        %dma_start3A_995 = arith.constant 1 : i32
        %dma_start3A_996 = arith.constant 1 : i32
        %dma_start3A_997 = arith.constant 0 : i32
        %dma_start3A_998 = tpu.memref_slice %arg10[%dma_start3A_995, %dma_start3A_997] : memref<3x128xi32, #tpu.memory_space<vmem>> -> memref<1x128xi32, #tpu.memory_space<vmem>>
        %dma_start3A_999 = tpu.memref_squeeze %dma_start3A_998 : memref<1x128xi32, #tpu.memory_space<vmem>> -> memref<128xi32, #tpu.memory_space<vmem>>
        %dma_start3A_1000 = tpu.memref_slice %arg8[%mul3A_994] : memref<19968xi32, #tpu.memory_space<vmem>> -> memref<128xi32, #tpu.memory_space<vmem>>
        %dma_start3A_1001 = arith.constant 0 : i32
        %dma_start3A_1002 = tpu.memref_slice %arg4[%dma_start3A_1001] : memref<100000xi32, #tpu.memory_space<hbm>> -> memref<100000xi32, #tpu.memory_space<hbm>>
        %dma_start3A_1003 = tpu.memref_slice %arg14[%dma_start3A_996] : memref<2x!tpu.dma_semaphore, #tpu.memory_space<semaphore_mem>> -> memref<1x!tpu.dma_semaphore, #tpu.memory_space<semaphore_mem>>
        %dma_start3A_1004 = tpu.memref_squeeze %dma_start3A_1003 : memref<1x!tpu.dma_semaphore, #tpu.memory_space<semaphore_mem>> -> memref<!tpu.dma_semaphore, #tpu.memory_space<semaphore_mem>>
        tpu.enqueue_indirect_dma source(%dma_start3A_1002 : memref<100000xi32, #tpu.memory_space<hbm>>) target(%dma_start3A_999 : memref<128xi32, #tpu.memory_space<vmem>>) offsets(%dma_start3A_1000 : memref<128xi32, #tpu.memory_space<vmem>>) semaphore(%dma_start3A_1004 : memref<!tpu.dma_semaphore, #tpu.memory_space<semaphore_mem>>)
      } else {
      }
      %add3A_852 = arith.constant 1 : i32
      %add3A_853 = arith.addi %add3A_844, %add3A_852 : i32
      %lt3A_854 = arith.constant 156 : i32
      %lt3A_855 = arith.cmpi slt, %add3A_853, %lt3A_854 : i32
      %convert_element_type3A_856 = arith.extui %lt3A_855 : i1 to i32
      %cond3A_857 = arith.constant 0 : i32
      %cond3A_858 = arith.cmpi ne, %convert_element_type3A_856, %cond3A_857 : i32
      scf.if %cond3A_858 {
        %add3A_979 = arith.constant 1 : i32
        %add3A_980 = arith.addi %add3A_844, %add3A_979 : i32
        %mul3A_981 = arith.constant 128 : i32
        %mul3A_982 = arith.muli %add3A_980, %mul3A_981 : i32
        %dma_wait3A_983 = arith.constant 0 : i32
        %dma_wait3A_984 = arith.constant 0 : i32
        %dma_wait3A_985 = arith.constant 0 : i32
        %dma_wait3A_986 = tpu.memref_slice %arg9[%dma_wait3A_983, %dma_wait3A_985] : memref<3x128xi32, #tpu.memory_space<vmem>> -> memref<1x128xi32, #tpu.memory_space<vmem>>
        %dma_wait3A_987 = tpu.memref_squeeze %dma_wait3A_986 : memref<1x128xi32, #tpu.memory_space<vmem>> -> memref<128xi32, #tpu.memory_space<vmem>>
        %dma_wait3A_988 = tpu.memref_slice %arg7[%mul3A_982] : memref<19968xi32, #tpu.memory_space<vmem>> -> memref<128xi32, #tpu.memory_space<vmem>>
        %dma_wait3A_989 = arith.constant 0 : i32
        %dma_wait3A_990 = tpu.memref_slice %arg4[%dma_wait3A_989] : memref<100000xi32, #tpu.memory_space<hbm>> -> memref<100000xi32, #tpu.memory_space<hbm>>
        %dma_wait3A_991 = tpu.memref_slice %arg14[%dma_wait3A_984] : memref<2x!tpu.dma_semaphore, #tpu.memory_space<semaphore_mem>> -> memref<1x!tpu.dma_semaphore, #tpu.memory_space<semaphore_mem>>
        %dma_wait3A_992 = tpu.memref_squeeze %dma_wait3A_991 : memref<1x!tpu.dma_semaphore, #tpu.memory_space<semaphore_mem>> -> memref<!tpu.dma_semaphore, #tpu.memory_space<semaphore_mem>>
        tpu.wait_indirect_dma semaphore(%dma_wait3A_992 : memref<!tpu.dma_semaphore, #tpu.memory_space<semaphore_mem>>) src(%dma_wait3A_990 : memref<100000xi32, #tpu.memory_space<hbm>>) dst(%dma_wait3A_987 : memref<128xi32, #tpu.memory_space<vmem>>)
        %mul3A_993 = arith.constant 128 : i32
        %mul3A_994 = arith.muli %add3A_980, %mul3A_993 : i32
        %dma_wait3A_995 = arith.constant 0 : i32
        %dma_wait3A_996 = arith.constant 0 : i32
        %dma_wait3A_997 = arith.constant 0 : i32
        %dma_wait3A_998 = tpu.memref_slice %arg10[%dma_wait3A_995, %dma_wait3A_997] : memref<3x128xi32, #tpu.memory_space<vmem>> -> memref<1x128xi32, #tpu.memory_space<vmem>>
        %dma_wait3A_999 = tpu.memref_squeeze %dma_wait3A_998 : memref<1x128xi32, #tpu.memory_space<vmem>> -> memref<128xi32, #tpu.memory_space<vmem>>
        %dma_wait3A_1000 = tpu.memref_slice %arg8[%mul3A_994] : memref<19968xi32, #tpu.memory_space<vmem>> -> memref<128xi32, #tpu.memory_space<vmem>>
        %dma_wait3A_1001 = arith.constant 0 : i32
        %dma_wait3A_1002 = tpu.memref_slice %arg4[%dma_wait3A_1001] : memref<100000xi32, #tpu.memory_space<hbm>> -> memref<100000xi32, #tpu.memory_space<hbm>>
        %dma_wait3A_1003 = tpu.memref_slice %arg14[%dma_wait3A_996] : memref<2x!tpu.dma_semaphore, #tpu.memory_space<semaphore_mem>> -> memref<1x!tpu.dma_semaphore, #tpu.memory_space<semaphore_mem>>
        %dma_wait3A_1004 = tpu.memref_squeeze %dma_wait3A_1003 : memref<1x!tpu.dma_semaphore, #tpu.memory_space<semaphore_mem>> -> memref<!tpu.dma_semaphore, #tpu.memory_space<semaphore_mem>>
        tpu.wait_indirect_dma semaphore(%dma_wait3A_1004 : memref<!tpu.dma_semaphore, #tpu.memory_space<semaphore_mem>>) src(%dma_wait3A_1002 : memref<100000xi32, #tpu.memory_space<hbm>>) dst(%dma_wait3A_999 : memref<128xi32, #tpu.memory_space<vmem>>)
        %dma_start3A_1005 = arith.constant 0 : i32
        %dma_start3A_1006 = arith.constant 0 : i32
        %dma_start3A_1007 = arith.constant 0 : i32
        %dma_start3A_1008 = arith.constant 0 : i32
        %dma_start3A_1009 = arith.constant 0 : i32
        %dma_start3A_1010 = tpu.memref_slice %arg11[%dma_start3A_1006, %dma_start3A_1008, %dma_start3A_1009] : memref<2x128x128xf32, #tpu.memory_space<vmem>> -> memref<1x128x128xf32, #tpu.memory_space<vmem>>
        %dma_start3A_1011 = tpu.memref_squeeze %dma_start3A_1010 : memref<1x128x128xf32, #tpu.memory_space<vmem>> -> memref<128x128xf32, #tpu.memory_space<vmem>>
        %dma_start3A_1012 = arith.constant 0 : i32
        %dma_start3A_1013 = tpu.memref_slice %arg9[%dma_start3A_1005, %dma_start3A_1012] : memref<3x128xi32, #tpu.memory_space<vmem>> -> memref<1x128xi32, #tpu.memory_space<vmem>>
        %dma_start3A_1014 = tpu.memref_squeeze %dma_start3A_1013 : memref<1x128xi32, #tpu.memory_space<vmem>> -> memref<128xi32, #tpu.memory_space<vmem>>
        %dma_start3A_1015 = arith.constant 0 : i32
        %dma_start3A_1016 = arith.constant 0 : i32
        %dma_start3A_1017 = tpu.memref_slice %arg5[%dma_start3A_1015, %dma_start3A_1016] : memref<100000x128xf32, #tpu.memory_space<hbm>> -> memref<100000x128xf32, #tpu.memory_space<hbm>>
        %dma_start3A_1018 = tpu.memref_slice %arg15[%dma_start3A_1007] : memref<2x!tpu.dma_semaphore, #tpu.memory_space<semaphore_mem>> -> memref<1x!tpu.dma_semaphore, #tpu.memory_space<semaphore_mem>>
        %dma_start3A_1019 = tpu.memref_squeeze %dma_start3A_1018 : memref<1x!tpu.dma_semaphore, #tpu.memory_space<semaphore_mem>> -> memref<!tpu.dma_semaphore, #tpu.memory_space<semaphore_mem>>
        tpu.enqueue_indirect_dma source(%dma_start3A_1017 : memref<100000x128xf32, #tpu.memory_space<hbm>>) target(%dma_start3A_1011 : memref<128x128xf32, #tpu.memory_space<vmem>>) offsets(%dma_start3A_1014 : memref<128xi32, #tpu.memory_space<vmem>>) semaphore(%dma_start3A_1019 : memref<!tpu.dma_semaphore, #tpu.memory_space<semaphore_mem>>)
        %dma_start3A_1020 = arith.constant 0 : i32
        %dma_start3A_1021 = arith.constant 0 : i32
        %dma_start3A_1022 = arith.constant 0 : i32
        %dma_start3A_1023 = arith.constant 0 : i32
        %dma_start3A_1024 = arith.constant 0 : i32
        %dma_start3A_1025 = tpu.memref_slice %arg12[%dma_start3A_1021, %dma_start3A_1023, %dma_start3A_1024] : memref<2x128x128xf32, #tpu.memory_space<vmem>> -> memref<1x128x128xf32, #tpu.memory_space<vmem>>
        %dma_start3A_1026 = tpu.memref_squeeze %dma_start3A_1025 : memref<1x128x128xf32, #tpu.memory_space<vmem>> -> memref<128x128xf32, #tpu.memory_space<vmem>>
        %dma_start3A_1027 = arith.constant 0 : i32
        %dma_start3A_1028 = tpu.memref_slice %arg10[%dma_start3A_1020, %dma_start3A_1027] : memref<3x128xi32, #tpu.memory_space<vmem>> -> memref<1x128xi32, #tpu.memory_space<vmem>>
        %dma_start3A_1029 = tpu.memref_squeeze %dma_start3A_1028 : memref<1x128xi32, #tpu.memory_space<vmem>> -> memref<128xi32, #tpu.memory_space<vmem>>
        %dma_start3A_1030 = arith.constant 0 : i32
        %dma_start3A_1031 = arith.constant 0 : i32
        %dma_start3A_1032 = tpu.memref_slice %arg5[%dma_start3A_1030, %dma_start3A_1031] : memref<100000x128xf32, #tpu.memory_space<hbm>> -> memref<100000x128xf32, #tpu.memory_space<hbm>>
        %dma_start3A_1033 = tpu.memref_slice %arg15[%dma_start3A_1022] : memref<2x!tpu.dma_semaphore, #tpu.memory_space<semaphore_mem>> -> memref<1x!tpu.dma_semaphore, #tpu.memory_space<semaphore_mem>>
        %dma_start3A_1034 = tpu.memref_squeeze %dma_start3A_1033 : memref<1x!tpu.dma_semaphore, #tpu.memory_space<semaphore_mem>> -> memref<!tpu.dma_semaphore, #tpu.memory_space<semaphore_mem>>
        tpu.enqueue_indirect_dma source(%dma_start3A_1032 : memref<100000x128xf32, #tpu.memory_space<hbm>>) target(%dma_start3A_1026 : memref<128x128xf32, #tpu.memory_space<vmem>>) offsets(%dma_start3A_1029 : memref<128xi32, #tpu.memory_space<vmem>>) semaphore(%dma_start3A_1034 : memref<!tpu.dma_semaphore, #tpu.memory_space<semaphore_mem>>)
      } else {
      }
      %dma_wait3A_859 = arith.constant 2 : i32
      %dma_wait3A_860 = arith.constant 1 : i32
      %dma_wait3A_861 = arith.constant 1 : i32
      %dma_wait3A_862 = arith.constant 0 : i32
      %dma_wait3A_863 = arith.constant 0 : i32
      %dma_wait3A_864 = tpu.memref_slice %arg11[%dma_wait3A_860, %dma_wait3A_862, %dma_wait3A_863] : memref<2x128x128xf32, #tpu.memory_space<vmem>> -> memref<1x128x128xf32, #tpu.memory_space<vmem>>
      %dma_wait3A_865 = tpu.memref_squeeze %dma_wait3A_864 : memref<1x128x128xf32, #tpu.memory_space<vmem>> -> memref<128x128xf32, #tpu.memory_space<vmem>>
      %dma_wait3A_866 = arith.constant 0 : i32
      %dma_wait3A_867 = tpu.memref_slice %arg9[%dma_wait3A_859, %dma_wait3A_866] : memref<3x128xi32, #tpu.memory_space<vmem>> -> memref<1x128xi32, #tpu.memory_space<vmem>>
      %dma_wait3A_868 = tpu.memref_squeeze %dma_wait3A_867 : memref<1x128xi32, #tpu.memory_space<vmem>> -> memref<128xi32, #tpu.memory_space<vmem>>
      %dma_wait3A_869 = arith.constant 0 : i32
      %dma_wait3A_870 = arith.constant 0 : i32
      %dma_wait3A_871 = tpu.memref_slice %arg5[%dma_wait3A_869, %dma_wait3A_870] : memref<100000x128xf32, #tpu.memory_space<hbm>> -> memref<100000x128xf32, #tpu.memory_space<hbm>>
      %dma_wait3A_872 = tpu.memref_slice %arg15[%dma_wait3A_861] : memref<2x!tpu.dma_semaphore, #tpu.memory_space<semaphore_mem>> -> memref<1x!tpu.dma_semaphore, #tpu.memory_space<semaphore_mem>>
      %dma_wait3A_873 = tpu.memref_squeeze %dma_wait3A_872 : memref<1x!tpu.dma_semaphore, #tpu.memory_space<semaphore_mem>> -> memref<!tpu.dma_semaphore, #tpu.memory_space<semaphore_mem>>
      tpu.wait_indirect_dma semaphore(%dma_wait3A_873 : memref<!tpu.dma_semaphore, #tpu.memory_space<semaphore_mem>>) src(%dma_wait3A_871 : memref<100000x128xf32, #tpu.memory_space<hbm>>) dst(%dma_wait3A_865 : memref<128x128xf32, #tpu.memory_space<vmem>>)
      %dma_wait3A_874 = arith.constant 2 : i32
      %dma_wait3A_875 = arith.constant 1 : i32
      %dma_wait3A_876 = arith.constant 1 : i32
      %dma_wait3A_877 = arith.constant 0 : i32
      %dma_wait3A_878 = arith.constant 0 : i32
      %dma_wait3A_879 = tpu.memref_slice %arg12[%dma_wait3A_875, %dma_wait3A_877, %dma_wait3A_878] : memref<2x128x128xf32, #tpu.memory_space<vmem>> -> memref<1x128x128xf32, #tpu.memory_space<vmem>>
      %dma_wait3A_880 = tpu.memref_squeeze %dma_wait3A_879 : memref<1x128x128xf32, #tpu.memory_space<vmem>> -> memref<128x128xf32, #tpu.memory_space<vmem>>
      %dma_wait3A_881 = arith.constant 0 : i32
      %dma_wait3A_882 = tpu.memref_slice %arg10[%dma_wait3A_874, %dma_wait3A_881] : memref<3x128xi32, #tpu.memory_space<vmem>> -> memref<1x128xi32, #tpu.memory_space<vmem>>
      %dma_wait3A_883 = tpu.memref_squeeze %dma_wait3A_882 : memref<1x128xi32, #tpu.memory_space<vmem>> -> memref<128xi32, #tpu.memory_space<vmem>>
      %dma_wait3A_884 = arith.constant 0 : i32
      %dma_wait3A_885 = arith.constant 0 : i32
      %dma_wait3A_886 = tpu.memref_slice %arg5[%dma_wait3A_884, %dma_wait3A_885] : memref<100000x128xf32, #tpu.memory_space<hbm>> -> memref<100000x128xf32, #tpu.memory_space<hbm>>
      %dma_wait3A_887 = tpu.memref_slice %arg15[%dma_wait3A_876] : memref<2x!tpu.dma_semaphore, #tpu.memory_space<semaphore_mem>> -> memref<1x!tpu.dma_semaphore, #tpu.memory_space<semaphore_mem>>
      %dma_wait3A_888 = tpu.memref_squeeze %dma_wait3A_887 : memref<1x!tpu.dma_semaphore, #tpu.memory_space<semaphore_mem>> -> memref<!tpu.dma_semaphore, #tpu.memory_space<semaphore_mem>>
      tpu.wait_indirect_dma semaphore(%dma_wait3A_888 : memref<!tpu.dma_semaphore, #tpu.memory_space<semaphore_mem>>) src(%dma_wait3A_886 : memref<100000x128xf32, #tpu.memory_space<hbm>>) dst(%dma_wait3A_880 : memref<128x128xf32, #tpu.memory_space<vmem>>)
      %ge3A_889 = arith.constant 2 : i32
      %ge3A_890 = arith.cmpi sge, %add3A_844, %ge3A_889 : i32
      %convert_element_type3A_891 = arith.extui %ge3A_890 : i1 to i32
      %cond3A_892 = arith.constant 0 : i32
      %cond3A_893 = arith.cmpi ne, %convert_element_type3A_891, %cond3A_892 : i32
      scf.if %cond3A_893 {
        %sub3A = arith.constant 2 : i32
        %sub3A_979 = arith.subi %add3A_844, %sub3A : i32
        %mul3A_980 = arith.constant 128 : i32
        %mul3A_981 = arith.muli %sub3A_979, %mul3A_980 : i32
        %add3A_982 = arith.addi %mul3A_2, %mul3A_981 : i32
        %dma_wait3A_983 = arith.constant 1 : i32
        %dma_wait3A_984 = arith.constant 1 : i32
        %dma_wait3A_985 = arith.constant 0 : i32
        %dma_wait3A_986 = tpu.memref_slice %arg13[%dma_wait3A_983, %dma_wait3A_985] : memref<2x128xf32, #tpu.memory_space<vmem>> -> memref<1x128xf32, #tpu.memory_space<vmem>>
        %dma_wait3A_987 = tpu.memref_squeeze %dma_wait3A_986 : memref<1x128xf32, #tpu.memory_space<vmem>> -> memref<128xf32, #tpu.memory_space<vmem>>
        %dma_wait3A_988 = tpu.memref_slice %arg6[%add3A_982] : memref<638976xf32, #tpu.memory_space<hbm>> -> memref<128xf32, #tpu.memory_space<hbm>>
        %dma_wait3A_989 = tpu.memref_slice %arg16[%dma_wait3A_984] : memref<2x!tpu.dma_semaphore, #tpu.memory_space<semaphore_mem>> -> memref<1x!tpu.dma_semaphore, #tpu.memory_space<semaphore_mem>>
        %dma_wait3A_990 = tpu.memref_squeeze %dma_wait3A_989 : memref<1x!tpu.dma_semaphore, #tpu.memory_space<semaphore_mem>> -> memref<!tpu.dma_semaphore, #tpu.memory_space<semaphore_mem>>
        %dma_wait3A_991 = tpu.memref_slice %arg6[%add3A_982] : memref<638976xf32, #tpu.memory_space<hbm>> -> memref<128xf32, #tpu.memory_space<hbm>>
        %dma_wait3A_992 = arith.constant 0 : i32
        %dma_wait3A_993 = tpu.memref_slice %arg13[%dma_wait3A_983, %dma_wait3A_992] : memref<2x128xf32, #tpu.memory_space<vmem>> -> memref<1x128xf32, #tpu.memory_space<vmem>>
        %dma_wait3A_994 = tpu.memref_squeeze %dma_wait3A_993 : memref<1x128xf32, #tpu.memory_space<vmem>> -> memref<128xf32, #tpu.memory_space<vmem>>
        tpu.wait_dma2 semaphore(%dma_wait3A_990 : memref<!tpu.dma_semaphore, #tpu.memory_space<semaphore_mem>>) src(%dma_wait3A_994 : memref<128xf32, #tpu.memory_space<vmem>>) dst(%dma_wait3A_991 : memref<128xf32, #tpu.memory_space<hbm>>)
      } else {
      }
      %broadcast_in_dim3A_894 = arith.constant 0.000000e+00 : f32
      %broadcast_in_dim3A_895 = vector.broadcast %broadcast_in_dim3A_894 : f32 to vector<16xf32>
      %broadcast_in_dim3A_896 = arith.constant 0.000000e+00 : f32
      %broadcast_in_dim3A_897 = vector.broadcast %broadcast_in_dim3A_896 : f32 to vector<16xf32>
      %broadcast_in_dim3A_898 = arith.constant 0.000000e+00 : f32
      %broadcast_in_dim3A_899 = vector.broadcast %broadcast_in_dim3A_898 : f32 to vector<16xf32>
      %broadcast_in_dim3A_900 = arith.constant 0.000000e+00 : f32
      %broadcast_in_dim3A_901 = vector.broadcast %broadcast_in_dim3A_900 : f32 to vector<16xf32>
      %broadcast_in_dim3A_902 = arith.constant 0.000000e+00 : f32
      %broadcast_in_dim3A_903 = vector.broadcast %broadcast_in_dim3A_902 : f32 to vector<16xf32>
      %broadcast_in_dim3A_904 = arith.constant 0.000000e+00 : f32
      %broadcast_in_dim3A_905 = vector.broadcast %broadcast_in_dim3A_904 : f32 to vector<16xf32>
      %broadcast_in_dim3A_906 = arith.constant 0.000000e+00 : f32
      %broadcast_in_dim3A_907 = vector.broadcast %broadcast_in_dim3A_906 : f32 to vector<16xf32>
      %broadcast_in_dim3A_908 = arith.constant 0.000000e+00 : f32
      %broadcast_in_dim3A_909 = vector.broadcast %broadcast_in_dim3A_908 : f32 to vector<16xf32>
      %parallel_loop3A_910 = arith.constant 0 : i32
      %parallel_loop3A_911 = arith.constant 128 : i32
      %parallel_loop3A_912 = arith.constant 1 : i32
      %parallel_loop3A_913 = arith.constant 1 : i32
      %parallel_loop3A_914 = arith.constant 1 : i32
      %parallel_loop3A_915:8 = scf.for %parallel_loop3A_979 = %parallel_loop3A_910 to %parallel_loop3A_911 step %parallel_loop3A_912 iter_args(%parallel_loop3A_980 = %broadcast_in_dim3A_895, %parallel_loop3A_981 = %broadcast_in_dim3A_897, %parallel_loop3A_982 = %broadcast_in_dim3A_899, %parallel_loop3A_983 = %broadcast_in_dim3A_901, %parallel_loop3A_984 = %broadcast_in_dim3A_903, %parallel_loop3A_985 = %broadcast_in_dim3A_905, %parallel_loop3A_986 = %broadcast_in_dim3A_907, %parallel_loop3A_987 = %broadcast_in_dim3A_909) -> (vector<16xf32>, vector<16xf32>, vector<16xf32>, vector<16xf32>, vector<16xf32>, vector<16xf32>, vector<16xf32>, vector<16xf32>)  : i32 {
        %parallel_loop3A_988 = vector.broadcast %parallel_loop3A_979 : i32 to vector<16xi32>
        %parallel_loop3A_989 = arith.constant 0 : i32
        %parallel_loop3A_990 = arith.constant 0 : i32
        %parallel_loop3A_991 = tpu.memref_slice %arg11[%parallel_loop3A_913, %parallel_loop3A_989, %parallel_loop3A_990] : memref<2x128x128xf32, #tpu.memory_space<vmem>> -> memref<1x128x128xf32, #tpu.memory_space<vmem>>
        %parallel_loop3A_992 = tpu.memref_squeeze %parallel_loop3A_991 : memref<1x128x128xf32, #tpu.memory_space<vmem>> -> memref<128x128xf32, #tpu.memory_space<vmem>>
        %parallel_loop3A_993 = tpu.vector_load_idx %parallel_loop3A_992[%add3A_5, %parallel_loop3A_988] : memref<128x128xf32, #tpu.memory_space<vmem>>[vector<16xi32>, vector<16xi32>], vector<16xf32>,
        %parallel_loop3A_994 = arith.constant 0 : i32
        %parallel_loop3A_995 = arith.constant 0 : i32
        %parallel_loop3A_996 = tpu.memref_slice %arg12[%parallel_loop3A_914, %parallel_loop3A_994, %parallel_loop3A_995] : memref<2x128x128xf32, #tpu.memory_space<vmem>> -> memref<1x128x128xf32, #tpu.memory_space<vmem>>
        %parallel_loop3A_997 = tpu.memref_squeeze %parallel_loop3A_996 : memref<1x128x128xf32, #tpu.memory_space<vmem>> -> memref<128x128xf32, #tpu.memory_space<vmem>>
        %parallel_loop3A_998 = tpu.vector_load_idx %parallel_loop3A_997[%add3A_5, %parallel_loop3A_988] : memref<128x128xf32, #tpu.memory_space<vmem>>[vector<16xi32>, vector<16xi32>], vector<16xf32>,
        %parallel_loop3A_999 = arith.mulf %parallel_loop3A_993, %parallel_loop3A_998 : vector<16xf32>
        %parallel_loop3A_1000 = arith.addf %parallel_loop3A_980, %parallel_loop3A_999 : vector<16xf32>
        %parallel_loop3A_1001 = arith.constant 0 : i32
        %parallel_loop3A_1002 = arith.constant 0 : i32
        %parallel_loop3A_1003 = tpu.memref_slice %arg11[%parallel_loop3A_913, %parallel_loop3A_1001, %parallel_loop3A_1002] : memref<2x128x128xf32, #tpu.memory_space<vmem>> -> memref<1x128x128xf32, #tpu.memory_space<vmem>>
        %parallel_loop3A_1004 = tpu.memref_squeeze %parallel_loop3A_1003 : memref<1x128x128xf32, #tpu.memory_space<vmem>> -> memref<128x128xf32, #tpu.memory_space<vmem>>
        %parallel_loop3A_1005 = tpu.vector_load_idx %parallel_loop3A_1004[%add3A_8, %parallel_loop3A_988] : memref<128x128xf32, #tpu.memory_space<vmem>>[vector<16xi32>, vector<16xi32>], vector<16xf32>,
        %parallel_loop3A_1006 = arith.constant 0 : i32
        %parallel_loop3A_1007 = arith.constant 0 : i32
        %parallel_loop3A_1008 = tpu.memref_slice %arg12[%parallel_loop3A_914, %parallel_loop3A_1006, %parallel_loop3A_1007] : memref<2x128x128xf32, #tpu.memory_space<vmem>> -> memref<1x128x128xf32, #tpu.memory_space<vmem>>
        %parallel_loop3A_1009 = tpu.memref_squeeze %parallel_loop3A_1008 : memref<1x128x128xf32, #tpu.memory_space<vmem>> -> memref<128x128xf32, #tpu.memory_space<vmem>>
        %parallel_loop3A_1010 = tpu.vector_load_idx %parallel_loop3A_1009[%add3A_8, %parallel_loop3A_988] : memref<128x128xf32, #tpu.memory_space<vmem>>[vector<16xi32>, vector<16xi32>], vector<16xf32>,
        %parallel_loop3A_1011 = arith.mulf %parallel_loop3A_1005, %parallel_loop3A_1010 : vector<16xf32>
        %parallel_loop3A_1012 = arith.addf %parallel_loop3A_981, %parallel_loop3A_1011 : vector<16xf32>
        %parallel_loop3A_1013 = arith.constant 0 : i32
        %parallel_loop3A_1014 = arith.constant 0 : i32
        %parallel_loop3A_1015 = tpu.memref_slice %arg11[%parallel_loop3A_913, %parallel_loop3A_1013, %parallel_loop3A_1014] : memref<2x128x128xf32, #tpu.memory_space<vmem>> -> memref<1x128x128xf32, #tpu.memory_space<vmem>>
        %parallel_loop3A_1016 = tpu.memref_squeeze %parallel_loop3A_1015 : memref<1x128x128xf32, #tpu.memory_space<vmem>> -> memref<128x128xf32, #tpu.memory_space<vmem>>
        %parallel_loop3A_1017 = tpu.vector_load_idx %parallel_loop3A_1016[%add3A_11, %parallel_loop3A_988] : memref<128x128xf32, #tpu.memory_space<vmem>>[vector<16xi32>, vector<16xi32>], vector<16xf32>,
        %parallel_loop3A_1018 = arith.constant 0 : i32
        %parallel_loop3A_1019 = arith.constant 0 : i32
        %parallel_loop3A_1020 = tpu.memref_slice %arg12[%parallel_loop3A_914, %parallel_loop3A_1018, %parallel_loop3A_1019] : memref<2x128x128xf32, #tpu.memory_space<vmem>> -> memref<1x128x128xf32, #tpu.memory_space<vmem>>
        %parallel_loop3A_1021 = tpu.memref_squeeze %parallel_loop3A_1020 : memref<1x128x128xf32, #tpu.memory_space<vmem>> -> memref<128x128xf32, #tpu.memory_space<vmem>>
        %parallel_loop3A_1022 = tpu.vector_load_idx %parallel_loop3A_1021[%add3A_11, %parallel_loop3A_988] : memref<128x128xf32, #tpu.memory_space<vmem>>[vector<16xi32>, vector<16xi32>], vector<16xf32>,
        %parallel_loop3A_1023 = arith.mulf %parallel_loop3A_1017, %parallel_loop3A_1022 : vector<16xf32>
        %parallel_loop3A_1024 = arith.addf %parallel_loop3A_982, %parallel_loop3A_1023 : vector<16xf32>
        %parallel_loop3A_1025 = arith.constant 0 : i32
        %parallel_loop3A_1026 = arith.constant 0 : i32
        %parallel_loop3A_1027 = tpu.memref_slice %arg11[%parallel_loop3A_913, %parallel_loop3A_1025, %parallel_loop3A_1026] : memref<2x128x128xf32, #tpu.memory_space<vmem>> -> memref<1x128x128xf32, #tpu.memory_space<vmem>>
        %parallel_loop3A_1028 = tpu.memref_squeeze %parallel_loop3A_1027 : memref<1x128x128xf32, #tpu.memory_space<vmem>> -> memref<128x128xf32, #tpu.memory_space<vmem>>
        %parallel_loop3A_1029 = tpu.vector_load_idx %parallel_loop3A_1028[%add3A_14, %parallel_loop3A_988] : memref<128x128xf32, #tpu.memory_space<vmem>>[vector<16xi32>, vector<16xi32>], vector<16xf32>,
        %parallel_loop3A_1030 = arith.constant 0 : i32
        %parallel_loop3A_1031 = arith.constant 0 : i32
        %parallel_loop3A_1032 = tpu.memref_slice %arg12[%parallel_loop3A_914, %parallel_loop3A_1030, %parallel_loop3A_1031] : memref<2x128x128xf32, #tpu.memory_space<vmem>> -> memref<1x128x128xf32, #tpu.memory_space<vmem>>
        %parallel_loop3A_1033 = tpu.memref_squeeze %parallel_loop3A_1032 : memref<1x128x128xf32, #tpu.memory_space<vmem>> -> memref<128x128xf32, #tpu.memory_space<vmem>>
        %parallel_loop3A_1034 = tpu.vector_load_idx %parallel_loop3A_1033[%add3A_14, %parallel_loop3A_988] : memref<128x128xf32, #tpu.memory_space<vmem>>[vector<16xi32>, vector<16xi32>], vector<16xf32>,
        %parallel_loop3A_1035 = arith.mulf %parallel_loop3A_1029, %parallel_loop3A_1034 : vector<16xf32>
        %parallel_loop3A_1036 = arith.addf %parallel_loop3A_983, %parallel_loop3A_1035 : vector<16xf32>
        %parallel_loop3A_1037 = arith.constant 0 : i32
        %parallel_loop3A_1038 = arith.constant 0 : i32
        %parallel_loop3A_1039 = tpu.memref_slice %arg11[%parallel_loop3A_913, %parallel_loop3A_1037, %parallel_loop3A_1038] : memref<2x128x128xf32, #tpu.memory_space<vmem>> -> memref<1x128x128xf32, #tpu.memory_space<vmem>>
        %parallel_loop3A_1040 = tpu.memref_squeeze %parallel_loop3A_1039 : memref<1x128x128xf32, #tpu.memory_space<vmem>> -> memref<128x128xf32, #tpu.memory_space<vmem>>
        %parallel_loop3A_1041 = tpu.vector_load_idx %parallel_loop3A_1040[%add3A_17, %parallel_loop3A_988] : memref<128x128xf32, #tpu.memory_space<vmem>>[vector<16xi32>, vector<16xi32>], vector<16xf32>,
        %parallel_loop3A_1042 = arith.constant 0 : i32
        %parallel_loop3A_1043 = arith.constant 0 : i32
        %parallel_loop3A_1044 = tpu.memref_slice %arg12[%parallel_loop3A_914, %parallel_loop3A_1042, %parallel_loop3A_1043] : memref<2x128x128xf32, #tpu.memory_space<vmem>> -> memref<1x128x128xf32, #tpu.memory_space<vmem>>
        %parallel_loop3A_1045 = tpu.memref_squeeze %parallel_loop3A_1044 : memref<1x128x128xf32, #tpu.memory_space<vmem>> -> memref<128x128xf32, #tpu.memory_space<vmem>>
        %parallel_loop3A_1046 = tpu.vector_load_idx %parallel_loop3A_1045[%add3A_17, %parallel_loop3A_988] : memref<128x128xf32, #tpu.memory_space<vmem>>[vector<16xi32>, vector<16xi32>], vector<16xf32>,
        %parallel_loop3A_1047 = arith.mulf %parallel_loop3A_1041, %parallel_loop3A_1046 : vector<16xf32>
        %parallel_loop3A_1048 = arith.addf %parallel_loop3A_984, %parallel_loop3A_1047 : vector<16xf32>
        %parallel_loop3A_1049 = arith.constant 0 : i32
        %parallel_loop3A_1050 = arith.constant 0 : i32
        %parallel_loop3A_1051 = tpu.memref_slice %arg11[%parallel_loop3A_913, %parallel_loop3A_1049, %parallel_loop3A_1050] : memref<2x128x128xf32, #tpu.memory_space<vmem>> -> memref<1x128x128xf32, #tpu.memory_space<vmem>>
        %parallel_loop3A_1052 = tpu.memref_squeeze %parallel_loop3A_1051 : memref<1x128x128xf32, #tpu.memory_space<vmem>> -> memref<128x128xf32, #tpu.memory_space<vmem>>
        %parallel_loop3A_1053 = tpu.vector_load_idx %parallel_loop3A_1052[%add3A_20, %parallel_loop3A_988] : memref<128x128xf32, #tpu.memory_space<vmem>>[vector<16xi32>, vector<16xi32>], vector<16xf32>,
        %parallel_loop3A_1054 = arith.constant 0 : i32
        %parallel_loop3A_1055 = arith.constant 0 : i32
        %parallel_loop3A_1056 = tpu.memref_slice %arg12[%parallel_loop3A_914, %parallel_loop3A_1054, %parallel_loop3A_1055] : memref<2x128x128xf32, #tpu.memory_space<vmem>> -> memref<1x128x128xf32, #tpu.memory_space<vmem>>
        %parallel_loop3A_1057 = tpu.memref_squeeze %parallel_loop3A_1056 : memref<1x128x128xf32, #tpu.memory_space<vmem>> -> memref<128x128xf32, #tpu.memory_space<vmem>>
        %parallel_loop3A_1058 = tpu.vector_load_idx %parallel_loop3A_1057[%add3A_20, %parallel_loop3A_988] : memref<128x128xf32, #tpu.memory_space<vmem>>[vector<16xi32>, vector<16xi32>], vector<16xf32>,
        %parallel_loop3A_1059 = arith.mulf %parallel_loop3A_1053, %parallel_loop3A_1058 : vector<16xf32>
        %parallel_loop3A_1060 = arith.addf %parallel_loop3A_985, %parallel_loop3A_1059 : vector<16xf32>
        %parallel_loop3A_1061 = arith.constant 0 : i32
        %parallel_loop3A_1062 = arith.constant 0 : i32
        %parallel_loop3A_1063 = tpu.memref_slice %arg11[%parallel_loop3A_913, %parallel_loop3A_1061, %parallel_loop3A_1062] : memref<2x128x128xf32, #tpu.memory_space<vmem>> -> memref<1x128x128xf32, #tpu.memory_space<vmem>>
        %parallel_loop3A_1064 = tpu.memref_squeeze %parallel_loop3A_1063 : memref<1x128x128xf32, #tpu.memory_space<vmem>> -> memref<128x128xf32, #tpu.memory_space<vmem>>
        %parallel_loop3A_1065 = tpu.vector_load_idx %parallel_loop3A_1064[%add3A_23, %parallel_loop3A_988] : memref<128x128xf32, #tpu.memory_space<vmem>>[vector<16xi32>, vector<16xi32>], vector<16xf32>,
        %parallel_loop3A_1066 = arith.constant 0 : i32
        %parallel_loop3A_1067 = arith.constant 0 : i32
        %parallel_loop3A_1068 = tpu.memref_slice %arg12[%parallel_loop3A_914, %parallel_loop3A_1066, %parallel_loop3A_1067] : memref<2x128x128xf32, #tpu.memory_space<vmem>> -> memref<1x128x128xf32, #tpu.memory_space<vmem>>
        %parallel_loop3A_1069 = tpu.memref_squeeze %parallel_loop3A_1068 : memref<1x128x128xf32, #tpu.memory_space<vmem>> -> memref<128x128xf32, #tpu.memory_space<vmem>>
        %parallel_loop3A_1070 = tpu.vector_load_idx %parallel_loop3A_1069[%add3A_23, %parallel_loop3A_988] : memref<128x128xf32, #tpu.memory_space<vmem>>[vector<16xi32>, vector<16xi32>], vector<16xf32>,
        %parallel_loop3A_1071 = arith.mulf %parallel_loop3A_1065, %parallel_loop3A_1070 : vector<16xf32>
        %parallel_loop3A_1072 = arith.addf %parallel_loop3A_986, %parallel_loop3A_1071 : vector<16xf32>
        %parallel_loop3A_1073 = arith.constant 0 : i32
        %parallel_loop3A_1074 = arith.constant 0 : i32
        %parallel_loop3A_1075 = tpu.memref_slice %arg11[%parallel_loop3A_913, %parallel_loop3A_1073, %parallel_loop3A_1074] : memref<2x128x128xf32, #tpu.memory_space<vmem>> -> memref<1x128x128xf32, #tpu.memory_space<vmem>>
        %parallel_loop3A_1076 = tpu.memref_squeeze %parallel_loop3A_1075 : memref<1x128x128xf32, #tpu.memory_space<vmem>> -> memref<128x128xf32, #tpu.memory_space<vmem>>
        %parallel_loop3A_1077 = tpu.vector_load_idx %parallel_loop3A_1076[%add3A_26, %parallel_loop3A_988] : memref<128x128xf32, #tpu.memory_space<vmem>>[vector<16xi32>, vector<16xi32>], vector<16xf32>,
        %parallel_loop3A_1078 = arith.constant 0 : i32
        %parallel_loop3A_1079 = arith.constant 0 : i32
        %parallel_loop3A_1080 = tpu.memref_slice %arg12[%parallel_loop3A_914, %parallel_loop3A_1078, %parallel_loop3A_1079] : memref<2x128x128xf32, #tpu.memory_space<vmem>> -> memref<1x128x128xf32, #tpu.memory_space<vmem>>
        %parallel_loop3A_1081 = tpu.memref_squeeze %parallel_loop3A_1080 : memref<1x128x128xf32, #tpu.memory_space<vmem>> -> memref<128x128xf32, #tpu.memory_space<vmem>>
        %parallel_loop3A_1082 = tpu.vector_load_idx %parallel_loop3A_1081[%add3A_26, %parallel_loop3A_988] : memref<128x128xf32, #tpu.memory_space<vmem>>[vector<16xi32>, vector<16xi32>], vector<16xf32>,
        %parallel_loop3A_1083 = arith.mulf %parallel_loop3A_1077, %parallel_loop3A_1082 : vector<16xf32>
        %parallel_loop3A_1084 = arith.addf %parallel_loop3A_987, %parallel_loop3A_1083 : vector<16xf32>
        scf.yield %parallel_loop3A_1000, %parallel_loop3A_1012, %parallel_loop3A_1024, %parallel_loop3A_1036, %parallel_loop3A_1048, %parallel_loop3A_1060, %parallel_loop3A_1072, %parallel_loop3A_1084 : vector<16xf32>, vector<16xf32>, vector<16xf32>, vector<16xf32>, vector<16xf32>, vector<16xf32>, vector<16xf32>, vector<16xf32>
      } {sc.loop_unroll_factor = 4 : i64, sc.parallel_access}
      %swap3A_916 = arith.constant 1 : i32
      %swap3A_917 = arith.constant 0 : i32
      %swap3A_918 = tpu.memref_slice %arg13[%swap3A_916, %swap3A_917] : memref<2x128xf32, #tpu.memory_space<vmem>> -> memref<1x128xf32, #tpu.memory_space<vmem>>
      %swap3A_919 = tpu.memref_squeeze %swap3A_918 : memref<1x128xf32, #tpu.memory_space<vmem>> -> memref<128xf32, #tpu.memory_space<vmem>>
      %swap3A_920 = arith.constant 0 : index
      %swap3A_921 = tpu.vector_load %swap3A_919[%swap3A_920] {strides = array<i32>} : memref<128xf32, #tpu.memory_space<vmem>>, vector<16xf32>,
      tpu.vector_store %swap3A_919[%swap3A_920], %parallel_loop3A_915#0 {strides = array<i32>} : memref<128xf32, #tpu.memory_space<vmem>>, vector<16xf32>,
      %swap3A_922 = arith.constant 1 : i32
      %swap3A_923 = arith.constant 0 : i32
      %swap3A_924 = tpu.memref_slice %arg13[%swap3A_922, %swap3A_923] : memref<2x128xf32, #tpu.memory_space<vmem>> -> memref<1x128xf32, #tpu.memory_space<vmem>>
      %swap3A_925 = tpu.memref_squeeze %swap3A_924 : memref<1x128xf32, #tpu.memory_space<vmem>> -> memref<128xf32, #tpu.memory_space<vmem>>
      %swap3A_926 = arith.constant 16 : index
      %swap3A_927 = tpu.vector_load %swap3A_925[%swap3A_926] {strides = array<i32>} : memref<128xf32, #tpu.memory_space<vmem>>, vector<16xf32>,
      tpu.vector_store %swap3A_925[%swap3A_926], %parallel_loop3A_915#1 {strides = array<i32>} : memref<128xf32, #tpu.memory_space<vmem>>, vector<16xf32>,
      %swap3A_928 = arith.constant 1 : i32
      %swap3A_929 = arith.constant 0 : i32
      %swap3A_930 = tpu.memref_slice %arg13[%swap3A_928, %swap3A_929] : memref<2x128xf32, #tpu.memory_space<vmem>> -> memref<1x128xf32, #tpu.memory_space<vmem>>
      %swap3A_931 = tpu.memref_squeeze %swap3A_930 : memref<1x128xf32, #tpu.memory_space<vmem>> -> memref<128xf32, #tpu.memory_space<vmem>>
      %swap3A_932 = arith.constant 32 : index
      %swap3A_933 = tpu.vector_load %swap3A_931[%swap3A_932] {strides = array<i32>} : memref<128xf32, #tpu.memory_space<vmem>>, vector<16xf32>,
      tpu.vector_store %swap3A_931[%swap3A_932], %parallel_loop3A_915#2 {strides = array<i32>} : memref<128xf32, #tpu.memory_space<vmem>>, vector<16xf32>,
      %swap3A_934 = arith.constant 1 : i32
      %swap3A_935 = arith.constant 0 : i32
      %swap3A_936 = tpu.memref_slice %arg13[%swap3A_934, %swap3A_935] : memref<2x128xf32, #tpu.memory_space<vmem>> -> memref<1x128xf32, #tpu.memory_space<vmem>>
      %swap3A_937 = tpu.memref_squeeze %swap3A_936 : memref<1x128xf32, #tpu.memory_space<vmem>> -> memref<128xf32, #tpu.memory_space<vmem>>
      %swap3A_938 = arith.constant 48 : index
      %swap3A_939 = tpu.vector_load %swap3A_937[%swap3A_938] {strides = array<i32>} : memref<128xf32, #tpu.memory_space<vmem>>, vector<16xf32>,
      tpu.vector_store %swap3A_937[%swap3A_938], %parallel_loop3A_915#3 {strides = array<i32>} : memref<128xf32, #tpu.memory_space<vmem>>, vector<16xf32>,
      %swap3A_940 = arith.constant 1 : i32
      %swap3A_941 = arith.constant 0 : i32
      %swap3A_942 = tpu.memref_slice %arg13[%swap3A_940, %swap3A_941] : memref<2x128xf32, #tpu.memory_space<vmem>> -> memref<1x128xf32, #tpu.memory_space<vmem>>
      %swap3A_943 = tpu.memref_squeeze %swap3A_942 : memref<1x128xf32, #tpu.memory_space<vmem>> -> memref<128xf32, #tpu.memory_space<vmem>>
      %swap3A_944 = arith.constant 64 : index
      %swap3A_945 = tpu.vector_load %swap3A_943[%swap3A_944] {strides = array<i32>} : memref<128xf32, #tpu.memory_space<vmem>>, vector<16xf32>,
      tpu.vector_store %swap3A_943[%swap3A_944], %parallel_loop3A_915#4 {strides = array<i32>} : memref<128xf32, #tpu.memory_space<vmem>>, vector<16xf32>,
      %swap3A_946 = arith.constant 1 : i32
      %swap3A_947 = arith.constant 0 : i32
      %swap3A_948 = tpu.memref_slice %arg13[%swap3A_946, %swap3A_947] : memref<2x128xf32, #tpu.memory_space<vmem>> -> memref<1x128xf32, #tpu.memory_space<vmem>>
      %swap3A_949 = tpu.memref_squeeze %swap3A_948 : memref<1x128xf32, #tpu.memory_space<vmem>> -> memref<128xf32, #tpu.memory_space<vmem>>
      %swap3A_950 = arith.constant 80 : index
      %swap3A_951 = tpu.vector_load %swap3A_949[%swap3A_950] {strides = array<i32>} : memref<128xf32, #tpu.memory_space<vmem>>, vector<16xf32>,
      tpu.vector_store %swap3A_949[%swap3A_950], %parallel_loop3A_915#5 {strides = array<i32>} : memref<128xf32, #tpu.memory_space<vmem>>, vector<16xf32>,
      %swap3A_952 = arith.constant 1 : i32
      %swap3A_953 = arith.constant 0 : i32
      %swap3A_954 = tpu.memref_slice %arg13[%swap3A_952, %swap3A_953] : memref<2x128xf32, #tpu.memory_space<vmem>> -> memref<1x128xf32, #tpu.memory_space<vmem>>
      %swap3A_955 = tpu.memref_squeeze %swap3A_954 : memref<1x128xf32, #tpu.memory_space<vmem>> -> memref<128xf32, #tpu.memory_space<vmem>>
      %swap3A_956 = arith.constant 96 : index
      %swap3A_957 = tpu.vector_load %swap3A_955[%swap3A_956] {strides = array<i32>} : memref<128xf32, #tpu.memory_space<vmem>>, vector<16xf32>,
      tpu.vector_store %swap3A_955[%swap3A_956], %parallel_loop3A_915#6 {strides = array<i32>} : memref<128xf32, #tpu.memory_space<vmem>>, vector<16xf32>,
      %swap3A_958 = arith.constant 1 : i32
      %swap3A_959 = arith.constant 0 : i32
      %swap3A_960 = tpu.memref_slice %arg13[%swap3A_958, %swap3A_959] : memref<2x128xf32, #tpu.memory_space<vmem>> -> memref<1x128xf32, #tpu.memory_space<vmem>>
      %swap3A_961 = tpu.memref_squeeze %swap3A_960 : memref<1x128xf32, #tpu.memory_space<vmem>> -> memref<128xf32, #tpu.memory_space<vmem>>
      %swap3A_962 = arith.constant 112 : index
      %swap3A_963 = tpu.vector_load %swap3A_961[%swap3A_962] {strides = array<i32>} : memref<128xf32, #tpu.memory_space<vmem>>, vector<16xf32>,
      tpu.vector_store %swap3A_961[%swap3A_962], %parallel_loop3A_915#7 {strides = array<i32>} : memref<128xf32, #tpu.memory_space<vmem>>, vector<16xf32>,
      %mul3A_964 = arith.constant 128 : i32
      %mul3A_965 = arith.muli %add3A_844, %mul3A_964 : i32
      %add3A_966 = arith.addi %mul3A_2, %mul3A_965 : i32
      %dma_start3A_967 = arith.constant 1 : i32
      %dma_start3A_968 = arith.constant 1 : i32
      %dma_start3A_969 = arith.constant 0 : i32
      %dma_start3A_970 = tpu.memref_slice %arg13[%dma_start3A_967, %dma_start3A_969] : memref<2x128xf32, #tpu.memory_space<vmem>> -> memref<1x128xf32, #tpu.memory_space<vmem>>
      %dma_start3A_971 = tpu.memref_squeeze %dma_start3A_970 : memref<1x128xf32, #tpu.memory_space<vmem>> -> memref<128xf32, #tpu.memory_space<vmem>>
      %dma_start3A_972 = tpu.memref_slice %arg6[%add3A_966] : memref<638976xf32, #tpu.memory_space<hbm>> -> memref<128xf32, #tpu.memory_space<hbm>>
      %dma_start3A_973 = tpu.memref_slice %arg16[%dma_start3A_968] : memref<2x!tpu.dma_semaphore, #tpu.memory_space<semaphore_mem>> -> memref<1x!tpu.dma_semaphore, #tpu.memory_space<semaphore_mem>>
      %dma_start3A_974 = tpu.memref_squeeze %dma_start3A_973 : memref<1x!tpu.dma_semaphore, #tpu.memory_space<semaphore_mem>> -> memref<!tpu.dma_semaphore, #tpu.memory_space<semaphore_mem>>
      %dma_start3A_975 = tpu.memref_slice %arg6[%add3A_966] : memref<638976xf32, #tpu.memory_space<hbm>> -> memref<128xf32, #tpu.memory_space<hbm>>
      %dma_start3A_976 = arith.constant 0 : i32
      %dma_start3A_977 = tpu.memref_slice %arg13[%dma_start3A_967, %dma_start3A_976] : memref<2x128xf32, #tpu.memory_space<vmem>> -> memref<1x128xf32, #tpu.memory_space<vmem>>
      %dma_start3A_978 = tpu.memref_squeeze %dma_start3A_977 : memref<1x128xf32, #tpu.memory_space<vmem>> -> memref<128xf32, #tpu.memory_space<vmem>>
      tpu.enqueue_dma source(%dma_start3A_978 : memref<128xf32, #tpu.memory_space<vmem>>) target(%dma_start3A_975 : memref<128xf32, #tpu.memory_space<hbm>>) target_semaphore(%dma_start3A_974 : memref<!tpu.dma_semaphore, #tpu.memory_space<semaphore_mem>>)
    }
    %scan3A_124 = arith.constant 26 : i32
    %add3A_125 = arith.constant 19712 : i32
    %add3A_126 = arith.addi %mul3A_2, %add3A_125 : i32
    %dma_wait3A_127 = arith.constant 0 : i32
    %dma_wait3A_128 = arith.constant 0 : i32
    %dma_wait3A_129 = arith.constant 0 : i32
    %dma_wait3A_130 = tpu.memref_slice %arg13[%dma_wait3A_127, %dma_wait3A_129] : memref<2x128xf32, #tpu.memory_space<vmem>> -> memref<1x128xf32, #tpu.memory_space<vmem>>
    %dma_wait3A_131 = tpu.memref_squeeze %dma_wait3A_130 : memref<1x128xf32, #tpu.memory_space<vmem>> -> memref<128xf32, #tpu.memory_space<vmem>>
    %dma_wait3A_132 = tpu.memref_slice %arg6[%add3A_126] : memref<638976xf32, #tpu.memory_space<hbm>> -> memref<128xf32, #tpu.memory_space<hbm>>
    %dma_wait3A_133 = tpu.memref_slice %arg16[%dma_wait3A_128] : memref<2x!tpu.dma_semaphore, #tpu.memory_space<semaphore_mem>> -> memref<1x!tpu.dma_semaphore, #tpu.memory_space<semaphore_mem>>
    %dma_wait3A_134 = tpu.memref_squeeze %dma_wait3A_133 : memref<1x!tpu.dma_semaphore, #tpu.memory_space<semaphore_mem>> -> memref<!tpu.dma_semaphore, #tpu.memory_space<semaphore_mem>>
    %dma_wait3A_135 = tpu.memref_slice %arg6[%add3A_126] : memref<638976xf32, #tpu.memory_space<hbm>> -> memref<128xf32, #tpu.memory_space<hbm>>
    %dma_wait3A_136 = arith.constant 0 : i32
    %dma_wait3A_137 = tpu.memref_slice %arg13[%dma_wait3A_127, %dma_wait3A_136] : memref<2x128xf32, #tpu.memory_space<vmem>> -> memref<1x128xf32, #tpu.memory_space<vmem>>
    %dma_wait3A_138 = tpu.memref_squeeze %dma_wait3A_137 : memref<1x128xf32, #tpu.memory_space<vmem>> -> memref<128xf32, #tpu.memory_space<vmem>>
    tpu.wait_dma2 semaphore(%dma_wait3A_134 : memref<!tpu.dma_semaphore, #tpu.memory_space<semaphore_mem>>) src(%dma_wait3A_138 : memref<128xf32, #tpu.memory_space<vmem>>) dst(%dma_wait3A_135 : memref<128xf32, #tpu.memory_space<hbm>>)
    %add3A_139 = arith.constant 19840 : i32
    %add3A_140 = arith.addi %mul3A_2, %add3A_139 : i32
    %dma_wait3A_141 = arith.constant 1 : i32
    %dma_wait3A_142 = arith.constant 1 : i32
    %dma_wait3A_143 = arith.constant 0 : i32
    %dma_wait3A_144 = tpu.memref_slice %arg13[%dma_wait3A_141, %dma_wait3A_143] : memref<2x128xf32, #tpu.memory_space<vmem>> -> memref<1x128xf32, #tpu.memory_space<vmem>>
    %dma_wait3A_145 = tpu.memref_squeeze %dma_wait3A_144 : memref<1x128xf32, #tpu.memory_space<vmem>> -> memref<128xf32, #tpu.memory_space<vmem>>
    %dma_wait3A_146 = tpu.memref_slice %arg6[%add3A_140] : memref<638976xf32, #tpu.memory_space<hbm>> -> memref<128xf32, #tpu.memory_space<hbm>>
    %dma_wait3A_147 = tpu.memref_slice %arg16[%dma_wait3A_142] : memref<2x!tpu.dma_semaphore, #tpu.memory_space<semaphore_mem>> -> memref<1x!tpu.dma_semaphore, #tpu.memory_space<semaphore_mem>>
    %dma_wait3A_148 = tpu.memref_squeeze %dma_wait3A_147 : memref<1x!tpu.dma_semaphore, #tpu.memory_space<semaphore_mem>> -> memref<!tpu.dma_semaphore, #tpu.memory_space<semaphore_mem>>
    %dma_wait3A_149 = tpu.memref_slice %arg6[%add3A_140] : memref<638976xf32, #tpu.memory_space<hbm>> -> memref<128xf32, #tpu.memory_space<hbm>>
    %dma_wait3A_150 = arith.constant 0 : i32
    %dma_wait3A_151 = tpu.memref_slice %arg13[%dma_wait3A_141, %dma_wait3A_150] : memref<2x128xf32, #tpu.memory_space<vmem>> -> memref<1x128xf32, #tpu.memory_space<vmem>>
    %dma_wait3A_152 = tpu.memref_squeeze %dma_wait3A_151 : memref<1x128xf32, #tpu.memory_space<vmem>> -> memref<128xf32, #tpu.memory_space<vmem>>
    tpu.wait_dma2 semaphore(%dma_wait3A_148 : memref<!tpu.dma_semaphore, #tpu.memory_space<semaphore_mem>>) src(%dma_wait3A_152 : memref<128xf32, #tpu.memory_space<vmem>>) dst(%dma_wait3A_149 : memref<128xf32, #tpu.memory_space<hbm>>)
    return
  }
}

</mosaic_0001>

<sc_bundles>
// kernel: kernel.3.cloned.1.call-start
scs
__scs_entry_jumppad:
0x0: {  	(pc) =	sbr.rel $0x88, $3  }
0x1: {  	(tag) =	ssettag $0x0;
	lr =	simm.s32 $0x1  }
0x2: {  	[smem:$0x3F9E] =	sst lr;
	_ =	strace $0xD0000000  }
0x3: {  	_ = 	snop  }
0x4: {  	_ = 	snop  }
0x5: {  	_ = 	snop  }
0x6: {  	_ = 	snop  }
0x7: {  	_ = 	snop  }
__scs_overlays_trampoline_lowered:
0x8: {  	[smem:$0x3FAD] =	sst s0  }
0x9: {  	[smem:$0x3FAE] =	sst s1  }
0xa: {  	[smem:$0x3FAF] =	sst s2  }
0xb: {  	[smem:$0x3FB0] =	sst s3  }
0xc: {  	[smem:$0x3FB1] =	sst s4  }
0xd: {  	[smem:$0x3FB2] =	sst s5  }
0xe: {  	[smem:$0x3FB3] =	sst s6  }
0xf: {  	[smem:$0x3FB4] =	sst s7  }
0x10: {  	[smem:$0x3FB5] =	sst s8  }
0x11: {  	[smem:$0x3FB6] =	sst s9;
	s0 =	simm.s32 @!p0 $0x0  }
0x12: {  	s1 =	sld [smem:$0x3F9C];
	s0 =	simm.s32 @p0 $0x1  }
0x13: {  	[smem:$0x3FB7] =	sst s0;
	s0 =	simm.s32 @!p1 $0x0  }
0x14: {  	s2 =	sld [smem:$0x3F9B];
	s0 =	simm.s32 @p1 $0x1  }
0x15: {  	[smem:$0x3FB8] =	sst s0;
	s0 =	simm.s32 @!p2 $0x0  }
0x16: {  	s3 =	sld [smem:$0x3FDB];
	s0 =	simm.s32 @p2 $0x1  }
0x17: {  	s4 =	simm.s32 $0x1BF5;
	[smem:$0x3FBA] =	sst s0  }
0x18: {  	s0 =	sld [smem:$0x3F9D];
	_ =	swait.ge [sflag:s4], $0x0  }
0x19: {  	s7 =	sld [smem:$0x3F9E]  }
0x1a: {  	s8 =	sadd.s32 $0xFFFFE003, lr  }
0x1b: {  	s9 =	sadd.s32 $0xFFFFFEF7, lr;
	s5 =	simm.s32 $0xFFFFFFFF;
	p2 =	slt.u32 s8, $0xFFFFF086  }
0x1c: {  	p1 =	slt.u32 s9, $0xF7A;
	s5 =	simm.s32 @!p2 $0x0  }
0x1d: {  	s5 =	simm.s32 @p1 $0x1;
	p0 =	seq.s32 s7, s2  }
0x1e: {  	s7 =	smul.u32 @!p0 $0xF7A, s2;
	p2 =	seq.s32 @!p0 s5, $0x0  }
0x1f: {  	s9 =	smul.u32 $0xF7A, s1;
	s8 =	simm.s32 @!p0 $0x1BF5;
	p2 =	por !p2, p0  }
0x20: {  	[sflag:s8] =	ssyncset.s32 @!p0 $0xFFFFF086;
	s6 =	sadd.s32 @!p0 s3, s7;
	s7 =	simm.s32 @!p0 $0x108  }
0x21: {  	s3 =	sadd.s32 s3, s9;
	s6 =	sadd.s32 @!p0 $0x88, s6;
	s7 =	simm.s32 @p2 $0x1082  }
0x22: {  	[simem:s7], [sflag:s8] =	dma.local @!p0 [hbm:s6], $0xF7A  }
0x23: {  	s9 =	sor.u32 $0xD0000000, s2;
	s6 =	simm.s32 $0x108;
	_ =	swait.ge @!p0 [sflag:s8], $0x0  }
0x24: {  	s3 =	sadd.s32 $0x88, s3;
	s6 =	simm.s32 @!p1 $0x1082;
	[sflag:s4] =	ssyncset.s32 $0xFFFFF086  }
0x25: {  	[simem:s6], [sflag:s4] =	dma.local [hbm:s3], $0xF7A  }
0x26: {  	[smem:$0x3F9E] =	sst s1;
	(tag) =	ssettag s2;
	_ =	strace s9  }
0x27: {  	s1 =	sld [smem:$0x3FAE]  }
0x28: {  	s2 =	sld [smem:$0x3FAF]  }
0x29: {  	s4 =	sld [smem:$0x3FB1]  }
0x2a: {  	p0 =	seq.s32 s5, $0x0;
	s5 =	sld [smem:$0x3FB2]  }
0x2b: {  	s6 =	sld [smem:$0x3FB3]  }
0x2c: {  	s7 =	sld [smem:$0x3FB4]  }
0x2d: {  	s3 =	simm.s32 $0x108;
	s8 =	sld [smem:$0x3FB5]  }
0x2e: {  	s3 =	simm.s32 @!p0 $0x1082;
	s9 =	sld [smem:$0x3FB6]  }
0x2f: {  	lr =	sadd.s32 s0, s3;
	s0 =	sld [smem:$0x3FAD]  }
0x30: {  	s3 =	sld [smem:$0x3FB0]  }
0x31: {  	[smem:$0x3FB9] =	sst s10  }
0x32: {  	s10 =	sld [smem:$0x3FB7];
	_ =	sdelay $0x3  }
0x33: {  	p0 =	seq.s32 s10, $0x1;
	s10 =	sld [smem:$0x3FB9];
	_ =	sdelay $0x3  }
0x34: {  	[smem:$0x3FB9] =	sst s10  }
0x35: {  	s10 =	sld [smem:$0x3FB8];
	_ =	sdelay $0x3  }
0x36: {  	p1 =	seq.s32 s10, $0x1;
	s10 =	sld [smem:$0x3FB9];
	_ =	sdelay $0x3  }
0x37: {  	[smem:$0x3FB9] =	sst s10  }
0x38: {  	s10 =	sld [smem:$0x3FBA]  }
0x39: {  	_ = 	snop;
	(pc) =	sbr.ind lr, $3  }
0x3a: {  	_ = 	snop  }
0x3b: {  	_ = 	snop  }
0x3c: {  	p2 =	seq.s32 s10, $0x1;
	s10 =	sld [smem:$0x3FB9]  }
0x3d: {  	_ =	shalt  }
0x3e: {  	_ =	shalt  }
0x3f: {  	_ =	shalt  }
0x40: {  	_ =	shalt  }
0x41: {  	_ =	shalt  }
0x42: {  	_ =	shalt  }
0x43: {  	_ =	shalt  }
0x44: {  	_ =	shalt  }
0x45: {  	_ =	shalt  }
0x46: {  	_ =	shalt  }
0x47: {  	_ =	shalt  }
0x48: {  	_ =	shalt  }
0x49: {  	_ =	shalt  }
0x4a: {  	_ =	shalt  }
0x4b: {  	_ =	shalt  }
0x4c: {  	_ =	shalt  }
0x4d: {  	_ =	shalt  }
0x4e: {  	_ =	shalt  }
0x4f: {  	_ =	shalt  }
0x50: {  	_ =	shalt  }
0x51: {  	_ =	shalt  }
0x52: {  	_ =	shalt  }
0x53: {  	_ =	shalt  }
0x54: {  	_ =	shalt  }
0x55: {  	_ =	shalt  }
0x56: {  	_ =	shalt  }
0x57: {  	_ =	shalt  }
0x58: {  	_ =	shalt  }
0x59: {  	_ =	shalt  }
0x5a: {  	_ =	shalt  }
0x5b: {  	_ =	shalt  }
0x5c: {  	_ =	shalt  }
0x5d: {  	_ =	shalt  }
0x5e: {  	_ =	shalt  }
0x5f: {  	_ =	shalt  }
0x60: {  	_ =	shalt  }
0x61: {  	_ =	shalt  }
0x62: {  	_ =	shalt  }
0x63: {  	_ =	shalt  }
0x64: {  	_ =	shalt  }
0x65: {  	_ =	shalt  }
0x66: {  	_ =	shalt  }
0x67: {  	_ =	shalt  }
0x68: {  	_ =	shalt  }
0x69: {  	_ =	shalt  }
0x6a: {  	_ =	shalt  }
0x6b: {  	_ =	shalt  }
0x6c: {  	_ =	shalt  }
0x6d: {  	_ =	shalt  }
0x6e: {  	_ =	shalt  }
0x6f: {  	_ =	shalt  }
0x70: {  	_ =	shalt  }
0x71: {  	_ =	shalt  }
0x72: {  	_ =	shalt  }
0x73: {  	_ =	shalt  }
0x74: {  	_ =	shalt  }
0x75: {  	_ =	shalt  }
0x76: {  	_ =	shalt  }
0x77: {  	_ =	shalt  }
0x78: {  	_ =	shalt  }
0x79: {  	_ =	shalt  }
0x7a: {  	_ =	shalt  }
0x7b: {  	_ =	shalt  }
0x7c: {  	_ =	shalt  }
0x7d: {  	_ =	shalt  }
0x7e: {  	_ =	shalt  }
0x7f: {  	_ =	shalt  }
0x80: {  	_ =	shalt  }
0x81: {  	_ =	shalt  }
0x82: {  	_ =	shalt  }
0x83: {  	_ =	shalt  }
0x84: {  	_ =	shalt  }
0x85: {  	_ =	shalt  }
0x86: {  	_ =	shalt  }
0x87: {  	_ =	shalt  }
.Lfunc_end0:
.L_simem_size_0:
called_computation_lowered:
.L_overlay_start_0:
0x88: {  	s2 =	sld [smem:$0x3FD9]  }
0x89: {  	s3 =	sld [smem:$0x3FFE];
	_ =	sdelay $0x1  }
0x8a: {  	s1 =	srdreg.scid  }
0x8b: {  	s0 =	sand.u32 $0x1, s1  }
0x8c: {  	s17 =	sshll.u32 s0, $0xA;
	s2 =	sadd.s32 s3, s2  }
0x8d: {  	s2 =	sadd.s32 s2, s17  }
0x8e: {  	[smem:$0x3FC5] =	sst s2  }
0x8f: {  	_ = 	snop  }
0x90: {  	s2 =	sld [smem:$0x3FC9]  }
0x91: {  	s18 =	sld [smem:$0x3FC7];
	(tm) =	ssettm $0x1  }
0x92: {  	s4 =	sld [smem:$0x3FFB];
	_ =	sdelay $0x3  }
0x93: {  	_ =	strace s4  }
0x94: {  	s4 =	sld [smem:$0x3FFC];
	_ =	sdelay $0x3  }
0x95: {  	_ =	strace s4  }
0x96: {  	s4 =	sld [smem:$0x3FFD];
	_ =	sdelay $0x3  }
0x97: {  	_ =	strace s4  }
0x98: {  	_ =	strace $0x8FFFFFFF  }
0x99: {  	s19 =	sld [smem:$0x3FDB];
	_ =	sdelay $0x1  }
0x9a: {  	s5 =	simm.s32 $_scs_section_size  }
0x9b: {  	s6 =	simm.s32 $_size__tile_overlayer_lowered;
	s7 =	simm.s32 $_tile_overlayer_lowered  }
0x9c: {  	s22 =	simm.s32 $0x1BFF;
	s21 =	sshll.u32 s7, $0x1;
	s4 =	sadd.s32 s5, s19  }
0x9d: {  	s8 =	simm.s32 $0x0;
	s20 =	sshll.u32 s6, $0x1;
	s6 =	sadd.s32 s21, s4  }
0x9e: {  	[timem:s8], [sflag:s22] =	dma.local [hbm:s6], s20  }
0x9f: {  	_ =	swait.ge [sflag:s22], s20  }
0xa0: {  	s5 =	ssub.s32 $0x0, s20;
	[sflag:s22] =	ssyncset.done $0x0  }
0xa1: {  	[sflag:s22] =	ssyncadd.s32 s5;
	_ =	sdelay $0x1  }
0xa2: {  	s23 =	simm.s32 $0x1B8B  }
0xa3: {  	_ =	swait.ge [sflag:s23], $0x1  }
0xa4: {  	[sflag:s23] =	ssyncset.done $0x0  }
0xa5: {  	s25 =	simm.s32 $0x1B8E;
	s24 =	sld [smem:$0x3FFE];
	[sflag:s23] =	ssyncadd.s32 $0xFFFFFFFF  }
0xa6: {  	s26 =	simm.s32 $execute0_lowered;
	[smem:$0x3FD2] =	sst s25  }
0xa7: {  	s6 =	sshll.u32 s26, $0x1;
	_ =	strace $0x80000046;
	[dreg:$0x1] =	wrdreg $0xFFFFFFFF  }
0xa8: {  	s28 =	simm.s32 $_size_execute0_lowered;
	s4 =	sadd.s32 s4, s6;
	[dreg:$0x0] =	wrdreg $0x0  }
0xa9: {  	s6 =	sshll.u32 s28, $0x1;
	[dreg:$0x2] =	wrdreg s4  }
0xaa: {  	[dreg:$0x3] =	wrdreg s6  }
0xab: {  	[dreg:$0x4] =	wrdreg $0xC0  }
0xac: {  	_ =	task [dreg:s8], $0x5FFFF  }
0xad: {  	[dreg:$0x1] =	wrdreg $0xFFFFFFFF  }
0xae: {  	[dreg:$0x0] =	wrdreg $0x60  }
0xaf: {  	[dreg:$0x2] =	wrdreg s24  }
0xb0: {  	[dreg:$0x3] =	wrdreg s2  }
0xb1: {  	[dreg:$0x4] =	wrdreg s18  }
0xb2: {  	[dreg:$0x5] =	wrdreg $0x9  }
0xb3: {  	_ =	task.clear_ibuf [dreg:s8], $0x6FFFF;
	_ =	strace $0x90000046  }
0xb4: {  	s29 =	simm.s32 $0x9;
	_ =	strace $0x80000048  }
0xb5: {  	_ =	swait.ge [sflag:s29], $0x1  }
0xb6: {  	[sflag:s29] =	ssyncadd.s32 $0xFFFFFFFF  }
0xb7: {  	_ =	strace $0x90000048  }
0xb8: {  	_ =	sfence  }
0xb9: {  	s30 =	sld [smem:$0x0];
	_ =	sdelay $0x2  }
0xba: {  	s31 =	sshll.u32 s1, $0xD;
	s1 =	sshrl.u32 s1, $0x2  }
0xbb: {  	s3 =	sand.u32 $0x4000, s31;
	s1 =	sadd.s32 s1, s30  }
0xbc: {  	s0 =	sor.u32 s3, s0;
	s1 =	sshll.u32 s1, $0x11  }
0xbd: {  	s0 =	sor.u32 s1, s0  }
0xbe: {  	s0 =	sadd.s32 $0x8F2B, s0  }
0xbf: {  	[sflag:s0] =	ssyncadd.remote.s32 $0x1  }
0xc0: {  	_ =	sfence.sel $0xFFFF  }
0xc1: {  	[dreg:$0x0] =	wrdreg $0xFFFFFFFF;
	(pc) =	sbr.abs _section_cstart, $3  }
0xc2: {  	[dreg:$0x1] =	wrdreg $0xFFFFFFFF  }
0xc3: {  	_ =	task.clear_ibuf [dreg:s8], $0x2FFFF;
	_ =	strace $0x9FFFFFFF  }
0xc4: {  	(tm) =	ssettm $0x7FFFFFFF  }
0xc5: {  	_ =	shalt  }
tec
execute0_lowered:
.L_overlay_start_1:
0x0: {  	(tag) =	ssettag $0x1  }
0x1: {  	s0 =	rddreg [dreg:$0x0]  }
0x2: {  	s1 =	srdreg.scid;
	s3 =	stileid.u32  }
0x3: {  	s2 =	rddreg [dreg:$0x1];
	s13 =	simm.s32 $0x80;
	s14 =	simm.s32 $0x9C00  }
0x4: {  	s15 =	simm.s32 $0x9E00;
	s16 =	simm.s32 $0x9C80;
	s18 =	simm.s32 $0x9E80  }
0x5: {  	v0 =	vlaneseq.u32;
	s19 =	simm.s32 $0x1;
	s20 =	simm.s32 $0xA000;
	s21 =	simm.s32 $0x12000  }
0x6: {  	s22 =	simm.s32 $0x9D00;
	s1 =	sand.u32 $0x1, s1;
	s4 =	sshll.u32 s3, $0x1;
	v3 =	vmul.u32 $0x80, v0  }
0x7: {  	s23 =	simm.s32 $0x9F00;
	s5 =	sor.u32 s1, s4;
	s4 =	simm.s32 $0x0  }
0x8: {  	s28 =	simm.s32 $0x3;
	s29 =	simm.s32 $0x1A000;
	[smem:$0x7FF] =	sst s4;
	v32 =	vor.u32 $0x3800, v3  }
0x9: {  	s3 =	rddreg [dreg:$0x2];
	s1 =	ssub.s32 $0x2, s1;
	v21 =	vor.u32 $0x2800, v3;
	_ =	strace $0x80000047;
	[tilespmem:$0x1FF80] =	vst v32  }
0xa: {  	s30 =	simm.s32 $0x4;
	s5 =	smul.u32 $0x4E00, s5;
	s8 =	sshrl.u32 s1, $0x1;
	[tilespmem:$0x1FF90] =	vst v21  }
0xb: {  	s31 =	simm.s32 $0x1A080;
	s6 =	sadd.s32 $0x27000, s0;
	v4 =	vor.u32 $0x800, v3;
	s24 =	ssub.s32 s1, s8;
	[tilespmem:$0x1FFA0] =	vst v3  }
0xc: {  	v23 =	vor.u32 $0x3000, v3;
	s1 =	simm.s32 $0x5;
	[tilespmem:$0x1FFB0] =	vst v4;
	s7 =	sshrl.u32 s5, $0x3;
	s26 =	sor.u32 $0x80, s5  }
0xd: {  	v7 =	vor.u32 $0x1000, v3;
	s8 =	simm.s32 $0x0;
	[tilespmem:$0x1FFC0] =	vst v23;
	s7 =	sadd.s32 s0, s7;
	[dreg:$0x6] =	wrdreg s26  }
0xe: {  	v5 =	vor.u32 $0x1800, v3;
	[tilespmem:$0x1FFD0] =	vst v7;
	s0 =	smax.u32 s24, $0x1;
	s24 =	simm.s32 $0x2;
	[dreg:$0x4] =	wrdreg s7  }
0xf: {  	v6 =	vor.u32 $0x2000, v3;
	[tilespmem:$0x1FFE0] =	vst v5;
	s26 =	simm.s32 $0x16000;
	s25 =	sadd.s32 $0x13800, s7;
	[dreg:$0x7] =	wrdreg s0  }
0x10: {  	[tilespmem:$0x1FFF0] =	vst v6;
	s0 =	simm.s32 $0x6;
	[dreg:$0x5] =	wrdreg s25;
	s25 =	simm.s32 $0xE000  }
.LBB2_1:
0x11: {  	[dreg:$0x8] =	wrdreg s8  }
0x12: {  	s7 =	rddreg [dreg:$0x5];
	s11 =	simm.s32 $0x7  }
0x13: {  	[tilespmem:s4], [sflag:$0x7] =	stream.linear.gather [hbm4b:s7+s4], $0x4E00, $0x38;
	[tilespmem:$0x1A100] =	vst v63  }
0x14: {  	_ =	swait.ge [sflag:s11], $0x4E00  }
0x15: {  	[sflag:s11] =	ssyncset.done $0x0  }
0x16: {  	s9 =	simm.s32 $0x4E00;
	s12 =	rddreg [dreg:$0x4];
	[sflag:s11] =	ssyncadd.s32 $0xFFFFB200  }
0x17: {  	[tilespmem:s9], [sflag:$0x7] =	stream.linear.gather [hbm4b:s12+s4], $0x4E00, $0x38;
	[tilespmem:$0x1A100] =	vst v63  }
0x18: {  	_ =	swait.ge [sflag:s11], $0x4E00  }
0x19: {  	[sflag:s11] =	ssyncset.done $0x0  }
0x1a: {  	[sflag:s11] =	ssyncadd.s32 $0xFFFFB200  }
0x1b: {  	[tilespmem:s14], [sflag:$0x1] =	stream.indirect.gather [hbm4b:s2+s13], $0x1, s4, s13, $0xb8;
	[tilespmem:$0x1A100] =	vst v63  }
0x1c: {  	_ = 	snop  }
0x1d: {  	[tilespmem:s15], [sflag:$0x1] =	stream.indirect.gather [hbm4b:s2+s13], $0x1, s9, s13, $0xb8;
	[tilespmem:$0x1A100] =	vst v63  }
0x1e: {  	_ = 	snop  }
0x1f: {  	[tilespmem:s16], [sflag:$0x2] =	stream.indirect.gather [hbm4b:s2+s13], $0x1, s13, s13, $0xb8;
	[tilespmem:$0x1A100] =	vst v63  }
0x20: {  	s17 =	simm.s32 $0x4E80  }
0x21: {  	[tilespmem:s18], [sflag:$0x2] =	stream.indirect.gather [hbm4b:s2+s13], $0x1, s17, s13, $0xb8;
	[tilespmem:$0x1A100] =	vst v63  }
0x22: {  	_ =	swait.ge [sflag:s19], $0x80  }
0x23: {  	[sflag:s19] =	ssyncset.done $0x0  }
0x24: {  	[sflag:s19] =	ssyncadd.s32 $0xFFFFFF80  }
0x25: {  	_ =	swait.ge [sflag:s19], $0x80  }
0x26: {  	[sflag:s19] =	ssyncset.done $0x0  }
0x27: {  	[sflag:s19] =	ssyncadd.s32 $0xFFFFFF80  }
0x28: {  	[tilespmem:s20], [sflag:$0x3] =	stream.indirect.gather [hbm4b:s3+s13], $0x80, s14, s13, $0xb8;
	[tilespmem:$0x1A100] =	vst v63  }
0x29: {  	s12 =	simm.s32 $0x0  }
0x2a: {  	[tilespmem:s21], [sflag:$0x3] =	stream.indirect.gather [hbm4b:s3+s13], $0x80, s15, s13, $0xb8;
	[tilespmem:$0x1A100] =	vst v63  }
.LBB2_2:
0x2b: {  	s8 =	smul.u32 $0x300, s12;
	_ =	sdelay $0x1  }
0x2c: {  	s10 =	sadd.s32 $0x100, s8  }
0x2d: {  	[tilespmem:s22], [sflag:$0x1] =	stream.indirect.gather [hbm4b:s2+s13], $0x1, s10, s13, $0xb8;
	[tilespmem:$0x1A100] =	vst v63  }
0x2e: {  	s7 =	sadd.s32 $0x4F00, s8  }
0x2f: {  	[tilespmem:s23], [sflag:$0x1] =	stream.indirect.gather [hbm4b:s2+s13], $0x1, s7, s13, $0xb8;
	[tilespmem:$0x1A100] =	vst v63  }
0x30: {  	_ =	swait.ge [sflag:s24], $0x80  }
0x31: {  	[sflag:s24] =	ssyncset.done $0x0  }
0x32: {  	[sflag:s24] =	ssyncadd.s32 $0xFFFFFF80  }
0x33: {  	_ =	swait.ge [sflag:s24], $0x80  }
0x34: {  	[sflag:s24] =	ssyncset.done $0x0  }
0x35: {  	[sflag:s24] =	ssyncadd.s32 $0xFFFFFF80  }
0x36: {  	[tilespmem:s25], [sflag:$0x4] =	stream.indirect.gather [hbm4b:s3+s13], $0x80, s16, s13, $0xb8;
	[tilespmem:$0x1A100] =	vst v63  }
0x37: {  	s17 =	simm.s32 $0x0  }
0x38: {  	[tilespmem:s26], [sflag:$0x4] =	stream.indirect.gather [hbm4b:s3+s13], $0x80, s18, s13, $0xb8;
	[tilespmem:$0x1A100] =	vst v63  }
0x39: {  	v0 =	vmov s17;
	_ =	swait.ge [sflag:s28], $0x4000  }
0x3a: {  	v0 =	vand.u32 $0x7C, v0;
	[sflag:s28] =	ssyncset.done $0x0  }
0x3b: {  	v0 =	vbroadcast v0, $0x0;
	[sflag:s28] =	ssyncadd.s32 $0xFFFFC000  }
0x3c: {  	_ =	swait.ge [sflag:s28], $0x4000  }
0x3d: {  	p0 =	seq.s32 s12, $0x0;
	v1 =	vor.u32 v3, v0;
	[sflag:s28] =	ssyncset.done $0x0  }
0x3e: {  	s7 =	simm.s32 @!p0 $0x5;
	[sflag:s28] =	ssyncadd.s32 $0xFFFFC000  }
0x3f: {  	v12 =	vor.u32 v21, v0;
	_ =	swait.ge @!p0 [sflag:s7], $0x80  }
0x40: {  	[sflag:s7] =	ssyncset.done @!p0 $0x0  }
0x41: {  	v2 =	vor.u32 v4, v0;
	[sflag:s7] =	ssyncadd.s32 @!p0 $0xFFFFFF80  }
0x42: {  	v9 =	vld.idx.msk [tilespmem:v1+s20+$0x0], $0xffff  }
0x43: {  	v8 =	vor.u32 v7, v0;
	v10 =	vld.idx.msk [tilespmem:v1+s21+$0x0], $0xffff  }
0x44: {  	s11 =	simm.s32 $0x2;
	v22 =	vld.idx.msk [tilespmem:v12+s20+$0x0], $0xffff  }
0x45: {  	v1 =	vor.u32 v5, v0;
	v25 =	vld.idx.msk [tilespmem:v12+s21+$0x0], $0xffff;
	v12 =	vmov s11  }
0x46: {  	v11 =	vld.idx.msk [tilespmem:v2+s20+$0x0], $0xffff;
	v12 =	vand.u32 $0x7E, v12  }
0x47: {  	v15 =	vld.idx.msk [tilespmem:v2+s21+$0x0], $0xffff;
	v2 =	vor.u32 v6, v0;
	v27 =	vbroadcast v12, $0x0  }
0x48: {  	v16 =	vld.idx.msk [tilespmem:v8+s20+$0x0], $0xffff  }
0x49: {  	v8 =	vld.idx.msk [tilespmem:v8+s21+$0x0], $0xffff;
	v14 =	vor.u32 v3, v27  }
0x4a: {  	s9 =	simm.s32 $0x3;
	v17 =	vld.idx.msk [tilespmem:v1+s20+$0x0], $0xffff  }
0x4b: {  	v13 =	vmov s9;
	v59 =	vld.idx.msk [tilespmem:v1+s21+$0x0], $0xffff;
	v1 =	vor.u32 v23, v0  }
0x4c: {  	v13 =	vand.u32 $0x7F, v13;
	v19 =	vld.idx.msk [tilespmem:v2+s20+$0x0], $0xffff  }
0x4d: {  	v18 =	vbroadcast v13, $0x0;
	v20 =	vld.idx.msk [tilespmem:v2+s21+$0x0], $0xffff;
	v0 =	vor.u32 v32, v0  }
0x4e: {  	v50 =	vld.idx.msk [tilespmem:v14+s20+$0x0], $0xffff  }
0x4f: {  	v2 =	vor.u32 v3, v18;
	v51 =	vld.idx.msk [tilespmem:v14+s21+$0x0], $0xffff  }
0x50: {  	v24 =	vld.idx.msk [tilespmem:v1+s20+$0x0], $0xffff  }
0x51: {  	v26 =	vld.idx.msk [tilespmem:v1+s21+$0x0], $0xffff;
	v1 =	vor.u32 v4, v18  }
0x52: {  	v28 =	vld.idx.msk [tilespmem:v0+s20+$0x0], $0xffff  }
0x53: {  	s17 =	simm.s32 $0x1;
	v30 =	vld.idx.msk [tilespmem:v0+s21+$0x0], $0xffff;
	v0 =	vor.u32 v7, v18  }
0x54: {  	v14 =	vmov s17;
	v29 =	vld.idx.msk [tilespmem:v2+s20+$0x0], $0xffff  }
0x55: {  	v31 =	vld.idx.msk [tilespmem:v2+s21+$0x0], $0xffff;
	v2 =	vor.u32 v5, v18;
	v14 =	vand.u32 $0x7D, v14  }
0x56: {  	v55 =	vbroadcast v14, $0x0;
	v32 =	vld.idx.msk [tilespmem:v1+s20+$0x0], $0xffff  }
0x57: {  	v14 =	vor.u32 v23, v27;
	v34 =	vld.idx.msk [tilespmem:v1+s21+$0x0], $0xffff  }
0x58: {  	v54 =	vor.u32 v3, v55;
	v35 =	vld.idx.msk [tilespmem:v0+s20+$0x0], $0xffff  }
0x59: {  	v37 =	vld.idx.msk [tilespmem:v0+s21+$0x0], $0xffff  }
0x5a: {  	v62 =	vor.u32 v4, v55;
	v38 =	vld.idx.msk [tilespmem:v2+s20+$0x0], $0xffff  }
0x5b: {  	v44 =	vld.idx.msk [tilespmem:v2+s21+$0x0], $0xffff  }
0x5c: {  	v1 =	vor.u32 v6, v18;
	v2 =	vor.u32 v23, v18;
	v23 =	vld.idx.msk [tilespmem:v14+s21+$0x0], $0xffff  }
0x5d: {  	v56 =	vld.idx.msk [tilespmem:v54+s20+$0x0], $0xffff  }
0x5e: {  	v0 =	vor.u32 v21, v18;
	v60 =	vld.idx.msk [tilespmem:v54+s21+$0x0], $0xffff  }
0x5f: {  	v61 =	vld.idx.msk [tilespmem:v62+s20+$0x0], $0xffff  }
0x60: {  	v63 =	vld.idx.msk [tilespmem:v62+s21+$0x0], $0xffff  }
0x61: {  	v43 =	vld.idx.msk [tilespmem:v1+s20+$0x0], $0xffff  }
0x62: {  	v49 =	vld.idx.msk [tilespmem:v1+s21+$0x0], $0xffff;
	v1 =	vor.u32 v4, v27  }
0x63: {  	v33 =	vld.idx.msk [tilespmem:v0+s20+$0x0], $0xffff  }
0x64: {  	v36 =	vld.idx.msk [tilespmem:v0+s21+$0x0], $0xffff;
	v0 =	vor.u32 v7, v27  }
0x65: {  	v12 =	vld.idx.msk [tilespmem:v2+s20+$0x0], $0xffff  }
0x66: {  	v13 =	vld.idx.msk [tilespmem:v2+s21+$0x0], $0xffff;
	v2 =	vor.u32 v5, v27  }
0x67: {  	v52 =	vld.idx.msk [tilespmem:v1+s20+$0x0], $0xffff  }
0x68: {  	v53 =	vld.idx.msk [tilespmem:v1+s21+$0x0], $0xffff  }
0x69: {  	v1 =	vor.u32 v6, v27;
	v39 =	vld.idx.msk [tilespmem:v0+s20+$0x0], $0xffff  }
0x6a: {  	v45 =	vld.idx.msk [tilespmem:v0+s21+$0x0], $0xffff  }
0x6b: {  	v0 =	vor.u32 v21, v27;
	v41 =	vld.idx.msk [tilespmem:v2+s20+$0x0], $0xffff  }
0x6c: {  	v47 =	vld.idx.msk [tilespmem:v2+s21+$0x0], $0xffff  }
0x6d: {  	v21 =	vld.idx.msk [tilespmem:v14+s20+$0x0], $0xffff;
	v2 =	vor.u32 v7, v55  }
0x6e: {  	v57 =	vmul.f32 v15, v11;
	v58 =	vmul.f32 v8, v16;
	v42 =	vld.idx.msk [tilespmem:v1+s20+$0x0], $0xffff  }
0x6f: {  	v15 =	vimm.f32 $0.0e+00;
	v16 =	vimm.f32 $0.0e+00;
	v11 =	vimm.f32 $0.0e+00;
	v48 =	vld.idx.msk [tilespmem:v1+s21+$0x0], $0xffff  }
0x70: {  	v59 =	vmul.f32 v59, v17;
	v17 =	vimm.f32 $0.0e+00;
	v54 =	vmul.f32 v10, v9;
	v40 =	vld.idx.msk [tilespmem:v0+s20+$0x0], $0xffff  }
0x71: {  	v10 =	vimm.f32 $0.0e+00;
	v9 =	vimm.f32 $0.0e+00;
	v14 =	vimm.f32 $0.0e+00;
	v46 =	vld.idx.msk [tilespmem:v0+s21+$0x0], $0xffff  }
0x72: {  	s7 =	simm.s32 $0x4;
	v1 =	vor.u32 v5, v55;
	v0 =	vor.u32 v6, v55;
	v62 =	vld.idx.msk [tilespmem:v2+s20+$0x0], $0xffff;
	v6 =	vimm.f32 $0.0e+00  }
.LBB2_3:
0x73: {  	v7 =	vld [tilespmem:$0x1FF90];
	_ =	sdelay $0x1  }
0x74: {  	v5 =	vld [tilespmem:$0x1FFC0]  }
0x75: {  	v19 =	vmul.f32 v20, v19  }
0x76: {  	v20 =	vmul.f32 v25, v22;
	v24 =	vmul.f32 v26, v24;
	v3 =	vld [tilespmem:$0x1FF80]  }
0x77: {  	v2 =	vld.idx.msk [tilespmem:v2+s21+$0x0], $0xffff;
	v26 =	vmul.f32 v30, v28;
	v29 =	vmul.f32 v31, v29;
	v22 =	vor.u32 v7, v55  }
0x78: {  	v28 =	vld.idx.msk [tilespmem:v1+s20+$0x0], $0xffff;
	v31 =	vmul.f32 v34, v32;
	v34 =	vmul.f32 v37, v35  }
0x79: {  	v1 =	vld.idx.msk [tilespmem:v1+s21+$0x0], $0xffff;
	v35 =	vmul.f32 v44, v38;
	v38 =	vmul.f32 v49, v43;
	v30 =	vor.u32 v5, v55  }
0x7a: {  	v32 =	vld.idx.msk [tilespmem:v0+s20+$0x0], $0xffff;
	v33 =	vmul.f32 v36, v33;
	v43 =	vmul.f32 v51, v50  }
0x7b: {  	v0 =	vld.idx.msk [tilespmem:v0+s21+$0x0], $0xffff;
	v14 =	vadd.f32 v54, v14;
	v17 =	vadd.f32 v57, v17;
	v37 =	vor.u32 v3, v55  }
0x7c: {  	v44 =	vmul.f32 v53, v52;
	v15 =	vadd.f32 v58, v15;
	v16 =	vadd.f32 v59, v16;
	v36 =	vld.idx.msk [tilespmem:v22+s20+$0x0], $0xffff  }
0x7d: {  	v10 =	vadd.f32 v20, v10;
	v55 =	vmul.f32 v60, v56;
	v27 =	vor.u32 v3, v27;
	v22 =	vld.idx.msk [tilespmem:v22+s21+$0x0], $0xffff  }
0x7e: {  	v9 =	vadd.f32 v24, v9;
	v56 =	vmul.f32 v63, v61;
	v2 =	vmul.f32 v2, v62;
	v60 =	vld.idx.msk [tilespmem:v30+s20+$0x0], $0xffff  }
0x7f: {  	v18 =	vor.u32 v3, v18;
	v1 =	vmul.f32 v1, v28;
	v14 =	vadd.f32 v55, v14;
	v28 =	vld.idx.msk [tilespmem:v30+s21+$0x0], $0xffff  }
0x80: {  	v39 =	vmul.f32 v45, v39;
	v17 =	vadd.f32 v56, v17;
	v2 =	vadd.f32 v2, v15;
	v30 =	vld.idx.msk [tilespmem:v37+s20+$0x0], $0xffff  }
0x81: {  	v1 =	vadd.f32 v1, v16;
	v15 =	vmul.f32 v47, v41;
	v14 =	vadd.f32 v43, v14;
	v37 =	vld.idx.msk [tilespmem:v37+s21+$0x0], $0xffff  }
0x82: {  	v25 =	vmov s7;
	v16 =	vadd.f32 v44, v17;
	v2 =	vadd.f32 v39, v2;
	v62 =	vld.idx.msk [tilespmem:v27+s20+$0x0], $0xffff  }
0x83: {  	v25 =	vand.u32 $0x7C, v25;
	v1 =	vadd.f32 v15, v1;
	v27 =	vld.idx.msk [tilespmem:v27+s21+$0x0], $0xffff;
	v14 =	vadd.f32 v29, v14  }
0x84: {  	v61 =	vmul.f32 v48, v42;
	v17 =	vadd.f32 v31, v16;
	v29 =	vld.idx.msk [tilespmem:v18+s20+$0x0], $0xffff;
	v15 =	vadd.f32 v34, v2  }
0x85: {  	v0 =	vmul.f32 v0, v32;
	v16 =	vadd.f32 v35, v1;
	v1 =	vld.idx.msk [tilespmem:v18+s21+$0x0], $0xffff;
	v2 =	vadd.f32 v19, v11  }
0x86: {  	v8 =	vadd.f32 v26, v6;
	v11 =	vmul.f32 v28, v60;
	v18 =	vmul.f32 v37, v30  }
0x87: {  	v63 =	vmul.f32 v46, v40;
	v46 =	vld [tilespmem:$0x1FFB0];
	v0 =	vadd.f32 v0, v2;
	v22 =	vmul.f32 v22, v36  }
0x88: {  	v9 =	vadd.f32 v11, v9;
	v8 =	vadd.f32 v18, v8;
	v11 =	vmul.f32 v27, v62  }
0x89: {  	v12 =	vmul.f32 v13, v12;
	v13 =	vbroadcast v25, $0x0;
	v56 =	vld [tilespmem:$0x1FFD0];
	v2 =	vadd.f32 v22, v10  }
0x8a: {  	v0 =	vadd.f32 v61, v0;
	v1 =	vmul.f32 v1, v29;
	v8 =	vadd.f32 v11, v8  }
0x8b: {  	v61 =	vld [tilespmem:$0x1FFE0];
	v10 =	vmul.f32 v23, v21;
	v2 =	vadd.f32 v63, v2  }
0x8c: {  	v11 =	vadd.f32 v38, v0;
	v0 =	vadd.f32 v1, v8;
	v1 =	vor.u32 v46, v13  }
0x8d: {  	v40 =	vld [tilespmem:$0x1FFA0]  }
0x8e: {  	v9 =	vadd.f32 v10, v9;
	v10 =	vadd.f32 v33, v2;
	v2 =	vor.u32 v56, v13  }
0x8f: {  	v6 =	vld [tilespmem:$0x1FFF0]  }
0x90: {  	v9 =	vadd.f32 v12, v9;
	v12 =	vor.u32 v61, v13  }
0x91: {  	v57 =	vld.idx.msk [tilespmem:v1+s20+$0x0], $0xffff  }
0x92: {  	[tilespmem:$0x1FF70] =	vst v0;
	v0 =	vor.u32 v40, v13;
	v58 =	vld.idx.msk [tilespmem:v1+s21+$0x0], $0xffff  }
0x93: {  	v59 =	vld.idx.msk [tilespmem:v2+s20+$0x0], $0xffff  }
0x94: {  	v1 =	vor.u32 v6, v13;
	v62 =	vld.idx.msk [tilespmem:v2+s21+$0x0], $0xffff  }
0x95: {  	v8 =	vld.idx.msk [tilespmem:v12+s20+$0x0], $0xffff  }
0x96: {  	v2 =	vor.u32 v7, v13;
	v4 =	vld.idx.msk [tilespmem:v12+s21+$0x0], $0xffff  }
0x97: {  	s11 =	sadd.s32 $0x3, s7;
	v54 =	vld.idx.msk [tilespmem:v0+s20+$0x0], $0xffff  }
0x98: {  	v18 =	vmov s11;
	v12 =	vor.u32 v5, v13;
	v0 =	vld.idx.msk [tilespmem:v0+s21+$0x0], $0xffff  }
0x99: {  	v18 =	vand.u32 $0x7F, v18;
	v19 =	vld.idx.msk [tilespmem:v1+s20+$0x0], $0xffff  }
0x9a: {  	v18 =	vbroadcast v18, $0x0;
	v20 =	vld.idx.msk [tilespmem:v1+s21+$0x0], $0xffff;
	v1 =	vor.u32 v3, v13  }
0x9b: {  	s9 =	sadd.s32 $0x2, s7;
	v22 =	vld.idx.msk [tilespmem:v2+s20+$0x0], $0xffff  }
0x9c: {  	v25 =	vld.idx.msk [tilespmem:v2+s21+$0x0], $0xffff;
	v2 =	vor.u32 v40, v18;
	v13 =	vmov s9  }
0x9d: {  	v24 =	vld.idx.msk [tilespmem:v12+s20+$0x0], $0xffff;
	v13 =	vand.u32 $0x7E, v13  }
0x9e: {  	v26 =	vld.idx.msk [tilespmem:v12+s21+$0x0], $0xffff;
	v12 =	vor.u32 v46, v18;
	v27 =	vbroadcast v13, $0x0  }
0x9f: {  	v28 =	vld.idx.msk [tilespmem:v1+s20+$0x0], $0xffff  }
0xa0: {  	v21 =	vor.u32 v40, v27;
	v30 =	vld.idx.msk [tilespmem:v1+s21+$0x0], $0xffff  }
0xa1: {  	v29 =	vld.idx.msk [tilespmem:v2+s20+$0x0], $0xffff  }
0xa2: {  	v23 =	vor.u32 v46, v27;
	v31 =	vld.idx.msk [tilespmem:v2+s21+$0x0], $0xffff  }
0xa3: {  	v32 =	vld.idx.msk [tilespmem:v12+s20+$0x0], $0xffff  }
0xa4: {  	v1 =	vor.u32 v56, v18;
	v34 =	vld.idx.msk [tilespmem:v12+s21+$0x0], $0xffff  }
0xa5: {  	v50 =	vld.idx.msk [tilespmem:v21+s20+$0x0], $0xffff  }
0xa6: {  	v2 =	vor.u32 v61, v18;
	v51 =	vld.idx.msk [tilespmem:v21+s21+$0x0], $0xffff  }
0xa7: {  	v52 =	vld.idx.msk [tilespmem:v23+s20+$0x0], $0xffff  }
0xa8: {  	v12 =	vor.u32 v6, v18;
	v53 =	vld.idx.msk [tilespmem:v23+s21+$0x0], $0xffff  }
0xa9: {  	v35 =	vld.idx.msk [tilespmem:v1+s20+$0x0], $0xffff  }
0xaa: {  	s17 =	sadd.s32 $0x1, s7;
	v37 =	vld.idx.msk [tilespmem:v1+s21+$0x0], $0xffff  }
0xab: {  	v21 =	vor.u32 v6, v27;
	v23 =	vmov s17;
	v38 =	vld.idx.msk [tilespmem:v2+s20+$0x0], $0xffff  }
0xac: {  	v44 =	vld.idx.msk [tilespmem:v2+s21+$0x0], $0xffff;
	v23 =	vand.u32 $0x7D, v23  }
0xad: {  	v1 =	vor.u32 v7, v18;
	v43 =	vld.idx.msk [tilespmem:v12+s20+$0x0], $0xffff;
	v55 =	vbroadcast v23, $0x0  }
0xae: {  	v49 =	vld.idx.msk [tilespmem:v12+s21+$0x0], $0xffff  }
0xaf: {  	v54 =	vmul.f32 v0, v54;
	v2 =	vor.u32 v5, v18;
	v0 =	vor.u32 v6, v55;
	v6 =	vld [tilespmem:$0x1FF70]  }
0xb0: {  	v42 =	vld.idx.msk [tilespmem:v21+s20+$0x0], $0xffff  }
0xb1: {  	v23 =	vor.u32 v5, v27;
	v48 =	vld.idx.msk [tilespmem:v21+s21+$0x0], $0xffff  }
0xb2: {  	v33 =	vld.idx.msk [tilespmem:v1+s20+$0x0], $0xffff  }
0xb3: {  	v36 =	vld.idx.msk [tilespmem:v1+s21+$0x0], $0xffff;
	v1 =	vor.u32 v56, v27  }
0xb4: {  	v12 =	vld.idx.msk [tilespmem:v2+s20+$0x0], $0xffff  }
0xb5: {  	v13 =	vld.idx.msk [tilespmem:v2+s21+$0x0], $0xffff;
	v2 =	vor.u32 v61, v27  }
0xb6: {  	v21 =	vld.idx.msk [tilespmem:v23+s20+$0x0], $0xffff  }
0xb7: {  	v60 =	vor.u32 v40, v55;
	v23 =	vld.idx.msk [tilespmem:v23+s21+$0x0], $0xffff  }
0xb8: {  	v39 =	vld.idx.msk [tilespmem:v1+s20+$0x0], $0xffff  }
0xb9: {  	v45 =	vld.idx.msk [tilespmem:v1+s21+$0x0], $0xffff;
	v1 =	vor.u32 v7, v27  }
0xba: {  	v41 =	vld.idx.msk [tilespmem:v2+s20+$0x0], $0xffff  }
0xbb: {  	v63 =	vor.u32 v46, v55;
	v47 =	vld.idx.msk [tilespmem:v2+s21+$0x0], $0xffff  }
0xbc: {  	v2 =	vor.u32 v56, v55;
	v56 =	vld.idx.msk [tilespmem:v60+s20+$0x0], $0xffff  }
0xbd: {  	p1 =	slt.u32 s7, $0x7C;
	v60 =	vld.idx.msk [tilespmem:v60+s21+$0x0], $0xffff  }
.Ltmp0:
0xbe: {  	v40 =	vld.idx.msk [tilespmem:v1+s20+$0x0], $0xffff;
	(pc) =	sbr.rel @p1 .LBB2_3-.Ltmp0, $4  }
0xbf: {  	v46 =	vld.idx.msk [tilespmem:v1+s21+$0x0], $0xffff  }
0xc0: {  	v1 =	vor.u32 v61, v55;
	v61 =	vld.idx.msk [tilespmem:v63+s20+$0x0], $0xffff  }
0xc1: {  	v57 =	vmul.f32 v58, v57;
	v63 =	vld.idx.msk [tilespmem:v63+s21+$0x0], $0xffff  }
0xc2: {  	s7 =	sadd.s32 $0x4, s7;
	v58 =	vmul.f32 v62, v59;
	v59 =	vmul.f32 v4, v8;
	v62 =	vld.idx.msk [tilespmem:v2+s20+$0x0], $0xffff  }
0xc3: {  	v7 =	vld [tilespmem:$0x1FF90];
	_ =	sdelay $0x1  }
0xc4: {  	v5 =	vld [tilespmem:$0x1FFC0]  }
0xc5: {  	v3 =	vmul.f32 v20, v19;
	v4 =	vmul.f32 v25, v22  }
0xc6: {  	v22 =	vmul.f32 v30, v28;
	v28 =	vmul.f32 v34, v32;
	v32 =	vld [tilespmem:$0x1FF80]  }
0xc7: {  	v2 =	vld.idx.msk [tilespmem:v2+s21+$0x0], $0xffff;
	v19 =	vmul.f32 v26, v24;
	v25 =	vmul.f32 v31, v29;
	v20 =	vor.u32 v7, v55  }
0xc8: {  	v24 =	vld.idx.msk [tilespmem:v1+s20+$0x0], $0xffff;
	v29 =	vmul.f32 v37, v35;
	v30 =	vmul.f32 v44, v38  }
0xc9: {  	v1 =	vld.idx.msk [tilespmem:v1+s21+$0x0], $0xffff;
	v49 =	vmul.f32 v49, v43;
	v51 =	vmul.f32 v51, v50;
	v26 =	vor.u32 v5, v55  }
0xca: {  	v52 =	vmul.f32 v53, v52;
	v53 =	vmul.f32 v60, v56;
	v14 =	vadd.f32 v54, v14;
	v5 =	vld.idx.msk [tilespmem:v0+s20+$0x0], $0xffff  }
0xcb: {  	v17 =	vadd.f32 v57, v17;
	v15 =	vadd.f32 v58, v15;
	v31 =	vor.u32 v32, v55;
	v0 =	vld.idx.msk [tilespmem:v0+s21+$0x0], $0xffff  }
0xcc: {  	v16 =	vadd.f32 v59, v16;
	v59 =	vmul.f32 v45, v39;
	v14 =	vadd.f32 v53, v14;
	v56 =	vld.idx.msk [tilespmem:v20+s20+$0x0], $0xffff  }
0xcd: {  	v3 =	vadd.f32 v3, v11;
	v55 =	vmul.f32 v63, v61;
	v27 =	vor.u32 v32, v27;
	v20 =	vld.idx.msk [tilespmem:v20+s21+$0x0], $0xffff  }
0xce: {  	v4 =	vadd.f32 v4, v10;
	v2 =	vmul.f32 v2, v62;
	v1 =	vmul.f32 v1, v24;
	v24 =	vld.idx.msk [tilespmem:v26+s20+$0x0], $0xffff  }
0xcf: {  	v9 =	vadd.f32 v19, v9;
	v18 =	vor.u32 v32, v18;
	v17 =	vadd.f32 v55, v17;
	v26 =	vld.idx.msk [tilespmem:v26+s21+$0x0], $0xffff  }
0xd0: {  	v2 =	vadd.f32 v2, v15;
	v1 =	vadd.f32 v1, v16;
	v15 =	vmul.f32 v47, v41;
	v60 =	vld.idx.msk [tilespmem:v31+s20+$0x0], $0xffff  }
0xd1: {  	v19 =	vmul.f32 v23, v21;
	v14 =	vadd.f32 v51, v14;
	v17 =	vadd.f32 v52, v17;
	v31 =	vld.idx.msk [tilespmem:v31+s21+$0x0], $0xffff  }
0xd2: {  	v61 =	vmul.f32 v48, v42;
	v2 =	vadd.f32 v59, v2;
	v1 =	vadd.f32 v15, v1;
	v15 =	vld.idx.msk [tilespmem:v27+s20+$0x0], $0xffff  }
0xd3: {  	v62 =	vmul.f32 v46, v40;
	v14 =	vadd.f32 v25, v14;
	v25 =	vld.idx.msk [tilespmem:v27+s21+$0x0], $0xffff;
	v0 =	vmul.f32 v0, v5  }
0xd4: {  	v11 =	vld.idx.msk [tilespmem:v18+s20+$0x0], $0xffff;
	v17 =	vadd.f32 v28, v17;
	v2 =	vadd.f32 v29, v2;
	v20 =	vmul.f32 v20, v56  }
0xd5: {  	v10 =	vld.idx.msk [tilespmem:v18+s21+$0x0], $0xffff;
	v1 =	vadd.f32 v30, v1;
	v0 =	vadd.f32 v0, v3;
	v18 =	vmul.f32 v26, v24  }
0xd6: {  	v3 =	vadd.f32 v22, v6;
	v8 =	vmul.f32 v31, v60;
	v4 =	vadd.f32 v20, v4  }
0xd7: {  	v16 =	vmul.f32 v36, v33;
	[tilespmem:$0x1A000] =	vst v14;
	v0 =	vadd.f32 v61, v0;
	v9 =	vadd.f32 v18, v9  }
0xd8: {  	[tilespmem:$0x1A010] =	vst v17;
	v3 =	vadd.f32 v8, v3;
	v8 =	vmul.f32 v25, v15;
	v4 =	vadd.f32 v62, v4  }
0xd9: {  	v12 =	vmul.f32 v13, v12;
	[tilespmem:$0x1A020] =	vst v2;
	v0 =	vadd.f32 v49, v0;
	v9 =	vadd.f32 v19, v9  }
0xda: {  	[tilespmem:$0x1A030] =	vst v1;
	v2 =	vadd.f32 v8, v3;
	v3 =	vmul.f32 v10, v11;
	v4 =	vadd.f32 v16, v4  }
0xdb: {  	[tilespmem:$0x1A040] =	vst v0;
	v1 =	vadd.f32 v12, v9  }
0xdc: {  	s7 =	sadd.s32 s5, s8;
	v0 =	vadd.f32 v3, v2;
	[tilespmem:$0x1A050] =	vst v4  }
0xdd: {  	s7 =	sshrl.u32 s7, $0x3;
	[tilespmem:$0x1A060] =	vst v1  }
0xde: {  	s7 =	sadd.s32 s6, s7;
	[tilespmem:$0x1A070] =	vst v0  }
0xdf: {  	[hbm4b:s7+s4] =	stream.linear.scatter [tilespmem:s29], [sflag:$0x5], $0x80, $0x38;
	[tilespmem:$0x1A100] =	vst v63  }
0xe0: {  	s11 =	sadd.s32 $0x180, s8  }
0xe1: {  	[tilespmem:s14], [sflag:$0x2] =	stream.indirect.gather [hbm4b:s2+s13], $0x1, s11, s13, $0xb8;
	[tilespmem:$0x1A100] =	vst v63  }
0xe2: {  	s17 =	sadd.s32 $0x4F80, s8  }
0xe3: {  	[tilespmem:s15], [sflag:$0x2] =	stream.indirect.gather [hbm4b:s2+s13], $0x1, s17, s13, $0xb8;
	[tilespmem:$0x1A100] =	vst v63  }
0xe4: {  	_ =	swait.ge [sflag:s19], $0x80  }
0xe5: {  	[sflag:s19] =	ssyncset.done $0x0  }
0xe6: {  	[sflag:s19] =	ssyncadd.s32 $0xFFFFFF80  }
0xe7: {  	_ =	swait.ge [sflag:s19], $0x80  }
0xe8: {  	[sflag:s19] =	ssyncset.done $0x0  }
0xe9: {  	[sflag:s19] =	ssyncadd.s32 $0xFFFFFF80  }
0xea: {  	[tilespmem:s20], [sflag:$0x3] =	stream.indirect.gather [hbm4b:s3+s13], $0x80, s22, s13, $0xb8;
	[tilespmem:$0x1A100] =	vst v63  }
0xeb: {  	_ = 	snop  }
0xec: {  	[tilespmem:s21], [sflag:$0x3] =	stream.indirect.gather [hbm4b:s3+s13], $0x80, s23, s13, $0xb8;
	[tilespmem:$0x1A100] =	vst v63  }
0xed: {  	_ =	swait.ge [sflag:s30], $0x4000  }
0xee: {  	[sflag:s30] =	ssyncset.done $0x0  }
0xef: {  	[sflag:s30] =	ssyncadd.s32 $0xFFFFC000  }
0xf0: {  	s9 =	simm.s32 $0x0;
	_ =	swait.ge [sflag:s30], $0x4000  }
0xf1: {  	v0 =	vmov s9;
	[sflag:s30] =	ssyncset.done $0x0  }
0xf2: {  	v0 =	vand.u32 $0x7C, v0;
	s7 =	simm.s32 @!p0 $0x6;
	v63 =	vld [tilespmem:$0x1FFA0];
	[sflag:s30] =	ssyncadd.s32 $0xFFFFC000  }
0xf3: {  	v0 =	vbroadcast v0, $0x0;
	_ =	swait.ge @!p0 [sflag:s7], $0x80  }
0xf4: {  	v21 =	vld [tilespmem:$0x1FFB0]  }
0xf5: {  	v12 =	vor.u32 v7, v0  }
0xf6: {  	v6 =	vld [tilespmem:$0x1FFD0]  }
0xf7: {  	v54 =	vld [tilespmem:$0x1FFE0];
	v1 =	vor.u32 v63, v0  }
0xf8: {  	[sflag:s7] =	ssyncset.done @!p0 $0x0;
	v58 =	vld [tilespmem:$0x1FFF0]  }
0xf9: {  	v17 =	vld [tilespmem:$0x1FFC0];
	[sflag:s7] =	ssyncadd.s32 @!p0 $0xFFFFFF80;
	v2 =	vor.u32 v21, v0  }
0xfa: {  	s9 =	simm.s32 $0x2;
	v22 =	vld.idx.msk [tilespmem:v12+s25+$0x0], $0xffff  }
0xfb: {  	v25 =	vld.idx.msk [tilespmem:v12+s26+$0x0], $0xffff;
	v12 =	vmov s9;
	v3 =	vor.u32 v6, v0  }
0xfc: {  	v12 =	vand.u32 $0x7E, v12;
	v4 =	vld.idx.msk [tilespmem:v1+s25+$0x0], $0xffff  }
0xfd: {  	v27 =	vbroadcast v12, $0x0;
	v8 =	vld.idx.msk [tilespmem:v1+s26+$0x0], $0xffff;
	v1 =	vor.u32 v54, v0  }
0xfe: {  	v9 =	vld.idx.msk [tilespmem:v2+s25+$0x0], $0xffff  }
0xff: {  	v14 =	vor.u32 v63, v27;
	v10 =	vld.idx.msk [tilespmem:v2+s26+$0x0], $0xffff  }
0x100: {  	v11 =	vld.idx.msk [tilespmem:v3+s25+$0x0], $0xffff  }
0x101: {  	v2 =	vor.u32 v58, v0;
	v3 =	vld.idx.msk [tilespmem:v3+s26+$0x0], $0xffff  }
0x102: {  	v15 =	vld.idx.msk [tilespmem:v1+s25+$0x0], $0xffff  }
0x103: {  	s17 =	simm.s32 $0x3;
	v16 =	vld.idx.msk [tilespmem:v1+s26+$0x0], $0xffff;
	v1 =	vor.u32 v17, v0  }
0x104: {  	v13 =	vmov s17;
	s17 =	simm.s32 $0x1;
	v50 =	vld.idx.msk [tilespmem:v14+s25+$0x0], $0xffff  }
0x105: {  	v13 =	vand.u32 $0x7F, v13;
	v51 =	vld.idx.msk [tilespmem:v14+s26+$0x0], $0xffff;
	v14 =	vmov s17;
	v0 =	vor.u32 v32, v0  }
0x106: {  	v18 =	vbroadcast v13, $0x0;
	v14 =	vand.u32 $0x7D, v14;
	v19 =	vld.idx.msk [tilespmem:v2+s25+$0x0], $0xffff  }
0x107: {  	v55 =	vbroadcast v14, $0x0;
	v14 =	vor.u32 v17, v27;
	v20 =	vld.idx.msk [tilespmem:v2+s26+$0x0], $0xffff  }
0x108: {  	v2 =	vor.u32 v63, v18;
	v24 =	vld.idx.msk [tilespmem:v1+s25+$0x0], $0xffff  }
0x109: {  	v26 =	vld.idx.msk [tilespmem:v1+s26+$0x0], $0xffff  }
0x10a: {  	v5 =	vor.u32 v21, v55;
	v28 =	vld.idx.msk [tilespmem:v0+s25+$0x0], $0xffff  }
0x10b: {  	v1 =	vor.u32 v21, v18;
	v30 =	vld.idx.msk [tilespmem:v0+s26+$0x0], $0xffff  }
0x10c: {  	v23 =	vld.idx.msk [tilespmem:v14+s26+$0x0], $0xffff  }
0x10d: {  	v0 =	vor.u32 v6, v18;
	v29 =	vld.idx.msk [tilespmem:v2+s25+$0x0], $0xffff  }
0x10e: {  	v31 =	vld.idx.msk [tilespmem:v2+s26+$0x0], $0xffff  }
0x10f: {  	v2 =	vor.u32 v54, v18;
	v61 =	vld.idx.msk [tilespmem:v5+s25+$0x0], $0xffff  }
0x110: {  	v32 =	vld.idx.msk [tilespmem:v1+s25+$0x0], $0xffff  }
0x111: {  	v34 =	vld.idx.msk [tilespmem:v1+s26+$0x0], $0xffff  }
0x112: {  	v1 =	vor.u32 v58, v18;
	v35 =	vld.idx.msk [tilespmem:v0+s25+$0x0], $0xffff  }
0x113: {  	v37 =	vld.idx.msk [tilespmem:v0+s26+$0x0], $0xffff  }
0x114: {  	v0 =	vor.u32 v7, v18;
	v38 =	vld.idx.msk [tilespmem:v2+s25+$0x0], $0xffff  }
0x115: {  	v44 =	vld.idx.msk [tilespmem:v2+s26+$0x0], $0xffff  }
0x116: {  	v2 =	vor.u32 v17, v18;
	v17 =	vor.u32 v63, v55;
	v63 =	vld.idx.msk [tilespmem:v5+s26+$0x0], $0xffff  }
0x117: {  	v43 =	vld.idx.msk [tilespmem:v1+s25+$0x0], $0xffff  }
0x118: {  	v49 =	vld.idx.msk [tilespmem:v1+s26+$0x0], $0xffff  }
0x119: {  	v33 =	vld.idx.msk [tilespmem:v0+s25+$0x0], $0xffff  }
0x11a: {  	v36 =	vld.idx.msk [tilespmem:v0+s26+$0x0], $0xffff  }
0x11b: {  	v1 =	vor.u32 v21, v27;
	v21 =	vld.idx.msk [tilespmem:v14+s25+$0x0], $0xffff  }
0x11c: {  	v12 =	vld.idx.msk [tilespmem:v2+s25+$0x0], $0xffff  }
0x11d: {  	v0 =	vor.u32 v6, v27;
	v13 =	vld.idx.msk [tilespmem:v2+s26+$0x0], $0xffff  }
0x11e: {  	v56 =	vld.idx.msk [tilespmem:v17+s25+$0x0], $0xffff  }
0x11f: {  	v2 =	vor.u32 v54, v27;
	v60 =	vld.idx.msk [tilespmem:v17+s26+$0x0], $0xffff  }
0x120: {  	v52 =	vld.idx.msk [tilespmem:v1+s25+$0x0], $0xffff  }
0x121: {  	v53 =	vld.idx.msk [tilespmem:v1+s26+$0x0], $0xffff;
	v1 =	vor.u32 v58, v27  }
0x122: {  	v39 =	vld.idx.msk [tilespmem:v0+s25+$0x0], $0xffff  }
0x123: {  	v45 =	vld.idx.msk [tilespmem:v0+s26+$0x0], $0xffff;
	v0 =	vor.u32 v7, v27  }
0x124: {  	v41 =	vld.idx.msk [tilespmem:v2+s25+$0x0], $0xffff  }
0x125: {  	v47 =	vld.idx.msk [tilespmem:v2+s26+$0x0], $0xffff;
	v2 =	vor.u32 v6, v55  }
0x126: {  	v57 =	vmul.f32 v10, v9;
	v10 =	vimm.f32 $0.0e+00;
	v42 =	vld.idx.msk [tilespmem:v1+s25+$0x0], $0xffff  }
0x127: {  	v9 =	vimm.f32 $0.0e+00;
	v59 =	vmul.f32 v16, v15;
	v15 =	vimm.f32 $0.0e+00;
	v48 =	vld.idx.msk [tilespmem:v1+s26+$0x0], $0xffff  }
0x128: {  	v16 =	vimm.f32 $0.0e+00;
	v14 =	vimm.f32 $0.0e+00;
	v17 =	vimm.f32 $0.0e+00;
	v40 =	vld.idx.msk [tilespmem:v0+s25+$0x0], $0xffff  }
0x129: {  	v46 =	vld.idx.msk [tilespmem:v0+s26+$0x0], $0xffff;
	v1 =	vor.u32 v54, v55;
	v54 =	vmul.f32 v8, v4;
	v0 =	vor.u32 v58, v55  }
0x12a: {  	s7 =	simm.s32 $0x4;
	v58 =	vmul.f32 v3, v11;
	v11 =	vimm.f32 $0.0e+00;
	v8 =	vimm.f32 $0.0e+00;
	v62 =	vld.idx.msk [tilespmem:v2+s25+$0x0], $0xffff  }
.LBB2_5:
0x12b: {  	v5 =	vld [tilespmem:$0x1FF90];
	_ =	sdelay $0x1  }
0x12c: {  	v6 =	vld [tilespmem:$0x1FFC0];
	_ =	sdelay $0x1  }
0x12d: {  	v3 =	vmul.f32 v20, v19;
	v4 =	vmul.f32 v25, v22;
	v7 =	vld [tilespmem:$0x1FF80]  }
0x12e: {  	v2 =	vld.idx.msk [tilespmem:v2+s26+$0x0], $0xffff;
	v22 =	vmul.f32 v26, v24;
	v24 =	vmul.f32 v30, v28;
	v19 =	vor.u32 v5, v55  }
0x12f: {  	v25 =	vld.idx.msk [tilespmem:v1+s25+$0x0], $0xffff;
	v28 =	vmul.f32 v31, v29;
	v29 =	vmul.f32 v34, v32  }
0x130: {  	v1 =	vld.idx.msk [tilespmem:v1+s26+$0x0], $0xffff;
	v31 =	vmul.f32 v37, v35;
	v32 =	vmul.f32 v44, v38;
	v26 =	vor.u32 v6, v55  }
0x131: {  	v20 =	vmov s7;
	v30 =	vld.idx.msk [tilespmem:v0+s25+$0x0], $0xffff;
	v33 =	vmul.f32 v36, v33;
	v37 =	vmul.f32 v51, v50  }
0x132: {  	v0 =	vld.idx.msk [tilespmem:v0+s26+$0x0], $0xffff;
	v14 =	vadd.f32 v54, v14;
	v17 =	vadd.f32 v57, v17;
	v34 =	vor.u32 v7, v55  }
0x133: {  	v53 =	vmul.f32 v53, v52;
	v15 =	vadd.f32 v58, v15;
	v16 =	vadd.f32 v59, v16;
	v36 =	vld.idx.msk [tilespmem:v19+s25+$0x0], $0xffff  }
0x134: {  	v9 =	vadd.f32 v22, v9;
	v55 =	vmul.f32 v60, v56;
	v27 =	vor.u32 v7, v27;
	v19 =	vld.idx.msk [tilespmem:v19+s26+$0x0], $0xffff  }
0x135: {  	v8 =	vadd.f32 v24, v8;
	v56 =	vmul.f32 v63, v61;
	v2 =	vmul.f32 v2, v62;
	v57 =	vld.idx.msk [tilespmem:v26+s25+$0x0], $0xffff  }
0x136: {  	v18 =	vor.u32 v7, v18;
	v1 =	vmul.f32 v1, v25;
	v14 =	vadd.f32 v55, v14;
	v25 =	vld.idx.msk [tilespmem:v26+s26+$0x0], $0xffff  }
0x137: {  	v39 =	vmul.f32 v45, v39;
	v17 =	vadd.f32 v56, v17;
	v2 =	vadd.f32 v2, v15;
	v26 =	vld.idx.msk [tilespmem:v34+s25+$0x0], $0xffff  }
0x138: {  	v1 =	vadd.f32 v1, v16;
	v15 =	vmul.f32 v47, v41;
	v14 =	vadd.f32 v37, v14;
	v34 =	vld.idx.msk [tilespmem:v34+s26+$0x0], $0xffff  }
0x139: {  	v35 =	vmul.f32 v49, v43;
	v16 =	vadd.f32 v53, v17;
	v2 =	vadd.f32 v39, v2;
	v60 =	vld.idx.msk [tilespmem:v27+s25+$0x0], $0xffff  }
0x13a: {  	v20 =	vand.u32 $0x7C, v20;
	v1 =	vadd.f32 v15, v1;
	v27 =	vld.idx.msk [tilespmem:v27+s26+$0x0], $0xffff;
	v14 =	vadd.f32 v28, v14  }
0x13b: {  	v59 =	vmul.f32 v48, v42;
	v17 =	vadd.f32 v29, v16;
	v28 =	vld.idx.msk [tilespmem:v18+s25+$0x0], $0xffff;
	v15 =	vadd.f32 v31, v2  }
0x13c: {  	v0 =	vmul.f32 v0, v30;
	v16 =	vadd.f32 v32, v1;
	v1 =	vld.idx.msk [tilespmem:v18+s26+$0x0], $0xffff;
	v2 =	vadd.f32 v3, v11  }
0x13d: {  	v3 =	vadd.f32 v4, v10;
	v62 =	vmul.f32 v25, v57;
	v10 =	vmul.f32 v34, v26  }
0x13e: {  	v61 =	vmul.f32 v46, v40;
	v46 =	vld [tilespmem:$0x1FFB0];
	v0 =	vadd.f32 v0, v2;
	v19 =	vmul.f32 v19, v36  }
0x13f: {  	v4 =	vadd.f32 v62, v9;
	v8 =	vadd.f32 v10, v8;
	v9 =	vmul.f32 v27, v60  }
0x140: {  	v12 =	vmul.f32 v13, v12;
	v13 =	vbroadcast v20, $0x0;
	v56 =	vld [tilespmem:$0x1FFD0];
	v0 =	vadd.f32 v59, v0  }
0x141: {  	v1 =	vmul.f32 v1, v28;
	v2 =	vadd.f32 v19, v3;
	v63 =	vadd.f32 v9, v8  }
0x142: {  	v3 =	vmul.f32 v23, v21;
	v11 =	vadd.f32 v35, v0  }
0x143: {  	v2 =	vadd.f32 v61, v2;
	v0 =	vadd.f32 v1, v63;
	v1 =	vor.u32 v46, v13  }
0x144: {  	v40 =	vld [tilespmem:$0x1FFA0]  }
0x145: {  	v3 =	vadd.f32 v3, v4;
	v10 =	vadd.f32 v33, v2;
	v2 =	vor.u32 v56, v13  }
0x146: {  	v61 =	vld [tilespmem:$0x1FFE0]  }
0x147: {  	v8 =	vld [tilespmem:$0x1FFF0];
	v9 =	vadd.f32 v12, v3;
	v12 =	vor.u32 v6, v13  }
0x148: {  	v4 =	vld.idx.msk [tilespmem:v1+s25+$0x0], $0xffff  }
0x149: {  	[tilespmem:$0x1FF60] =	vst v0;
	v0 =	vor.u32 v40, v13;
	v57 =	vld.idx.msk [tilespmem:v1+s26+$0x0], $0xffff  }
0x14a: {  	v58 =	vld.idx.msk [tilespmem:v2+s25+$0x0], $0xffff  }
0x14b: {  	v3 =	vor.u32 v61, v13;
	v59 =	vld.idx.msk [tilespmem:v2+s26+$0x0], $0xffff  }
0x14c: {  	s17 =	sadd.s32 $0x3, s7;
	v24 =	vld.idx.msk [tilespmem:v12+s25+$0x0], $0xffff  }
0x14d: {  	v18 =	vmov s17;
	v1 =	vor.u32 v8, v13;
	v26 =	vld.idx.msk [tilespmem:v12+s26+$0x0], $0xffff  }
0x14e: {  	v18 =	vand.u32 $0x7F, v18;
	v54 =	vld.idx.msk [tilespmem:v0+s25+$0x0], $0xffff  }
0x14f: {  	v18 =	vbroadcast v18, $0x0;
	v2 =	vor.u32 v5, v13;
	v0 =	vld.idx.msk [tilespmem:v0+s26+$0x0], $0xffff  }
0x150: {  	v62 =	vld.idx.msk [tilespmem:v3+s25+$0x0], $0xffff  }
0x151: {  	v12 =	vor.u32 v46, v18;
	v3 =	vld.idx.msk [tilespmem:v3+s26+$0x0], $0xffff  }
0x152: {  	v19 =	vld.idx.msk [tilespmem:v1+s25+$0x0], $0xffff  }
0x153: {  	v20 =	vld.idx.msk [tilespmem:v1+s26+$0x0], $0xffff;
	v1 =	vor.u32 v7, v13  }
0x154: {  	s9 =	sadd.s32 $0x2, s7;
	v22 =	vld.idx.msk [tilespmem:v2+s25+$0x0], $0xffff  }
0x155: {  	v25 =	vld.idx.msk [tilespmem:v2+s26+$0x0], $0xffff;
	v2 =	vor.u32 v40, v18;
	v13 =	vmov s9  }
0x156: {  	v32 =	vld.idx.msk [tilespmem:v12+s25+$0x0], $0xffff;
	v13 =	vand.u32 $0x7E, v13  }
0x157: {  	v34 =	vld.idx.msk [tilespmem:v12+s26+$0x0], $0xffff;
	v12 =	vor.u32 v8, v18;
	v27 =	vbroadcast v13, $0x0  }
0x158: {  	v28 =	vld.idx.msk [tilespmem:v1+s25+$0x0], $0xffff  }
0x159: {  	v21 =	vor.u32 v40, v27;
	v30 =	vld.idx.msk [tilespmem:v1+s26+$0x0], $0xffff  }
0x15a: {  	v29 =	vld.idx.msk [tilespmem:v2+s25+$0x0], $0xffff  }
0x15b: {  	v23 =	vor.u32 v46, v27;
	v31 =	vld.idx.msk [tilespmem:v2+s26+$0x0], $0xffff  }
0x15c: {  	v43 =	vld.idx.msk [tilespmem:v12+s25+$0x0], $0xffff  }
0x15d: {  	v1 =	vor.u32 v56, v18;
	v49 =	vld.idx.msk [tilespmem:v12+s26+$0x0], $0xffff  }
0x15e: {  	v50 =	vld.idx.msk [tilespmem:v21+s25+$0x0], $0xffff  }
0x15f: {  	v2 =	vor.u32 v61, v18;
	v51 =	vld.idx.msk [tilespmem:v21+s26+$0x0], $0xffff  }
0x160: {  	v52 =	vld.idx.msk [tilespmem:v23+s25+$0x0], $0xffff  }
0x161: {  	s9 =	sadd.s32 $0x1, s7;
	v53 =	vld.idx.msk [tilespmem:v23+s26+$0x0], $0xffff  }
0x162: {  	v21 =	vor.u32 v8, v27;
	v23 =	vmov s9;
	v35 =	vld.idx.msk [tilespmem:v1+s25+$0x0], $0xffff  }
0x163: {  	v37 =	vld.idx.msk [tilespmem:v1+s26+$0x0], $0xffff;
	v23 =	vand.u32 $0x7D, v23  }
0x164: {  	v1 =	vor.u32 v5, v18;
	v38 =	vld.idx.msk [tilespmem:v2+s25+$0x0], $0xffff;
	v55 =	vbroadcast v23, $0x0  }
0x165: {  	v44 =	vld.idx.msk [tilespmem:v2+s26+$0x0], $0xffff  }
0x166: {  	v54 =	vmul.f32 v0, v54;
	v2 =	vor.u32 v6, v18;
	v0 =	vor.u32 v8, v55;
	v8 =	vld [tilespmem:$0x1FF60]  }
0x167: {  	v42 =	vld.idx.msk [tilespmem:v21+s25+$0x0], $0xffff  }
0x168: {  	v23 =	vor.u32 v6, v27;
	v48 =	vld.idx.msk [tilespmem:v21+s26+$0x0], $0xffff  }
0x169: {  	v33 =	vld.idx.msk [tilespmem:v1+s25+$0x0], $0xffff  }
0x16a: {  	v36 =	vld.idx.msk [tilespmem:v1+s26+$0x0], $0xffff;
	v1 =	vor.u32 v56, v27  }
0x16b: {  	v12 =	vld.idx.msk [tilespmem:v2+s25+$0x0], $0xffff  }
0x16c: {  	v13 =	vld.idx.msk [tilespmem:v2+s26+$0x0], $0xffff;
	v2 =	vor.u32 v61, v27  }
0x16d: {  	v21 =	vld.idx.msk [tilespmem:v23+s25+$0x0], $0xffff  }
0x16e: {  	v60 =	vor.u32 v40, v55;
	v23 =	vld.idx.msk [tilespmem:v23+s26+$0x0], $0xffff  }
0x16f: {  	v39 =	vld.idx.msk [tilespmem:v1+s25+$0x0], $0xffff  }
0x170: {  	v45 =	vld.idx.msk [tilespmem:v1+s26+$0x0], $0xffff;
	v1 =	vor.u32 v5, v27  }
0x171: {  	v41 =	vld.idx.msk [tilespmem:v2+s25+$0x0], $0xffff  }
0x172: {  	v47 =	vld.idx.msk [tilespmem:v2+s26+$0x0], $0xffff;
	v5 =	vor.u32 v46, v55  }
0x173: {  	v2 =	vor.u32 v56, v55;
	v56 =	vld.idx.msk [tilespmem:v60+s25+$0x0], $0xffff  }
0x174: {  	p0 =	slt.u32 s7, $0x7C;
	v60 =	vld.idx.msk [tilespmem:v60+s26+$0x0], $0xffff  }
.Ltmp1:
0x175: {  	v40 =	vld.idx.msk [tilespmem:v1+s25+$0x0], $0xffff;
	(pc) =	sbr.rel @p0 .LBB2_5-.Ltmp1, $4  }
0x176: {  	v46 =	vld.idx.msk [tilespmem:v1+s26+$0x0], $0xffff  }
0x177: {  	v1 =	vor.u32 v61, v55;
	v61 =	vld.idx.msk [tilespmem:v5+s25+$0x0], $0xffff  }
0x178: {  	v57 =	vmul.f32 v57, v4;
	v63 =	vld.idx.msk [tilespmem:v5+s26+$0x0], $0xffff  }
0x179: {  	v58 =	vmul.f32 v59, v58;
	s7 =	sadd.s32 $0x4, s7;
	v59 =	vmul.f32 v3, v62;
	v62 =	vld.idx.msk [tilespmem:v2+s25+$0x0], $0xffff  }
0x17a: {  	v5 =	vld [tilespmem:$0x1FF90];
	_ =	sdelay $0x1  }
0x17b: {  	v6 =	vld [tilespmem:$0x1FFC0]  }
0x17c: {  	v3 =	vmul.f32 v20, v19;
	v4 =	vmul.f32 v25, v22  }
0x17d: {  	v19 =	vmul.f32 v26, v24;
	v22 =	vmul.f32 v30, v28;
	v7 =	vld [tilespmem:$0x1FF80]  }
0x17e: {  	v2 =	vld.idx.msk [tilespmem:v2+s26+$0x0], $0xffff;
	v25 =	vmul.f32 v31, v29;
	v28 =	vmul.f32 v34, v32;
	v20 =	vor.u32 v5, v55  }
0x17f: {  	v24 =	vld.idx.msk [tilespmem:v1+s25+$0x0], $0xffff;
	v29 =	vmul.f32 v37, v35;
	v30 =	vmul.f32 v44, v38  }
0x180: {  	v1 =	vld.idx.msk [tilespmem:v1+s26+$0x0], $0xffff;
	v32 =	vmul.f32 v49, v43;
	v51 =	vmul.f32 v51, v50;
	v26 =	vor.u32 v6, v55  }
0x181: {  	v49 =	vld.idx.msk [tilespmem:v0+s25+$0x0], $0xffff;
	v52 =	vmul.f32 v53, v52;
	v53 =	vmul.f32 v60, v56;
	v14 =	vadd.f32 v54, v14  }
0x182: {  	v0 =	vld.idx.msk [tilespmem:v0+s26+$0x0], $0xffff;
	v17 =	vadd.f32 v57, v17;
	v15 =	vadd.f32 v58, v15;
	v31 =	vor.u32 v7, v55  }
0x183: {  	v60 =	vmul.f32 v45, v39;
	v16 =	vadd.f32 v59, v16;
	v14 =	vadd.f32 v53, v14;
	v56 =	vld.idx.msk [tilespmem:v20+s25+$0x0], $0xffff  }
0x184: {  	v3 =	vadd.f32 v3, v11;
	v4 =	vadd.f32 v4, v10;
	v27 =	vor.u32 v7, v27;
	v20 =	vld.idx.msk [tilespmem:v20+s26+$0x0], $0xffff  }
0x185: {  	v9 =	vadd.f32 v19, v9;
	v2 =	vmul.f32 v2, v62;
	v1 =	vmul.f32 v1, v24;
	v24 =	vld.idx.msk [tilespmem:v26+s25+$0x0], $0xffff  }
0x186: {  	v14 =	vadd.f32 v51, v14;
	v18 =	vor.u32 v7, v18;
	v55 =	vmul.f32 v63, v61;
	v26 =	vld.idx.msk [tilespmem:v26+s26+$0x0], $0xffff  }
0x187: {  	v2 =	vadd.f32 v2, v15;
	v1 =	vadd.f32 v1, v16;
	v15 =	vmul.f32 v47, v41;
	v61 =	vld.idx.msk [tilespmem:v31+s25+$0x0], $0xffff  }
0x188: {  	v19 =	vmul.f32 v23, v21;
	v0 =	vmul.f32 v0, v49;
	v17 =	vadd.f32 v55, v17;
	v31 =	vld.idx.msk [tilespmem:v31+s26+$0x0], $0xffff  }
0x189: {  	v62 =	vmul.f32 v48, v42;
	v14 =	vadd.f32 v25, v14;
	v1 =	vadd.f32 v15, v1;
	v15 =	vld.idx.msk [tilespmem:v27+s25+$0x0], $0xffff  }
0x18a: {  	v63 =	vmul.f32 v46, v40;
	v0 =	vadd.f32 v0, v3;
	v17 =	vadd.f32 v52, v17;
	v25 =	vld.idx.msk [tilespmem:v27+s26+$0x0], $0xffff  }
0x18b: {  	v3 =	vadd.f32 v22, v8;
	v2 =	vadd.f32 v60, v2;
	v11 =	vld.idx.msk [tilespmem:v18+s25+$0x0], $0xffff;
	v20 =	vmul.f32 v20, v56  }
0x18c: {  	v0 =	vadd.f32 v62, v0;
	v10 =	vld.idx.msk [tilespmem:v18+s26+$0x0], $0xffff;
	v17 =	vadd.f32 v28, v17;
	v18 =	vmul.f32 v26, v24  }
0x18d: {  	v2 =	vadd.f32 v29, v2;
	v8 =	vmul.f32 v31, v61;
	v4 =	vadd.f32 v20, v4  }
0x18e: {  	v16 =	vmul.f32 v36, v33;
	[tilespmem:$0x1A080] =	vst v14;
	v1 =	vadd.f32 v30, v1;
	v9 =	vadd.f32 v18, v9  }
0x18f: {  	[tilespmem:$0x1A090] =	vst v17;
	v3 =	vadd.f32 v8, v3;
	v8 =	vmul.f32 v25, v15;
	v4 =	vadd.f32 v63, v4  }
0x190: {  	v12 =	vmul.f32 v13, v12;
	v0 =	vadd.f32 v32, v0;
	[tilespmem:$0x1A0A0] =	vst v2;
	v9 =	vadd.f32 v19, v9  }
0x191: {  	[tilespmem:$0x1A0B0] =	vst v1;
	v2 =	vadd.f32 v8, v3;
	v3 =	vmul.f32 v10, v11;
	v4 =	vadd.f32 v16, v4  }
0x192: {  	s7 =	rddreg [dreg:$0x6];
	[tilespmem:$0x1A0C0] =	vst v0;
	v1 =	vadd.f32 v12, v9  }
0x193: {  	s7 =	sadd.s32 s8, s7;
	v0 =	vadd.f32 v3, v2;
	[tilespmem:$0x1A0D0] =	vst v4  }
0x194: {  	s7 =	sshrl.u32 s7, $0x3;
	[tilespmem:$0x1A0E0] =	vst v1  }
0x195: {  	s17 =	simm.s32 $0x0;
	s7 =	sadd.s32 s6, s7;
	[tilespmem:$0x1A0F0] =	vst v0  }
0x196: {  	[hbm4b:s7+s17] =	stream.linear.scatter [tilespmem:s31], [sflag:$0x6], $0x80, $0x38;
	[tilespmem:$0x1A100] =	vst v63  }
0x197: {  	s7 =	sadd.s32 $0x200, s8  }
0x198: {  	[tilespmem:s16], [sflag:$0x1] =	stream.indirect.gather [hbm4b:s2+s13], $0x1, s7, s13, $0xb8;
	[tilespmem:$0x1A100] =	vst v63  }
0x199: {  	s9 =	sadd.s32 $0x5000, s8  }
0x19a: {  	[tilespmem:s18], [sflag:$0x1] =	stream.indirect.gather [hbm4b:s2+s13], $0x1, s9, s13, $0xb8;
	[tilespmem:$0x1A100] =	vst v63  }
0x19b: {  	_ =	swait.ge [sflag:s24], $0x80  }
0x19c: {  	[sflag:s24] =	ssyncset.done $0x0  }
0x19d: {  	[sflag:s24] =	ssyncadd.s32 $0xFFFFFF80  }
0x19e: {  	_ =	swait.ge [sflag:s24], $0x80  }
0x19f: {  	[sflag:s24] =	ssyncset.done $0x0  }
0x1a0: {  	[sflag:s24] =	ssyncadd.s32 $0xFFFFFF80  }
0x1a1: {  	[tilespmem:s25], [sflag:$0x4] =	stream.indirect.gather [hbm4b:s3+s13], $0x80, s14, s13, $0xb8;
	[tilespmem:$0x1A100] =	vst v63  }
0x1a2: {  	_ = 	snop  }
0x1a3: {  	[tilespmem:s26], [sflag:$0x4] =	stream.indirect.gather [hbm4b:s3+s13], $0x80, s15, s13, $0xb8;
	[tilespmem:$0x1A100] =	vst v63  }
0x1a4: {  	_ =	swait.ge [sflag:s28], $0x4000  }
0x1a5: {  	[sflag:s28] =	ssyncset.done $0x0  }
0x1a6: {  	[sflag:s28] =	ssyncadd.s32 $0xFFFFC000  }
0x1a7: {  	_ =	swait.ge [sflag:s28], $0x4000  }
0x1a8: {  	v0 =	vmov s17;
	[sflag:s28] =	ssyncset.done $0x0  }
0x1a9: {  	v0 =	vand.u32 $0x7C, v0;
	v17 =	vld [tilespmem:$0x1FFA0];
	[sflag:s28] =	ssyncadd.s32 $0xFFFFC000  }
0x1aa: {  	v0 =	vbroadcast v0, $0x0;
	_ =	swait.ge [sflag:s1], $0x80  }
0x1ab: {  	v21 =	vld [tilespmem:$0x1FFB0]  }
0x1ac: {  	v12 =	vor.u32 v5, v0  }
0x1ad: {  	v23 =	vld [tilespmem:$0x1FFD0]  }
0x1ae: {  	v1 =	vor.u32 v17, v0  }
0x1af: {  	[sflag:s1] =	ssyncset.done $0x0;
	v54 =	vld [tilespmem:$0x1FFE0]  }
0x1b0: {  	s17 =	simm.s32 $0x3;
	v58 =	vld [tilespmem:$0x1FFF0];
	[sflag:s1] =	ssyncadd.s32 $0xFFFFFF80;
	v2 =	vor.u32 v21, v0  }
0x1b1: {  	v13 =	vmov s17;
	s17 =	simm.s32 $0x2;
	v22 =	vld.idx.msk [tilespmem:v12+s20+$0x0], $0xffff  }
0x1b2: {  	v25 =	vld.idx.msk [tilespmem:v12+s21+$0x0], $0xffff;
	v12 =	vmov s17;
	v3 =	vor.u32 v23, v0  }
0x1b3: {  	v12 =	vand.u32 $0x7E, v12;
	v4 =	vld.idx.msk [tilespmem:v1+s20+$0x0], $0xffff  }
0x1b4: {  	v27 =	vbroadcast v12, $0x0;
	v8 =	vld.idx.msk [tilespmem:v1+s21+$0x0], $0xffff;
	v1 =	vor.u32 v54, v0  }
0x1b5: {  	v9 =	vld.idx.msk [tilespmem:v2+s20+$0x0], $0xffff  }
0x1b6: {  	v14 =	vor.u32 v17, v27;
	v10 =	vld.idx.msk [tilespmem:v2+s21+$0x0], $0xffff  }
0x1b7: {  	v11 =	vld.idx.msk [tilespmem:v3+s20+$0x0], $0xffff  }
0x1b8: {  	v2 =	vor.u32 v58, v0;
	v3 =	vld.idx.msk [tilespmem:v3+s21+$0x0], $0xffff  }
0x1b9: {  	v15 =	vld.idx.msk [tilespmem:v1+s20+$0x0], $0xffff  }
0x1ba: {  	v16 =	vld.idx.msk [tilespmem:v1+s21+$0x0], $0xffff;
	v1 =	vor.u32 v6, v0  }
0x1bb: {  	v13 =	vand.u32 $0x7F, v13;
	s17 =	simm.s32 $0x1;
	v50 =	vld.idx.msk [tilespmem:v14+s20+$0x0], $0xffff  }
0x1bc: {  	v18 =	vbroadcast v13, $0x0;
	v51 =	vld.idx.msk [tilespmem:v14+s21+$0x0], $0xffff;
	v14 =	vmov s17;
	v0 =	vor.u32 v7, v0  }
0x1bd: {  	v14 =	vand.u32 $0x7D, v14;
	v19 =	vld.idx.msk [tilespmem:v2+s20+$0x0], $0xffff  }
0x1be: {  	v55 =	vbroadcast v14, $0x0;
	v20 =	vld.idx.msk [tilespmem:v2+s21+$0x0], $0xffff;
	v2 =	vor.u32 v17, v18  }
0x1bf: {  	v24 =	vld.idx.msk [tilespmem:v1+s20+$0x0], $0xffff  }
0x1c0: {  	v17 =	vor.u32 v17, v55;
	v26 =	vld.idx.msk [tilespmem:v1+s21+$0x0], $0xffff  }
0x1c1: {  	v28 =	vld.idx.msk [tilespmem:v0+s20+$0x0], $0xffff  }
0x1c2: {  	v1 =	vor.u32 v21, v18;
	v30 =	vld.idx.msk [tilespmem:v0+s21+$0x0], $0xffff  }
0x1c3: {  	v29 =	vld.idx.msk [tilespmem:v2+s20+$0x0], $0xffff  }
0x1c4: {  	v0 =	vor.u32 v23, v18;
	v31 =	vld.idx.msk [tilespmem:v2+s21+$0x0], $0xffff  }
0x1c5: {  	v56 =	vld.idx.msk [tilespmem:v17+s20+$0x0], $0xffff  }
0x1c6: {  	v2 =	vor.u32 v54, v18;
	v60 =	vld.idx.msk [tilespmem:v17+s21+$0x0], $0xffff  }
0x1c7: {  	v32 =	vld.idx.msk [tilespmem:v1+s20+$0x0], $0xffff  }
0x1c8: {  	v34 =	vld.idx.msk [tilespmem:v1+s21+$0x0], $0xffff;
	v1 =	vor.u32 v58, v18  }
0x1c9: {  	v35 =	vld.idx.msk [tilespmem:v0+s20+$0x0], $0xffff  }
0x1ca: {  	v37 =	vld.idx.msk [tilespmem:v0+s21+$0x0], $0xffff;
	v0 =	vor.u32 v5, v18  }
0x1cb: {  	v38 =	vld.idx.msk [tilespmem:v2+s20+$0x0], $0xffff  }
0x1cc: {  	v44 =	vld.idx.msk [tilespmem:v2+s21+$0x0], $0xffff;
	v2 =	vor.u32 v6, v18  }
0x1cd: {  	v43 =	vld.idx.msk [tilespmem:v1+s20+$0x0], $0xffff  }
0x1ce: {  	v49 =	vld.idx.msk [tilespmem:v1+s21+$0x0], $0xffff;
	v1 =	vor.u32 v21, v27  }
0x1cf: {  	v33 =	vld.idx.msk [tilespmem:v0+s20+$0x0], $0xffff  }
0x1d0: {  	v36 =	vld.idx.msk [tilespmem:v0+s21+$0x0], $0xffff;
	v0 =	vor.u32 v23, v27  }
0x1d1: {  	v12 =	vld.idx.msk [tilespmem:v2+s20+$0x0], $0xffff  }
0x1d2: {  	v14 =	vor.u32 v6, v27;
	v13 =	vld.idx.msk [tilespmem:v2+s21+$0x0], $0xffff  }
0x1d3: {  	v2 =	vor.u32 v54, v27;
	v52 =	vld.idx.msk [tilespmem:v1+s20+$0x0], $0xffff  }
0x1d4: {  	v53 =	vld.idx.msk [tilespmem:v1+s21+$0x0], $0xffff  }
0x1d5: {  	v39 =	vld.idx.msk [tilespmem:v0+s20+$0x0], $0xffff  }
0x1d6: {  	v1 =	vor.u32 v58, v27;
	v45 =	vld.idx.msk [tilespmem:v0+s21+$0x0], $0xffff  }
0x1d7: {  	v0 =	vor.u32 v5, v27;
	v5 =	vor.u32 v21, v55;
	v21 =	vld.idx.msk [tilespmem:v14+s20+$0x0], $0xffff  }
0x1d8: {  	v41 =	vld.idx.msk [tilespmem:v2+s20+$0x0], $0xffff  }
0x1d9: {  	v47 =	vld.idx.msk [tilespmem:v2+s21+$0x0], $0xffff  }
0x1da: {  	v2 =	vor.u32 v23, v55;
	v23 =	vld.idx.msk [tilespmem:v14+s21+$0x0], $0xffff  }
0x1db: {  	v42 =	vld.idx.msk [tilespmem:v1+s20+$0x0], $0xffff  }
0x1dc: {  	v48 =	vld.idx.msk [tilespmem:v1+s21+$0x0], $0xffff  }
0x1dd: {  	v57 =	vmul.f32 v10, v9;
	v10 =	vimm.f32 $0.0e+00;
	v40 =	vld.idx.msk [tilespmem:v0+s20+$0x0], $0xffff  }
0x1de: {  	v9 =	vimm.f32 $0.0e+00;
	v59 =	vmul.f32 v16, v15;
	v15 =	vimm.f32 $0.0e+00;
	v46 =	vld.idx.msk [tilespmem:v0+s21+$0x0], $0xffff  }
0x1df: {  	v16 =	vimm.f32 $0.0e+00;
	v17 =	vimm.f32 $0.0e+00;
	v14 =	vimm.f32 $0.0e+00;
	v61 =	vld.idx.msk [tilespmem:v5+s20+$0x0], $0xffff  }
0x1e0: {  	v1 =	vor.u32 v54, v55;
	v54 =	vmul.f32 v8, v4;
	v0 =	vor.u32 v58, v55;
	v63 =	vld.idx.msk [tilespmem:v5+s21+$0x0], $0xffff  }
0x1e1: {  	s17 =	simm.s32 $0x4;
	v58 =	vmul.f32 v3, v11;
	v11 =	vimm.f32 $0.0e+00;
	v8 =	vimm.f32 $0.0e+00;
	v62 =	vld.idx.msk [tilespmem:v2+s20+$0x0], $0xffff  }
.LBB2_7:
0x1e2: {  	v5 =	vld [tilespmem:$0x1FF90];
	_ =	sdelay $0x1  }
0x1e3: {  	v6 =	vld [tilespmem:$0x1FFC0];
	_ =	sdelay $0x1  }
0x1e4: {  	v3 =	vmul.f32 v20, v19;
	v4 =	vmul.f32 v25, v22;
	v7 =	vld [tilespmem:$0x1FF80]  }
0x1e5: {  	v2 =	vld.idx.msk [tilespmem:v2+s21+$0x0], $0xffff;
	v22 =	vmul.f32 v26, v24;
	v24 =	vmul.f32 v30, v28;
	v19 =	vor.u32 v5, v55  }
0x1e6: {  	v25 =	vld.idx.msk [tilespmem:v1+s20+$0x0], $0xffff;
	v28 =	vmul.f32 v31, v29;
	v29 =	vmul.f32 v34, v32  }
0x1e7: {  	v1 =	vld.idx.msk [tilespmem:v1+s21+$0x0], $0xffff;
	v31 =	vmul.f32 v37, v35;
	v32 =	vmul.f32 v44, v38;
	v26 =	vor.u32 v6, v55  }
0x1e8: {  	v20 =	vmov s17;
	v30 =	vld.idx.msk [tilespmem:v0+s20+$0x0], $0xffff;
	v33 =	vmul.f32 v36, v33;
	v37 =	vmul.f32 v51, v50  }
0x1e9: {  	v0 =	vld.idx.msk [tilespmem:v0+s21+$0x0], $0xffff;
	v14 =	vadd.f32 v54, v14;
	v17 =	vadd.f32 v57, v17;
	v34 =	vor.u32 v7, v55  }
0x1ea: {  	v53 =	vmul.f32 v53, v52;
	v15 =	vadd.f32 v58, v15;
	v16 =	vadd.f32 v59, v16;
	v36 =	vld.idx.msk [tilespmem:v19+s20+$0x0], $0xffff  }
0x1eb: {  	v9 =	vadd.f32 v22, v9;
	v55 =	vmul.f32 v60, v56;
	v27 =	vor.u32 v7, v27;
	v19 =	vld.idx.msk [tilespmem:v19+s21+$0x0], $0xffff  }
0x1ec: {  	v8 =	vadd.f32 v24, v8;
	v56 =	vmul.f32 v63, v61;
	v2 =	vmul.f32 v2, v62;
	v57 =	vld.idx.msk [tilespmem:v26+s20+$0x0], $0xffff  }
0x1ed: {  	v18 =	vor.u32 v7, v18;
	v1 =	vmul.f32 v1, v25;
	v14 =	vadd.f32 v55, v14;
	v25 =	vld.idx.msk [tilespmem:v26+s21+$0x0], $0xffff  }
0x1ee: {  	v39 =	vmul.f32 v45, v39;
	v17 =	vadd.f32 v56, v17;
	v2 =	vadd.f32 v2, v15;
	v26 =	vld.idx.msk [tilespmem:v34+s20+$0x0], $0xffff  }
0x1ef: {  	v1 =	vadd.f32 v1, v16;
	v15 =	vmul.f32 v47, v41;
	v14 =	vadd.f32 v37, v14;
	v34 =	vld.idx.msk [tilespmem:v34+s21+$0x0], $0xffff  }
0x1f0: {  	v35 =	vmul.f32 v49, v43;
	v16 =	vadd.f32 v53, v17;
	v2 =	vadd.f32 v39, v2;
	v60 =	vld.idx.msk [tilespmem:v27+s20+$0x0], $0xffff  }
0x1f1: {  	v20 =	vand.u32 $0x7C, v20;
	v1 =	vadd.f32 v15, v1;
	v27 =	vld.idx.msk [tilespmem:v27+s21+$0x0], $0xffff;
	v14 =	vadd.f32 v28, v14  }
0x1f2: {  	v59 =	vmul.f32 v48, v42;
	v17 =	vadd.f32 v29, v16;
	v28 =	vld.idx.msk [tilespmem:v18+s20+$0x0], $0xffff;
	v15 =	vadd.f32 v31, v2  }
0x1f3: {  	v0 =	vmul.f32 v0, v30;
	v16 =	vadd.f32 v32, v1;
	v1 =	vld.idx.msk [tilespmem:v18+s21+$0x0], $0xffff;
	v2 =	vadd.f32 v3, v11  }
0x1f4: {  	v3 =	vadd.f32 v4, v10;
	v62 =	vmul.f32 v25, v57;
	v10 =	vmul.f32 v34, v26  }
0x1f5: {  	v61 =	vmul.f32 v46, v40;
	v46 =	vld [tilespmem:$0x1FFB0];
	v0 =	vadd.f32 v0, v2;
	v19 =	vmul.f32 v19, v36  }
0x1f6: {  	v4 =	vadd.f32 v62, v9;
	v8 =	vadd.f32 v10, v8;
	v9 =	vmul.f32 v27, v60  }
0x1f7: {  	v12 =	vmul.f32 v13, v12;
	v13 =	vbroadcast v20, $0x0;
	v56 =	vld [tilespmem:$0x1FFD0];
	v0 =	vadd.f32 v59, v0  }
0x1f8: {  	v1 =	vmul.f32 v1, v28;
	v2 =	vadd.f32 v19, v3;
	v63 =	vadd.f32 v9, v8  }
0x1f9: {  	v3 =	vmul.f32 v23, v21;
	v11 =	vadd.f32 v35, v0  }
0x1fa: {  	v2 =	vadd.f32 v61, v2;
	v0 =	vadd.f32 v1, v63;
	v1 =	vor.u32 v46, v13  }
0x1fb: {  	v40 =	vld [tilespmem:$0x1FFA0]  }
0x1fc: {  	v3 =	vadd.f32 v3, v4;
	v10 =	vadd.f32 v33, v2;
	v2 =	vor.u32 v56, v13  }
0x1fd: {  	v61 =	vld [tilespmem:$0x1FFE0]  }
0x1fe: {  	v8 =	vld [tilespmem:$0x1FFF0];
	v9 =	vadd.f32 v12, v3;
	v12 =	vor.u32 v6, v13  }
0x1ff: {  	v4 =	vld.idx.msk [tilespmem:v1+s20+$0x0], $0xffff  }
0x200: {  	[tilespmem:$0x1FF50] =	vst v0;
	v0 =	vor.u32 v40, v13;
	v57 =	vld.idx.msk [tilespmem:v1+s21+$0x0], $0xffff  }
0x201: {  	v58 =	vld.idx.msk [tilespmem:v2+s20+$0x0], $0xffff  }
0x202: {  	v3 =	vor.u32 v61, v13;
	v59 =	vld.idx.msk [tilespmem:v2+s21+$0x0], $0xffff  }
0x203: {  	s9 =	sadd.s32 $0x3, s17;
	v24 =	vld.idx.msk [tilespmem:v12+s20+$0x0], $0xffff  }
0x204: {  	v18 =	vmov s9;
	v1 =	vor.u32 v8, v13;
	v26 =	vld.idx.msk [tilespmem:v12+s21+$0x0], $0xffff  }
0x205: {  	v18 =	vand.u32 $0x7F, v18;
	v54 =	vld.idx.msk [tilespmem:v0+s20+$0x0], $0xffff  }
0x206: {  	v18 =	vbroadcast v18, $0x0;
	v2 =	vor.u32 v5, v13;
	v0 =	vld.idx.msk [tilespmem:v0+s21+$0x0], $0xffff  }
0x207: {  	v62 =	vld.idx.msk [tilespmem:v3+s20+$0x0], $0xffff  }
0x208: {  	v12 =	vor.u32 v46, v18;
	v3 =	vld.idx.msk [tilespmem:v3+s21+$0x0], $0xffff  }
0x209: {  	v19 =	vld.idx.msk [tilespmem:v1+s20+$0x0], $0xffff  }
0x20a: {  	v20 =	vld.idx.msk [tilespmem:v1+s21+$0x0], $0xffff;
	v1 =	vor.u32 v7, v13  }
0x20b: {  	s9 =	sadd.s32 $0x2, s17;
	v22 =	vld.idx.msk [tilespmem:v2+s20+$0x0], $0xffff  }
0x20c: {  	v25 =	vld.idx.msk [tilespmem:v2+s21+$0x0], $0xffff;
	v2 =	vor.u32 v40, v18;
	v13 =	vmov s9  }
0x20d: {  	v32 =	vld.idx.msk [tilespmem:v12+s20+$0x0], $0xffff;
	v13 =	vand.u32 $0x7E, v13  }
0x20e: {  	v34 =	vld.idx.msk [tilespmem:v12+s21+$0x0], $0xffff;
	v12 =	vor.u32 v8, v18;
	v27 =	vbroadcast v13, $0x0  }
0x20f: {  	v28 =	vld.idx.msk [tilespmem:v1+s20+$0x0], $0xffff  }
0x210: {  	v21 =	vor.u32 v40, v27;
	v30 =	vld.idx.msk [tilespmem:v1+s21+$0x0], $0xffff  }
0x211: {  	v29 =	vld.idx.msk [tilespmem:v2+s20+$0x0], $0xffff  }
0x212: {  	v23 =	vor.u32 v46, v27;
	v31 =	vld.idx.msk [tilespmem:v2+s21+$0x0], $0xffff  }
0x213: {  	v43 =	vld.idx.msk [tilespmem:v12+s20+$0x0], $0xffff  }
0x214: {  	v1 =	vor.u32 v56, v18;
	v49 =	vld.idx.msk [tilespmem:v12+s21+$0x0], $0xffff  }
0x215: {  	v50 =	vld.idx.msk [tilespmem:v21+s20+$0x0], $0xffff  }
0x216: {  	v2 =	vor.u32 v61, v18;
	v51 =	vld.idx.msk [tilespmem:v21+s21+$0x0], $0xffff  }
0x217: {  	v52 =	vld.idx.msk [tilespmem:v23+s20+$0x0], $0xffff  }
0x218: {  	s9 =	sadd.s32 $0x1, s17;
	v53 =	vld.idx.msk [tilespmem:v23+s21+$0x0], $0xffff  }
0x219: {  	v21 =	vor.u32 v8, v27;
	v23 =	vmov s9;
	v35 =	vld.idx.msk [tilespmem:v1+s20+$0x0], $0xffff  }
0x21a: {  	v37 =	vld.idx.msk [tilespmem:v1+s21+$0x0], $0xffff;
	v23 =	vand.u32 $0x7D, v23  }
0x21b: {  	v1 =	vor.u32 v5, v18;
	v38 =	vld.idx.msk [tilespmem:v2+s20+$0x0], $0xffff;
	v55 =	vbroadcast v23, $0x0  }
0x21c: {  	v44 =	vld.idx.msk [tilespmem:v2+s21+$0x0], $0xffff  }
0x21d: {  	v54 =	vmul.f32 v0, v54;
	v2 =	vor.u32 v6, v18;
	v0 =	vor.u32 v8, v55;
	v8 =	vld [tilespmem:$0x1FF50]  }
0x21e: {  	v42 =	vld.idx.msk [tilespmem:v21+s20+$0x0], $0xffff  }
0x21f: {  	v23 =	vor.u32 v6, v27;
	v48 =	vld.idx.msk [tilespmem:v21+s21+$0x0], $0xffff  }
0x220: {  	v33 =	vld.idx.msk [tilespmem:v1+s20+$0x0], $0xffff  }
0x221: {  	v36 =	vld.idx.msk [tilespmem:v1+s21+$0x0], $0xffff;
	v1 =	vor.u32 v56, v27  }
0x222: {  	v12 =	vld.idx.msk [tilespmem:v2+s20+$0x0], $0xffff  }
0x223: {  	v13 =	vld.idx.msk [tilespmem:v2+s21+$0x0], $0xffff;
	v2 =	vor.u32 v61, v27  }
0x224: {  	v21 =	vld.idx.msk [tilespmem:v23+s20+$0x0], $0xffff  }
0x225: {  	v60 =	vor.u32 v40, v55;
	v23 =	vld.idx.msk [tilespmem:v23+s21+$0x0], $0xffff  }
0x226: {  	v39 =	vld.idx.msk [tilespmem:v1+s20+$0x0], $0xffff  }
0x227: {  	v45 =	vld.idx.msk [tilespmem:v1+s21+$0x0], $0xffff;
	v1 =	vor.u32 v5, v27  }
0x228: {  	v41 =	vld.idx.msk [tilespmem:v2+s20+$0x0], $0xffff  }
0x229: {  	v47 =	vld.idx.msk [tilespmem:v2+s21+$0x0], $0xffff;
	v5 =	vor.u32 v46, v55  }
0x22a: {  	v2 =	vor.u32 v56, v55;
	v56 =	vld.idx.msk [tilespmem:v60+s20+$0x0], $0xffff  }
0x22b: {  	p0 =	slt.u32 s17, $0x7C;
	v60 =	vld.idx.msk [tilespmem:v60+s21+$0x0], $0xffff  }
.Ltmp2:
0x22c: {  	v40 =	vld.idx.msk [tilespmem:v1+s20+$0x0], $0xffff;
	(pc) =	sbr.rel @p0 .LBB2_7-.Ltmp2, $4  }
0x22d: {  	v46 =	vld.idx.msk [tilespmem:v1+s21+$0x0], $0xffff  }
0x22e: {  	v1 =	vor.u32 v61, v55;
	v61 =	vld.idx.msk [tilespmem:v5+s20+$0x0], $0xffff  }
0x22f: {  	v57 =	vmul.f32 v57, v4;
	v63 =	vld.idx.msk [tilespmem:v5+s21+$0x0], $0xffff  }
0x230: {  	v58 =	vmul.f32 v59, v58;
	s17 =	sadd.s32 $0x4, s17;
	v59 =	vmul.f32 v3, v62;
	v62 =	vld.idx.msk [tilespmem:v2+s20+$0x0], $0xffff  }
0x231: {  	v5 =	vld [tilespmem:$0x1FF90];
	_ =	sdelay $0x1  }
0x232: {  	v6 =	vld [tilespmem:$0x1FFC0]  }
0x233: {  	v3 =	vmul.f32 v20, v19;
	v4 =	vmul.f32 v25, v22  }
0x234: {  	v19 =	vmul.f32 v26, v24;
	v22 =	vmul.f32 v30, v28;
	v7 =	vld [tilespmem:$0x1FF80]  }
0x235: {  	v2 =	vld.idx.msk [tilespmem:v2+s21+$0x0], $0xffff;
	v25 =	vmul.f32 v31, v29;
	v28 =	vmul.f32 v34, v32;
	v20 =	vor.u32 v5, v55  }
0x236: {  	v24 =	vld.idx.msk [tilespmem:v1+s20+$0x0], $0xffff;
	v29 =	vmul.f32 v37, v35;
	v30 =	vmul.f32 v44, v38  }
0x237: {  	v1 =	vld.idx.msk [tilespmem:v1+s21+$0x0], $0xffff;
	v32 =	vmul.f32 v49, v43;
	v51 =	vmul.f32 v51, v50;
	v26 =	vor.u32 v6, v55  }
0x238: {  	v49 =	vld.idx.msk [tilespmem:v0+s20+$0x0], $0xffff;
	v52 =	vmul.f32 v53, v52;
	v53 =	vmul.f32 v60, v56;
	v14 =	vadd.f32 v54, v14  }
0x239: {  	v0 =	vld.idx.msk [tilespmem:v0+s21+$0x0], $0xffff;
	v17 =	vadd.f32 v57, v17;
	v15 =	vadd.f32 v58, v15;
	v31 =	vor.u32 v7, v55  }
0x23a: {  	v60 =	vmul.f32 v45, v39;
	v16 =	vadd.f32 v59, v16;
	v14 =	vadd.f32 v53, v14;
	v56 =	vld.idx.msk [tilespmem:v20+s20+$0x0], $0xffff  }
0x23b: {  	v3 =	vadd.f32 v3, v11;
	v4 =	vadd.f32 v4, v10;
	v27 =	vor.u32 v7, v27;
	v20 =	vld.idx.msk [tilespmem:v20+s21+$0x0], $0xffff  }
0x23c: {  	v9 =	vadd.f32 v19, v9;
	v2 =	vmul.f32 v2, v62;
	v1 =	vmul.f32 v1, v24;
	v24 =	vld.idx.msk [tilespmem:v26+s20+$0x0], $0xffff  }
0x23d: {  	v14 =	vadd.f32 v51, v14;
	v18 =	vor.u32 v7, v18;
	v55 =	vmul.f32 v63, v61;
	v26 =	vld.idx.msk [tilespmem:v26+s21+$0x0], $0xffff  }
0x23e: {  	v2 =	vadd.f32 v2, v15;
	v1 =	vadd.f32 v1, v16;
	v15 =	vmul.f32 v47, v41;
	v61 =	vld.idx.msk [tilespmem:v31+s20+$0x0], $0xffff  }
0x23f: {  	v19 =	vmul.f32 v23, v21;
	v0 =	vmul.f32 v0, v49;
	v17 =	vadd.f32 v55, v17;
	v31 =	vld.idx.msk [tilespmem:v31+s21+$0x0], $0xffff  }
0x240: {  	v62 =	vmul.f32 v48, v42;
	v14 =	vadd.f32 v25, v14;
	v1 =	vadd.f32 v15, v1;
	v15 =	vld.idx.msk [tilespmem:v27+s20+$0x0], $0xffff  }
0x241: {  	v63 =	vmul.f32 v46, v40;
	v0 =	vadd.f32 v0, v3;
	v17 =	vadd.f32 v52, v17;
	v25 =	vld.idx.msk [tilespmem:v27+s21+$0x0], $0xffff  }
0x242: {  	v3 =	vadd.f32 v22, v8;
	v2 =	vadd.f32 v60, v2;
	v11 =	vld.idx.msk [tilespmem:v18+s20+$0x0], $0xffff;
	v20 =	vmul.f32 v20, v56  }
0x243: {  	v0 =	vadd.f32 v62, v0;
	v10 =	vld.idx.msk [tilespmem:v18+s21+$0x0], $0xffff;
	v17 =	vadd.f32 v28, v17;
	v18 =	vmul.f32 v26, v24  }
0x244: {  	v2 =	vadd.f32 v29, v2;
	v8 =	vmul.f32 v31, v61;
	v4 =	vadd.f32 v20, v4  }
0x245: {  	v16 =	vmul.f32 v36, v33;
	[tilespmem:$0x1A000] =	vst v14;
	v1 =	vadd.f32 v30, v1;
	v9 =	vadd.f32 v18, v9  }
0x246: {  	[tilespmem:$0x1A010] =	vst v17;
	v3 =	vadd.f32 v8, v3;
	v8 =	vmul.f32 v25, v15;
	v4 =	vadd.f32 v63, v4  }
0x247: {  	v12 =	vmul.f32 v13, v12;
	v0 =	vadd.f32 v32, v0;
	[tilespmem:$0x1A020] =	vst v2;
	v9 =	vadd.f32 v19, v9  }
0x248: {  	[tilespmem:$0x1A030] =	vst v1;
	v2 =	vadd.f32 v8, v3;
	v3 =	vmul.f32 v10, v11;
	v4 =	vadd.f32 v16, v4  }
0x249: {  	[tilespmem:$0x1A040] =	vst v0;
	v1 =	vadd.f32 v12, v9  }
0x24a: {  	s9 =	sadd.s32 s5, s10;
	v0 =	vadd.f32 v3, v2;
	[tilespmem:$0x1A050] =	vst v4  }
0x24b: {  	s9 =	sshrl.u32 s9, $0x3;
	[tilespmem:$0x1A060] =	vst v1  }
0x24c: {  	s17 =	simm.s32 $0x0;
	s9 =	sadd.s32 s6, s9;
	[tilespmem:$0x1A070] =	vst v0  }
0x24d: {  	[hbm4b:s9+s17] =	stream.linear.scatter [tilespmem:s29], [sflag:$0x5], $0x80, $0x38;
	[tilespmem:$0x1A100] =	vst v63  }
0x24e: {  	s10 =	sadd.s32 $0x280, s8  }
0x24f: {  	[tilespmem:s22], [sflag:$0x2] =	stream.indirect.gather [hbm4b:s2+s13], $0x1, s10, s13, $0xb8;
	[tilespmem:$0x1A100] =	vst v63  }
0x250: {  	s9 =	sadd.s32 $0x5080, s8  }
0x251: {  	[tilespmem:s23], [sflag:$0x2] =	stream.indirect.gather [hbm4b:s2+s13], $0x1, s9, s13, $0xb8;
	[tilespmem:$0x1A100] =	vst v63  }
0x252: {  	_ =	swait.ge [sflag:s19], $0x80  }
0x253: {  	[sflag:s19] =	ssyncset.done $0x0  }
0x254: {  	[sflag:s19] =	ssyncadd.s32 $0xFFFFFF80  }
0x255: {  	_ =	swait.ge [sflag:s19], $0x80  }
0x256: {  	[sflag:s19] =	ssyncset.done $0x0  }
0x257: {  	[sflag:s19] =	ssyncadd.s32 $0xFFFFFF80  }
0x258: {  	[tilespmem:s20], [sflag:$0x3] =	stream.indirect.gather [hbm4b:s3+s13], $0x80, s16, s13, $0xb8;
	[tilespmem:$0x1A100] =	vst v63  }
0x259: {  	_ = 	snop  }
0x25a: {  	[tilespmem:s21], [sflag:$0x3] =	stream.indirect.gather [hbm4b:s3+s13], $0x80, s18, s13, $0xb8;
	[tilespmem:$0x1A100] =	vst v63  }
0x25b: {  	_ =	swait.ge [sflag:s30], $0x4000  }
0x25c: {  	[sflag:s30] =	ssyncset.done $0x0  }
0x25d: {  	[sflag:s30] =	ssyncadd.s32 $0xFFFFC000  }
0x25e: {  	_ =	swait.ge [sflag:s30], $0x4000  }
0x25f: {  	v0 =	vmov s17;
	[sflag:s30] =	ssyncset.done $0x0  }
0x260: {  	v0 =	vand.u32 $0x7C, v0;
	v17 =	vld [tilespmem:$0x1FFA0];
	[sflag:s30] =	ssyncadd.s32 $0xFFFFC000  }
0x261: {  	v0 =	vbroadcast v0, $0x0;
	_ =	swait.ge [sflag:s0], $0x80  }
0x262: {  	v21 =	vld [tilespmem:$0x1FFB0]  }
0x263: {  	v12 =	vor.u32 v5, v0  }
0x264: {  	v23 =	vld [tilespmem:$0x1FFD0]  }
0x265: {  	v1 =	vor.u32 v17, v0  }
0x266: {  	[sflag:s0] =	ssyncset.done $0x0;
	v54 =	vld [tilespmem:$0x1FFE0]  }
0x267: {  	s17 =	simm.s32 $0x3;
	v58 =	vld [tilespmem:$0x1FFF0];
	[sflag:s0] =	ssyncadd.s32 $0xFFFFFF80;
	v2 =	vor.u32 v21, v0  }
0x268: {  	v13 =	vmov s17;
	s17 =	simm.s32 $0x2;
	v22 =	vld.idx.msk [tilespmem:v12+s25+$0x0], $0xffff  }
0x269: {  	v25 =	vld.idx.msk [tilespmem:v12+s26+$0x0], $0xffff;
	v12 =	vmov s17;
	v3 =	vor.u32 v23, v0  }
0x26a: {  	v12 =	vand.u32 $0x7E, v12;
	v4 =	vld.idx.msk [tilespmem:v1+s25+$0x0], $0xffff  }
0x26b: {  	v27 =	vbroadcast v12, $0x0;
	v8 =	vld.idx.msk [tilespmem:v1+s26+$0x0], $0xffff;
	v1 =	vor.u32 v54, v0  }
0x26c: {  	v9 =	vld.idx.msk [tilespmem:v2+s25+$0x0], $0xffff  }
0x26d: {  	v14 =	vor.u32 v17, v27;
	v10 =	vld.idx.msk [tilespmem:v2+s26+$0x0], $0xffff  }
0x26e: {  	v11 =	vld.idx.msk [tilespmem:v3+s25+$0x0], $0xffff  }
0x26f: {  	v2 =	vor.u32 v58, v0;
	v3 =	vld.idx.msk [tilespmem:v3+s26+$0x0], $0xffff  }
0x270: {  	v15 =	vld.idx.msk [tilespmem:v1+s25+$0x0], $0xffff  }
0x271: {  	v16 =	vld.idx.msk [tilespmem:v1+s26+$0x0], $0xffff;
	v1 =	vor.u32 v6, v0  }
0x272: {  	v13 =	vand.u32 $0x7F, v13;
	s17 =	simm.s32 $0x1;
	v50 =	vld.idx.msk [tilespmem:v14+s25+$0x0], $0xffff  }
0x273: {  	v18 =	vbroadcast v13, $0x0;
	v51 =	vld.idx.msk [tilespmem:v14+s26+$0x0], $0xffff;
	v14 =	vmov s17;
	v0 =	vor.u32 v7, v0  }
0x274: {  	v14 =	vand.u32 $0x7D, v14;
	v19 =	vld.idx.msk [tilespmem:v2+s25+$0x0], $0xffff  }
0x275: {  	v55 =	vbroadcast v14, $0x0;
	v20 =	vld.idx.msk [tilespmem:v2+s26+$0x0], $0xffff;
	v2 =	vor.u32 v17, v18  }
0x276: {  	v24 =	vld.idx.msk [tilespmem:v1+s25+$0x0], $0xffff  }
0x277: {  	v17 =	vor.u32 v17, v55;
	v26 =	vld.idx.msk [tilespmem:v1+s26+$0x0], $0xffff  }
0x278: {  	v28 =	vld.idx.msk [tilespmem:v0+s25+$0x0], $0xffff  }
0x279: {  	v1 =	vor.u32 v21, v18;
	v30 =	vld.idx.msk [tilespmem:v0+s26+$0x0], $0xffff  }
0x27a: {  	v29 =	vld.idx.msk [tilespmem:v2+s25+$0x0], $0xffff  }
0x27b: {  	v0 =	vor.u32 v23, v18;
	v31 =	vld.idx.msk [tilespmem:v2+s26+$0x0], $0xffff  }
0x27c: {  	v56 =	vld.idx.msk [tilespmem:v17+s25+$0x0], $0xffff  }
0x27d: {  	v2 =	vor.u32 v54, v18;
	v60 =	vld.idx.msk [tilespmem:v17+s26+$0x0], $0xffff  }
0x27e: {  	v32 =	vld.idx.msk [tilespmem:v1+s25+$0x0], $0xffff  }
0x27f: {  	v34 =	vld.idx.msk [tilespmem:v1+s26+$0x0], $0xffff;
	v1 =	vor.u32 v58, v18  }
0x280: {  	v35 =	vld.idx.msk [tilespmem:v0+s25+$0x0], $0xffff  }
0x281: {  	v37 =	vld.idx.msk [tilespmem:v0+s26+$0x0], $0xffff;
	v0 =	vor.u32 v5, v18  }
0x282: {  	v38 =	vld.idx.msk [tilespmem:v2+s25+$0x0], $0xffff  }
0x283: {  	v44 =	vld.idx.msk [tilespmem:v2+s26+$0x0], $0xffff;
	v2 =	vor.u32 v6, v18  }
0x284: {  	v43 =	vld.idx.msk [tilespmem:v1+s25+$0x0], $0xffff  }
0x285: {  	v49 =	vld.idx.msk [tilespmem:v1+s26+$0x0], $0xffff;
	v1 =	vor.u32 v21, v27  }
0x286: {  	v33 =	vld.idx.msk [tilespmem:v0+s25+$0x0], $0xffff  }
0x287: {  	v36 =	vld.idx.msk [tilespmem:v0+s26+$0x0], $0xffff;
	v0 =	vor.u32 v23, v27  }
0x288: {  	v12 =	vld.idx.msk [tilespmem:v2+s25+$0x0], $0xffff  }
0x289: {  	v14 =	vor.u32 v6, v27;
	v13 =	vld.idx.msk [tilespmem:v2+s26+$0x0], $0xffff  }
0x28a: {  	v2 =	vor.u32 v54, v27;
	v52 =	vld.idx.msk [tilespmem:v1+s25+$0x0], $0xffff  }
0x28b: {  	v53 =	vld.idx.msk [tilespmem:v1+s26+$0x0], $0xffff  }
0x28c: {  	v39 =	vld.idx.msk [tilespmem:v0+s25+$0x0], $0xffff  }
0x28d: {  	v1 =	vor.u32 v58, v27;
	v45 =	vld.idx.msk [tilespmem:v0+s26+$0x0], $0xffff  }
0x28e: {  	v0 =	vor.u32 v5, v27;
	v5 =	vor.u32 v21, v55;
	v21 =	vld.idx.msk [tilespmem:v14+s25+$0x0], $0xffff  }
0x28f: {  	v41 =	vld.idx.msk [tilespmem:v2+s25+$0x0], $0xffff  }
0x290: {  	v47 =	vld.idx.msk [tilespmem:v2+s26+$0x0], $0xffff  }
0x291: {  	v2 =	vor.u32 v23, v55;
	v23 =	vld.idx.msk [tilespmem:v14+s26+$0x0], $0xffff  }
0x292: {  	v42 =	vld.idx.msk [tilespmem:v1+s25+$0x0], $0xffff  }
0x293: {  	v48 =	vld.idx.msk [tilespmem:v1+s26+$0x0], $0xffff  }
0x294: {  	v57 =	vmul.f32 v10, v9;
	v10 =	vimm.f32 $0.0e+00;
	v40 =	vld.idx.msk [tilespmem:v0+s25+$0x0], $0xffff  }
0x295: {  	v9 =	vimm.f32 $0.0e+00;
	v59 =	vmul.f32 v16, v15;
	v15 =	vimm.f32 $0.0e+00;
	v46 =	vld.idx.msk [tilespmem:v0+s26+$0x0], $0xffff  }
0x296: {  	v16 =	vimm.f32 $0.0e+00;
	v17 =	vimm.f32 $0.0e+00;
	v14 =	vimm.f32 $0.0e+00;
	v61 =	vld.idx.msk [tilespmem:v5+s25+$0x0], $0xffff  }
0x297: {  	v1 =	vor.u32 v54, v55;
	v54 =	vmul.f32 v8, v4;
	v0 =	vor.u32 v58, v55;
	v63 =	vld.idx.msk [tilespmem:v5+s26+$0x0], $0xffff  }
0x298: {  	s17 =	simm.s32 $0x4;
	v58 =	vmul.f32 v3, v11;
	v11 =	vimm.f32 $0.0e+00;
	v8 =	vimm.f32 $0.0e+00;
	v62 =	vld.idx.msk [tilespmem:v2+s25+$0x0], $0xffff  }
.LBB2_9:
0x299: {  	v5 =	vld [tilespmem:$0x1FF90];
	_ =	sdelay $0x1  }
0x29a: {  	v6 =	vld [tilespmem:$0x1FFC0];
	_ =	sdelay $0x1  }
0x29b: {  	v3 =	vmul.f32 v20, v19;
	v4 =	vmul.f32 v25, v22;
	v7 =	vld [tilespmem:$0x1FF80]  }
0x29c: {  	v2 =	vld.idx.msk [tilespmem:v2+s26+$0x0], $0xffff;
	v22 =	vmul.f32 v26, v24;
	v24 =	vmul.f32 v30, v28;
	v19 =	vor.u32 v5, v55  }
0x29d: {  	v25 =	vld.idx.msk [tilespmem:v1+s25+$0x0], $0xffff;
	v28 =	vmul.f32 v31, v29;
	v29 =	vmul.f32 v34, v32  }
0x29e: {  	v1 =	vld.idx.msk [tilespmem:v1+s26+$0x0], $0xffff;
	v31 =	vmul.f32 v37, v35;
	v32 =	vmul.f32 v44, v38;
	v26 =	vor.u32 v6, v55  }
0x29f: {  	v20 =	vmov s17;
	v30 =	vld.idx.msk [tilespmem:v0+s25+$0x0], $0xffff;
	v33 =	vmul.f32 v36, v33;
	v37 =	vmul.f32 v51, v50  }
0x2a0: {  	v0 =	vld.idx.msk [tilespmem:v0+s26+$0x0], $0xffff;
	v14 =	vadd.f32 v54, v14;
	v17 =	vadd.f32 v57, v17;
	v34 =	vor.u32 v7, v55  }
0x2a1: {  	v53 =	vmul.f32 v53, v52;
	v15 =	vadd.f32 v58, v15;
	v16 =	vadd.f32 v59, v16;
	v36 =	vld.idx.msk [tilespmem:v19+s25+$0x0], $0xffff  }
0x2a2: {  	v9 =	vadd.f32 v22, v9;
	v55 =	vmul.f32 v60, v56;
	v27 =	vor.u32 v7, v27;
	v19 =	vld.idx.msk [tilespmem:v19+s26+$0x0], $0xffff  }
0x2a3: {  	v8 =	vadd.f32 v24, v8;
	v56 =	vmul.f32 v63, v61;
	v2 =	vmul.f32 v2, v62;
	v57 =	vld.idx.msk [tilespmem:v26+s25+$0x0], $0xffff  }
0x2a4: {  	v18 =	vor.u32 v7, v18;
	v1 =	vmul.f32 v1, v25;
	v14 =	vadd.f32 v55, v14;
	v25 =	vld.idx.msk [tilespmem:v26+s26+$0x0], $0xffff  }
0x2a5: {  	v39 =	vmul.f32 v45, v39;
	v17 =	vadd.f32 v56, v17;
	v2 =	vadd.f32 v2, v15;
	v26 =	vld.idx.msk [tilespmem:v34+s25+$0x0], $0xffff  }
0x2a6: {  	v1 =	vadd.f32 v1, v16;
	v15 =	vmul.f32 v47, v41;
	v14 =	vadd.f32 v37, v14;
	v34 =	vld.idx.msk [tilespmem:v34+s26+$0x0], $0xffff  }
0x2a7: {  	v35 =	vmul.f32 v49, v43;
	v16 =	vadd.f32 v53, v17;
	v2 =	vadd.f32 v39, v2;
	v60 =	vld.idx.msk [tilespmem:v27+s25+$0x0], $0xffff  }
0x2a8: {  	v20 =	vand.u32 $0x7C, v20;
	v1 =	vadd.f32 v15, v1;
	v27 =	vld.idx.msk [tilespmem:v27+s26+$0x0], $0xffff;
	v14 =	vadd.f32 v28, v14  }
0x2a9: {  	v59 =	vmul.f32 v48, v42;
	v17 =	vadd.f32 v29, v16;
	v28 =	vld.idx.msk [tilespmem:v18+s25+$0x0], $0xffff;
	v15 =	vadd.f32 v31, v2  }
0x2aa: {  	v0 =	vmul.f32 v0, v30;
	v16 =	vadd.f32 v32, v1;
	v1 =	vld.idx.msk [tilespmem:v18+s26+$0x0], $0xffff;
	v2 =	vadd.f32 v3, v11  }
0x2ab: {  	v3 =	vadd.f32 v4, v10;
	v62 =	vmul.f32 v25, v57;
	v10 =	vmul.f32 v34, v26  }
0x2ac: {  	v61 =	vmul.f32 v46, v40;
	v46 =	vld [tilespmem:$0x1FFB0];
	v0 =	vadd.f32 v0, v2;
	v19 =	vmul.f32 v19, v36  }
0x2ad: {  	v4 =	vadd.f32 v62, v9;
	v8 =	vadd.f32 v10, v8;
	v9 =	vmul.f32 v27, v60  }
0x2ae: {  	v12 =	vmul.f32 v13, v12;
	v13 =	vbroadcast v20, $0x0;
	v56 =	vld [tilespmem:$0x1FFD0];
	v0 =	vadd.f32 v59, v0  }
0x2af: {  	v1 =	vmul.f32 v1, v28;
	v2 =	vadd.f32 v19, v3;
	v63 =	vadd.f32 v9, v8  }
0x2b0: {  	v3 =	vmul.f32 v23, v21;
	v11 =	vadd.f32 v35, v0  }
0x2b1: {  	v2 =	vadd.f32 v61, v2;
	v0 =	vadd.f32 v1, v63;
	v1 =	vor.u32 v46, v13  }
0x2b2: {  	v40 =	vld [tilespmem:$0x1FFA0]  }
0x2b3: {  	v3 =	vadd.f32 v3, v4;
	v10 =	vadd.f32 v33, v2;
	v2 =	vor.u32 v56, v13  }
0x2b4: {  	v61 =	vld [tilespmem:$0x1FFE0]  }
0x2b5: {  	v8 =	vld [tilespmem:$0x1FFF0];
	v9 =	vadd.f32 v12, v3;
	v12 =	vor.u32 v6, v13  }
0x2b6: {  	v4 =	vld.idx.msk [tilespmem:v1+s25+$0x0], $0xffff  }
0x2b7: {  	[tilespmem:$0x1FF40] =	vst v0;
	v0 =	vor.u32 v40, v13;
	v57 =	vld.idx.msk [tilespmem:v1+s26+$0x0], $0xffff  }
0x2b8: {  	v58 =	vld.idx.msk [tilespmem:v2+s25+$0x0], $0xffff  }
0x2b9: {  	v3 =	vor.u32 v61, v13;
	v59 =	vld.idx.msk [tilespmem:v2+s26+$0x0], $0xffff  }
0x2ba: {  	s9 =	sadd.s32 $0x3, s17;
	v24 =	vld.idx.msk [tilespmem:v12+s25+$0x0], $0xffff  }
0x2bb: {  	v18 =	vmov s9;
	v1 =	vor.u32 v8, v13;
	v26 =	vld.idx.msk [tilespmem:v12+s26+$0x0], $0xffff  }
0x2bc: {  	v18 =	vand.u32 $0x7F, v18;
	v54 =	vld.idx.msk [tilespmem:v0+s25+$0x0], $0xffff  }
0x2bd: {  	v18 =	vbroadcast v18, $0x0;
	v2 =	vor.u32 v5, v13;
	v0 =	vld.idx.msk [tilespmem:v0+s26+$0x0], $0xffff  }
0x2be: {  	v62 =	vld.idx.msk [tilespmem:v3+s25+$0x0], $0xffff  }
0x2bf: {  	v12 =	vor.u32 v46, v18;
	v3 =	vld.idx.msk [tilespmem:v3+s26+$0x0], $0xffff  }
0x2c0: {  	v19 =	vld.idx.msk [tilespmem:v1+s25+$0x0], $0xffff  }
0x2c1: {  	v20 =	vld.idx.msk [tilespmem:v1+s26+$0x0], $0xffff;
	v1 =	vor.u32 v7, v13  }
0x2c2: {  	s9 =	sadd.s32 $0x2, s17;
	v22 =	vld.idx.msk [tilespmem:v2+s25+$0x0], $0xffff  }
0x2c3: {  	v25 =	vld.idx.msk [tilespmem:v2+s26+$0x0], $0xffff;
	v2 =	vor.u32 v40, v18;
	v13 =	vmov s9  }
0x2c4: {  	v32 =	vld.idx.msk [tilespmem:v12+s25+$0x0], $0xffff;
	v13 =	vand.u32 $0x7E, v13  }
0x2c5: {  	v34 =	vld.idx.msk [tilespmem:v12+s26+$0x0], $0xffff;
	v12 =	vor.u32 v8, v18;
	v27 =	vbroadcast v13, $0x0  }
0x2c6: {  	v28 =	vld.idx.msk [tilespmem:v1+s25+$0x0], $0xffff  }
0x2c7: {  	v21 =	vor.u32 v40, v27;
	v30 =	vld.idx.msk [tilespmem:v1+s26+$0x0], $0xffff  }
0x2c8: {  	v29 =	vld.idx.msk [tilespmem:v2+s25+$0x0], $0xffff  }
0x2c9: {  	v23 =	vor.u32 v46, v27;
	v31 =	vld.idx.msk [tilespmem:v2+s26+$0x0], $0xffff  }
0x2ca: {  	v43 =	vld.idx.msk [tilespmem:v12+s25+$0x0], $0xffff  }
0x2cb: {  	v1 =	vor.u32 v56, v18;
	v49 =	vld.idx.msk [tilespmem:v12+s26+$0x0], $0xffff  }
0x2cc: {  	v50 =	vld.idx.msk [tilespmem:v21+s25+$0x0], $0xffff  }
0x2cd: {  	v2 =	vor.u32 v61, v18;
	v51 =	vld.idx.msk [tilespmem:v21+s26+$0x0], $0xffff  }
0x2ce: {  	v52 =	vld.idx.msk [tilespmem:v23+s25+$0x0], $0xffff  }
0x2cf: {  	s9 =	sadd.s32 $0x1, s17;
	v53 =	vld.idx.msk [tilespmem:v23+s26+$0x0], $0xffff  }
0x2d0: {  	v21 =	vor.u32 v8, v27;
	v23 =	vmov s9;
	v35 =	vld.idx.msk [tilespmem:v1+s25+$0x0], $0xffff  }
0x2d1: {  	v37 =	vld.idx.msk [tilespmem:v1+s26+$0x0], $0xffff;
	v23 =	vand.u32 $0x7D, v23  }
0x2d2: {  	v1 =	vor.u32 v5, v18;
	v38 =	vld.idx.msk [tilespmem:v2+s25+$0x0], $0xffff;
	v55 =	vbroadcast v23, $0x0  }
0x2d3: {  	v44 =	vld.idx.msk [tilespmem:v2+s26+$0x0], $0xffff  }
0x2d4: {  	v54 =	vmul.f32 v0, v54;
	v2 =	vor.u32 v6, v18;
	v0 =	vor.u32 v8, v55;
	v8 =	vld [tilespmem:$0x1FF40]  }
0x2d5: {  	v42 =	vld.idx.msk [tilespmem:v21+s25+$0x0], $0xffff  }
0x2d6: {  	v23 =	vor.u32 v6, v27;
	v48 =	vld.idx.msk [tilespmem:v21+s26+$0x0], $0xffff  }
0x2d7: {  	v33 =	vld.idx.msk [tilespmem:v1+s25+$0x0], $0xffff  }
0x2d8: {  	v36 =	vld.idx.msk [tilespmem:v1+s26+$0x0], $0xffff;
	v1 =	vor.u32 v56, v27  }
0x2d9: {  	v12 =	vld.idx.msk [tilespmem:v2+s25+$0x0], $0xffff  }
0x2da: {  	v13 =	vld.idx.msk [tilespmem:v2+s26+$0x0], $0xffff;
	v2 =	vor.u32 v61, v27  }
0x2db: {  	v21 =	vld.idx.msk [tilespmem:v23+s25+$0x0], $0xffff  }
0x2dc: {  	v60 =	vor.u32 v40, v55;
	v23 =	vld.idx.msk [tilespmem:v23+s26+$0x0], $0xffff  }
0x2dd: {  	v39 =	vld.idx.msk [tilespmem:v1+s25+$0x0], $0xffff  }
0x2de: {  	v45 =	vld.idx.msk [tilespmem:v1+s26+$0x0], $0xffff;
	v1 =	vor.u32 v5, v27  }
0x2df: {  	v41 =	vld.idx.msk [tilespmem:v2+s25+$0x0], $0xffff  }
0x2e0: {  	v47 =	vld.idx.msk [tilespmem:v2+s26+$0x0], $0xffff;
	v5 =	vor.u32 v46, v55  }
0x2e1: {  	v2 =	vor.u32 v56, v55;
	v56 =	vld.idx.msk [tilespmem:v60+s25+$0x0], $0xffff  }
0x2e2: {  	p0 =	slt.u32 s17, $0x7C;
	v60 =	vld.idx.msk [tilespmem:v60+s26+$0x0], $0xffff  }
.Ltmp3:
0x2e3: {  	v40 =	vld.idx.msk [tilespmem:v1+s25+$0x0], $0xffff;
	(pc) =	sbr.rel @p0 .LBB2_9-.Ltmp3, $4  }
0x2e4: {  	v46 =	vld.idx.msk [tilespmem:v1+s26+$0x0], $0xffff  }
0x2e5: {  	v1 =	vor.u32 v61, v55;
	v61 =	vld.idx.msk [tilespmem:v5+s25+$0x0], $0xffff  }
0x2e6: {  	v57 =	vmul.f32 v57, v4;
	v63 =	vld.idx.msk [tilespmem:v5+s26+$0x0], $0xffff  }
0x2e7: {  	v58 =	vmul.f32 v59, v58;
	s17 =	sadd.s32 $0x4, s17;
	v59 =	vmul.f32 v3, v62;
	v62 =	vld.idx.msk [tilespmem:v2+s25+$0x0], $0xffff  }
0x2e8: {  	v5 =	vld [tilespmem:$0x1FF90];
	_ =	sdelay $0x1  }
0x2e9: {  	v6 =	vld [tilespmem:$0x1FFC0]  }
0x2ea: {  	v3 =	vmul.f32 v20, v19;
	v4 =	vmul.f32 v25, v22  }
0x2eb: {  	v19 =	vmul.f32 v26, v24;
	v22 =	vmul.f32 v30, v28;
	v7 =	vld [tilespmem:$0x1FF80]  }
0x2ec: {  	v2 =	vld.idx.msk [tilespmem:v2+s26+$0x0], $0xffff;
	v25 =	vmul.f32 v31, v29;
	v28 =	vmul.f32 v34, v32;
	v20 =	vor.u32 v5, v55  }
0x2ed: {  	v24 =	vld.idx.msk [tilespmem:v1+s25+$0x0], $0xffff;
	v29 =	vmul.f32 v37, v35;
	v30 =	vmul.f32 v44, v38  }
0x2ee: {  	v1 =	vld.idx.msk [tilespmem:v1+s26+$0x0], $0xffff;
	v32 =	vmul.f32 v49, v43;
	v51 =	vmul.f32 v51, v50;
	v26 =	vor.u32 v6, v55  }
0x2ef: {  	v49 =	vld.idx.msk [tilespmem:v0+s25+$0x0], $0xffff;
	v52 =	vmul.f32 v53, v52;
	v53 =	vmul.f32 v60, v56;
	v14 =	vadd.f32 v54, v14  }
0x2f0: {  	v0 =	vld.idx.msk [tilespmem:v0+s26+$0x0], $0xffff;
	v17 =	vadd.f32 v57, v17;
	v15 =	vadd.f32 v58, v15;
	v31 =	vor.u32 v7, v55  }
0x2f1: {  	v60 =	vmul.f32 v45, v39;
	v16 =	vadd.f32 v59, v16;
	v14 =	vadd.f32 v53, v14;
	v56 =	vld.idx.msk [tilespmem:v20+s25+$0x0], $0xffff  }
0x2f2: {  	v3 =	vadd.f32 v3, v11;
	v4 =	vadd.f32 v4, v10;
	v27 =	vor.u32 v7, v27;
	v20 =	vld.idx.msk [tilespmem:v20+s26+$0x0], $0xffff  }
0x2f3: {  	v9 =	vadd.f32 v19, v9;
	v2 =	vmul.f32 v2, v62;
	v1 =	vmul.f32 v1, v24;
	v24 =	vld.idx.msk [tilespmem:v26+s25+$0x0], $0xffff  }
0x2f4: {  	v14 =	vadd.f32 v51, v14;
	v18 =	vor.u32 v7, v18;
	v55 =	vmul.f32 v63, v61;
	v26 =	vld.idx.msk [tilespmem:v26+s26+$0x0], $0xffff  }
0x2f5: {  	v2 =	vadd.f32 v2, v15;
	v1 =	vadd.f32 v1, v16;
	v15 =	vmul.f32 v47, v41;
	v61 =	vld.idx.msk [tilespmem:v31+s25+$0x0], $0xffff  }
0x2f6: {  	v19 =	vmul.f32 v23, v21;
	v0 =	vmul.f32 v0, v49;
	v17 =	vadd.f32 v55, v17;
	v31 =	vld.idx.msk [tilespmem:v31+s26+$0x0], $0xffff  }
0x2f7: {  	v62 =	vmul.f32 v48, v42;
	v14 =	vadd.f32 v25, v14;
	v1 =	vadd.f32 v15, v1;
	v15 =	vld.idx.msk [tilespmem:v27+s25+$0x0], $0xffff  }
0x2f8: {  	v63 =	vmul.f32 v46, v40;
	v0 =	vadd.f32 v0, v3;
	v17 =	vadd.f32 v52, v17;
	v25 =	vld.idx.msk [tilespmem:v27+s26+$0x0], $0xffff  }
0x2f9: {  	v3 =	vadd.f32 v22, v8;
	v2 =	vadd.f32 v60, v2;
	v11 =	vld.idx.msk [tilespmem:v18+s25+$0x0], $0xffff;
	v20 =	vmul.f32 v20, v56  }
0x2fa: {  	v0 =	vadd.f32 v62, v0;
	v10 =	vld.idx.msk [tilespmem:v18+s26+$0x0], $0xffff;
	v17 =	vadd.f32 v28, v17;
	v18 =	vmul.f32 v26, v24  }
0x2fb: {  	v2 =	vadd.f32 v29, v2;
	v8 =	vmul.f32 v31, v61;
	v4 =	vadd.f32 v20, v4  }
0x2fc: {  	v16 =	vmul.f32 v36, v33;
	[tilespmem:$0x1A080] =	vst v14;
	v1 =	vadd.f32 v30, v1;
	v9 =	vadd.f32 v18, v9  }
0x2fd: {  	[tilespmem:$0x1A090] =	vst v17;
	v3 =	vadd.f32 v8, v3;
	v8 =	vmul.f32 v25, v15;
	v4 =	vadd.f32 v63, v4  }
0x2fe: {  	v12 =	vmul.f32 v13, v12;
	v0 =	vadd.f32 v32, v0;
	[tilespmem:$0x1A0A0] =	vst v2;
	v9 =	vadd.f32 v19, v9  }
0x2ff: {  	[tilespmem:$0x1A0B0] =	vst v1;
	v2 =	vadd.f32 v8, v3;
	v3 =	vmul.f32 v10, v11;
	v4 =	vadd.f32 v16, v4  }
0x300: {  	[tilespmem:$0x1A0C0] =	vst v0;
	v1 =	vadd.f32 v12, v9  }
0x301: {  	s9 =	sadd.s32 s5, s11;
	v0 =	vadd.f32 v3, v2;
	[tilespmem:$0x1A0D0] =	vst v4  }
0x302: {  	s9 =	sshrl.u32 s9, $0x3;
	[tilespmem:$0x1A0E0] =	vst v1  }
0x303: {  	p0 =	seq.s32 s12, $0x19;
	s9 =	sadd.s32 s6, s9;
	[tilespmem:$0x1A0F0] =	vst v0  }
0x304: {  	[hbm4b:s9+s4] =	stream.linear.scatter [tilespmem:s31], [sflag:$0x6], $0x80, $0x38;
	[tilespmem:$0x1A100] =	vst v63  }
0x305: {  	s11 =	simm.s32 @!p0 $0x80;
	s17 =	simm.s32 @!p0 $0x9C00;
	s9 =	sadd.s32 @!p0 $0x300, s8  }
0x306: {  	[tilespmem:s17], [sflag:$0x1] =	stream.indirect.gather @!p0 [hbm4b:s2+s11], $0x1, s9, s11, $0xb8;
	[tilespmem:$0x1A100] =	vst v63  }
0x307: {  	s9 =	sadd.s32 @!p0 $0x5100, s8;
	s17 =	simm.s32 @!p0 $0x9E00  }
0x308: {  	[tilespmem:s17], [sflag:$0x1] =	stream.indirect.gather @!p0 [hbm4b:s2+s11], $0x1, s9, s11, $0xb8;
	[tilespmem:$0x1A100] =	vst v63  }
0x309: {  	_ =	swait.ge [sflag:s24], $0x80  }
0x30a: {  	[sflag:s24] =	ssyncset.done $0x0  }
0x30b: {  	[sflag:s24] =	ssyncadd.s32 $0xFFFFFF80  }
0x30c: {  	_ =	swait.ge [sflag:s24], $0x80  }
0x30d: {  	[sflag:s24] =	ssyncset.done $0x0  }
0x30e: {  	[sflag:s24] =	ssyncadd.s32 $0xFFFFFF80  }
0x30f: {  	[tilespmem:s25], [sflag:$0x4] =	stream.indirect.gather [hbm4b:s3+s13], $0x80, s22, s13, $0xb8;
	[tilespmem:$0x1A100] =	vst v63  }
0x310: {  	_ = 	snop  }
0x311: {  	[tilespmem:s26], [sflag:$0x4] =	stream.indirect.gather [hbm4b:s3+s13], $0x80, s23, s13, $0xb8;
	[tilespmem:$0x1A100] =	vst v63  }
0x312: {  	_ =	swait.ge [sflag:s28], $0x4000  }
0x313: {  	[sflag:s28] =	ssyncset.done $0x0  }
0x314: {  	[sflag:s28] =	ssyncadd.s32 $0xFFFFC000  }
0x315: {  	s11 =	simm.s32 $0x0;
	_ =	swait.ge [sflag:s28], $0x4000  }
0x316: {  	v0 =	vmov s11;
	[sflag:s28] =	ssyncset.done $0x0  }
0x317: {  	v0 =	vand.u32 $0x7C, v0;
	v17 =	vld [tilespmem:$0x1FFA0];
	[sflag:s28] =	ssyncadd.s32 $0xFFFFC000  }
0x318: {  	v0 =	vbroadcast v0, $0x0;
	_ =	swait.ge [sflag:s1], $0x80  }
0x319: {  	v21 =	vld [tilespmem:$0x1FFB0]  }
0x31a: {  	v12 =	vor.u32 v5, v0  }
0x31b: {  	v23 =	vld [tilespmem:$0x1FFD0]  }
0x31c: {  	v1 =	vor.u32 v17, v0  }
0x31d: {  	[sflag:s1] =	ssyncset.done $0x0;
	v54 =	vld [tilespmem:$0x1FFE0]  }
0x31e: {  	v58 =	vld [tilespmem:$0x1FFF0];
	[sflag:s1] =	ssyncadd.s32 $0xFFFFFF80;
	v2 =	vor.u32 v21, v0  }
0x31f: {  	s11 =	simm.s32 $0x2;
	v22 =	vld.idx.msk [tilespmem:v12+s20+$0x0], $0xffff  }
0x320: {  	v25 =	vld.idx.msk [tilespmem:v12+s21+$0x0], $0xffff;
	v12 =	vmov s11;
	v3 =	vor.u32 v23, v0  }
0x321: {  	v12 =	vand.u32 $0x7E, v12;
	v4 =	vld.idx.msk [tilespmem:v1+s20+$0x0], $0xffff  }
0x322: {  	v27 =	vbroadcast v12, $0x0;
	v8 =	vld.idx.msk [tilespmem:v1+s21+$0x0], $0xffff;
	v1 =	vor.u32 v54, v0  }
0x323: {  	v9 =	vld.idx.msk [tilespmem:v2+s20+$0x0], $0xffff  }
0x324: {  	v14 =	vor.u32 v17, v27;
	v10 =	vld.idx.msk [tilespmem:v2+s21+$0x0], $0xffff  }
0x325: {  	v11 =	vld.idx.msk [tilespmem:v3+s20+$0x0], $0xffff  }
0x326: {  	v2 =	vor.u32 v58, v0;
	v3 =	vld.idx.msk [tilespmem:v3+s21+$0x0], $0xffff  }
0x327: {  	s17 =	simm.s32 $0x3;
	v15 =	vld.idx.msk [tilespmem:v1+s20+$0x0], $0xffff  }
0x328: {  	v13 =	vmov s17;
	v16 =	vld.idx.msk [tilespmem:v1+s21+$0x0], $0xffff;
	v1 =	vor.u32 v6, v0  }
0x329: {  	s17 =	simm.s32 $0x1;
	v13 =	vand.u32 $0x7F, v13;
	v50 =	vld.idx.msk [tilespmem:v14+s20+$0x0], $0xffff  }
0x32a: {  	v18 =	vbroadcast v13, $0x0;
	v51 =	vld.idx.msk [tilespmem:v14+s21+$0x0], $0xffff;
	v14 =	vmov s17;
	v0 =	vor.u32 v7, v0  }
0x32b: {  	v14 =	vand.u32 $0x7D, v14;
	v19 =	vld.idx.msk [tilespmem:v2+s20+$0x0], $0xffff  }
0x32c: {  	v55 =	vbroadcast v14, $0x0;
	v20 =	vld.idx.msk [tilespmem:v2+s21+$0x0], $0xffff;
	v2 =	vor.u32 v17, v18  }
0x32d: {  	v24 =	vld.idx.msk [tilespmem:v1+s20+$0x0], $0xffff  }
0x32e: {  	v17 =	vor.u32 v17, v55;
	v26 =	vld.idx.msk [tilespmem:v1+s21+$0x0], $0xffff  }
0x32f: {  	v28 =	vld.idx.msk [tilespmem:v0+s20+$0x0], $0xffff  }
0x330: {  	v1 =	vor.u32 v21, v18;
	v30 =	vld.idx.msk [tilespmem:v0+s21+$0x0], $0xffff  }
0x331: {  	v29 =	vld.idx.msk [tilespmem:v2+s20+$0x0], $0xffff  }
0x332: {  	v0 =	vor.u32 v23, v18;
	v31 =	vld.idx.msk [tilespmem:v2+s21+$0x0], $0xffff  }
0x333: {  	v56 =	vld.idx.msk [tilespmem:v17+s20+$0x0], $0xffff  }
0x334: {  	v2 =	vor.u32 v54, v18;
	v60 =	vld.idx.msk [tilespmem:v17+s21+$0x0], $0xffff  }
0x335: {  	v32 =	vld.idx.msk [tilespmem:v1+s20+$0x0], $0xffff  }
0x336: {  	v34 =	vld.idx.msk [tilespmem:v1+s21+$0x0], $0xffff;
	v1 =	vor.u32 v58, v18  }
0x337: {  	v35 =	vld.idx.msk [tilespmem:v0+s20+$0x0], $0xffff  }
0x338: {  	v37 =	vld.idx.msk [tilespmem:v0+s21+$0x0], $0xffff;
	v0 =	vor.u32 v5, v18  }
0x339: {  	v38 =	vld.idx.msk [tilespmem:v2+s20+$0x0], $0xffff  }
0x33a: {  	v44 =	vld.idx.msk [tilespmem:v2+s21+$0x0], $0xffff;
	v2 =	vor.u32 v6, v18  }
0x33b: {  	v43 =	vld.idx.msk [tilespmem:v1+s20+$0x0], $0xffff  }
0x33c: {  	v49 =	vld.idx.msk [tilespmem:v1+s21+$0x0], $0xffff;
	v1 =	vor.u32 v21, v27  }
0x33d: {  	v33 =	vld.idx.msk [tilespmem:v0+s20+$0x0], $0xffff  }
0x33e: {  	v36 =	vld.idx.msk [tilespmem:v0+s21+$0x0], $0xffff;
	v0 =	vor.u32 v23, v27  }
0x33f: {  	v12 =	vld.idx.msk [tilespmem:v2+s20+$0x0], $0xffff  }
0x340: {  	v14 =	vor.u32 v6, v27;
	v13 =	vld.idx.msk [tilespmem:v2+s21+$0x0], $0xffff  }
0x341: {  	v2 =	vor.u32 v54, v27;
	v52 =	vld.idx.msk [tilespmem:v1+s20+$0x0], $0xffff  }
0x342: {  	v53 =	vld.idx.msk [tilespmem:v1+s21+$0x0], $0xffff  }
0x343: {  	v39 =	vld.idx.msk [tilespmem:v0+s20+$0x0], $0xffff  }
0x344: {  	v1 =	vor.u32 v58, v27;
	v45 =	vld.idx.msk [tilespmem:v0+s21+$0x0], $0xffff  }
0x345: {  	v0 =	vor.u32 v5, v27;
	v5 =	vor.u32 v21, v55;
	v21 =	vld.idx.msk [tilespmem:v14+s20+$0x0], $0xffff  }
0x346: {  	v41 =	vld.idx.msk [tilespmem:v2+s20+$0x0], $0xffff  }
0x347: {  	v47 =	vld.idx.msk [tilespmem:v2+s21+$0x0], $0xffff  }
0x348: {  	v2 =	vor.u32 v23, v55;
	v23 =	vld.idx.msk [tilespmem:v14+s21+$0x0], $0xffff  }
0x349: {  	v42 =	vld.idx.msk [tilespmem:v1+s20+$0x0], $0xffff  }
0x34a: {  	v48 =	vld.idx.msk [tilespmem:v1+s21+$0x0], $0xffff  }
0x34b: {  	v57 =	vmul.f32 v10, v9;
	v10 =	vimm.f32 $0.0e+00;
	v40 =	vld.idx.msk [tilespmem:v0+s20+$0x0], $0xffff  }
0x34c: {  	v9 =	vimm.f32 $0.0e+00;
	v59 =	vmul.f32 v16, v15;
	v15 =	vimm.f32 $0.0e+00;
	v46 =	vld.idx.msk [tilespmem:v0+s21+$0x0], $0xffff  }
0x34d: {  	v16 =	vimm.f32 $0.0e+00;
	v17 =	vimm.f32 $0.0e+00;
	v14 =	vimm.f32 $0.0e+00;
	v61 =	vld.idx.msk [tilespmem:v5+s20+$0x0], $0xffff  }
0x34e: {  	v1 =	vor.u32 v54, v55;
	v54 =	vmul.f32 v8, v4;
	v0 =	vor.u32 v58, v55;
	v63 =	vld.idx.msk [tilespmem:v5+s21+$0x0], $0xffff  }
0x34f: {  	s11 =	simm.s32 $0x4;
	v58 =	vmul.f32 v3, v11;
	v11 =	vimm.f32 $0.0e+00;
	v8 =	vimm.f32 $0.0e+00;
	v62 =	vld.idx.msk [tilespmem:v2+s20+$0x0], $0xffff  }
.LBB2_11:
0x350: {  	v5 =	vld [tilespmem:$0x1FF90];
	_ =	sdelay $0x1  }
0x351: {  	v6 =	vld [tilespmem:$0x1FFC0];
	_ =	sdelay $0x1  }
0x352: {  	v3 =	vmul.f32 v20, v19;
	v4 =	vmul.f32 v25, v22;
	v7 =	vld [tilespmem:$0x1FF80]  }
0x353: {  	v2 =	vld.idx.msk [tilespmem:v2+s21+$0x0], $0xffff;
	v22 =	vmul.f32 v26, v24;
	v24 =	vmul.f32 v30, v28;
	v19 =	vor.u32 v5, v55  }
0x354: {  	v25 =	vld.idx.msk [tilespmem:v1+s20+$0x0], $0xffff;
	v28 =	vmul.f32 v31, v29;
	v29 =	vmul.f32 v34, v32  }
0x355: {  	v1 =	vld.idx.msk [tilespmem:v1+s21+$0x0], $0xffff;
	v31 =	vmul.f32 v37, v35;
	v32 =	vmul.f32 v44, v38;
	v26 =	vor.u32 v6, v55  }
0x356: {  	v20 =	vmov s11;
	v30 =	vld.idx.msk [tilespmem:v0+s20+$0x0], $0xffff;
	v33 =	vmul.f32 v36, v33;
	v37 =	vmul.f32 v51, v50  }
0x357: {  	v0 =	vld.idx.msk [tilespmem:v0+s21+$0x0], $0xffff;
	v14 =	vadd.f32 v54, v14;
	v17 =	vadd.f32 v57, v17;
	v34 =	vor.u32 v7, v55  }
0x358: {  	v53 =	vmul.f32 v53, v52;
	v15 =	vadd.f32 v58, v15;
	v16 =	vadd.f32 v59, v16;
	v36 =	vld.idx.msk [tilespmem:v19+s20+$0x0], $0xffff  }
0x359: {  	v9 =	vadd.f32 v22, v9;
	v55 =	vmul.f32 v60, v56;
	v27 =	vor.u32 v7, v27;
	v19 =	vld.idx.msk [tilespmem:v19+s21+$0x0], $0xffff  }
0x35a: {  	v8 =	vadd.f32 v24, v8;
	v56 =	vmul.f32 v63, v61;
	v2 =	vmul.f32 v2, v62;
	v57 =	vld.idx.msk [tilespmem:v26+s20+$0x0], $0xffff  }
0x35b: {  	v18 =	vor.u32 v7, v18;
	v1 =	vmul.f32 v1, v25;
	v14 =	vadd.f32 v55, v14;
	v25 =	vld.idx.msk [tilespmem:v26+s21+$0x0], $0xffff  }
0x35c: {  	v39 =	vmul.f32 v45, v39;
	v17 =	vadd.f32 v56, v17;
	v2 =	vadd.f32 v2, v15;
	v26 =	vld.idx.msk [tilespmem:v34+s20+$0x0], $0xffff  }
0x35d: {  	v1 =	vadd.f32 v1, v16;
	v15 =	vmul.f32 v47, v41;
	v14 =	vadd.f32 v37, v14;
	v34 =	vld.idx.msk [tilespmem:v34+s21+$0x0], $0xffff  }
0x35e: {  	v35 =	vmul.f32 v49, v43;
	v16 =	vadd.f32 v53, v17;
	v2 =	vadd.f32 v39, v2;
	v60 =	vld.idx.msk [tilespmem:v27+s20+$0x0], $0xffff  }
0x35f: {  	v20 =	vand.u32 $0x7C, v20;
	v1 =	vadd.f32 v15, v1;
	v27 =	vld.idx.msk [tilespmem:v27+s21+$0x0], $0xffff;
	v14 =	vadd.f32 v28, v14  }
0x360: {  	v59 =	vmul.f32 v48, v42;
	v17 =	vadd.f32 v29, v16;
	v28 =	vld.idx.msk [tilespmem:v18+s20+$0x0], $0xffff;
	v15 =	vadd.f32 v31, v2  }
0x361: {  	v0 =	vmul.f32 v0, v30;
	v16 =	vadd.f32 v32, v1;
	v1 =	vld.idx.msk [tilespmem:v18+s21+$0x0], $0xffff;
	v2 =	vadd.f32 v3, v11  }
0x362: {  	v3 =	vadd.f32 v4, v10;
	v62 =	vmul.f32 v25, v57;
	v10 =	vmul.f32 v34, v26  }
0x363: {  	v61 =	vmul.f32 v46, v40;
	v46 =	vld [tilespmem:$0x1FFB0];
	v0 =	vadd.f32 v0, v2;
	v19 =	vmul.f32 v19, v36  }
0x364: {  	v4 =	vadd.f32 v62, v9;
	v8 =	vadd.f32 v10, v8;
	v9 =	vmul.f32 v27, v60  }
0x365: {  	v12 =	vmul.f32 v13, v12;
	v13 =	vbroadcast v20, $0x0;
	v56 =	vld [tilespmem:$0x1FFD0];
	v0 =	vadd.f32 v59, v0  }
0x366: {  	v1 =	vmul.f32 v1, v28;
	v2 =	vadd.f32 v19, v3;
	v63 =	vadd.f32 v9, v8  }
0x367: {  	v3 =	vmul.f32 v23, v21;
	v11 =	vadd.f32 v35, v0  }
0x368: {  	v2 =	vadd.f32 v61, v2;
	v0 =	vadd.f32 v1, v63;
	v1 =	vor.u32 v46, v13  }
0x369: {  	v40 =	vld [tilespmem:$0x1FFA0]  }
0x36a: {  	v3 =	vadd.f32 v3, v4;
	v10 =	vadd.f32 v33, v2;
	v2 =	vor.u32 v56, v13  }
0x36b: {  	v61 =	vld [tilespmem:$0x1FFE0]  }
0x36c: {  	v8 =	vld [tilespmem:$0x1FFF0];
	v9 =	vadd.f32 v12, v3;
	v12 =	vor.u32 v6, v13  }
0x36d: {  	v4 =	vld.idx.msk [tilespmem:v1+s20+$0x0], $0xffff  }
0x36e: {  	[tilespmem:$0x1FF30] =	vst v0;
	v0 =	vor.u32 v40, v13;
	v57 =	vld.idx.msk [tilespmem:v1+s21+$0x0], $0xffff  }
0x36f: {  	v58 =	vld.idx.msk [tilespmem:v2+s20+$0x0], $0xffff  }
0x370: {  	v3 =	vor.u32 v61, v13;
	v59 =	vld.idx.msk [tilespmem:v2+s21+$0x0], $0xffff  }
0x371: {  	s9 =	sadd.s32 $0x3, s11;
	v24 =	vld.idx.msk [tilespmem:v12+s20+$0x0], $0xffff  }
0x372: {  	v18 =	vmov s9;
	v1 =	vor.u32 v8, v13;
	v26 =	vld.idx.msk [tilespmem:v12+s21+$0x0], $0xffff  }
0x373: {  	v18 =	vand.u32 $0x7F, v18;
	v54 =	vld.idx.msk [tilespmem:v0+s20+$0x0], $0xffff  }
0x374: {  	v18 =	vbroadcast v18, $0x0;
	v2 =	vor.u32 v5, v13;
	v0 =	vld.idx.msk [tilespmem:v0+s21+$0x0], $0xffff  }
0x375: {  	v62 =	vld.idx.msk [tilespmem:v3+s20+$0x0], $0xffff  }
0x376: {  	v12 =	vor.u32 v46, v18;
	v3 =	vld.idx.msk [tilespmem:v3+s21+$0x0], $0xffff  }
0x377: {  	v19 =	vld.idx.msk [tilespmem:v1+s20+$0x0], $0xffff  }
0x378: {  	v20 =	vld.idx.msk [tilespmem:v1+s21+$0x0], $0xffff;
	v1 =	vor.u32 v7, v13  }
0x379: {  	s17 =	sadd.s32 $0x2, s11;
	v22 =	vld.idx.msk [tilespmem:v2+s20+$0x0], $0xffff  }
0x37a: {  	v25 =	vld.idx.msk [tilespmem:v2+s21+$0x0], $0xffff;
	v2 =	vor.u32 v40, v18;
	v13 =	vmov s17  }
0x37b: {  	v32 =	vld.idx.msk [tilespmem:v12+s20+$0x0], $0xffff;
	v13 =	vand.u32 $0x7E, v13  }
0x37c: {  	v34 =	vld.idx.msk [tilespmem:v12+s21+$0x0], $0xffff;
	v12 =	vor.u32 v8, v18;
	v27 =	vbroadcast v13, $0x0  }
0x37d: {  	v28 =	vld.idx.msk [tilespmem:v1+s20+$0x0], $0xffff  }
0x37e: {  	v21 =	vor.u32 v40, v27;
	v30 =	vld.idx.msk [tilespmem:v1+s21+$0x0], $0xffff  }
0x37f: {  	v29 =	vld.idx.msk [tilespmem:v2+s20+$0x0], $0xffff  }
0x380: {  	v23 =	vor.u32 v46, v27;
	v31 =	vld.idx.msk [tilespmem:v2+s21+$0x0], $0xffff  }
0x381: {  	v43 =	vld.idx.msk [tilespmem:v12+s20+$0x0], $0xffff  }
0x382: {  	v1 =	vor.u32 v56, v18;
	v49 =	vld.idx.msk [tilespmem:v12+s21+$0x0], $0xffff  }
0x383: {  	v50 =	vld.idx.msk [tilespmem:v21+s20+$0x0], $0xffff  }
0x384: {  	v2 =	vor.u32 v61, v18;
	v51 =	vld.idx.msk [tilespmem:v21+s21+$0x0], $0xffff  }
0x385: {  	v52 =	vld.idx.msk [tilespmem:v23+s20+$0x0], $0xffff  }
0x386: {  	s17 =	sadd.s32 $0x1, s11;
	v53 =	vld.idx.msk [tilespmem:v23+s21+$0x0], $0xffff  }
0x387: {  	v21 =	vor.u32 v8, v27;
	v23 =	vmov s17;
	v35 =	vld.idx.msk [tilespmem:v1+s20+$0x0], $0xffff  }
0x388: {  	v37 =	vld.idx.msk [tilespmem:v1+s21+$0x0], $0xffff;
	v23 =	vand.u32 $0x7D, v23  }
0x389: {  	v1 =	vor.u32 v5, v18;
	v38 =	vld.idx.msk [tilespmem:v2+s20+$0x0], $0xffff;
	v55 =	vbroadcast v23, $0x0  }
0x38a: {  	v44 =	vld.idx.msk [tilespmem:v2+s21+$0x0], $0xffff  }
0x38b: {  	v54 =	vmul.f32 v0, v54;
	v2 =	vor.u32 v6, v18;
	v0 =	vor.u32 v8, v55;
	v8 =	vld [tilespmem:$0x1FF30]  }
0x38c: {  	v42 =	vld.idx.msk [tilespmem:v21+s20+$0x0], $0xffff  }
0x38d: {  	v23 =	vor.u32 v6, v27;
	v48 =	vld.idx.msk [tilespmem:v21+s21+$0x0], $0xffff  }
0x38e: {  	v33 =	vld.idx.msk [tilespmem:v1+s20+$0x0], $0xffff  }
0x38f: {  	v36 =	vld.idx.msk [tilespmem:v1+s21+$0x0], $0xffff;
	v1 =	vor.u32 v56, v27  }
0x390: {  	v12 =	vld.idx.msk [tilespmem:v2+s20+$0x0], $0xffff  }
0x391: {  	v13 =	vld.idx.msk [tilespmem:v2+s21+$0x0], $0xffff;
	v2 =	vor.u32 v61, v27  }
0x392: {  	v21 =	vld.idx.msk [tilespmem:v23+s20+$0x0], $0xffff  }
0x393: {  	v60 =	vor.u32 v40, v55;
	v23 =	vld.idx.msk [tilespmem:v23+s21+$0x0], $0xffff  }
0x394: {  	v39 =	vld.idx.msk [tilespmem:v1+s20+$0x0], $0xffff  }
0x395: {  	v45 =	vld.idx.msk [tilespmem:v1+s21+$0x0], $0xffff;
	v1 =	vor.u32 v5, v27  }
0x396: {  	v41 =	vld.idx.msk [tilespmem:v2+s20+$0x0], $0xffff  }
0x397: {  	v47 =	vld.idx.msk [tilespmem:v2+s21+$0x0], $0xffff;
	v5 =	vor.u32 v46, v55  }
0x398: {  	v2 =	vor.u32 v56, v55;
	v56 =	vld.idx.msk [tilespmem:v60+s20+$0x0], $0xffff  }
0x399: {  	p1 =	slt.u32 s11, $0x7C;
	v60 =	vld.idx.msk [tilespmem:v60+s21+$0x0], $0xffff  }
.Ltmp4:
0x39a: {  	v40 =	vld.idx.msk [tilespmem:v1+s20+$0x0], $0xffff;
	(pc) =	sbr.rel @p1 .LBB2_11-.Ltmp4, $4  }
0x39b: {  	v46 =	vld.idx.msk [tilespmem:v1+s21+$0x0], $0xffff  }
0x39c: {  	v1 =	vor.u32 v61, v55;
	v61 =	vld.idx.msk [tilespmem:v5+s20+$0x0], $0xffff  }
0x39d: {  	v57 =	vmul.f32 v57, v4;
	v63 =	vld.idx.msk [tilespmem:v5+s21+$0x0], $0xffff  }
0x39e: {  	v58 =	vmul.f32 v59, v58;
	s11 =	sadd.s32 $0x4, s11;
	v59 =	vmul.f32 v3, v62;
	v62 =	vld.idx.msk [tilespmem:v2+s20+$0x0], $0xffff  }
0x39f: {  	v5 =	vld [tilespmem:$0x1FF90];
	_ =	sdelay $0x1  }
0x3a0: {  	v6 =	vld [tilespmem:$0x1FFC0]  }
0x3a1: {  	v3 =	vmul.f32 v20, v19;
	v4 =	vmul.f32 v25, v22  }
0x3a2: {  	v22 =	vmul.f32 v30, v28;
	v28 =	vmul.f32 v34, v32;
	v32 =	vld [tilespmem:$0x1FF80]  }
0x3a3: {  	v2 =	vld.idx.msk [tilespmem:v2+s21+$0x0], $0xffff;
	v19 =	vmul.f32 v26, v24;
	v25 =	vmul.f32 v31, v29;
	v20 =	vor.u32 v5, v55  }
0x3a4: {  	v24 =	vld.idx.msk [tilespmem:v1+s20+$0x0], $0xffff;
	v29 =	vmul.f32 v37, v35;
	v30 =	vmul.f32 v44, v38  }
0x3a5: {  	v1 =	vld.idx.msk [tilespmem:v1+s21+$0x0], $0xffff;
	v7 =	vmul.f32 v49, v43;
	v51 =	vmul.f32 v51, v50;
	v26 =	vor.u32 v6, v55  }
0x3a6: {  	v49 =	vld.idx.msk [tilespmem:v0+s20+$0x0], $0xffff;
	v52 =	vmul.f32 v53, v52;
	v53 =	vmul.f32 v60, v56;
	v14 =	vadd.f32 v54, v14  }
0x3a7: {  	v0 =	vld.idx.msk [tilespmem:v0+s21+$0x0], $0xffff;
	v17 =	vadd.f32 v57, v17;
	v15 =	vadd.f32 v58, v15;
	v31 =	vor.u32 v32, v55  }
0x3a8: {  	v60 =	vmul.f32 v45, v39;
	v16 =	vadd.f32 v59, v16;
	v14 =	vadd.f32 v53, v14;
	v56 =	vld.idx.msk [tilespmem:v20+s20+$0x0], $0xffff  }
0x3a9: {  	v3 =	vadd.f32 v3, v11;
	v4 =	vadd.f32 v4, v10;
	v27 =	vor.u32 v32, v27;
	v20 =	vld.idx.msk [tilespmem:v20+s21+$0x0], $0xffff  }
0x3aa: {  	v9 =	vadd.f32 v19, v9;
	v2 =	vmul.f32 v2, v62;
	v1 =	vmul.f32 v1, v24;
	v24 =	vld.idx.msk [tilespmem:v26+s20+$0x0], $0xffff  }
0x3ab: {  	v14 =	vadd.f32 v51, v14;
	v18 =	vor.u32 v32, v18;
	v55 =	vmul.f32 v63, v61;
	v26 =	vld.idx.msk [tilespmem:v26+s21+$0x0], $0xffff  }
0x3ac: {  	v2 =	vadd.f32 v2, v15;
	v1 =	vadd.f32 v1, v16;
	v15 =	vmul.f32 v47, v41;
	v61 =	vld.idx.msk [tilespmem:v31+s20+$0x0], $0xffff  }
0x3ad: {  	v19 =	vmul.f32 v23, v21;
	v0 =	vmul.f32 v0, v49;
	v17 =	vadd.f32 v55, v17;
	v31 =	vld.idx.msk [tilespmem:v31+s21+$0x0], $0xffff  }
0x3ae: {  	v62 =	vmul.f32 v48, v42;
	v14 =	vadd.f32 v25, v14;
	v1 =	vadd.f32 v15, v1;
	v15 =	vld.idx.msk [tilespmem:v27+s20+$0x0], $0xffff  }
0x3af: {  	v63 =	vmul.f32 v46, v40;
	v0 =	vadd.f32 v0, v3;
	v17 =	vadd.f32 v52, v17;
	v25 =	vld.idx.msk [tilespmem:v27+s21+$0x0], $0xffff  }
0x3b0: {  	v3 =	vadd.f32 v22, v8;
	v2 =	vadd.f32 v60, v2;
	v11 =	vld.idx.msk [tilespmem:v18+s20+$0x0], $0xffff;
	v20 =	vmul.f32 v20, v56  }
0x3b1: {  	v0 =	vadd.f32 v62, v0;
	v10 =	vld.idx.msk [tilespmem:v18+s21+$0x0], $0xffff;
	v17 =	vadd.f32 v28, v17;
	v18 =	vmul.f32 v26, v24  }
0x3b2: {  	v2 =	vadd.f32 v29, v2;
	v8 =	vmul.f32 v31, v61;
	v4 =	vadd.f32 v20, v4  }
0x3b3: {  	v16 =	vmul.f32 v36, v33;
	[tilespmem:$0x1A000] =	vst v14;
	v1 =	vadd.f32 v30, v1;
	v9 =	vadd.f32 v18, v9  }
0x3b4: {  	[tilespmem:$0x1A010] =	vst v17;
	v3 =	vadd.f32 v8, v3;
	v8 =	vmul.f32 v25, v15;
	v4 =	vadd.f32 v63, v4  }
0x3b5: {  	v12 =	vmul.f32 v13, v12;
	v0 =	vadd.f32 v7, v0;
	[tilespmem:$0x1A020] =	vst v2;
	v9 =	vadd.f32 v19, v9  }
0x3b6: {  	[tilespmem:$0x1A030] =	vst v1;
	v2 =	vadd.f32 v8, v3;
	v3 =	vmul.f32 v10, v11;
	v4 =	vadd.f32 v16, v4  }
0x3b7: {  	[tilespmem:$0x1A040] =	vst v0;
	v1 =	vadd.f32 v12, v9  }
0x3b8: {  	s7 =	sadd.s32 s5, s7;
	v0 =	vadd.f32 v3, v2;
	[tilespmem:$0x1A050] =	vst v4  }
0x3b9: {  	s7 =	sshrl.u32 s7, $0x3;
	[tilespmem:$0x1A060] =	vst v1  }
0x3ba: {  	s7 =	sadd.s32 s6, s7;
	[tilespmem:$0x1A070] =	vst v0  }
0x3bb: {  	[hbm4b:s7+s4] =	stream.linear.scatter [tilespmem:s29], [sflag:$0x5], $0x80, $0x38;
	[tilespmem:$0x1A100] =	vst v63  }
0x3bc: {  	s9 =	simm.s32 @!p0 $0x80;
	s11 =	simm.s32 @!p0 $0x9C80;
	s7 =	sadd.s32 @!p0 $0x380, s8  }
0x3bd: {  	[tilespmem:s11], [sflag:$0x2] =	stream.indirect.gather @!p0 [hbm4b:s2+s9], $0x1, s7, s9, $0xb8;
	[tilespmem:$0x1A100] =	vst v63  }
0x3be: {  	s7 =	sadd.s32 @!p0 $0x5180, s8;
	s8 =	simm.s32 @!p0 $0x9E80  }
0x3bf: {  	[tilespmem:s8], [sflag:$0x2] =	stream.indirect.gather @!p0 [hbm4b:s2+s9], $0x1, s7, s9, $0xb8;
	[tilespmem:$0x1A100] =	vst v63  }
0x3c0: {  	s7 =	simm.s32 @!p0 $0x1  }
0x3c1: {  	_ =	swait.ge @!p0 [sflag:s7], $0x80  }
0x3c2: {  	[sflag:s7] =	ssyncset.done @!p0 $0x0  }
0x3c3: {  	[sflag:s7] =	ssyncadd.s32 @!p0 $0xFFFFFF80  }
0x3c4: {  	_ =	swait.ge @!p0 [sflag:s7], $0x80  }
0x3c5: {  	[sflag:s7] =	ssyncset.done @!p0 $0x0  }
0x3c6: {  	s8 =	simm.s32 @!p0 $0xA000;
	[sflag:s7] =	ssyncadd.s32 @!p0 $0xFFFFFF80;
	s7 =	simm.s32 @!p0 $0x9C00  }
0x3c7: {  	[tilespmem:s8], [sflag:$0x3] =	stream.indirect.gather @!p0 [hbm4b:s3+s9], $0x80, s7, s9, $0xb8;
	[tilespmem:$0x1A100] =	vst v63  }
0x3c8: {  	s7 =	simm.s32 @!p0 $0x9E00;
	s8 =	simm.s32 @!p0 $0x12000  }
0x3c9: {  	[tilespmem:s8], [sflag:$0x3] =	stream.indirect.gather @!p0 [hbm4b:s3+s9], $0x80, s7, s9, $0xb8;
	[tilespmem:$0x1A100] =	vst v63  }
0x3ca: {  	_ =	swait.ge [sflag:s30], $0x4000  }
0x3cb: {  	[sflag:s30] =	ssyncset.done $0x0  }
0x3cc: {  	[sflag:s30] =	ssyncadd.s32 $0xFFFFC000  }
0x3cd: {  	s8 =	simm.s32 $0x0;
	_ =	swait.ge [sflag:s30], $0x4000  }
0x3ce: {  	v0 =	vmov s8;
	[sflag:s30] =	ssyncset.done $0x0  }
0x3cf: {  	v0 =	vand.u32 $0x7C, v0;
	v7 =	vld [tilespmem:$0x1FFA0];
	[sflag:s30] =	ssyncadd.s32 $0xFFFFC000  }
0x3d0: {  	v0 =	vbroadcast v0, $0x0;
	_ =	swait.ge [sflag:s0], $0x80  }
0x3d1: {  	v21 =	vld [tilespmem:$0x1FFB0]  }
0x3d2: {  	v12 =	vor.u32 v5, v0  }
0x3d3: {  	v23 =	vld [tilespmem:$0x1FFD0]  }
0x3d4: {  	v1 =	vor.u32 v7, v0  }
0x3d5: {  	[sflag:s0] =	ssyncset.done $0x0;
	v54 =	vld [tilespmem:$0x1FFE0]  }
0x3d6: {  	v58 =	vld [tilespmem:$0x1FFF0];
	[sflag:s0] =	ssyncadd.s32 $0xFFFFFF80;
	v2 =	vor.u32 v21, v0  }
0x3d7: {  	s11 =	simm.s32 $0x2;
	v22 =	vld.idx.msk [tilespmem:v12+s25+$0x0], $0xffff  }
0x3d8: {  	v25 =	vld.idx.msk [tilespmem:v12+s26+$0x0], $0xffff;
	v12 =	vmov s11;
	v3 =	vor.u32 v23, v0  }
0x3d9: {  	v12 =	vand.u32 $0x7E, v12;
	v4 =	vld.idx.msk [tilespmem:v1+s25+$0x0], $0xffff  }
0x3da: {  	v27 =	vbroadcast v12, $0x0;
	v8 =	vld.idx.msk [tilespmem:v1+s26+$0x0], $0xffff;
	v1 =	vor.u32 v54, v0  }
0x3db: {  	v9 =	vld.idx.msk [tilespmem:v2+s25+$0x0], $0xffff  }
0x3dc: {  	v14 =	vor.u32 v7, v27;
	v10 =	vld.idx.msk [tilespmem:v2+s26+$0x0], $0xffff  }
0x3dd: {  	v11 =	vld.idx.msk [tilespmem:v3+s25+$0x0], $0xffff  }
0x3de: {  	v2 =	vor.u32 v58, v0;
	v3 =	vld.idx.msk [tilespmem:v3+s26+$0x0], $0xffff  }
0x3df: {  	s9 =	simm.s32 $0x3;
	v15 =	vld.idx.msk [tilespmem:v1+s25+$0x0], $0xffff  }
0x3e0: {  	v13 =	vmov s9;
	v16 =	vld.idx.msk [tilespmem:v1+s26+$0x0], $0xffff;
	v1 =	vor.u32 v6, v0  }
0x3e1: {  	s17 =	simm.s32 $0x1;
	v13 =	vand.u32 $0x7F, v13;
	v50 =	vld.idx.msk [tilespmem:v14+s25+$0x0], $0xffff  }
0x3e2: {  	v18 =	vbroadcast v13, $0x0;
	v51 =	vld.idx.msk [tilespmem:v14+s26+$0x0], $0xffff;
	v14 =	vmov s17;
	v0 =	vor.u32 v32, v0  }
0x3e3: {  	v14 =	vand.u32 $0x7D, v14;
	v19 =	vld.idx.msk [tilespmem:v2+s25+$0x0], $0xffff  }
0x3e4: {  	v55 =	vbroadcast v14, $0x0;
	v20 =	vld.idx.msk [tilespmem:v2+s26+$0x0], $0xffff;
	v2 =	vor.u32 v7, v18  }
0x3e5: {  	v24 =	vld.idx.msk [tilespmem:v1+s25+$0x0], $0xffff  }
0x3e6: {  	v17 =	vor.u32 v7, v55;
	v26 =	vld.idx.msk [tilespmem:v1+s26+$0x0], $0xffff  }
0x3e7: {  	v28 =	vld.idx.msk [tilespmem:v0+s25+$0x0], $0xffff  }
0x3e8: {  	v1 =	vor.u32 v21, v18;
	v30 =	vld.idx.msk [tilespmem:v0+s26+$0x0], $0xffff  }
0x3e9: {  	v29 =	vld.idx.msk [tilespmem:v2+s25+$0x0], $0xffff  }
0x3ea: {  	v0 =	vor.u32 v23, v18;
	v31 =	vld.idx.msk [tilespmem:v2+s26+$0x0], $0xffff  }
0x3eb: {  	v56 =	vld.idx.msk [tilespmem:v17+s25+$0x0], $0xffff  }
0x3ec: {  	v2 =	vor.u32 v54, v18;
	v60 =	vld.idx.msk [tilespmem:v17+s26+$0x0], $0xffff  }
0x3ed: {  	v32 =	vld.idx.msk [tilespmem:v1+s25+$0x0], $0xffff  }
0x3ee: {  	v34 =	vld.idx.msk [tilespmem:v1+s26+$0x0], $0xffff;
	v1 =	vor.u32 v58, v18  }
0x3ef: {  	v35 =	vld.idx.msk [tilespmem:v0+s25+$0x0], $0xffff  }
0x3f0: {  	v37 =	vld.idx.msk [tilespmem:v0+s26+$0x0], $0xffff;
	v0 =	vor.u32 v5, v18  }
0x3f1: {  	v38 =	vld.idx.msk [tilespmem:v2+s25+$0x0], $0xffff  }
0x3f2: {  	v44 =	vld.idx.msk [tilespmem:v2+s26+$0x0], $0xffff;
	v2 =	vor.u32 v6, v18  }
0x3f3: {  	v43 =	vld.idx.msk [tilespmem:v1+s25+$0x0], $0xffff  }
0x3f4: {  	v49 =	vld.idx.msk [tilespmem:v1+s26+$0x0], $0xffff;
	v1 =	vor.u32 v21, v27  }
0x3f5: {  	v33 =	vld.idx.msk [tilespmem:v0+s25+$0x0], $0xffff  }
0x3f6: {  	v36 =	vld.idx.msk [tilespmem:v0+s26+$0x0], $0xffff;
	v0 =	vor.u32 v23, v27  }
0x3f7: {  	v12 =	vld.idx.msk [tilespmem:v2+s25+$0x0], $0xffff  }
0x3f8: {  	v14 =	vor.u32 v6, v27;
	v13 =	vld.idx.msk [tilespmem:v2+s26+$0x0], $0xffff  }
0x3f9: {  	v2 =	vor.u32 v54, v27;
	v52 =	vld.idx.msk [tilespmem:v1+s25+$0x0], $0xffff  }
0x3fa: {  	v53 =	vld.idx.msk [tilespmem:v1+s26+$0x0], $0xffff  }
0x3fb: {  	v39 =	vld.idx.msk [tilespmem:v0+s25+$0x0], $0xffff  }
0x3fc: {  	v1 =	vor.u32 v58, v27;
	v45 =	vld.idx.msk [tilespmem:v0+s26+$0x0], $0xffff  }
0x3fd: {  	v0 =	vor.u32 v5, v27;
	v5 =	vor.u32 v21, v55;
	v21 =	vld.idx.msk [tilespmem:v14+s25+$0x0], $0xffff  }
0x3fe: {  	v41 =	vld.idx.msk [tilespmem:v2+s25+$0x0], $0xffff  }
0x3ff: {  	v47 =	vld.idx.msk [tilespmem:v2+s26+$0x0], $0xffff  }
0x400: {  	v2 =	vor.u32 v23, v55;
	v23 =	vld.idx.msk [tilespmem:v14+s26+$0x0], $0xffff  }
0x401: {  	v42 =	vld.idx.msk [tilespmem:v1+s25+$0x0], $0xffff  }
0x402: {  	v48 =	vld.idx.msk [tilespmem:v1+s26+$0x0], $0xffff  }
0x403: {  	v57 =	vmul.f32 v10, v9;
	v10 =	vimm.f32 $0.0e+00;
	v40 =	vld.idx.msk [tilespmem:v0+s25+$0x0], $0xffff  }
0x404: {  	v9 =	vimm.f32 $0.0e+00;
	v59 =	vmul.f32 v16, v15;
	v15 =	vimm.f32 $0.0e+00;
	v46 =	vld.idx.msk [tilespmem:v0+s26+$0x0], $0xffff  }
0x405: {  	v16 =	vimm.f32 $0.0e+00;
	v17 =	vimm.f32 $0.0e+00;
	v14 =	vimm.f32 $0.0e+00;
	v61 =	vld.idx.msk [tilespmem:v5+s25+$0x0], $0xffff  }
0x406: {  	v1 =	vor.u32 v54, v55;
	v54 =	vmul.f32 v8, v4;
	v0 =	vor.u32 v58, v55;
	v63 =	vld.idx.msk [tilespmem:v5+s26+$0x0], $0xffff  }
0x407: {  	s7 =	simm.s32 $0x4;
	v58 =	vmul.f32 v3, v11;
	v11 =	vimm.f32 $0.0e+00;
	v8 =	vimm.f32 $0.0e+00;
	v62 =	vld.idx.msk [tilespmem:v2+s25+$0x0], $0xffff  }
.LBB2_13:
0x408: {  	v5 =	vld [tilespmem:$0x1FF90];
	_ =	sdelay $0x1  }
0x409: {  	v6 =	vld [tilespmem:$0x1FFC0];
	_ =	sdelay $0x1  }
0x40a: {  	v3 =	vmul.f32 v20, v19;
	v4 =	vmul.f32 v25, v22;
	v7 =	vld [tilespmem:$0x1FF80]  }
0x40b: {  	v2 =	vld.idx.msk [tilespmem:v2+s26+$0x0], $0xffff;
	v22 =	vmul.f32 v26, v24;
	v24 =	vmul.f32 v30, v28;
	v19 =	vor.u32 v5, v55  }
0x40c: {  	v25 =	vld.idx.msk [tilespmem:v1+s25+$0x0], $0xffff;
	v28 =	vmul.f32 v31, v29;
	v29 =	vmul.f32 v34, v32  }
0x40d: {  	v1 =	vld.idx.msk [tilespmem:v1+s26+$0x0], $0xffff;
	v31 =	vmul.f32 v37, v35;
	v32 =	vmul.f32 v44, v38;
	v26 =	vor.u32 v6, v55  }
0x40e: {  	v20 =	vmov s7;
	v30 =	vld.idx.msk [tilespmem:v0+s25+$0x0], $0xffff;
	v33 =	vmul.f32 v36, v33;
	v37 =	vmul.f32 v51, v50  }
0x40f: {  	v0 =	vld.idx.msk [tilespmem:v0+s26+$0x0], $0xffff;
	v14 =	vadd.f32 v54, v14;
	v17 =	vadd.f32 v57, v17;
	v34 =	vor.u32 v7, v55  }
0x410: {  	v53 =	vmul.f32 v53, v52;
	v15 =	vadd.f32 v58, v15;
	v16 =	vadd.f32 v59, v16;
	v36 =	vld.idx.msk [tilespmem:v19+s25+$0x0], $0xffff  }
0x411: {  	v9 =	vadd.f32 v22, v9;
	v55 =	vmul.f32 v60, v56;
	v27 =	vor.u32 v7, v27;
	v19 =	vld.idx.msk [tilespmem:v19+s26+$0x0], $0xffff  }
0x412: {  	v8 =	vadd.f32 v24, v8;
	v56 =	vmul.f32 v63, v61;
	v2 =	vmul.f32 v2, v62;
	v57 =	vld.idx.msk [tilespmem:v26+s25+$0x0], $0xffff  }
0x413: {  	v18 =	vor.u32 v7, v18;
	v1 =	vmul.f32 v1, v25;
	v14 =	vadd.f32 v55, v14;
	v25 =	vld.idx.msk [tilespmem:v26+s26+$0x0], $0xffff  }
0x414: {  	v39 =	vmul.f32 v45, v39;
	v17 =	vadd.f32 v56, v17;
	v2 =	vadd.f32 v2, v15;
	v26 =	vld.idx.msk [tilespmem:v34+s25+$0x0], $0xffff  }
0x415: {  	v1 =	vadd.f32 v1, v16;
	v15 =	vmul.f32 v47, v41;
	v14 =	vadd.f32 v37, v14;
	v34 =	vld.idx.msk [tilespmem:v34+s26+$0x0], $0xffff  }
0x416: {  	v35 =	vmul.f32 v49, v43;
	v16 =	vadd.f32 v53, v17;
	v2 =	vadd.f32 v39, v2;
	v60 =	vld.idx.msk [tilespmem:v27+s25+$0x0], $0xffff  }
0x417: {  	v20 =	vand.u32 $0x7C, v20;
	v1 =	vadd.f32 v15, v1;
	v27 =	vld.idx.msk [tilespmem:v27+s26+$0x0], $0xffff;
	v14 =	vadd.f32 v28, v14  }
0x418: {  	v59 =	vmul.f32 v48, v42;
	v17 =	vadd.f32 v29, v16;
	v28 =	vld.idx.msk [tilespmem:v18+s25+$0x0], $0xffff;
	v15 =	vadd.f32 v31, v2  }
0x419: {  	v0 =	vmul.f32 v0, v30;
	v16 =	vadd.f32 v32, v1;
	v1 =	vld.idx.msk [tilespmem:v18+s26+$0x0], $0xffff;
	v2 =	vadd.f32 v3, v11  }
0x41a: {  	v3 =	vadd.f32 v4, v10;
	v62 =	vmul.f32 v25, v57;
	v10 =	vmul.f32 v34, v26  }
0x41b: {  	v61 =	vmul.f32 v46, v40;
	v46 =	vld [tilespmem:$0x1FFB0];
	v0 =	vadd.f32 v0, v2;
	v19 =	vmul.f32 v19, v36  }
0x41c: {  	v4 =	vadd.f32 v62, v9;
	v8 =	vadd.f32 v10, v8;
	v9 =	vmul.f32 v27, v60  }
0x41d: {  	v12 =	vmul.f32 v13, v12;
	v13 =	vbroadcast v20, $0x0;
	v56 =	vld [tilespmem:$0x1FFD0];
	v0 =	vadd.f32 v59, v0  }
0x41e: {  	v1 =	vmul.f32 v1, v28;
	v2 =	vadd.f32 v19, v3;
	v63 =	vadd.f32 v9, v8  }
0x41f: {  	v3 =	vmul.f32 v23, v21;
	v11 =	vadd.f32 v35, v0  }
0x420: {  	v2 =	vadd.f32 v61, v2;
	v0 =	vadd.f32 v1, v63;
	v1 =	vor.u32 v46, v13  }
0x421: {  	v40 =	vld [tilespmem:$0x1FFA0]  }
0x422: {  	v3 =	vadd.f32 v3, v4;
	v10 =	vadd.f32 v33, v2;
	v2 =	vor.u32 v56, v13  }
0x423: {  	v61 =	vld [tilespmem:$0x1FFE0]  }
0x424: {  	v8 =	vld [tilespmem:$0x1FFF0];
	v9 =	vadd.f32 v12, v3;
	v12 =	vor.u32 v6, v13  }
0x425: {  	v4 =	vld.idx.msk [tilespmem:v1+s25+$0x0], $0xffff  }
0x426: {  	[tilespmem:$0x1FF20] =	vst v0;
	v0 =	vor.u32 v40, v13;
	v57 =	vld.idx.msk [tilespmem:v1+s26+$0x0], $0xffff  }
0x427: {  	v58 =	vld.idx.msk [tilespmem:v2+s25+$0x0], $0xffff  }
0x428: {  	v3 =	vor.u32 v61, v13;
	v59 =	vld.idx.msk [tilespmem:v2+s26+$0x0], $0xffff  }
0x429: {  	s8 =	sadd.s32 $0x3, s7;
	v24 =	vld.idx.msk [tilespmem:v12+s25+$0x0], $0xffff  }
0x42a: {  	v18 =	vmov s8;
	v1 =	vor.u32 v8, v13;
	v26 =	vld.idx.msk [tilespmem:v12+s26+$0x0], $0xffff  }
0x42b: {  	v18 =	vand.u32 $0x7F, v18;
	v54 =	vld.idx.msk [tilespmem:v0+s25+$0x0], $0xffff  }
0x42c: {  	v18 =	vbroadcast v18, $0x0;
	v2 =	vor.u32 v5, v13;
	v0 =	vld.idx.msk [tilespmem:v0+s26+$0x0], $0xffff  }
0x42d: {  	v62 =	vld.idx.msk [tilespmem:v3+s25+$0x0], $0xffff  }
0x42e: {  	v12 =	vor.u32 v46, v18;
	v3 =	vld.idx.msk [tilespmem:v3+s26+$0x0], $0xffff  }
0x42f: {  	v19 =	vld.idx.msk [tilespmem:v1+s25+$0x0], $0xffff  }
0x430: {  	v20 =	vld.idx.msk [tilespmem:v1+s26+$0x0], $0xffff;
	v1 =	vor.u32 v7, v13  }
0x431: {  	s11 =	sadd.s32 $0x2, s7;
	v22 =	vld.idx.msk [tilespmem:v2+s25+$0x0], $0xffff  }
0x432: {  	v25 =	vld.idx.msk [tilespmem:v2+s26+$0x0], $0xffff;
	v2 =	vor.u32 v40, v18;
	v13 =	vmov s11  }
0x433: {  	v32 =	vld.idx.msk [tilespmem:v12+s25+$0x0], $0xffff;
	v13 =	vand.u32 $0x7E, v13  }
0x434: {  	v34 =	vld.idx.msk [tilespmem:v12+s26+$0x0], $0xffff;
	v12 =	vor.u32 v8, v18;
	v27 =	vbroadcast v13, $0x0  }
0x435: {  	v28 =	vld.idx.msk [tilespmem:v1+s25+$0x0], $0xffff  }
0x436: {  	v21 =	vor.u32 v40, v27;
	v30 =	vld.idx.msk [tilespmem:v1+s26+$0x0], $0xffff  }
0x437: {  	v29 =	vld.idx.msk [tilespmem:v2+s25+$0x0], $0xffff  }
0x438: {  	v23 =	vor.u32 v46, v27;
	v31 =	vld.idx.msk [tilespmem:v2+s26+$0x0], $0xffff  }
0x439: {  	v43 =	vld.idx.msk [tilespmem:v12+s25+$0x0], $0xffff  }
0x43a: {  	v1 =	vor.u32 v56, v18;
	v49 =	vld.idx.msk [tilespmem:v12+s26+$0x0], $0xffff  }
0x43b: {  	v50 =	vld.idx.msk [tilespmem:v21+s25+$0x0], $0xffff  }
0x43c: {  	v2 =	vor.u32 v61, v18;
	v51 =	vld.idx.msk [tilespmem:v21+s26+$0x0], $0xffff  }
0x43d: {  	v52 =	vld.idx.msk [tilespmem:v23+s25+$0x0], $0xffff  }
0x43e: {  	s17 =	sadd.s32 $0x1, s7;
	v53 =	vld.idx.msk [tilespmem:v23+s26+$0x0], $0xffff  }
0x43f: {  	v21 =	vor.u32 v8, v27;
	v23 =	vmov s17;
	v35 =	vld.idx.msk [tilespmem:v1+s25+$0x0], $0xffff  }
0x440: {  	v37 =	vld.idx.msk [tilespmem:v1+s26+$0x0], $0xffff;
	v23 =	vand.u32 $0x7D, v23  }
0x441: {  	v1 =	vor.u32 v5, v18;
	v38 =	vld.idx.msk [tilespmem:v2+s25+$0x0], $0xffff;
	v55 =	vbroadcast v23, $0x0  }
0x442: {  	v44 =	vld.idx.msk [tilespmem:v2+s26+$0x0], $0xffff  }
0x443: {  	v54 =	vmul.f32 v0, v54;
	v2 =	vor.u32 v6, v18;
	v0 =	vor.u32 v8, v55;
	v8 =	vld [tilespmem:$0x1FF20]  }
0x444: {  	v42 =	vld.idx.msk [tilespmem:v21+s25+$0x0], $0xffff  }
0x445: {  	v23 =	vor.u32 v6, v27;
	v48 =	vld.idx.msk [tilespmem:v21+s26+$0x0], $0xffff  }
0x446: {  	v33 =	vld.idx.msk [tilespmem:v1+s25+$0x0], $0xffff  }
0x447: {  	v36 =	vld.idx.msk [tilespmem:v1+s26+$0x0], $0xffff;
	v1 =	vor.u32 v56, v27  }
0x448: {  	v12 =	vld.idx.msk [tilespmem:v2+s25+$0x0], $0xffff  }
0x449: {  	v13 =	vld.idx.msk [tilespmem:v2+s26+$0x0], $0xffff;
	v2 =	vor.u32 v61, v27  }
0x44a: {  	v21 =	vld.idx.msk [tilespmem:v23+s25+$0x0], $0xffff  }
0x44b: {  	v60 =	vor.u32 v40, v55;
	v23 =	vld.idx.msk [tilespmem:v23+s26+$0x0], $0xffff  }
0x44c: {  	v39 =	vld.idx.msk [tilespmem:v1+s25+$0x0], $0xffff  }
0x44d: {  	v45 =	vld.idx.msk [tilespmem:v1+s26+$0x0], $0xffff;
	v1 =	vor.u32 v5, v27  }
0x44e: {  	v41 =	vld.idx.msk [tilespmem:v2+s25+$0x0], $0xffff  }
0x44f: {  	v47 =	vld.idx.msk [tilespmem:v2+s26+$0x0], $0xffff;
	v5 =	vor.u32 v46, v55  }
0x450: {  	v2 =	vor.u32 v56, v55;
	v56 =	vld.idx.msk [tilespmem:v60+s25+$0x0], $0xffff  }
0x451: {  	p0 =	slt.u32 s7, $0x7C;
	v60 =	vld.idx.msk [tilespmem:v60+s26+$0x0], $0xffff  }
.Ltmp5:
0x452: {  	v40 =	vld.idx.msk [tilespmem:v1+s25+$0x0], $0xffff;
	(pc) =	sbr.rel @p0 .LBB2_13-.Ltmp5, $4  }
0x453: {  	v46 =	vld.idx.msk [tilespmem:v1+s26+$0x0], $0xffff  }
0x454: {  	v1 =	vor.u32 v61, v55;
	v61 =	vld.idx.msk [tilespmem:v5+s25+$0x0], $0xffff  }
0x455: {  	v57 =	vmul.f32 v57, v4;
	v63 =	vld.idx.msk [tilespmem:v5+s26+$0x0], $0xffff  }
0x456: {  	s7 =	sadd.s32 $0x4, s7;
	v58 =	vmul.f32 v59, v58;
	v59 =	vmul.f32 v3, v62;
	v62 =	vld.idx.msk [tilespmem:v2+s25+$0x0], $0xffff  }
0x457: {  	v5 =	vld [tilespmem:$0x1FF90];
	_ =	sdelay $0x2  }
0x458: {  	v4 =	vmul.f32 v25, v22;
	v22 =	vld [tilespmem:$0x1FFC0]  }
0x459: {  	v3 =	vmul.f32 v20, v19  }
0x45a: {  	v20 =	vor.u32 v5, v55;
	v5 =	vmul.f32 v30, v28;
	v28 =	vmul.f32 v34, v32;
	v32 =	vld [tilespmem:$0x1FF80]  }
0x45b: {  	v2 =	vld.idx.msk [tilespmem:v2+s26+$0x0], $0xffff;
	v19 =	vmul.f32 v26, v24;
	v25 =	vmul.f32 v31, v29  }
0x45c: {  	v24 =	vld.idx.msk [tilespmem:v1+s25+$0x0], $0xffff;
	v29 =	vmul.f32 v37, v35;
	v7 =	vmul.f32 v49, v43  }
0x45d: {  	v1 =	vld.idx.msk [tilespmem:v1+s26+$0x0], $0xffff;
	v35 =	vmul.f32 v51, v50;
	v37 =	vmul.f32 v53, v52;
	v26 =	vor.u32 v22, v55  }
0x45e: {  	v60 =	vmul.f32 v60, v56;
	v14 =	vadd.f32 v54, v14;
	v17 =	vadd.f32 v57, v17;
	v34 =	vld.idx.msk [tilespmem:v0+s25+$0x0], $0xffff  }
0x45f: {  	v52 =	vmul.f32 v45, v39;
	v53 =	vmul.f32 v47, v41;
	v0 =	vld.idx.msk [tilespmem:v0+s26+$0x0], $0xffff;
	v31 =	vor.u32 v32, v55  }
0x460: {  	v54 =	vmul.f32 v36, v33;
	v15 =	vadd.f32 v58, v15;
	v16 =	vadd.f32 v59, v16;
	v50 =	vld.idx.msk [tilespmem:v20+s25+$0x0], $0xffff  }
0x461: {  	v14 =	vadd.f32 v60, v14;
	v3 =	vadd.f32 v3, v11;
	v27 =	vor.u32 v32, v27;
	v20 =	vld.idx.msk [tilespmem:v20+s26+$0x0], $0xffff  }
0x462: {  	v4 =	vadd.f32 v4, v10;
	v49 =	vmul.f32 v63, v61;
	v2 =	vmul.f32 v2, v62;
	v51 =	vld.idx.msk [tilespmem:v26+s25+$0x0], $0xffff  }
0x463: {  	v9 =	vadd.f32 v19, v9;
	v1 =	vmul.f32 v1, v24;
	v18 =	vor.u32 v32, v18;
	v26 =	vld.idx.msk [tilespmem:v26+s26+$0x0], $0xffff  }
0x464: {  	v56 =	vmul.f32 v48, v42;
	v17 =	vadd.f32 v49, v17;
	v2 =	vadd.f32 v2, v15;
	v55 =	vld.idx.msk [tilespmem:v31+s25+$0x0], $0xffff  }
0x465: {  	v58 =	vmul.f32 v46, v40;
	v14 =	vadd.f32 v35, v14;
	v1 =	vadd.f32 v1, v16;
	v31 =	vld.idx.msk [tilespmem:v31+s26+$0x0], $0xffff  }
0x466: {  	v30 =	vmul.f32 v44, v38;
	v17 =	vadd.f32 v37, v17;
	v2 =	vadd.f32 v52, v2;
	v57 =	vld.idx.msk [tilespmem:v27+s25+$0x0], $0xffff  }
0x467: {  	v14 =	vadd.f32 v25, v14;
	v1 =	vadd.f32 v53, v1;
	v0 =	vmul.f32 v0, v34;
	v59 =	vld.idx.msk [tilespmem:v27+s26+$0x0], $0xffff  }
0x468: {  	v17 =	vadd.f32 v28, v17;
	v2 =	vadd.f32 v29, v2;
	v60 =	vld.idx.msk [tilespmem:v18+s25+$0x0], $0xffff;
	v20 =	vmul.f32 v20, v50  }
0x469: {  	v1 =	vadd.f32 v30, v1;
	v0 =	vadd.f32 v0, v3;
	v61 =	vld.idx.msk [tilespmem:v18+s26+$0x0], $0xffff;
	v62 =	vmul.f32 v26, v51  }
0x46a: {  	v3 =	vadd.f32 v5, v8;
	v4 =	vadd.f32 v20, v4;
	v8 =	vmul.f32 v31, v55  }
0x46b: {  	v63 =	vmul.f32 v23, v21;
	v0 =	vadd.f32 v56, v0;
	[tilespmem:$0x1A080] =	vst v14;
	v9 =	vadd.f32 v62, v9  }
0x46c: {  	[tilespmem:$0x1A090] =	vst v17;
	v4 =	vadd.f32 v58, v4;
	v3 =	vadd.f32 v8, v3;
	v8 =	vmul.f32 v59, v57  }
0x46d: {  	v12 =	vmul.f32 v13, v12;
	s12 =	sadd.s32 $0x1, s12;
	[tilespmem:$0x1A0A0] =	vst v2;
	v0 =	vadd.f32 v7, v0;
	v9 =	vadd.f32 v63, v9  }
0x46e: {  	v6 =	vld [tilespmem:$0x1FFF0];
	p0 =	sne.s32 s12, $0x1A;
	[tilespmem:$0x1A0B0] =	vst v1;
	v4 =	vadd.f32 v54, v4;
	v2 =	vadd.f32 v8, v3;
	v3 =	vmul.f32 v61, v60  }
.Ltmp6:
0x46f: {  	v21 =	vld [tilespmem:$0x1FF90];
	[tilespmem:$0x1A0C0] =	vst v0;
	v1 =	vadd.f32 v12, v9;
	(pc) =	sbr.rel @p0 .LBB2_2-.Ltmp6, $4  }
0x470: {  	s7 =	sadd.s32 s5, s10;
	v5 =	vld [tilespmem:$0x1FFE0];
	[tilespmem:$0x1A0D0] =	vst v4;
	v0 =	vadd.f32 v3, v2  }
0x471: {  	s7 =	sshrl.u32 s7, $0x3;
	v7 =	vld [tilespmem:$0x1FFD0];
	[tilespmem:$0x1A0E0] =	vst v1  }
0x472: {  	s7 =	sadd.s32 s6, s7;
	v4 =	vld [tilespmem:$0x1FFB0];
	[tilespmem:$0x1A0F0] =	vst v0  }
0x473: {  	v23 =	vmov v22;
	v3 =	vld [tilespmem:$0x1FFA0];
	[hbm4b:s7+s4] =	stream.linear.scatter [tilespmem:s31], [sflag:$0x6], $0x80, $0x38  }
0x474: {  	_ =	swait.ge [sflag:s1], $0x80  }
0x475: {  	[sflag:s1] =	ssyncset.done $0x0  }
0x476: {  	[sflag:s1] =	ssyncadd.s32 $0xFFFFFF80  }
0x477: {  	_ =	swait.ge [sflag:s0], $0x80  }
0x478: {  	s8 =	rddreg [dreg:$0x8]  }
0x479: {  	s7 =	rddreg [dreg:$0x7];
	s8 =	sadd.s32 $0x1, s8  }
0x47a: {  	p0 =	sne.s32 s8, s7  }
.Ltmp7:
0x47b: {  	_ = 	snop;
	(pc) =	sbr.rel @p0 .LBB2_1-.Ltmp7, $3  }
0x47c: {  	_ =	sdelay $0x1  }
0x47d: {  	[sflag:s0] =	ssyncset.done $0x0  }
0x47e: {  	[sflag:s0] =	ssyncadd.s32 $0xFFFFFF80  }
0x47f: {  	_ =	sfence.sel $0x180000  }
0x480: {  	[bflag:$0x0] =	sbarrier.arrive $0xFFFF  }
0x481: {  	_ =	strace $0x90000047  }
0x482: {  	s0 =	stileid.u32;
	[bflag:$0x2] =	sbarrier.arrive $0xFFFF  }
0x483: {  	p0 =	sne.s32 s0, $0x0;
	s0 =	rddreg [dreg:$0x3]  }
0x484: {  	s0 =	sadd.s32 @!p0 $0x100000, s0  }
0x485: {  	[sflag:s0] =	ssyncadd.tile.s32 @!p0 $0x1;
	_ =	shalt  }
.Lfunc_end2:
_tile_overlayer_lowered:
.L_overlay_start_2:
0x486: {  	(tag) =	ssettag $0x2  }
0x487: {  	s0 =	rddreg [dreg:$0x0];
	s2 =	stileid.u32  }
0x488: {  	s1 =	rddreg [dreg:$0x1];
	p0 =	sne.s32 s2, $0x0  }
0x489: {  	s3 =	rddreg [dreg:$0x2];
	[bflag:$0x3] =	sbarrier.arrive $0xFFFF;
	s2 =	simm.s32 @!p0 $0x1C07  }
0x48a: {  	[timem:s3], [sflag:s2] =	dma.local @!p0 [hbm:s0], s1  }
0x48b: {  	s0 =	simm.s32 @!p0 $0x7  }
0x48c: {  	_ =	swait.ge @!p0 [sflag:s0], s1  }
0x48d: {  	s1 =	ssub.s32 @!p0 $0x0, s1;
	[sflag:s0] =	ssyncset.done @!p0 $0x0  }
0x48e: {  	[sflag:s0] =	ssyncadd.s32 @!p0 s1  }
0x48f: {  	[bflag:$0x3] =	sbarrier.arrive $0xFFFF  }
0x490: {  	_ =	shalt  }

</sc_bundles>
